<compile_context>
chip_gen: v7x
topology: tpu7x:2x2x1
jax: 0.10.2.dev20260603
libtpu: 0.0.44.dev20260713+nightly
codegen_flags: <defaults>
</compile_context>

<pallas_src>
import functools

import jax
import jax.numpy as jnp
from jax import lax
from jax.experimental import pallas as pl
from jax.experimental.pallas import tpu as pltpu
from jax.experimental.pallas import tpu_sc as plsc

_L = 16
_W = 8


def kernel(x, weight):
    (B,) = x.shape
    V, D = weight.shape

    info = plsc.get_sparse_core_info()
    NC, NS = info.num_cores, info.num_subcores
    NW = NC * NS
    b_per_w = B // NW
    n_iter = b_per_w // (2 * _W)

    xi = x.astype(jnp.int32)
    wt = weight.T

    mesh = plsc.VectorSubcoreMesh(core_axis_name="c", subcore_axis_name="s")

    @functools.partial(
        pl.kernel,
        mesh=mesh,
        out_type=jax.ShapeDtypeStruct((NW, b_per_w * D), jnp.float32),
        scratch_types=[
            pltpu.VMEM((b_per_w,), jnp.int32),
            pltpu.VMEM((2, _W, D, 128), jnp.float32),
            pltpu.VMEM((b_per_w * D,), jnp.float32),
            pltpu.SemaphoreType.DMA,
            pltpu.SemaphoreType.DMA,
        ],
        compiler_params=pltpu.CompilerParams(
            needs_layout_passes=False,
            disable_bounds_checks=True,
        ),
    )
    def emb(x_hbm, w_hbm, out_hbm, x_v, blk_v, out_v, sem_a, sem_b):
        wid = lax.axis_index("s") * NC + lax.axis_index("c")
        base = wid * b_per_w
        pltpu.sync_copy(x_hbm.at[pl.ds(base, b_per_w)], x_v)
        sems = (sem_a, sem_b)
        iota16 = jax.lax.iota(jnp.int32, _L)

        def fire_one(t, buf, i):
            blk = (t >> 7) << 7
            for b in range(D // 8):
                pltpu.make_async_copy(
                    w_hbm.at[pl.ds(b * 8, 8), pl.ds(pl.multiple_of(blk, 128), 128)],
                    blk_v.at[buf, i, pl.ds(b * 8, 8)],
                    sems[buf],
                ).start()

        def drain_one(buf, i):
            for b in range(D // 8):
                pltpu.make_async_copy(
                    w_hbm.at[pl.ds(b * 8, 8), pl.ds(0, 128)],
                    blk_v.at[buf, i, pl.ds(b * 8, 8)],
                    sems[buf],
                ).wait()

        def extract_one(t, buf, i, e):
            c = t & 127
            col16 = jnp.full((_L,), 0, jnp.int32) + c
            v_lo = plsc.load_gather(blk_v.at[buf, i], [iota16, col16])
            v_hi = plsc.load_gather(blk_v.at[buf, i], [iota16 + _L, col16])
            out_v[pl.ds(e * D, _L)] = v_lo
            out_v[pl.ds(e * D + _L, _L)] = v_hi

        xv0 = x_v[pl.ds(0, _L)]
        for i in range(_W):
            fire_one(xv0[i], 0, i)

        def body(k, _):
            xv = x_v[pl.ds(k * 2 * _W, _L)]
            ts = [xv[i] for i in range(_L)]
            for i in range(_W):
                fire_one(ts[_W + i], 1, i)
            for i in range(_W):
                drain_one(0, i)
            for i in range(_W):
                extract_one(ts[i], 0, i, k * 2 * _W + i)

            @pl.when(k + 1 < n_iter)
            def _():
                xvn = x_v[pl.ds((k + 1) * 2 * _W, _L)]
                for i in range(_W):
                    fire_one(xvn[i], 0, i)

            for i in range(_W):
                drain_one(1, i)
            for i in range(_W):
                extract_one(ts[_W + i], 1, i, k * 2 * _W + _W + i)
            return 0

        lax.fori_loop(0, n_iter, body, 0)
        pltpu.sync_copy(out_v, out_hbm.at[wid])

    return emb(xi, wt).reshape(B, D)

# --- scband reference (transcript-rebuilt; emitter-appended) ---
"""Pipeline reference for scband-entity-embedding-layer-51118700757536 (READ-ONLY COPY).

The authoritative reference and input builder live on the scoring server;
editing this copy changes nothing except your own understanding.
"""

import jax, jax.numpy as jnp
import numpy as np

NUM_CATEGORIES = 1000000
EMBEDDING_DIM = 32
BATCH = 16384

def setup_inputs(seed: int = 0) -> dict:
    key = jax.random.key(seed)
    k_idx, k_w = jax.random.split(key)
    x = jax.random.randint(k_idx, (BATCH,), 0, NUM_CATEGORIES, dtype=jnp.int64 if jax.config.read('jax_enable_x64') else jnp.int32)
    weight = jax.random.normal(k_w, (NUM_CATEGORIES, EMBEDDING_DIM), dtype=jnp.float32)
    return {"x": x, "weight": weight}

def reference(x, weight):
    # nn.Embedding lookup: gather rows of weight by index
    return jnp.take(weight, x, axis=0)

if __name__ == "__main__":
    import jax
    _d = setup_inputs()
    print(jax.jit(kernel)(*tuple(_d.values())))

</pallas_src>

<mosaic_0001>
#map = affine_map<(d0, d1) -> (0)>
#map1 = affine_map<(d0, d1) -> (0, 0)>
module attributes {stable_mosaic.version = 14 : i64} {
  func.func @emb(%arg0: i32, %arg1: i32, %arg2: memref<16384xi32, #tpu.memory_space<hbm>>, %arg3: memref<32x1000000xf32, #tpu.memory_space<hbm>>, %arg4: memref<32x16384xf32, #tpu.memory_space<hbm>>, %arg5: memref<512xi32, #tpu.memory_space<vmem>>, %arg6: memref<2x8x32x128xf32, #tpu.memory_space<vmem>>, %arg7: memref<16384xf32, #tpu.memory_space<vmem>>, %arg8: memref<!tpu.dma_semaphore, #tpu.memory_space<semaphore_mem>>, %arg9: memref<!tpu.dma_semaphore, #tpu.memory_space<semaphore_mem>>) attributes {dimension_semantics = [#tpu.dimension_semantics<core_parallel>, #tpu.dimension_semantics<subcore_parallel>], iteration_bounds = array<i64: 2, 16>, scalar_prefetch = 0 : i64, scratch_operands = 5 : i64, tpu.core_type = #tpu.core_type<sc_vector_subcore>, window_params = [{transform_indices = #map}, {transform_indices = #map1}, {transform_indices = #map1}]} {
    %mul3A = arith.constant 2 : i32
    %mul3A_0 = arith.muli %arg1, %mul3A : i32
    %add3A = arith.addi %mul3A_0, %arg0 : i32
    %mul3A_1 = arith.constant 512 : i32
    %mul3A_2 = arith.muli %add3A, %mul3A_1 : i32
    "tpu.region"() ({
      %run_scoped3A = tpu.sem_alloc : memref<!tpu.dma_semaphore, #tpu.memory_space<semaphore_mem>>
      %dma_start3A_532 = tpu.memref_slice %arg2[%mul3A_2] : memref<16384xi32, #tpu.memory_space<hbm>> -> memref<512xi32, #tpu.memory_space<hbm>>
      %dma_start3A_533 = tpu.memref_slice %arg2[%mul3A_2] : memref<16384xi32, #tpu.memory_space<hbm>> -> memref<512xi32, #tpu.memory_space<hbm>>
      tpu.enqueue_dma source(%dma_start3A_533 : memref<512xi32, #tpu.memory_space<hbm>>) target(%arg5 : memref<512xi32, #tpu.memory_space<vmem>>) target_semaphore(%run_scoped3A : memref<!tpu.dma_semaphore, #tpu.memory_space<semaphore_mem>>)
      %dma_wait3A = tpu.memref_slice %arg2[%mul3A_2] : memref<16384xi32, #tpu.memory_space<hbm>> -> memref<512xi32, #tpu.memory_space<hbm>>
      %dma_wait3A_534 = tpu.memref_slice %arg2[%mul3A_2] : memref<16384xi32, #tpu.memory_space<hbm>> -> memref<512xi32, #tpu.memory_space<hbm>>
      tpu.wait_dma2 semaphore(%run_scoped3A : memref<!tpu.dma_semaphore, #tpu.memory_space<semaphore_mem>>) src(%dma_wait3A_534 : memref<512xi32, #tpu.memory_space<hbm>>) dst(%arg5 : memref<512xi32, #tpu.memory_space<vmem>>)
      tpu.yield
    }) : () -> ()
    %iota3A = tpu.iota {dimensions = array<i32: 0>} : vector<16xi32>
    %get3A = arith.constant 0 : index
    %get3A_3 = tpu.vector_load %arg5[%get3A] {strides = array<i32>} : memref<512xi32, #tpu.memory_space<vmem>>, vector<16xi32>,
    %slice3A = vector.extract_strided_slice %get3A_3 {offsets = [0], sizes = [1], strides = [1]} : vector<16xi32> to vector<1xi32>
    %squeeze3A = vector.extract %slice3A[0] : i32 from vector<1xi32>
    %shift_right_arithmetic3A = arith.constant 7 : i32
    %shift_right_arithmetic3A_4 = arith.shrsi %squeeze3A, %shift_right_arithmetic3A : i32
    %shift_left3A = arith.constant 7 : i32
    %shift_left3A_5 = arith.shli %shift_right_arithmetic3A_4, %shift_left3A : i32
    %multiple_of3A = tpu.assume_multiple %shift_left3A_5, 128 : i32
    %dma_start3A = arith.constant 0 : i32
    %dma_start3A_6 = arith.constant 0 : i32
    %dma_start3A_7 = arith.constant 0 : i32
    %dma_start3A_8 = arith.constant 0 : i32
    %dma_start3A_9 = tpu.memref_slice %arg6[%dma_start3A, %dma_start3A_6, %dma_start3A_7, %dma_start3A_8] : memref<2x8x32x128xf32, #tpu.memory_space<vmem>> -> memref<1x1x8x128xf32, #tpu.memory_space<vmem>>
    %dma_start3A_10 = tpu.memref_squeeze %dma_start3A_9 : memref<1x1x8x128xf32, #tpu.memory_space<vmem>> -> memref<8x128xf32, #tpu.memory_space<vmem>>
    %dma_start3A_11 = arith.constant 0 : i32
    %dma_start3A_12 = tpu.memref_slice %arg3[%dma_start3A_11, %multiple_of3A] : memref<32x1000000xf32, #tpu.memory_space<hbm>> -> memref<8x128xf32, #tpu.memory_space<hbm>>
    %dma_start3A_13 = arith.constant 0 : i32
    %dma_start3A_14 = arith.constant 0 : i32
    %dma_start3A_15 = tpu.memref_slice %arg6[%dma_start3A, %dma_start3A_6, %dma_start3A_13, %dma_start3A_14] : memref<2x8x32x128xf32, #tpu.memory_space<vmem>> -> memref<1x1x8x128xf32, #tpu.memory_space<vmem>>
    %dma_start3A_16 = tpu.memref_squeeze %dma_start3A_15 : memref<1x1x8x128xf32, #tpu.memory_space<vmem>> -> memref<8x128xf32, #tpu.memory_space<vmem>>
    %dma_start3A_17 = arith.constant 0 : i32
    %dma_start3A_18 = tpu.memref_slice %arg3[%dma_start3A_17, %multiple_of3A] : memref<32x1000000xf32, #tpu.memory_space<hbm>> -> memref<8x128xf32, #tpu.memory_space<hbm>>
    tpu.enqueue_dma source(%dma_start3A_18 : memref<8x128xf32, #tpu.memory_space<hbm>>) target(%dma_start3A_16 : memref<8x128xf32, #tpu.memory_space<vmem>>) target_semaphore(%arg8 : memref<!tpu.dma_semaphore, #tpu.memory_space<semaphore_mem>>)
    %multiple_of3A_19 = tpu.assume_multiple %shift_left3A_5, 128 : i32
    %dma_start3A_20 = arith.constant 0 : i32
    %dma_start3A_21 = arith.constant 0 : i32
    %dma_start3A_22 = arith.constant 8 : i32
    %dma_start3A_23 = arith.constant 0 : i32
    %dma_start3A_24 = tpu.memref_slice %arg6[%dma_start3A_20, %dma_start3A_21, %dma_start3A_22, %dma_start3A_23] : memref<2x8x32x128xf32, #tpu.memory_space<vmem>> -> memref<1x1x8x128xf32, #tpu.memory_space<vmem>>
    %dma_start3A_25 = tpu.memref_squeeze %dma_start3A_24 : memref<1x1x8x128xf32, #tpu.memory_space<vmem>> -> memref<8x128xf32, #tpu.memory_space<vmem>>
    %dma_start3A_26 = arith.constant 8 : i32
    %dma_start3A_27 = tpu.memref_slice %arg3[%dma_start3A_26, %multiple_of3A_19] : memref<32x1000000xf32, #tpu.memory_space<hbm>> -> memref<8x128xf32, #tpu.memory_space<hbm>>
    %dma_start3A_28 = arith.constant 8 : i32
    %dma_start3A_29 = arith.constant 0 : i32
    %dma_start3A_30 = tpu.memref_slice %arg6[%dma_start3A_20, %dma_start3A_21, %dma_start3A_28, %dma_start3A_29] : memref<2x8x32x128xf32, #tpu.memory_space<vmem>> -> memref<1x1x8x128xf32, #tpu.memory_space<vmem>>
    %dma_start3A_31 = tpu.memref_squeeze %dma_start3A_30 : memref<1x1x8x128xf32, #tpu.memory_space<vmem>> -> memref<8x128xf32, #tpu.memory_space<vmem>>
    %dma_start3A_32 = arith.constant 8 : i32
    %dma_start3A_33 = tpu.memref_slice %arg3[%dma_start3A_32, %multiple_of3A_19] : memref<32x1000000xf32, #tpu.memory_space<hbm>> -> memref<8x128xf32, #tpu.memory_space<hbm>>
    tpu.enqueue_dma source(%dma_start3A_33 : memref<8x128xf32, #tpu.memory_space<hbm>>) target(%dma_start3A_31 : memref<8x128xf32, #tpu.memory_space<vmem>>) target_semaphore(%arg8 : memref<!tpu.dma_semaphore, #tpu.memory_space<semaphore_mem>>)
    %multiple_of3A_34 = tpu.assume_multiple %shift_left3A_5, 128 : i32
    %dma_start3A_35 = arith.constant 0 : i32
    %dma_start3A_36 = arith.constant 0 : i32
    %dma_start3A_37 = arith.constant 16 : i32
    %dma_start3A_38 = arith.constant 0 : i32
    %dma_start3A_39 = tpu.memref_slice %arg6[%dma_start3A_35, %dma_start3A_36, %dma_start3A_37, %dma_start3A_38] : memref<2x8x32x128xf32, #tpu.memory_space<vmem>> -> memref<1x1x8x128xf32, #tpu.memory_space<vmem>>
    %dma_start3A_40 = tpu.memref_squeeze %dma_start3A_39 : memref<1x1x8x128xf32, #tpu.memory_space<vmem>> -> memref<8x128xf32, #tpu.memory_space<vmem>>
    %dma_start3A_41 = arith.constant 16 : i32
    %dma_start3A_42 = tpu.memref_slice %arg3[%dma_start3A_41, %multiple_of3A_34] : memref<32x1000000xf32, #tpu.memory_space<hbm>> -> memref<8x128xf32, #tpu.memory_space<hbm>>
    %dma_start3A_43 = arith.constant 16 : i32
    %dma_start3A_44 = arith.constant 0 : i32
    %dma_start3A_45 = tpu.memref_slice %arg6[%dma_start3A_35, %dma_start3A_36, %dma_start3A_43, %dma_start3A_44] : memref<2x8x32x128xf32, #tpu.memory_space<vmem>> -> memref<1x1x8x128xf32, #tpu.memory_space<vmem>>
    %dma_start3A_46 = tpu.memref_squeeze %dma_start3A_45 : memref<1x1x8x128xf32, #tpu.memory_space<vmem>> -> memref<8x128xf32, #tpu.memory_space<vmem>>
    %dma_start3A_47 = arith.constant 16 : i32
    %dma_start3A_48 = tpu.memref_slice %arg3[%dma_start3A_47, %multiple_of3A_34] : memref<32x1000000xf32, #tpu.memory_space<hbm>> -> memref<8x128xf32, #tpu.memory_space<hbm>>
    tpu.enqueue_dma source(%dma_start3A_48 : memref<8x128xf32, #tpu.memory_space<hbm>>) target(%dma_start3A_46 : memref<8x128xf32, #tpu.memory_space<vmem>>) target_semaphore(%arg8 : memref<!tpu.dma_semaphore, #tpu.memory_space<semaphore_mem>>)
    %multiple_of3A_49 = tpu.assume_multiple %shift_left3A_5, 128 : i32
    %dma_start3A_50 = arith.constant 0 : i32
    %dma_start3A_51 = arith.constant 0 : i32
    %dma_start3A_52 = arith.constant 24 : i32
    %dma_start3A_53 = arith.constant 0 : i32
    %dma_start3A_54 = tpu.memref_slice %arg6[%dma_start3A_50, %dma_start3A_51, %dma_start3A_52, %dma_start3A_53] : memref<2x8x32x128xf32, #tpu.memory_space<vmem>> -> memref<1x1x8x128xf32, #tpu.memory_space<vmem>>
    %dma_start3A_55 = tpu.memref_squeeze %dma_start3A_54 : memref<1x1x8x128xf32, #tpu.memory_space<vmem>> -> memref<8x128xf32, #tpu.memory_space<vmem>>
    %dma_start3A_56 = arith.constant 24 : i32
    %dma_start3A_57 = tpu.memref_slice %arg3[%dma_start3A_56, %multiple_of3A_49] : memref<32x1000000xf32, #tpu.memory_space<hbm>> -> memref<8x128xf32, #tpu.memory_space<hbm>>
    %dma_start3A_58 = arith.constant 24 : i32
    %dma_start3A_59 = arith.constant 0 : i32
    %dma_start3A_60 = tpu.memref_slice %arg6[%dma_start3A_50, %dma_start3A_51, %dma_start3A_58, %dma_start3A_59] : memref<2x8x32x128xf32, #tpu.memory_space<vmem>> -> memref<1x1x8x128xf32, #tpu.memory_space<vmem>>
    %dma_start3A_61 = tpu.memref_squeeze %dma_start3A_60 : memref<1x1x8x128xf32, #tpu.memory_space<vmem>> -> memref<8x128xf32, #tpu.memory_space<vmem>>
    %dma_start3A_62 = arith.constant 24 : i32
    %dma_start3A_63 = tpu.memref_slice %arg3[%dma_start3A_62, %multiple_of3A_49] : memref<32x1000000xf32, #tpu.memory_space<hbm>> -> memref<8x128xf32, #tpu.memory_space<hbm>>
    tpu.enqueue_dma source(%dma_start3A_63 : memref<8x128xf32, #tpu.memory_space<hbm>>) target(%dma_start3A_61 : memref<8x128xf32, #tpu.memory_space<vmem>>) target_semaphore(%arg8 : memref<!tpu.dma_semaphore, #tpu.memory_space<semaphore_mem>>)
    %slice3A_64 = vector.extract_strided_slice %get3A_3 {offsets = [1], sizes = [1], strides = [1]} : vector<16xi32> to vector<1xi32>
    %squeeze3A_65 = vector.extract %slice3A_64[0] : i32 from vector<1xi32>
    %shift_right_arithmetic3A_66 = arith.constant 7 : i32
    %shift_right_arithmetic3A_67 = arith.shrsi %squeeze3A_65, %shift_right_arithmetic3A_66 : i32
    %shift_left3A_68 = arith.constant 7 : i32
    %shift_left3A_69 = arith.shli %shift_right_arithmetic3A_67, %shift_left3A_68 : i32
    %multiple_of3A_70 = tpu.assume_multiple %shift_left3A_69, 128 : i32
    %dma_start3A_71 = arith.constant 0 : i32
    %dma_start3A_72 = arith.constant 1 : i32
    %dma_start3A_73 = arith.constant 0 : i32
    %dma_start3A_74 = arith.constant 0 : i32
    %dma_start3A_75 = tpu.memref_slice %arg6[%dma_start3A_71, %dma_start3A_72, %dma_start3A_73, %dma_start3A_74] : memref<2x8x32x128xf32, #tpu.memory_space<vmem>> -> memref<1x1x8x128xf32, #tpu.memory_space<vmem>>
    %dma_start3A_76 = tpu.memref_squeeze %dma_start3A_75 : memref<1x1x8x128xf32, #tpu.memory_space<vmem>> -> memref<8x128xf32, #tpu.memory_space<vmem>>
    %dma_start3A_77 = arith.constant 0 : i32
    %dma_start3A_78 = tpu.memref_slice %arg3[%dma_start3A_77, %multiple_of3A_70] : memref<32x1000000xf32, #tpu.memory_space<hbm>> -> memref<8x128xf32, #tpu.memory_space<hbm>>
    %dma_start3A_79 = arith.constant 0 : i32
    %dma_start3A_80 = arith.constant 0 : i32
    %dma_start3A_81 = tpu.memref_slice %arg6[%dma_start3A_71, %dma_start3A_72, %dma_start3A_79, %dma_start3A_80] : memref<2x8x32x128xf32, #tpu.memory_space<vmem>> -> memref<1x1x8x128xf32, #tpu.memory_space<vmem>>
    %dma_start3A_82 = tpu.memref_squeeze %dma_start3A_81 : memref<1x1x8x128xf32, #tpu.memory_space<vmem>> -> memref<8x128xf32, #tpu.memory_space<vmem>>
    %dma_start3A_83 = arith.constant 0 : i32
    %dma_start3A_84 = tpu.memref_slice %arg3[%dma_start3A_83, %multiple_of3A_70] : memref<32x1000000xf32, #tpu.memory_space<hbm>> -> memref<8x128xf32, #tpu.memory_space<hbm>>
    tpu.enqueue_dma source(%dma_start3A_84 : memref<8x128xf32, #tpu.memory_space<hbm>>) target(%dma_start3A_82 : memref<8x128xf32, #tpu.memory_space<vmem>>) target_semaphore(%arg8 : memref<!tpu.dma_semaphore, #tpu.memory_space<semaphore_mem>>)
    %multiple_of3A_85 = tpu.assume_multiple %shift_left3A_69, 128 : i32
    %dma_start3A_86 = arith.constant 0 : i32
    %dma_start3A_87 = arith.constant 1 : i32
    %dma_start3A_88 = arith.constant 8 : i32
    %dma_start3A_89 = arith.constant 0 : i32
    %dma_start3A_90 = tpu.memref_slice %arg6[%dma_start3A_86, %dma_start3A_87, %dma_start3A_88, %dma_start3A_89] : memref<2x8x32x128xf32, #tpu.memory_space<vmem>> -> memref<1x1x8x128xf32, #tpu.memory_space<vmem>>
    %dma_start3A_91 = tpu.memref_squeeze %dma_start3A_90 : memref<1x1x8x128xf32, #tpu.memory_space<vmem>> -> memref<8x128xf32, #tpu.memory_space<vmem>>
    %dma_start3A_92 = arith.constant 8 : i32
    %dma_start3A_93 = tpu.memref_slice %arg3[%dma_start3A_92, %multiple_of3A_85] : memref<32x1000000xf32, #tpu.memory_space<hbm>> -> memref<8x128xf32, #tpu.memory_space<hbm>>
    %dma_start3A_94 = arith.constant 8 : i32
    %dma_start3A_95 = arith.constant 0 : i32
    %dma_start3A_96 = tpu.memref_slice %arg6[%dma_start3A_86, %dma_start3A_87, %dma_start3A_94, %dma_start3A_95] : memref<2x8x32x128xf32, #tpu.memory_space<vmem>> -> memref<1x1x8x128xf32, #tpu.memory_space<vmem>>
    %dma_start3A_97 = tpu.memref_squeeze %dma_start3A_96 : memref<1x1x8x128xf32, #tpu.memory_space<vmem>> -> memref<8x128xf32, #tpu.memory_space<vmem>>
    %dma_start3A_98 = arith.constant 8 : i32
    %dma_start3A_99 = tpu.memref_slice %arg3[%dma_start3A_98, %multiple_of3A_85] : memref<32x1000000xf32, #tpu.memory_space<hbm>> -> memref<8x128xf32, #tpu.memory_space<hbm>>
    tpu.enqueue_dma source(%dma_start3A_99 : memref<8x128xf32, #tpu.memory_space<hbm>>) target(%dma_start3A_97 : memref<8x128xf32, #tpu.memory_space<vmem>>) target_semaphore(%arg8 : memref<!tpu.dma_semaphore, #tpu.memory_space<semaphore_mem>>)
    %multiple_of3A_100 = tpu.assume_multiple %shift_left3A_69, 128 : i32
    %dma_start3A_101 = arith.constant 0 : i32
    %dma_start3A_102 = arith.constant 1 : i32
    %dma_start3A_103 = arith.constant 16 : i32
    %dma_start3A_104 = arith.constant 0 : i32
    %dma_start3A_105 = tpu.memref_slice %arg6[%dma_start3A_101, %dma_start3A_102, %dma_start3A_103, %dma_start3A_104] : memref<2x8x32x128xf32, #tpu.memory_space<vmem>> -> memref<1x1x8x128xf32, #tpu.memory_space<vmem>>
    %dma_start3A_106 = tpu.memref_squeeze %dma_start3A_105 : memref<1x1x8x128xf32, #tpu.memory_space<vmem>> -> memref<8x128xf32, #tpu.memory_space<vmem>>
    %dma_start3A_107 = arith.constant 16 : i32
    %dma_start3A_108 = tpu.memref_slice %arg3[%dma_start3A_107, %multiple_of3A_100] : memref<32x1000000xf32, #tpu.memory_space<hbm>> -> memref<8x128xf32, #tpu.memory_space<hbm>>
    %dma_start3A_109 = arith.constant 16 : i32
    %dma_start3A_110 = arith.constant 0 : i32
    %dma_start3A_111 = tpu.memref_slice %arg6[%dma_start3A_101, %dma_start3A_102, %dma_start3A_109, %dma_start3A_110] : memref<2x8x32x128xf32, #tpu.memory_space<vmem>> -> memref<1x1x8x128xf32, #tpu.memory_space<vmem>>
    %dma_start3A_112 = tpu.memref_squeeze %dma_start3A_111 : memref<1x1x8x128xf32, #tpu.memory_space<vmem>> -> memref<8x128xf32, #tpu.memory_space<vmem>>
    %dma_start3A_113 = arith.constant 16 : i32
    %dma_start3A_114 = tpu.memref_slice %arg3[%dma_start3A_113, %multiple_of3A_100] : memref<32x1000000xf32, #tpu.memory_space<hbm>> -> memref<8x128xf32, #tpu.memory_space<hbm>>
    tpu.enqueue_dma source(%dma_start3A_114 : memref<8x128xf32, #tpu.memory_space<hbm>>) target(%dma_start3A_112 : memref<8x128xf32, #tpu.memory_space<vmem>>) target_semaphore(%arg8 : memref<!tpu.dma_semaphore, #tpu.memory_space<semaphore_mem>>)
    %multiple_of3A_115 = tpu.assume_multiple %shift_left3A_69, 128 : i32
    %dma_start3A_116 = arith.constant 0 : i32
    %dma_start3A_117 = arith.constant 1 : i32
    %dma_start3A_118 = arith.constant 24 : i32
    %dma_start3A_119 = arith.constant 0 : i32
    %dma_start3A_120 = tpu.memref_slice %arg6[%dma_start3A_116, %dma_start3A_117, %dma_start3A_118, %dma_start3A_119] : memref<2x8x32x128xf32, #tpu.memory_space<vmem>> -> memref<1x1x8x128xf32, #tpu.memory_space<vmem>>
    %dma_start3A_121 = tpu.memref_squeeze %dma_start3A_120 : memref<1x1x8x128xf32, #tpu.memory_space<vmem>> -> memref<8x128xf32, #tpu.memory_space<vmem>>
    %dma_start3A_122 = arith.constant 24 : i32
    %dma_start3A_123 = tpu.memref_slice %arg3[%dma_start3A_122, %multiple_of3A_115] : memref<32x1000000xf32, #tpu.memory_space<hbm>> -> memref<8x128xf32, #tpu.memory_space<hbm>>
    %dma_start3A_124 = arith.constant 24 : i32
    %dma_start3A_125 = arith.constant 0 : i32
    %dma_start3A_126 = tpu.memref_slice %arg6[%dma_start3A_116, %dma_start3A_117, %dma_start3A_124, %dma_start3A_125] : memref<2x8x32x128xf32, #tpu.memory_space<vmem>> -> memref<1x1x8x128xf32, #tpu.memory_space<vmem>>
    %dma_start3A_127 = tpu.memref_squeeze %dma_start3A_126 : memref<1x1x8x128xf32, #tpu.memory_space<vmem>> -> memref<8x128xf32, #tpu.memory_space<vmem>>
    %dma_start3A_128 = arith.constant 24 : i32
    %dma_start3A_129 = tpu.memref_slice %arg3[%dma_start3A_128, %multiple_of3A_115] : memref<32x1000000xf32, #tpu.memory_space<hbm>> -> memref<8x128xf32, #tpu.memory_space<hbm>>
    tpu.enqueue_dma source(%dma_start3A_129 : memref<8x128xf32, #tpu.memory_space<hbm>>) target(%dma_start3A_127 : memref<8x128xf32, #tpu.memory_space<vmem>>) target_semaphore(%arg8 : memref<!tpu.dma_semaphore, #tpu.memory_space<semaphore_mem>>)
    %slice3A_130 = vector.extract_strided_slice %get3A_3 {offsets = [2], sizes = [1], strides = [1]} : vector<16xi32> to vector<1xi32>
    %squeeze3A_131 = vector.extract %slice3A_130[0] : i32 from vector<1xi32>
    %shift_right_arithmetic3A_132 = arith.constant 7 : i32
    %shift_right_arithmetic3A_133 = arith.shrsi %squeeze3A_131, %shift_right_arithmetic3A_132 : i32
    %shift_left3A_134 = arith.constant 7 : i32
    %shift_left3A_135 = arith.shli %shift_right_arithmetic3A_133, %shift_left3A_134 : i32
    %multiple_of3A_136 = tpu.assume_multiple %shift_left3A_135, 128 : i32
    %dma_start3A_137 = arith.constant 0 : i32
    %dma_start3A_138 = arith.constant 2 : i32
    %dma_start3A_139 = arith.constant 0 : i32
    %dma_start3A_140 = arith.constant 0 : i32
    %dma_start3A_141 = tpu.memref_slice %arg6[%dma_start3A_137, %dma_start3A_138, %dma_start3A_139, %dma_start3A_140] : memref<2x8x32x128xf32, #tpu.memory_space<vmem>> -> memref<1x1x8x128xf32, #tpu.memory_space<vmem>>
    %dma_start3A_142 = tpu.memref_squeeze %dma_start3A_141 : memref<1x1x8x128xf32, #tpu.memory_space<vmem>> -> memref<8x128xf32, #tpu.memory_space<vmem>>
    %dma_start3A_143 = arith.constant 0 : i32
    %dma_start3A_144 = tpu.memref_slice %arg3[%dma_start3A_143, %multiple_of3A_136] : memref<32x1000000xf32, #tpu.memory_space<hbm>> -> memref<8x128xf32, #tpu.memory_space<hbm>>
    %dma_start3A_145 = arith.constant 0 : i32
    %dma_start3A_146 = arith.constant 0 : i32
    %dma_start3A_147 = tpu.memref_slice %arg6[%dma_start3A_137, %dma_start3A_138, %dma_start3A_145, %dma_start3A_146] : memref<2x8x32x128xf32, #tpu.memory_space<vmem>> -> memref<1x1x8x128xf32, #tpu.memory_space<vmem>>
    %dma_start3A_148 = tpu.memref_squeeze %dma_start3A_147 : memref<1x1x8x128xf32, #tpu.memory_space<vmem>> -> memref<8x128xf32, #tpu.memory_space<vmem>>
    %dma_start3A_149 = arith.constant 0 : i32
    %dma_start3A_150 = tpu.memref_slice %arg3[%dma_start3A_149, %multiple_of3A_136] : memref<32x1000000xf32, #tpu.memory_space<hbm>> -> memref<8x128xf32, #tpu.memory_space<hbm>>
    tpu.enqueue_dma source(%dma_start3A_150 : memref<8x128xf32, #tpu.memory_space<hbm>>) target(%dma_start3A_148 : memref<8x128xf32, #tpu.memory_space<vmem>>) target_semaphore(%arg8 : memref<!tpu.dma_semaphore, #tpu.memory_space<semaphore_mem>>)
    %multiple_of3A_151 = tpu.assume_multiple %shift_left3A_135, 128 : i32
    %dma_start3A_152 = arith.constant 0 : i32
    %dma_start3A_153 = arith.constant 2 : i32
    %dma_start3A_154 = arith.constant 8 : i32
    %dma_start3A_155 = arith.constant 0 : i32
    %dma_start3A_156 = tpu.memref_slice %arg6[%dma_start3A_152, %dma_start3A_153, %dma_start3A_154, %dma_start3A_155] : memref<2x8x32x128xf32, #tpu.memory_space<vmem>> -> memref<1x1x8x128xf32, #tpu.memory_space<vmem>>
    %dma_start3A_157 = tpu.memref_squeeze %dma_start3A_156 : memref<1x1x8x128xf32, #tpu.memory_space<vmem>> -> memref<8x128xf32, #tpu.memory_space<vmem>>
    %dma_start3A_158 = arith.constant 8 : i32
    %dma_start3A_159 = tpu.memref_slice %arg3[%dma_start3A_158, %multiple_of3A_151] : memref<32x1000000xf32, #tpu.memory_space<hbm>> -> memref<8x128xf32, #tpu.memory_space<hbm>>
    %dma_start3A_160 = arith.constant 8 : i32
    %dma_start3A_161 = arith.constant 0 : i32
    %dma_start3A_162 = tpu.memref_slice %arg6[%dma_start3A_152, %dma_start3A_153, %dma_start3A_160, %dma_start3A_161] : memref<2x8x32x128xf32, #tpu.memory_space<vmem>> -> memref<1x1x8x128xf32, #tpu.memory_space<vmem>>
    %dma_start3A_163 = tpu.memref_squeeze %dma_start3A_162 : memref<1x1x8x128xf32, #tpu.memory_space<vmem>> -> memref<8x128xf32, #tpu.memory_space<vmem>>
    %dma_start3A_164 = arith.constant 8 : i32
    %dma_start3A_165 = tpu.memref_slice %arg3[%dma_start3A_164, %multiple_of3A_151] : memref<32x1000000xf32, #tpu.memory_space<hbm>> -> memref<8x128xf32, #tpu.memory_space<hbm>>
    tpu.enqueue_dma source(%dma_start3A_165 : memref<8x128xf32, #tpu.memory_space<hbm>>) target(%dma_start3A_163 : memref<8x128xf32, #tpu.memory_space<vmem>>) target_semaphore(%arg8 : memref<!tpu.dma_semaphore, #tpu.memory_space<semaphore_mem>>)
    %multiple_of3A_166 = tpu.assume_multiple %shift_left3A_135, 128 : i32
    %dma_start3A_167 = arith.constant 0 : i32
    %dma_start3A_168 = arith.constant 2 : i32
    %dma_start3A_169 = arith.constant 16 : i32
    %dma_start3A_170 = arith.constant 0 : i32
    %dma_start3A_171 = tpu.memref_slice %arg6[%dma_start3A_167, %dma_start3A_168, %dma_start3A_169, %dma_start3A_170] : memref<2x8x32x128xf32, #tpu.memory_space<vmem>> -> memref<1x1x8x128xf32, #tpu.memory_space<vmem>>
    %dma_start3A_172 = tpu.memref_squeeze %dma_start3A_171 : memref<1x1x8x128xf32, #tpu.memory_space<vmem>> -> memref<8x128xf32, #tpu.memory_space<vmem>>
    %dma_start3A_173 = arith.constant 16 : i32
    %dma_start3A_174 = tpu.memref_slice %arg3[%dma_start3A_173, %multiple_of3A_166] : memref<32x1000000xf32, #tpu.memory_space<hbm>> -> memref<8x128xf32, #tpu.memory_space<hbm>>
    %dma_start3A_175 = arith.constant 16 : i32
    %dma_start3A_176 = arith.constant 0 : i32
    %dma_start3A_177 = tpu.memref_slice %arg6[%dma_start3A_167, %dma_start3A_168, %dma_start3A_175, %dma_start3A_176] : memref<2x8x32x128xf32, #tpu.memory_space<vmem>> -> memref<1x1x8x128xf32, #tpu.memory_space<vmem>>
    %dma_start3A_178 = tpu.memref_squeeze %dma_start3A_177 : memref<1x1x8x128xf32, #tpu.memory_space<vmem>> -> memref<8x128xf32, #tpu.memory_space<vmem>>
    %dma_start3A_179 = arith.constant 16 : i32
    %dma_start3A_180 = tpu.memref_slice %arg3[%dma_start3A_179, %multiple_of3A_166] : memref<32x1000000xf32, #tpu.memory_space<hbm>> -> memref<8x128xf32, #tpu.memory_space<hbm>>
    tpu.enqueue_dma source(%dma_start3A_180 : memref<8x128xf32, #tpu.memory_space<hbm>>) target(%dma_start3A_178 : memref<8x128xf32, #tpu.memory_space<vmem>>) target_semaphore(%arg8 : memref<!tpu.dma_semaphore, #tpu.memory_space<semaphore_mem>>)
    %multiple_of3A_181 = tpu.assume_multiple %shift_left3A_135, 128 : i32
    %dma_start3A_182 = arith.constant 0 : i32
    %dma_start3A_183 = arith.constant 2 : i32
    %dma_start3A_184 = arith.constant 24 : i32
    %dma_start3A_185 = arith.constant 0 : i32
    %dma_start3A_186 = tpu.memref_slice %arg6[%dma_start3A_182, %dma_start3A_183, %dma_start3A_184, %dma_start3A_185] : memref<2x8x32x128xf32, #tpu.memory_space<vmem>> -> memref<1x1x8x128xf32, #tpu.memory_space<vmem>>
    %dma_start3A_187 = tpu.memref_squeeze %dma_start3A_186 : memref<1x1x8x128xf32, #tpu.memory_space<vmem>> -> memref<8x128xf32, #tpu.memory_space<vmem>>
    %dma_start3A_188 = arith.constant 24 : i32
    %dma_start3A_189 = tpu.memref_slice %arg3[%dma_start3A_188, %multiple_of3A_181] : memref<32x1000000xf32, #tpu.memory_space<hbm>> -> memref<8x128xf32, #tpu.memory_space<hbm>>
    %dma_start3A_190 = arith.constant 24 : i32
    %dma_start3A_191 = arith.constant 0 : i32
    %dma_start3A_192 = tpu.memref_slice %arg6[%dma_start3A_182, %dma_start3A_183, %dma_start3A_190, %dma_start3A_191] : memref<2x8x32x128xf32, #tpu.memory_space<vmem>> -> memref<1x1x8x128xf32, #tpu.memory_space<vmem>>
    %dma_start3A_193 = tpu.memref_squeeze %dma_start3A_192 : memref<1x1x8x128xf32, #tpu.memory_space<vmem>> -> memref<8x128xf32, #tpu.memory_space<vmem>>
    %dma_start3A_194 = arith.constant 24 : i32
    %dma_start3A_195 = tpu.memref_slice %arg3[%dma_start3A_194, %multiple_of3A_181] : memref<32x1000000xf32, #tpu.memory_space<hbm>> -> memref<8x128xf32, #tpu.memory_space<hbm>>
    tpu.enqueue_dma source(%dma_start3A_195 : memref<8x128xf32, #tpu.memory_space<hbm>>) target(%dma_start3A_193 : memref<8x128xf32, #tpu.memory_space<vmem>>) target_semaphore(%arg8 : memref<!tpu.dma_semaphore, #tpu.memory_space<semaphore_mem>>)
    %slice3A_196 = vector.extract_strided_slice %get3A_3 {offsets = [3], sizes = [1], strides = [1]} : vector<16xi32> to vector<1xi32>
    %squeeze3A_197 = vector.extract %slice3A_196[0] : i32 from vector<1xi32>
    %shift_right_arithmetic3A_198 = arith.constant 7 : i32
    %shift_right_arithmetic3A_199 = arith.shrsi %squeeze3A_197, %shift_right_arithmetic3A_198 : i32
    %shift_left3A_200 = arith.constant 7 : i32
    %shift_left3A_201 = arith.shli %shift_right_arithmetic3A_199, %shift_left3A_200 : i32
    %multiple_of3A_202 = tpu.assume_multiple %shift_left3A_201, 128 : i32
    %dma_start3A_203 = arith.constant 0 : i32
    %dma_start3A_204 = arith.constant 3 : i32
    %dma_start3A_205 = arith.constant 0 : i32
    %dma_start3A_206 = arith.constant 0 : i32
    %dma_start3A_207 = tpu.memref_slice %arg6[%dma_start3A_203, %dma_start3A_204, %dma_start3A_205, %dma_start3A_206] : memref<2x8x32x128xf32, #tpu.memory_space<vmem>> -> memref<1x1x8x128xf32, #tpu.memory_space<vmem>>
    %dma_start3A_208 = tpu.memref_squeeze %dma_start3A_207 : memref<1x1x8x128xf32, #tpu.memory_space<vmem>> -> memref<8x128xf32, #tpu.memory_space<vmem>>
    %dma_start3A_209 = arith.constant 0 : i32
    %dma_start3A_210 = tpu.memref_slice %arg3[%dma_start3A_209, %multiple_of3A_202] : memref<32x1000000xf32, #tpu.memory_space<hbm>> -> memref<8x128xf32, #tpu.memory_space<hbm>>
    %dma_start3A_211 = arith.constant 0 : i32
    %dma_start3A_212 = arith.constant 0 : i32
    %dma_start3A_213 = tpu.memref_slice %arg6[%dma_start3A_203, %dma_start3A_204, %dma_start3A_211, %dma_start3A_212] : memref<2x8x32x128xf32, #tpu.memory_space<vmem>> -> memref<1x1x8x128xf32, #tpu.memory_space<vmem>>
    %dma_start3A_214 = tpu.memref_squeeze %dma_start3A_213 : memref<1x1x8x128xf32, #tpu.memory_space<vmem>> -> memref<8x128xf32, #tpu.memory_space<vmem>>
    %dma_start3A_215 = arith.constant 0 : i32
    %dma_start3A_216 = tpu.memref_slice %arg3[%dma_start3A_215, %multiple_of3A_202] : memref<32x1000000xf32, #tpu.memory_space<hbm>> -> memref<8x128xf32, #tpu.memory_space<hbm>>
    tpu.enqueue_dma source(%dma_start3A_216 : memref<8x128xf32, #tpu.memory_space<hbm>>) target(%dma_start3A_214 : memref<8x128xf32, #tpu.memory_space<vmem>>) target_semaphore(%arg8 : memref<!tpu.dma_semaphore, #tpu.memory_space<semaphore_mem>>)
    %multiple_of3A_217 = tpu.assume_multiple %shift_left3A_201, 128 : i32
    %dma_start3A_218 = arith.constant 0 : i32
    %dma_start3A_219 = arith.constant 3 : i32
    %dma_start3A_220 = arith.constant 8 : i32
    %dma_start3A_221 = arith.constant 0 : i32
    %dma_start3A_222 = tpu.memref_slice %arg6[%dma_start3A_218, %dma_start3A_219, %dma_start3A_220, %dma_start3A_221] : memref<2x8x32x128xf32, #tpu.memory_space<vmem>> -> memref<1x1x8x128xf32, #tpu.memory_space<vmem>>
    %dma_start3A_223 = tpu.memref_squeeze %dma_start3A_222 : memref<1x1x8x128xf32, #tpu.memory_space<vmem>> -> memref<8x128xf32, #tpu.memory_space<vmem>>
    %dma_start3A_224 = arith.constant 8 : i32
    %dma_start3A_225 = tpu.memref_slice %arg3[%dma_start3A_224, %multiple_of3A_217] : memref<32x1000000xf32, #tpu.memory_space<hbm>> -> memref<8x128xf32, #tpu.memory_space<hbm>>
    %dma_start3A_226 = arith.constant 8 : i32
    %dma_start3A_227 = arith.constant 0 : i32
    %dma_start3A_228 = tpu.memref_slice %arg6[%dma_start3A_218, %dma_start3A_219, %dma_start3A_226, %dma_start3A_227] : memref<2x8x32x128xf32, #tpu.memory_space<vmem>> -> memref<1x1x8x128xf32, #tpu.memory_space<vmem>>
    %dma_start3A_229 = tpu.memref_squeeze %dma_start3A_228 : memref<1x1x8x128xf32, #tpu.memory_space<vmem>> -> memref<8x128xf32, #tpu.memory_space<vmem>>
    %dma_start3A_230 = arith.constant 8 : i32
    %dma_start3A_231 = tpu.memref_slice %arg3[%dma_start3A_230, %multiple_of3A_217] : memref<32x1000000xf32, #tpu.memory_space<hbm>> -> memref<8x128xf32, #tpu.memory_space<hbm>>
    tpu.enqueue_dma source(%dma_start3A_231 : memref<8x128xf32, #tpu.memory_space<hbm>>) target(%dma_start3A_229 : memref<8x128xf32, #tpu.memory_space<vmem>>) target_semaphore(%arg8 : memref<!tpu.dma_semaphore, #tpu.memory_space<semaphore_mem>>)
    %multiple_of3A_232 = tpu.assume_multiple %shift_left3A_201, 128 : i32
    %dma_start3A_233 = arith.constant 0 : i32
    %dma_start3A_234 = arith.constant 3 : i32
    %dma_start3A_235 = arith.constant 16 : i32
    %dma_start3A_236 = arith.constant 0 : i32
    %dma_start3A_237 = tpu.memref_slice %arg6[%dma_start3A_233, %dma_start3A_234, %dma_start3A_235, %dma_start3A_236] : memref<2x8x32x128xf32, #tpu.memory_space<vmem>> -> memref<1x1x8x128xf32, #tpu.memory_space<vmem>>
    %dma_start3A_238 = tpu.memref_squeeze %dma_start3A_237 : memref<1x1x8x128xf32, #tpu.memory_space<vmem>> -> memref<8x128xf32, #tpu.memory_space<vmem>>
    %dma_start3A_239 = arith.constant 16 : i32
    %dma_start3A_240 = tpu.memref_slice %arg3[%dma_start3A_239, %multiple_of3A_232] : memref<32x1000000xf32, #tpu.memory_space<hbm>> -> memref<8x128xf32, #tpu.memory_space<hbm>>
    %dma_start3A_241 = arith.constant 16 : i32
    %dma_start3A_242 = arith.constant 0 : i32
    %dma_start3A_243 = tpu.memref_slice %arg6[%dma_start3A_233, %dma_start3A_234, %dma_start3A_241, %dma_start3A_242] : memref<2x8x32x128xf32, #tpu.memory_space<vmem>> -> memref<1x1x8x128xf32, #tpu.memory_space<vmem>>
    %dma_start3A_244 = tpu.memref_squeeze %dma_start3A_243 : memref<1x1x8x128xf32, #tpu.memory_space<vmem>> -> memref<8x128xf32, #tpu.memory_space<vmem>>
    %dma_start3A_245 = arith.constant 16 : i32
    %dma_start3A_246 = tpu.memref_slice %arg3[%dma_start3A_245, %multiple_of3A_232] : memref<32x1000000xf32, #tpu.memory_space<hbm>> -> memref<8x128xf32, #tpu.memory_space<hbm>>
    tpu.enqueue_dma source(%dma_start3A_246 : memref<8x128xf32, #tpu.memory_space<hbm>>) target(%dma_start3A_244 : memref<8x128xf32, #tpu.memory_space<vmem>>) target_semaphore(%arg8 : memref<!tpu.dma_semaphore, #tpu.memory_space<semaphore_mem>>)
    %multiple_of3A_247 = tpu.assume_multiple %shift_left3A_201, 128 : i32
    %dma_start3A_248 = arith.constant 0 : i32
    %dma_start3A_249 = arith.constant 3 : i32
    %dma_start3A_250 = arith.constant 24 : i32
    %dma_start3A_251 = arith.constant 0 : i32
    %dma_start3A_252 = tpu.memref_slice %arg6[%dma_start3A_248, %dma_start3A_249, %dma_start3A_250, %dma_start3A_251] : memref<2x8x32x128xf32, #tpu.memory_space<vmem>> -> memref<1x1x8x128xf32, #tpu.memory_space<vmem>>
    %dma_start3A_253 = tpu.memref_squeeze %dma_start3A_252 : memref<1x1x8x128xf32, #tpu.memory_space<vmem>> -> memref<8x128xf32, #tpu.memory_space<vmem>>
    %dma_start3A_254 = arith.constant 24 : i32
    %dma_start3A_255 = tpu.memref_slice %arg3[%dma_start3A_254, %multiple_of3A_247] : memref<32x1000000xf32, #tpu.memory_space<hbm>> -> memref<8x128xf32, #tpu.memory_space<hbm>>
    %dma_start3A_256 = arith.constant 24 : i32
    %dma_start3A_257 = arith.constant 0 : i32
    %dma_start3A_258 = tpu.memref_slice %arg6[%dma_start3A_248, %dma_start3A_249, %dma_start3A_256, %dma_start3A_257] : memref<2x8x32x128xf32, #tpu.memory_space<vmem>> -> memref<1x1x8x128xf32, #tpu.memory_space<vmem>>
    %dma_start3A_259 = tpu.memref_squeeze %dma_start3A_258 : memref<1x1x8x128xf32, #tpu.memory_space<vmem>> -> memref<8x128xf32, #tpu.memory_space<vmem>>
    %dma_start3A_260 = arith.constant 24 : i32
    %dma_start3A_261 = tpu.memref_slice %arg3[%dma_start3A_260, %multiple_of3A_247] : memref<32x1000000xf32, #tpu.memory_space<hbm>> -> memref<8x128xf32, #tpu.memory_space<hbm>>
    tpu.enqueue_dma source(%dma_start3A_261 : memref<8x128xf32, #tpu.memory_space<hbm>>) target(%dma_start3A_259 : memref<8x128xf32, #tpu.memory_space<vmem>>) target_semaphore(%arg8 : memref<!tpu.dma_semaphore, #tpu.memory_space<semaphore_mem>>)
    %slice3A_262 = vector.extract_strided_slice %get3A_3 {offsets = [4], sizes = [1], strides = [1]} : vector<16xi32> to vector<1xi32>
    %squeeze3A_263 = vector.extract %slice3A_262[0] : i32 from vector<1xi32>
    %shift_right_arithmetic3A_264 = arith.constant 7 : i32
    %shift_right_arithmetic3A_265 = arith.shrsi %squeeze3A_263, %shift_right_arithmetic3A_264 : i32
    %shift_left3A_266 = arith.constant 7 : i32
    %shift_left3A_267 = arith.shli %shift_right_arithmetic3A_265, %shift_left3A_266 : i32
    %multiple_of3A_268 = tpu.assume_multiple %shift_left3A_267, 128 : i32
    %dma_start3A_269 = arith.constant 0 : i32
    %dma_start3A_270 = arith.constant 4 : i32
    %dma_start3A_271 = arith.constant 0 : i32
    %dma_start3A_272 = arith.constant 0 : i32
    %dma_start3A_273 = tpu.memref_slice %arg6[%dma_start3A_269, %dma_start3A_270, %dma_start3A_271, %dma_start3A_272] : memref<2x8x32x128xf32, #tpu.memory_space<vmem>> -> memref<1x1x8x128xf32, #tpu.memory_space<vmem>>
    %dma_start3A_274 = tpu.memref_squeeze %dma_start3A_273 : memref<1x1x8x128xf32, #tpu.memory_space<vmem>> -> memref<8x128xf32, #tpu.memory_space<vmem>>
    %dma_start3A_275 = arith.constant 0 : i32
    %dma_start3A_276 = tpu.memref_slice %arg3[%dma_start3A_275, %multiple_of3A_268] : memref<32x1000000xf32, #tpu.memory_space<hbm>> -> memref<8x128xf32, #tpu.memory_space<hbm>>
    %dma_start3A_277 = arith.constant 0 : i32
    %dma_start3A_278 = arith.constant 0 : i32
    %dma_start3A_279 = tpu.memref_slice %arg6[%dma_start3A_269, %dma_start3A_270, %dma_start3A_277, %dma_start3A_278] : memref<2x8x32x128xf32, #tpu.memory_space<vmem>> -> memref<1x1x8x128xf32, #tpu.memory_space<vmem>>
    %dma_start3A_280 = tpu.memref_squeeze %dma_start3A_279 : memref<1x1x8x128xf32, #tpu.memory_space<vmem>> -> memref<8x128xf32, #tpu.memory_space<vmem>>
    %dma_start3A_281 = arith.constant 0 : i32
    %dma_start3A_282 = tpu.memref_slice %arg3[%dma_start3A_281, %multiple_of3A_268] : memref<32x1000000xf32, #tpu.memory_space<hbm>> -> memref<8x128xf32, #tpu.memory_space<hbm>>
    tpu.enqueue_dma source(%dma_start3A_282 : memref<8x128xf32, #tpu.memory_space<hbm>>) target(%dma_start3A_280 : memref<8x128xf32, #tpu.memory_space<vmem>>) target_semaphore(%arg8 : memref<!tpu.dma_semaphore, #tpu.memory_space<semaphore_mem>>)
    %multiple_of3A_283 = tpu.assume_multiple %shift_left3A_267, 128 : i32
    %dma_start3A_284 = arith.constant 0 : i32
    %dma_start3A_285 = arith.constant 4 : i32
    %dma_start3A_286 = arith.constant 8 : i32
    %dma_start3A_287 = arith.constant 0 : i32
    %dma_start3A_288 = tpu.memref_slice %arg6[%dma_start3A_284, %dma_start3A_285, %dma_start3A_286, %dma_start3A_287] : memref<2x8x32x128xf32, #tpu.memory_space<vmem>> -> memref<1x1x8x128xf32, #tpu.memory_space<vmem>>
    %dma_start3A_289 = tpu.memref_squeeze %dma_start3A_288 : memref<1x1x8x128xf32, #tpu.memory_space<vmem>> -> memref<8x128xf32, #tpu.memory_space<vmem>>
    %dma_start3A_290 = arith.constant 8 : i32
    %dma_start3A_291 = tpu.memref_slice %arg3[%dma_start3A_290, %multiple_of3A_283] : memref<32x1000000xf32, #tpu.memory_space<hbm>> -> memref<8x128xf32, #tpu.memory_space<hbm>>
    %dma_start3A_292 = arith.constant 8 : i32
    %dma_start3A_293 = arith.constant 0 : i32
    %dma_start3A_294 = tpu.memref_slice %arg6[%dma_start3A_284, %dma_start3A_285, %dma_start3A_292, %dma_start3A_293] : memref<2x8x32x128xf32, #tpu.memory_space<vmem>> -> memref<1x1x8x128xf32, #tpu.memory_space<vmem>>
    %dma_start3A_295 = tpu.memref_squeeze %dma_start3A_294 : memref<1x1x8x128xf32, #tpu.memory_space<vmem>> -> memref<8x128xf32, #tpu.memory_space<vmem>>
    %dma_start3A_296 = arith.constant 8 : i32
    %dma_start3A_297 = tpu.memref_slice %arg3[%dma_start3A_296, %multiple_of3A_283] : memref<32x1000000xf32, #tpu.memory_space<hbm>> -> memref<8x128xf32, #tpu.memory_space<hbm>>
    tpu.enqueue_dma source(%dma_start3A_297 : memref<8x128xf32, #tpu.memory_space<hbm>>) target(%dma_start3A_295 : memref<8x128xf32, #tpu.memory_space<vmem>>) target_semaphore(%arg8 : memref<!tpu.dma_semaphore, #tpu.memory_space<semaphore_mem>>)
    %multiple_of3A_298 = tpu.assume_multiple %shift_left3A_267, 128 : i32
    %dma_start3A_299 = arith.constant 0 : i32
    %dma_start3A_300 = arith.constant 4 : i32
    %dma_start3A_301 = arith.constant 16 : i32
    %dma_start3A_302 = arith.constant 0 : i32
    %dma_start3A_303 = tpu.memref_slice %arg6[%dma_start3A_299, %dma_start3A_300, %dma_start3A_301, %dma_start3A_302] : memref<2x8x32x128xf32, #tpu.memory_space<vmem>> -> memref<1x1x8x128xf32, #tpu.memory_space<vmem>>
    %dma_start3A_304 = tpu.memref_squeeze %dma_start3A_303 : memref<1x1x8x128xf32, #tpu.memory_space<vmem>> -> memref<8x128xf32, #tpu.memory_space<vmem>>
    %dma_start3A_305 = arith.constant 16 : i32
    %dma_start3A_306 = tpu.memref_slice %arg3[%dma_start3A_305, %multiple_of3A_298] : memref<32x1000000xf32, #tpu.memory_space<hbm>> -> memref<8x128xf32, #tpu.memory_space<hbm>>
    %dma_start3A_307 = arith.constant 16 : i32
    %dma_start3A_308 = arith.constant 0 : i32
    %dma_start3A_309 = tpu.memref_slice %arg6[%dma_start3A_299, %dma_start3A_300, %dma_start3A_307, %dma_start3A_308] : memref<2x8x32x128xf32, #tpu.memory_space<vmem>> -> memref<1x1x8x128xf32, #tpu.memory_space<vmem>>
    %dma_start3A_310 = tpu.memref_squeeze %dma_start3A_309 : memref<1x1x8x128xf32, #tpu.memory_space<vmem>> -> memref<8x128xf32, #tpu.memory_space<vmem>>
    %dma_start3A_311 = arith.constant 16 : i32
    %dma_start3A_312 = tpu.memref_slice %arg3[%dma_start3A_311, %multiple_of3A_298] : memref<32x1000000xf32, #tpu.memory_space<hbm>> -> memref<8x128xf32, #tpu.memory_space<hbm>>
    tpu.enqueue_dma source(%dma_start3A_312 : memref<8x128xf32, #tpu.memory_space<hbm>>) target(%dma_start3A_310 : memref<8x128xf32, #tpu.memory_space<vmem>>) target_semaphore(%arg8 : memref<!tpu.dma_semaphore, #tpu.memory_space<semaphore_mem>>)
    %multiple_of3A_313 = tpu.assume_multiple %shift_left3A_267, 128 : i32
    %dma_start3A_314 = arith.constant 0 : i32
    %dma_start3A_315 = arith.constant 4 : i32
    %dma_start3A_316 = arith.constant 24 : i32
    %dma_start3A_317 = arith.constant 0 : i32
    %dma_start3A_318 = tpu.memref_slice %arg6[%dma_start3A_314, %dma_start3A_315, %dma_start3A_316, %dma_start3A_317] : memref<2x8x32x128xf32, #tpu.memory_space<vmem>> -> memref<1x1x8x128xf32, #tpu.memory_space<vmem>>
    %dma_start3A_319 = tpu.memref_squeeze %dma_start3A_318 : memref<1x1x8x128xf32, #tpu.memory_space<vmem>> -> memref<8x128xf32, #tpu.memory_space<vmem>>
    %dma_start3A_320 = arith.constant 24 : i32
    %dma_start3A_321 = tpu.memref_slice %arg3[%dma_start3A_320, %multiple_of3A_313] : memref<32x1000000xf32, #tpu.memory_space<hbm>> -> memref<8x128xf32, #tpu.memory_space<hbm>>
    %dma_start3A_322 = arith.constant 24 : i32
    %dma_start3A_323 = arith.constant 0 : i32
    %dma_start3A_324 = tpu.memref_slice %arg6[%dma_start3A_314, %dma_start3A_315, %dma_start3A_322, %dma_start3A_323] : memref<2x8x32x128xf32, #tpu.memory_space<vmem>> -> memref<1x1x8x128xf32, #tpu.memory_space<vmem>>
    %dma_start3A_325 = tpu.memref_squeeze %dma_start3A_324 : memref<1x1x8x128xf32, #tpu.memory_space<vmem>> -> memref<8x128xf32, #tpu.memory_space<vmem>>
    %dma_start3A_326 = arith.constant 24 : i32
    %dma_start3A_327 = tpu.memref_slice %arg3[%dma_start3A_326, %multiple_of3A_313] : memref<32x1000000xf32, #tpu.memory_space<hbm>> -> memref<8x128xf32, #tpu.memory_space<hbm>>
    tpu.enqueue_dma source(%dma_start3A_327 : memref<8x128xf32, #tpu.memory_space<hbm>>) target(%dma_start3A_325 : memref<8x128xf32, #tpu.memory_space<vmem>>) target_semaphore(%arg8 : memref<!tpu.dma_semaphore, #tpu.memory_space<semaphore_mem>>)
    %slice3A_328 = vector.extract_strided_slice %get3A_3 {offsets = [5], sizes = [1], strides = [1]} : vector<16xi32> to vector<1xi32>
    %squeeze3A_329 = vector.extract %slice3A_328[0] : i32 from vector<1xi32>
    %shift_right_arithmetic3A_330 = arith.constant 7 : i32
    %shift_right_arithmetic3A_331 = arith.shrsi %squeeze3A_329, %shift_right_arithmetic3A_330 : i32
    %shift_left3A_332 = arith.constant 7 : i32
    %shift_left3A_333 = arith.shli %shift_right_arithmetic3A_331, %shift_left3A_332 : i32
    %multiple_of3A_334 = tpu.assume_multiple %shift_left3A_333, 128 : i32
    %dma_start3A_335 = arith.constant 0 : i32
    %dma_start3A_336 = arith.constant 5 : i32
    %dma_start3A_337 = arith.constant 0 : i32
    %dma_start3A_338 = arith.constant 0 : i32
    %dma_start3A_339 = tpu.memref_slice %arg6[%dma_start3A_335, %dma_start3A_336, %dma_start3A_337, %dma_start3A_338] : memref<2x8x32x128xf32, #tpu.memory_space<vmem>> -> memref<1x1x8x128xf32, #tpu.memory_space<vmem>>
    %dma_start3A_340 = tpu.memref_squeeze %dma_start3A_339 : memref<1x1x8x128xf32, #tpu.memory_space<vmem>> -> memref<8x128xf32, #tpu.memory_space<vmem>>
    %dma_start3A_341 = arith.constant 0 : i32
    %dma_start3A_342 = tpu.memref_slice %arg3[%dma_start3A_341, %multiple_of3A_334] : memref<32x1000000xf32, #tpu.memory_space<hbm>> -> memref<8x128xf32, #tpu.memory_space<hbm>>
    %dma_start3A_343 = arith.constant 0 : i32
    %dma_start3A_344 = arith.constant 0 : i32
    %dma_start3A_345 = tpu.memref_slice %arg6[%dma_start3A_335, %dma_start3A_336, %dma_start3A_343, %dma_start3A_344] : memref<2x8x32x128xf32, #tpu.memory_space<vmem>> -> memref<1x1x8x128xf32, #tpu.memory_space<vmem>>
    %dma_start3A_346 = tpu.memref_squeeze %dma_start3A_345 : memref<1x1x8x128xf32, #tpu.memory_space<vmem>> -> memref<8x128xf32, #tpu.memory_space<vmem>>
    %dma_start3A_347 = arith.constant 0 : i32
    %dma_start3A_348 = tpu.memref_slice %arg3[%dma_start3A_347, %multiple_of3A_334] : memref<32x1000000xf32, #tpu.memory_space<hbm>> -> memref<8x128xf32, #tpu.memory_space<hbm>>
    tpu.enqueue_dma source(%dma_start3A_348 : memref<8x128xf32, #tpu.memory_space<hbm>>) target(%dma_start3A_346 : memref<8x128xf32, #tpu.memory_space<vmem>>) target_semaphore(%arg8 : memref<!tpu.dma_semaphore, #tpu.memory_space<semaphore_mem>>)
    %multiple_of3A_349 = tpu.assume_multiple %shift_left3A_333, 128 : i32
    %dma_start3A_350 = arith.constant 0 : i32
    %dma_start3A_351 = arith.constant 5 : i32
    %dma_start3A_352 = arith.constant 8 : i32
    %dma_start3A_353 = arith.constant 0 : i32
    %dma_start3A_354 = tpu.memref_slice %arg6[%dma_start3A_350, %dma_start3A_351, %dma_start3A_352, %dma_start3A_353] : memref<2x8x32x128xf32, #tpu.memory_space<vmem>> -> memref<1x1x8x128xf32, #tpu.memory_space<vmem>>
    %dma_start3A_355 = tpu.memref_squeeze %dma_start3A_354 : memref<1x1x8x128xf32, #tpu.memory_space<vmem>> -> memref<8x128xf32, #tpu.memory_space<vmem>>
    %dma_start3A_356 = arith.constant 8 : i32
    %dma_start3A_357 = tpu.memref_slice %arg3[%dma_start3A_356, %multiple_of3A_349] : memref<32x1000000xf32, #tpu.memory_space<hbm>> -> memref<8x128xf32, #tpu.memory_space<hbm>>
    %dma_start3A_358 = arith.constant 8 : i32
    %dma_start3A_359 = arith.constant 0 : i32
    %dma_start3A_360 = tpu.memref_slice %arg6[%dma_start3A_350, %dma_start3A_351, %dma_start3A_358, %dma_start3A_359] : memref<2x8x32x128xf32, #tpu.memory_space<vmem>> -> memref<1x1x8x128xf32, #tpu.memory_space<vmem>>
    %dma_start3A_361 = tpu.memref_squeeze %dma_start3A_360 : memref<1x1x8x128xf32, #tpu.memory_space<vmem>> -> memref<8x128xf32, #tpu.memory_space<vmem>>
    %dma_start3A_362 = arith.constant 8 : i32
    %dma_start3A_363 = tpu.memref_slice %arg3[%dma_start3A_362, %multiple_of3A_349] : memref<32x1000000xf32, #tpu.memory_space<hbm>> -> memref<8x128xf32, #tpu.memory_space<hbm>>
    tpu.enqueue_dma source(%dma_start3A_363 : memref<8x128xf32, #tpu.memory_space<hbm>>) target(%dma_start3A_361 : memref<8x128xf32, #tpu.memory_space<vmem>>) target_semaphore(%arg8 : memref<!tpu.dma_semaphore, #tpu.memory_space<semaphore_mem>>)
    %multiple_of3A_364 = tpu.assume_multiple %shift_left3A_333, 128 : i32
    %dma_start3A_365 = arith.constant 0 : i32
    %dma_start3A_366 = arith.constant 5 : i32
    %dma_start3A_367 = arith.constant 16 : i32
    %dma_start3A_368 = arith.constant 0 : i32
    %dma_start3A_369 = tpu.memref_slice %arg6[%dma_start3A_365, %dma_start3A_366, %dma_start3A_367, %dma_start3A_368] : memref<2x8x32x128xf32, #tpu.memory_space<vmem>> -> memref<1x1x8x128xf32, #tpu.memory_space<vmem>>
    %dma_start3A_370 = tpu.memref_squeeze %dma_start3A_369 : memref<1x1x8x128xf32, #tpu.memory_space<vmem>> -> memref<8x128xf32, #tpu.memory_space<vmem>>
    %dma_start3A_371 = arith.constant 16 : i32
    %dma_start3A_372 = tpu.memref_slice %arg3[%dma_start3A_371, %multiple_of3A_364] : memref<32x1000000xf32, #tpu.memory_space<hbm>> -> memref<8x128xf32, #tpu.memory_space<hbm>>
    %dma_start3A_373 = arith.constant 16 : i32
    %dma_start3A_374 = arith.constant 0 : i32
    %dma_start3A_375 = tpu.memref_slice %arg6[%dma_start3A_365, %dma_start3A_366, %dma_start3A_373, %dma_start3A_374] : memref<2x8x32x128xf32, #tpu.memory_space<vmem>> -> memref<1x1x8x128xf32, #tpu.memory_space<vmem>>
    %dma_start3A_376 = tpu.memref_squeeze %dma_start3A_375 : memref<1x1x8x128xf32, #tpu.memory_space<vmem>> -> memref<8x128xf32, #tpu.memory_space<vmem>>
    %dma_start3A_377 = arith.constant 16 : i32
    %dma_start3A_378 = tpu.memref_slice %arg3[%dma_start3A_377, %multiple_of3A_364] : memref<32x1000000xf32, #tpu.memory_space<hbm>> -> memref<8x128xf32, #tpu.memory_space<hbm>>
    tpu.enqueue_dma source(%dma_start3A_378 : memref<8x128xf32, #tpu.memory_space<hbm>>) target(%dma_start3A_376 : memref<8x128xf32, #tpu.memory_space<vmem>>) target_semaphore(%arg8 : memref<!tpu.dma_semaphore, #tpu.memory_space<semaphore_mem>>)
    %multiple_of3A_379 = tpu.assume_multiple %shift_left3A_333, 128 : i32
    %dma_start3A_380 = arith.constant 0 : i32
    %dma_start3A_381 = arith.constant 5 : i32
    %dma_start3A_382 = arith.constant 24 : i32
    %dma_start3A_383 = arith.constant 0 : i32
    %dma_start3A_384 = tpu.memref_slice %arg6[%dma_start3A_380, %dma_start3A_381, %dma_start3A_382, %dma_start3A_383] : memref<2x8x32x128xf32, #tpu.memory_space<vmem>> -> memref<1x1x8x128xf32, #tpu.memory_space<vmem>>
    %dma_start3A_385 = tpu.memref_squeeze %dma_start3A_384 : memref<1x1x8x128xf32, #tpu.memory_space<vmem>> -> memref<8x128xf32, #tpu.memory_space<vmem>>
    %dma_start3A_386 = arith.constant 24 : i32
    %dma_start3A_387 = tpu.memref_slice %arg3[%dma_start3A_386, %multiple_of3A_379] : memref<32x1000000xf32, #tpu.memory_space<hbm>> -> memref<8x128xf32, #tpu.memory_space<hbm>>
    %dma_start3A_388 = arith.constant 24 : i32
    %dma_start3A_389 = arith.constant 0 : i32
    %dma_start3A_390 = tpu.memref_slice %arg6[%dma_start3A_380, %dma_start3A_381, %dma_start3A_388, %dma_start3A_389] : memref<2x8x32x128xf32, #tpu.memory_space<vmem>> -> memref<1x1x8x128xf32, #tpu.memory_space<vmem>>
    %dma_start3A_391 = tpu.memref_squeeze %dma_start3A_390 : memref<1x1x8x128xf32, #tpu.memory_space<vmem>> -> memref<8x128xf32, #tpu.memory_space<vmem>>
    %dma_start3A_392 = arith.constant 24 : i32
    %dma_start3A_393 = tpu.memref_slice %arg3[%dma_start3A_392, %multiple_of3A_379] : memref<32x1000000xf32, #tpu.memory_space<hbm>> -> memref<8x128xf32, #tpu.memory_space<hbm>>
    tpu.enqueue_dma source(%dma_start3A_393 : memref<8x128xf32, #tpu.memory_space<hbm>>) target(%dma_start3A_391 : memref<8x128xf32, #tpu.memory_space<vmem>>) target_semaphore(%arg8 : memref<!tpu.dma_semaphore, #tpu.memory_space<semaphore_mem>>)
    %slice3A_394 = vector.extract_strided_slice %get3A_3 {offsets = [6], sizes = [1], strides = [1]} : vector<16xi32> to vector<1xi32>
    %squeeze3A_395 = vector.extract %slice3A_394[0] : i32 from vector<1xi32>
    %shift_right_arithmetic3A_396 = arith.constant 7 : i32
    %shift_right_arithmetic3A_397 = arith.shrsi %squeeze3A_395, %shift_right_arithmetic3A_396 : i32
    %shift_left3A_398 = arith.constant 7 : i32
    %shift_left3A_399 = arith.shli %shift_right_arithmetic3A_397, %shift_left3A_398 : i32
    %multiple_of3A_400 = tpu.assume_multiple %shift_left3A_399, 128 : i32
    %dma_start3A_401 = arith.constant 0 : i32
    %dma_start3A_402 = arith.constant 6 : i32
    %dma_start3A_403 = arith.constant 0 : i32
    %dma_start3A_404 = arith.constant 0 : i32
    %dma_start3A_405 = tpu.memref_slice %arg6[%dma_start3A_401, %dma_start3A_402, %dma_start3A_403, %dma_start3A_404] : memref<2x8x32x128xf32, #tpu.memory_space<vmem>> -> memref<1x1x8x128xf32, #tpu.memory_space<vmem>>
    %dma_start3A_406 = tpu.memref_squeeze %dma_start3A_405 : memref<1x1x8x128xf32, #tpu.memory_space<vmem>> -> memref<8x128xf32, #tpu.memory_space<vmem>>
    %dma_start3A_407 = arith.constant 0 : i32
    %dma_start3A_408 = tpu.memref_slice %arg3[%dma_start3A_407, %multiple_of3A_400] : memref<32x1000000xf32, #tpu.memory_space<hbm>> -> memref<8x128xf32, #tpu.memory_space<hbm>>
    %dma_start3A_409 = arith.constant 0 : i32
    %dma_start3A_410 = arith.constant 0 : i32
    %dma_start3A_411 = tpu.memref_slice %arg6[%dma_start3A_401, %dma_start3A_402, %dma_start3A_409, %dma_start3A_410] : memref<2x8x32x128xf32, #tpu.memory_space<vmem>> -> memref<1x1x8x128xf32, #tpu.memory_space<vmem>>
    %dma_start3A_412 = tpu.memref_squeeze %dma_start3A_411 : memref<1x1x8x128xf32, #tpu.memory_space<vmem>> -> memref<8x128xf32, #tpu.memory_space<vmem>>
    %dma_start3A_413 = arith.constant 0 : i32
    %dma_start3A_414 = tpu.memref_slice %arg3[%dma_start3A_413, %multiple_of3A_400] : memref<32x1000000xf32, #tpu.memory_space<hbm>> -> memref<8x128xf32, #tpu.memory_space<hbm>>
    tpu.enqueue_dma source(%dma_start3A_414 : memref<8x128xf32, #tpu.memory_space<hbm>>) target(%dma_start3A_412 : memref<8x128xf32, #tpu.memory_space<vmem>>) target_semaphore(%arg8 : memref<!tpu.dma_semaphore, #tpu.memory_space<semaphore_mem>>)
    %multiple_of3A_415 = tpu.assume_multiple %shift_left3A_399, 128 : i32
    %dma_start3A_416 = arith.constant 0 : i32
    %dma_start3A_417 = arith.constant 6 : i32
    %dma_start3A_418 = arith.constant 8 : i32
    %dma_start3A_419 = arith.constant 0 : i32
    %dma_start3A_420 = tpu.memref_slice %arg6[%dma_start3A_416, %dma_start3A_417, %dma_start3A_418, %dma_start3A_419] : memref<2x8x32x128xf32, #tpu.memory_space<vmem>> -> memref<1x1x8x128xf32, #tpu.memory_space<vmem>>
    %dma_start3A_421 = tpu.memref_squeeze %dma_start3A_420 : memref<1x1x8x128xf32, #tpu.memory_space<vmem>> -> memref<8x128xf32, #tpu.memory_space<vmem>>
    %dma_start3A_422 = arith.constant 8 : i32
    %dma_start3A_423 = tpu.memref_slice %arg3[%dma_start3A_422, %multiple_of3A_415] : memref<32x1000000xf32, #tpu.memory_space<hbm>> -> memref<8x128xf32, #tpu.memory_space<hbm>>
    %dma_start3A_424 = arith.constant 8 : i32
    %dma_start3A_425 = arith.constant 0 : i32
    %dma_start3A_426 = tpu.memref_slice %arg6[%dma_start3A_416, %dma_start3A_417, %dma_start3A_424, %dma_start3A_425] : memref<2x8x32x128xf32, #tpu.memory_space<vmem>> -> memref<1x1x8x128xf32, #tpu.memory_space<vmem>>
    %dma_start3A_427 = tpu.memref_squeeze %dma_start3A_426 : memref<1x1x8x128xf32, #tpu.memory_space<vmem>> -> memref<8x128xf32, #tpu.memory_space<vmem>>
    %dma_start3A_428 = arith.constant 8 : i32
    %dma_start3A_429 = tpu.memref_slice %arg3[%dma_start3A_428, %multiple_of3A_415] : memref<32x1000000xf32, #tpu.memory_space<hbm>> -> memref<8x128xf32, #tpu.memory_space<hbm>>
    tpu.enqueue_dma source(%dma_start3A_429 : memref<8x128xf32, #tpu.memory_space<hbm>>) target(%dma_start3A_427 : memref<8x128xf32, #tpu.memory_space<vmem>>) target_semaphore(%arg8 : memref<!tpu.dma_semaphore, #tpu.memory_space<semaphore_mem>>)
    %multiple_of3A_430 = tpu.assume_multiple %shift_left3A_399, 128 : i32
    %dma_start3A_431 = arith.constant 0 : i32
    %dma_start3A_432 = arith.constant 6 : i32
    %dma_start3A_433 = arith.constant 16 : i32
    %dma_start3A_434 = arith.constant 0 : i32
    %dma_start3A_435 = tpu.memref_slice %arg6[%dma_start3A_431, %dma_start3A_432, %dma_start3A_433, %dma_start3A_434] : memref<2x8x32x128xf32, #tpu.memory_space<vmem>> -> memref<1x1x8x128xf32, #tpu.memory_space<vmem>>
    %dma_start3A_436 = tpu.memref_squeeze %dma_start3A_435 : memref<1x1x8x128xf32, #tpu.memory_space<vmem>> -> memref<8x128xf32, #tpu.memory_space<vmem>>
    %dma_start3A_437 = arith.constant 16 : i32
    %dma_start3A_438 = tpu.memref_slice %arg3[%dma_start3A_437, %multiple_of3A_430] : memref<32x1000000xf32, #tpu.memory_space<hbm>> -> memref<8x128xf32, #tpu.memory_space<hbm>>
    %dma_start3A_439 = arith.constant 16 : i32
    %dma_start3A_440 = arith.constant 0 : i32
    %dma_start3A_441 = tpu.memref_slice %arg6[%dma_start3A_431, %dma_start3A_432, %dma_start3A_439, %dma_start3A_440] : memref<2x8x32x128xf32, #tpu.memory_space<vmem>> -> memref<1x1x8x128xf32, #tpu.memory_space<vmem>>
    %dma_start3A_442 = tpu.memref_squeeze %dma_start3A_441 : memref<1x1x8x128xf32, #tpu.memory_space<vmem>> -> memref<8x128xf32, #tpu.memory_space<vmem>>
    %dma_start3A_443 = arith.constant 16 : i32
    %dma_start3A_444 = tpu.memref_slice %arg3[%dma_start3A_443, %multiple_of3A_430] : memref<32x1000000xf32, #tpu.memory_space<hbm>> -> memref<8x128xf32, #tpu.memory_space<hbm>>
    tpu.enqueue_dma source(%dma_start3A_444 : memref<8x128xf32, #tpu.memory_space<hbm>>) target(%dma_start3A_442 : memref<8x128xf32, #tpu.memory_space<vmem>>) target_semaphore(%arg8 : memref<!tpu.dma_semaphore, #tpu.memory_space<semaphore_mem>>)
    %multiple_of3A_445 = tpu.assume_multiple %shift_left3A_399, 128 : i32
    %dma_start3A_446 = arith.constant 0 : i32
    %dma_start3A_447 = arith.constant 6 : i32
    %dma_start3A_448 = arith.constant 24 : i32
    %dma_start3A_449 = arith.constant 0 : i32
    %dma_start3A_450 = tpu.memref_slice %arg6[%dma_start3A_446, %dma_start3A_447, %dma_start3A_448, %dma_start3A_449] : memref<2x8x32x128xf32, #tpu.memory_space<vmem>> -> memref<1x1x8x128xf32, #tpu.memory_space<vmem>>
    %dma_start3A_451 = tpu.memref_squeeze %dma_start3A_450 : memref<1x1x8x128xf32, #tpu.memory_space<vmem>> -> memref<8x128xf32, #tpu.memory_space<vmem>>
    %dma_start3A_452 = arith.constant 24 : i32
    %dma_start3A_453 = tpu.memref_slice %arg3[%dma_start3A_452, %multiple_of3A_445] : memref<32x1000000xf32, #tpu.memory_space<hbm>> -> memref<8x128xf32, #tpu.memory_space<hbm>>
    %dma_start3A_454 = arith.constant 24 : i32
    %dma_start3A_455 = arith.constant 0 : i32
    %dma_start3A_456 = tpu.memref_slice %arg6[%dma_start3A_446, %dma_start3A_447, %dma_start3A_454, %dma_start3A_455] : memref<2x8x32x128xf32, #tpu.memory_space<vmem>> -> memref<1x1x8x128xf32, #tpu.memory_space<vmem>>
    %dma_start3A_457 = tpu.memref_squeeze %dma_start3A_456 : memref<1x1x8x128xf32, #tpu.memory_space<vmem>> -> memref<8x128xf32, #tpu.memory_space<vmem>>
    %dma_start3A_458 = arith.constant 24 : i32
    %dma_start3A_459 = tpu.memref_slice %arg3[%dma_start3A_458, %multiple_of3A_445] : memref<32x1000000xf32, #tpu.memory_space<hbm>> -> memref<8x128xf32, #tpu.memory_space<hbm>>
    tpu.enqueue_dma source(%dma_start3A_459 : memref<8x128xf32, #tpu.memory_space<hbm>>) target(%dma_start3A_457 : memref<8x128xf32, #tpu.memory_space<vmem>>) target_semaphore(%arg8 : memref<!tpu.dma_semaphore, #tpu.memory_space<semaphore_mem>>)
    %slice3A_460 = vector.extract_strided_slice %get3A_3 {offsets = [7], sizes = [1], strides = [1]} : vector<16xi32> to vector<1xi32>
    %squeeze3A_461 = vector.extract %slice3A_460[0] : i32 from vector<1xi32>
    %shift_right_arithmetic3A_462 = arith.constant 7 : i32
    %shift_right_arithmetic3A_463 = arith.shrsi %squeeze3A_461, %shift_right_arithmetic3A_462 : i32
    %shift_left3A_464 = arith.constant 7 : i32
    %shift_left3A_465 = arith.shli %shift_right_arithmetic3A_463, %shift_left3A_464 : i32
    %multiple_of3A_466 = tpu.assume_multiple %shift_left3A_465, 128 : i32
    %dma_start3A_467 = arith.constant 0 : i32
    %dma_start3A_468 = arith.constant 7 : i32
    %dma_start3A_469 = arith.constant 0 : i32
    %dma_start3A_470 = arith.constant 0 : i32
    %dma_start3A_471 = tpu.memref_slice %arg6[%dma_start3A_467, %dma_start3A_468, %dma_start3A_469, %dma_start3A_470] : memref<2x8x32x128xf32, #tpu.memory_space<vmem>> -> memref<1x1x8x128xf32, #tpu.memory_space<vmem>>
    %dma_start3A_472 = tpu.memref_squeeze %dma_start3A_471 : memref<1x1x8x128xf32, #tpu.memory_space<vmem>> -> memref<8x128xf32, #tpu.memory_space<vmem>>
    %dma_start3A_473 = arith.constant 0 : i32
    %dma_start3A_474 = tpu.memref_slice %arg3[%dma_start3A_473, %multiple_of3A_466] : memref<32x1000000xf32, #tpu.memory_space<hbm>> -> memref<8x128xf32, #tpu.memory_space<hbm>>
    %dma_start3A_475 = arith.constant 0 : i32
    %dma_start3A_476 = arith.constant 0 : i32
    %dma_start3A_477 = tpu.memref_slice %arg6[%dma_start3A_467, %dma_start3A_468, %dma_start3A_475, %dma_start3A_476] : memref<2x8x32x128xf32, #tpu.memory_space<vmem>> -> memref<1x1x8x128xf32, #tpu.memory_space<vmem>>
    %dma_start3A_478 = tpu.memref_squeeze %dma_start3A_477 : memref<1x1x8x128xf32, #tpu.memory_space<vmem>> -> memref<8x128xf32, #tpu.memory_space<vmem>>
    %dma_start3A_479 = arith.constant 0 : i32
    %dma_start3A_480 = tpu.memref_slice %arg3[%dma_start3A_479, %multiple_of3A_466] : memref<32x1000000xf32, #tpu.memory_space<hbm>> -> memref<8x128xf32, #tpu.memory_space<hbm>>
    tpu.enqueue_dma source(%dma_start3A_480 : memref<8x128xf32, #tpu.memory_space<hbm>>) target(%dma_start3A_478 : memref<8x128xf32, #tpu.memory_space<vmem>>) target_semaphore(%arg8 : memref<!tpu.dma_semaphore, #tpu.memory_space<semaphore_mem>>)
    %multiple_of3A_481 = tpu.assume_multiple %shift_left3A_465, 128 : i32
    %dma_start3A_482 = arith.constant 0 : i32
    %dma_start3A_483 = arith.constant 7 : i32
    %dma_start3A_484 = arith.constant 8 : i32
    %dma_start3A_485 = arith.constant 0 : i32
    %dma_start3A_486 = tpu.memref_slice %arg6[%dma_start3A_482, %dma_start3A_483, %dma_start3A_484, %dma_start3A_485] : memref<2x8x32x128xf32, #tpu.memory_space<vmem>> -> memref<1x1x8x128xf32, #tpu.memory_space<vmem>>
    %dma_start3A_487 = tpu.memref_squeeze %dma_start3A_486 : memref<1x1x8x128xf32, #tpu.memory_space<vmem>> -> memref<8x128xf32, #tpu.memory_space<vmem>>
    %dma_start3A_488 = arith.constant 8 : i32
    %dma_start3A_489 = tpu.memref_slice %arg3[%dma_start3A_488, %multiple_of3A_481] : memref<32x1000000xf32, #tpu.memory_space<hbm>> -> memref<8x128xf32, #tpu.memory_space<hbm>>
    %dma_start3A_490 = arith.constant 8 : i32
    %dma_start3A_491 = arith.constant 0 : i32
    %dma_start3A_492 = tpu.memref_slice %arg6[%dma_start3A_482, %dma_start3A_483, %dma_start3A_490, %dma_start3A_491] : memref<2x8x32x128xf32, #tpu.memory_space<vmem>> -> memref<1x1x8x128xf32, #tpu.memory_space<vmem>>
    %dma_start3A_493 = tpu.memref_squeeze %dma_start3A_492 : memref<1x1x8x128xf32, #tpu.memory_space<vmem>> -> memref<8x128xf32, #tpu.memory_space<vmem>>
    %dma_start3A_494 = arith.constant 8 : i32
    %dma_start3A_495 = tpu.memref_slice %arg3[%dma_start3A_494, %multiple_of3A_481] : memref<32x1000000xf32, #tpu.memory_space<hbm>> -> memref<8x128xf32, #tpu.memory_space<hbm>>
    tpu.enqueue_dma source(%dma_start3A_495 : memref<8x128xf32, #tpu.memory_space<hbm>>) target(%dma_start3A_493 : memref<8x128xf32, #tpu.memory_space<vmem>>) target_semaphore(%arg8 : memref<!tpu.dma_semaphore, #tpu.memory_space<semaphore_mem>>)
    %multiple_of3A_496 = tpu.assume_multiple %shift_left3A_465, 128 : i32
    %dma_start3A_497 = arith.constant 0 : i32
    %dma_start3A_498 = arith.constant 7 : i32
    %dma_start3A_499 = arith.constant 16 : i32
    %dma_start3A_500 = arith.constant 0 : i32
    %dma_start3A_501 = tpu.memref_slice %arg6[%dma_start3A_497, %dma_start3A_498, %dma_start3A_499, %dma_start3A_500] : memref<2x8x32x128xf32, #tpu.memory_space<vmem>> -> memref<1x1x8x128xf32, #tpu.memory_space<vmem>>
    %dma_start3A_502 = tpu.memref_squeeze %dma_start3A_501 : memref<1x1x8x128xf32, #tpu.memory_space<vmem>> -> memref<8x128xf32, #tpu.memory_space<vmem>>
    %dma_start3A_503 = arith.constant 16 : i32
    %dma_start3A_504 = tpu.memref_slice %arg3[%dma_start3A_503, %multiple_of3A_496] : memref<32x1000000xf32, #tpu.memory_space<hbm>> -> memref<8x128xf32, #tpu.memory_space<hbm>>
    %dma_start3A_505 = arith.constant 16 : i32
    %dma_start3A_506 = arith.constant 0 : i32
    %dma_start3A_507 = tpu.memref_slice %arg6[%dma_start3A_497, %dma_start3A_498, %dma_start3A_505, %dma_start3A_506] : memref<2x8x32x128xf32, #tpu.memory_space<vmem>> -> memref<1x1x8x128xf32, #tpu.memory_space<vmem>>
    %dma_start3A_508 = tpu.memref_squeeze %dma_start3A_507 : memref<1x1x8x128xf32, #tpu.memory_space<vmem>> -> memref<8x128xf32, #tpu.memory_space<vmem>>
    %dma_start3A_509 = arith.constant 16 : i32
    %dma_start3A_510 = tpu.memref_slice %arg3[%dma_start3A_509, %multiple_of3A_496] : memref<32x1000000xf32, #tpu.memory_space<hbm>> -> memref<8x128xf32, #tpu.memory_space<hbm>>
    tpu.enqueue_dma source(%dma_start3A_510 : memref<8x128xf32, #tpu.memory_space<hbm>>) target(%dma_start3A_508 : memref<8x128xf32, #tpu.memory_space<vmem>>) target_semaphore(%arg8 : memref<!tpu.dma_semaphore, #tpu.memory_space<semaphore_mem>>)
    %multiple_of3A_511 = tpu.assume_multiple %shift_left3A_465, 128 : i32
    %dma_start3A_512 = arith.constant 0 : i32
    %dma_start3A_513 = arith.constant 7 : i32
    %dma_start3A_514 = arith.constant 24 : i32
    %dma_start3A_515 = arith.constant 0 : i32
    %dma_start3A_516 = tpu.memref_slice %arg6[%dma_start3A_512, %dma_start3A_513, %dma_start3A_514, %dma_start3A_515] : memref<2x8x32x128xf32, #tpu.memory_space<vmem>> -> memref<1x1x8x128xf32, #tpu.memory_space<vmem>>
    %dma_start3A_517 = tpu.memref_squeeze %dma_start3A_516 : memref<1x1x8x128xf32, #tpu.memory_space<vmem>> -> memref<8x128xf32, #tpu.memory_space<vmem>>
    %dma_start3A_518 = arith.constant 24 : i32
    %dma_start3A_519 = tpu.memref_slice %arg3[%dma_start3A_518, %multiple_of3A_511] : memref<32x1000000xf32, #tpu.memory_space<hbm>> -> memref<8x128xf32, #tpu.memory_space<hbm>>
    %dma_start3A_520 = arith.constant 24 : i32
    %dma_start3A_521 = arith.constant 0 : i32
    %dma_start3A_522 = tpu.memref_slice %arg6[%dma_start3A_512, %dma_start3A_513, %dma_start3A_520, %dma_start3A_521] : memref<2x8x32x128xf32, #tpu.memory_space<vmem>> -> memref<1x1x8x128xf32, #tpu.memory_space<vmem>>
    %dma_start3A_523 = tpu.memref_squeeze %dma_start3A_522 : memref<1x1x8x128xf32, #tpu.memory_space<vmem>> -> memref<8x128xf32, #tpu.memory_space<vmem>>
    %dma_start3A_524 = arith.constant 24 : i32
    %dma_start3A_525 = tpu.memref_slice %arg3[%dma_start3A_524, %multiple_of3A_511] : memref<32x1000000xf32, #tpu.memory_space<hbm>> -> memref<8x128xf32, #tpu.memory_space<hbm>>
    tpu.enqueue_dma source(%dma_start3A_525 : memref<8x128xf32, #tpu.memory_space<hbm>>) target(%dma_start3A_523 : memref<8x128xf32, #tpu.memory_space<vmem>>) target_semaphore(%arg8 : memref<!tpu.dma_semaphore, #tpu.memory_space<semaphore_mem>>)
    %scan3A = arith.constant 0 : i32
    %scan3A_526 = arith.constant 0 : i32
    %scan3A_527 = arith.constant 32 : i32
    %scan3A_528 = arith.addi %scan3A_526, %scan3A_527 : i32
    %scan3A_529 = arith.constant 1 : i32
    %scan3A_530 = scf.for %scan3A_532 = %scan3A_526 to %scan3A_528 step %scan3A_529 iter_args(%scan3A_533 = %scan3A) -> (i32)  : i32 {
      %mul3A_534 = arith.constant 2 : i32
      %mul3A_535 = arith.muli %scan3A_532, %mul3A_534 : i32
      %mul3A_536 = arith.constant 8 : i32
      %mul3A_537 = arith.muli %mul3A_535, %mul3A_536 : i32
      %get3A_538 = arith.index_cast %mul3A_537 : i32 to index
      %get3A_539 = tpu.vector_load %arg5[%get3A_538] {strides = array<i32>} : memref<512xi32, #tpu.memory_space<vmem>>, vector<16xi32>,
      %slice3A_540 = vector.extract_strided_slice %get3A_539 {offsets = [0], sizes = [1], strides = [1]} : vector<16xi32> to vector<1xi32>
      %squeeze3A_541 = vector.extract %slice3A_540[0] : i32 from vector<1xi32>
      %slice3A_542 = vector.extract_strided_slice %get3A_539 {offsets = [1], sizes = [1], strides = [1]} : vector<16xi32> to vector<1xi32>
      %squeeze3A_543 = vector.extract %slice3A_542[0] : i32 from vector<1xi32>
      %slice3A_544 = vector.extract_strided_slice %get3A_539 {offsets = [2], sizes = [1], strides = [1]} : vector<16xi32> to vector<1xi32>
      %squeeze3A_545 = vector.extract %slice3A_544[0] : i32 from vector<1xi32>
      %slice3A_546 = vector.extract_strided_slice %get3A_539 {offsets = [3], sizes = [1], strides = [1]} : vector<16xi32> to vector<1xi32>
      %squeeze3A_547 = vector.extract %slice3A_546[0] : i32 from vector<1xi32>
      %slice3A_548 = vector.extract_strided_slice %get3A_539 {offsets = [4], sizes = [1], strides = [1]} : vector<16xi32> to vector<1xi32>
      %squeeze3A_549 = vector.extract %slice3A_548[0] : i32 from vector<1xi32>
      %slice3A_550 = vector.extract_strided_slice %get3A_539 {offsets = [5], sizes = [1], strides = [1]} : vector<16xi32> to vector<1xi32>
      %squeeze3A_551 = vector.extract %slice3A_550[0] : i32 from vector<1xi32>
      %slice3A_552 = vector.extract_strided_slice %get3A_539 {offsets = [6], sizes = [1], strides = [1]} : vector<16xi32> to vector<1xi32>
      %squeeze3A_553 = vector.extract %slice3A_552[0] : i32 from vector<1xi32>
      %slice3A_554 = vector.extract_strided_slice %get3A_539 {offsets = [7], sizes = [1], strides = [1]} : vector<16xi32> to vector<1xi32>
      %squeeze3A_555 = vector.extract %slice3A_554[0] : i32 from vector<1xi32>
      %slice3A_556 = vector.extract_strided_slice %get3A_539 {offsets = [8], sizes = [1], strides = [1]} : vector<16xi32> to vector<1xi32>
      %squeeze3A_557 = vector.extract %slice3A_556[0] : i32 from vector<1xi32>
      %slice3A_558 = vector.extract_strided_slice %get3A_539 {offsets = [9], sizes = [1], strides = [1]} : vector<16xi32> to vector<1xi32>
      %squeeze3A_559 = vector.extract %slice3A_558[0] : i32 from vector<1xi32>
      %slice3A_560 = vector.extract_strided_slice %get3A_539 {offsets = [10], sizes = [1], strides = [1]} : vector<16xi32> to vector<1xi32>
      %squeeze3A_561 = vector.extract %slice3A_560[0] : i32 from vector<1xi32>
      %slice3A_562 = vector.extract_strided_slice %get3A_539 {offsets = [11], sizes = [1], strides = [1]} : vector<16xi32> to vector<1xi32>
      %squeeze3A_563 = vector.extract %slice3A_562[0] : i32 from vector<1xi32>
      %slice3A_564 = vector.extract_strided_slice %get3A_539 {offsets = [12], sizes = [1], strides = [1]} : vector<16xi32> to vector<1xi32>
      %squeeze3A_565 = vector.extract %slice3A_564[0] : i32 from vector<1xi32>
      %slice3A_566 = vector.extract_strided_slice %get3A_539 {offsets = [13], sizes = [1], strides = [1]} : vector<16xi32> to vector<1xi32>
      %squeeze3A_567 = vector.extract %slice3A_566[0] : i32 from vector<1xi32>
      %slice3A_568 = vector.extract_strided_slice %get3A_539 {offsets = [14], sizes = [1], strides = [1]} : vector<16xi32> to vector<1xi32>
      %squeeze3A_569 = vector.extract %slice3A_568[0] : i32 from vector<1xi32>
      %slice3A_570 = vector.extract_strided_slice %get3A_539 {offsets = [15], sizes = [1], strides = [1]} : vector<16xi32> to vector<1xi32>
      %squeeze3A_571 = vector.extract %slice3A_570[0] : i32 from vector<1xi32>
      %shift_right_arithmetic3A_572 = arith.constant 7 : i32
      %shift_right_arithmetic3A_573 = arith.shrsi %squeeze3A_557, %shift_right_arithmetic3A_572 : i32
      %shift_left3A_574 = arith.constant 7 : i32
      %shift_left3A_575 = arith.shli %shift_right_arithmetic3A_573, %shift_left3A_574 : i32
      %multiple_of3A_576 = tpu.assume_multiple %shift_left3A_575, 128 : i32
      %dma_start3A_577 = arith.constant 1 : i32
      %dma_start3A_578 = arith.constant 0 : i32
      %dma_start3A_579 = arith.constant 0 : i32
      %dma_start3A_580 = arith.constant 0 : i32
      %dma_start3A_581 = tpu.memref_slice %arg6[%dma_start3A_577, %dma_start3A_578, %dma_start3A_579, %dma_start3A_580] : memref<2x8x32x128xf32, #tpu.memory_space<vmem>> -> memref<1x1x8x128xf32, #tpu.memory_space<vmem>>
      %dma_start3A_582 = tpu.memref_squeeze %dma_start3A_581 : memref<1x1x8x128xf32, #tpu.memory_space<vmem>> -> memref<8x128xf32, #tpu.memory_space<vmem>>
      %dma_start3A_583 = arith.constant 0 : i32
      %dma_start3A_584 = tpu.memref_slice %arg3[%dma_start3A_583, %multiple_of3A_576] : memref<32x1000000xf32, #tpu.memory_space<hbm>> -> memref<8x128xf32, #tpu.memory_space<hbm>>
      %dma_start3A_585 = arith.constant 0 : i32
      %dma_start3A_586 = arith.constant 0 : i32
      %dma_start3A_587 = tpu.memref_slice %arg6[%dma_start3A_577, %dma_start3A_578, %dma_start3A_585, %dma_start3A_586] : memref<2x8x32x128xf32, #tpu.memory_space<vmem>> -> memref<1x1x8x128xf32, #tpu.memory_space<vmem>>
      %dma_start3A_588 = tpu.memref_squeeze %dma_start3A_587 : memref<1x1x8x128xf32, #tpu.memory_space<vmem>> -> memref<8x128xf32, #tpu.memory_space<vmem>>
      %dma_start3A_589 = arith.constant 0 : i32
      %dma_start3A_590 = tpu.memref_slice %arg3[%dma_start3A_589, %multiple_of3A_576] : memref<32x1000000xf32, #tpu.memory_space<hbm>> -> memref<8x128xf32, #tpu.memory_space<hbm>>
      tpu.enqueue_dma source(%dma_start3A_590 : memref<8x128xf32, #tpu.memory_space<hbm>>) target(%dma_start3A_588 : memref<8x128xf32, #tpu.memory_space<vmem>>) target_semaphore(%arg9 : memref<!tpu.dma_semaphore, #tpu.memory_space<semaphore_mem>>)
      %multiple_of3A_591 = tpu.assume_multiple %shift_left3A_575, 128 : i32
      %dma_start3A_592 = arith.constant 1 : i32
      %dma_start3A_593 = arith.constant 0 : i32
      %dma_start3A_594 = arith.constant 8 : i32
      %dma_start3A_595 = arith.constant 0 : i32
      %dma_start3A_596 = tpu.memref_slice %arg6[%dma_start3A_592, %dma_start3A_593, %dma_start3A_594, %dma_start3A_595] : memref<2x8x32x128xf32, #tpu.memory_space<vmem>> -> memref<1x1x8x128xf32, #tpu.memory_space<vmem>>
      %dma_start3A_597 = tpu.memref_squeeze %dma_start3A_596 : memref<1x1x8x128xf32, #tpu.memory_space<vmem>> -> memref<8x128xf32, #tpu.memory_space<vmem>>
      %dma_start3A_598 = arith.constant 8 : i32
      %dma_start3A_599 = tpu.memref_slice %arg3[%dma_start3A_598, %multiple_of3A_591] : memref<32x1000000xf32, #tpu.memory_space<hbm>> -> memref<8x128xf32, #tpu.memory_space<hbm>>
      %dma_start3A_600 = arith.constant 8 : i32
      %dma_start3A_601 = arith.constant 0 : i32
      %dma_start3A_602 = tpu.memref_slice %arg6[%dma_start3A_592, %dma_start3A_593, %dma_start3A_600, %dma_start3A_601] : memref<2x8x32x128xf32, #tpu.memory_space<vmem>> -> memref<1x1x8x128xf32, #tpu.memory_space<vmem>>
      %dma_start3A_603 = tpu.memref_squeeze %dma_start3A_602 : memref<1x1x8x128xf32, #tpu.memory_space<vmem>> -> memref<8x128xf32, #tpu.memory_space<vmem>>
      %dma_start3A_604 = arith.constant 8 : i32
      %dma_start3A_605 = tpu.memref_slice %arg3[%dma_start3A_604, %multiple_of3A_591] : memref<32x1000000xf32, #tpu.memory_space<hbm>> -> memref<8x128xf32, #tpu.memory_space<hbm>>
      tpu.enqueue_dma source(%dma_start3A_605 : memref<8x128xf32, #tpu.memory_space<hbm>>) target(%dma_start3A_603 : memref<8x128xf32, #tpu.memory_space<vmem>>) target_semaphore(%arg9 : memref<!tpu.dma_semaphore, #tpu.memory_space<semaphore_mem>>)
      %multiple_of3A_606 = tpu.assume_multiple %shift_left3A_575, 128 : i32
      %dma_start3A_607 = arith.constant 1 : i32
      %dma_start3A_608 = arith.constant 0 : i32
      %dma_start3A_609 = arith.constant 16 : i32
      %dma_start3A_610 = arith.constant 0 : i32
      %dma_start3A_611 = tpu.memref_slice %arg6[%dma_start3A_607, %dma_start3A_608, %dma_start3A_609, %dma_start3A_610] : memref<2x8x32x128xf32, #tpu.memory_space<vmem>> -> memref<1x1x8x128xf32, #tpu.memory_space<vmem>>
      %dma_start3A_612 = tpu.memref_squeeze %dma_start3A_611 : memref<1x1x8x128xf32, #tpu.memory_space<vmem>> -> memref<8x128xf32, #tpu.memory_space<vmem>>
      %dma_start3A_613 = arith.constant 16 : i32
      %dma_start3A_614 = tpu.memref_slice %arg3[%dma_start3A_613, %multiple_of3A_606] : memref<32x1000000xf32, #tpu.memory_space<hbm>> -> memref<8x128xf32, #tpu.memory_space<hbm>>
      %dma_start3A_615 = arith.constant 16 : i32
      %dma_start3A_616 = arith.constant 0 : i32
      %dma_start3A_617 = tpu.memref_slice %arg6[%dma_start3A_607, %dma_start3A_608, %dma_start3A_615, %dma_start3A_616] : memref<2x8x32x128xf32, #tpu.memory_space<vmem>> -> memref<1x1x8x128xf32, #tpu.memory_space<vmem>>
      %dma_start3A_618 = tpu.memref_squeeze %dma_start3A_617 : memref<1x1x8x128xf32, #tpu.memory_space<vmem>> -> memref<8x128xf32, #tpu.memory_space<vmem>>
      %dma_start3A_619 = arith.constant 16 : i32
      %dma_start3A_620 = tpu.memref_slice %arg3[%dma_start3A_619, %multiple_of3A_606] : memref<32x1000000xf32, #tpu.memory_space<hbm>> -> memref<8x128xf32, #tpu.memory_space<hbm>>
      tpu.enqueue_dma source(%dma_start3A_620 : memref<8x128xf32, #tpu.memory_space<hbm>>) target(%dma_start3A_618 : memref<8x128xf32, #tpu.memory_space<vmem>>) target_semaphore(%arg9 : memref<!tpu.dma_semaphore, #tpu.memory_space<semaphore_mem>>)
      %multiple_of3A_621 = tpu.assume_multiple %shift_left3A_575, 128 : i32
      %dma_start3A_622 = arith.constant 1 : i32
      %dma_start3A_623 = arith.constant 0 : i32
      %dma_start3A_624 = arith.constant 24 : i32
      %dma_start3A_625 = arith.constant 0 : i32
      %dma_start3A_626 = tpu.memref_slice %arg6[%dma_start3A_622, %dma_start3A_623, %dma_start3A_624, %dma_start3A_625] : memref<2x8x32x128xf32, #tpu.memory_space<vmem>> -> memref<1x1x8x128xf32, #tpu.memory_space<vmem>>
      %dma_start3A_627 = tpu.memref_squeeze %dma_start3A_626 : memref<1x1x8x128xf32, #tpu.memory_space<vmem>> -> memref<8x128xf32, #tpu.memory_space<vmem>>
      %dma_start3A_628 = arith.constant 24 : i32
      %dma_start3A_629 = tpu.memref_slice %arg3[%dma_start3A_628, %multiple_of3A_621] : memref<32x1000000xf32, #tpu.memory_space<hbm>> -> memref<8x128xf32, #tpu.memory_space<hbm>>
      %dma_start3A_630 = arith.constant 24 : i32
      %dma_start3A_631 = arith.constant 0 : i32
      %dma_start3A_632 = tpu.memref_slice %arg6[%dma_start3A_622, %dma_start3A_623, %dma_start3A_630, %dma_start3A_631] : memref<2x8x32x128xf32, #tpu.memory_space<vmem>> -> memref<1x1x8x128xf32, #tpu.memory_space<vmem>>
      %dma_start3A_633 = tpu.memref_squeeze %dma_start3A_632 : memref<1x1x8x128xf32, #tpu.memory_space<vmem>> -> memref<8x128xf32, #tpu.memory_space<vmem>>
      %dma_start3A_634 = arith.constant 24 : i32
      %dma_start3A_635 = tpu.memref_slice %arg3[%dma_start3A_634, %multiple_of3A_621] : memref<32x1000000xf32, #tpu.memory_space<hbm>> -> memref<8x128xf32, #tpu.memory_space<hbm>>
      tpu.enqueue_dma source(%dma_start3A_635 : memref<8x128xf32, #tpu.memory_space<hbm>>) target(%dma_start3A_633 : memref<8x128xf32, #tpu.memory_space<vmem>>) target_semaphore(%arg9 : memref<!tpu.dma_semaphore, #tpu.memory_space<semaphore_mem>>)
      %shift_right_arithmetic3A_636 = arith.constant 7 : i32
      %shift_right_arithmetic3A_637 = arith.shrsi %squeeze3A_559, %shift_right_arithmetic3A_636 : i32
      %shift_left3A_638 = arith.constant 7 : i32
      %shift_left3A_639 = arith.shli %shift_right_arithmetic3A_637, %shift_left3A_638 : i32
      %multiple_of3A_640 = tpu.assume_multiple %shift_left3A_639, 128 : i32
      %dma_start3A_641 = arith.constant 1 : i32
      %dma_start3A_642 = arith.constant 1 : i32
      %dma_start3A_643 = arith.constant 0 : i32
      %dma_start3A_644 = arith.constant 0 : i32
      %dma_start3A_645 = tpu.memref_slice %arg6[%dma_start3A_641, %dma_start3A_642, %dma_start3A_643, %dma_start3A_644] : memref<2x8x32x128xf32, #tpu.memory_space<vmem>> -> memref<1x1x8x128xf32, #tpu.memory_space<vmem>>
      %dma_start3A_646 = tpu.memref_squeeze %dma_start3A_645 : memref<1x1x8x128xf32, #tpu.memory_space<vmem>> -> memref<8x128xf32, #tpu.memory_space<vmem>>
      %dma_start3A_647 = arith.constant 0 : i32
      %dma_start3A_648 = tpu.memref_slice %arg3[%dma_start3A_647, %multiple_of3A_640] : memref<32x1000000xf32, #tpu.memory_space<hbm>> -> memref<8x128xf32, #tpu.memory_space<hbm>>
      %dma_start3A_649 = arith.constant 0 : i32
      %dma_start3A_650 = arith.constant 0 : i32
      %dma_start3A_651 = tpu.memref_slice %arg6[%dma_start3A_641, %dma_start3A_642, %dma_start3A_649, %dma_start3A_650] : memref<2x8x32x128xf32, #tpu.memory_space<vmem>> -> memref<1x1x8x128xf32, #tpu.memory_space<vmem>>
      %dma_start3A_652 = tpu.memref_squeeze %dma_start3A_651 : memref<1x1x8x128xf32, #tpu.memory_space<vmem>> -> memref<8x128xf32, #tpu.memory_space<vmem>>
      %dma_start3A_653 = arith.constant 0 : i32
      %dma_start3A_654 = tpu.memref_slice %arg3[%dma_start3A_653, %multiple_of3A_640] : memref<32x1000000xf32, #tpu.memory_space<hbm>> -> memref<8x128xf32, #tpu.memory_space<hbm>>
      tpu.enqueue_dma source(%dma_start3A_654 : memref<8x128xf32, #tpu.memory_space<hbm>>) target(%dma_start3A_652 : memref<8x128xf32, #tpu.memory_space<vmem>>) target_semaphore(%arg9 : memref<!tpu.dma_semaphore, #tpu.memory_space<semaphore_mem>>)
      %multiple_of3A_655 = tpu.assume_multiple %shift_left3A_639, 128 : i32
      %dma_start3A_656 = arith.constant 1 : i32
      %dma_start3A_657 = arith.constant 1 : i32
      %dma_start3A_658 = arith.constant 8 : i32
      %dma_start3A_659 = arith.constant 0 : i32
      %dma_start3A_660 = tpu.memref_slice %arg6[%dma_start3A_656, %dma_start3A_657, %dma_start3A_658, %dma_start3A_659] : memref<2x8x32x128xf32, #tpu.memory_space<vmem>> -> memref<1x1x8x128xf32, #tpu.memory_space<vmem>>
      %dma_start3A_661 = tpu.memref_squeeze %dma_start3A_660 : memref<1x1x8x128xf32, #tpu.memory_space<vmem>> -> memref<8x128xf32, #tpu.memory_space<vmem>>
      %dma_start3A_662 = arith.constant 8 : i32
      %dma_start3A_663 = tpu.memref_slice %arg3[%dma_start3A_662, %multiple_of3A_655] : memref<32x1000000xf32, #tpu.memory_space<hbm>> -> memref<8x128xf32, #tpu.memory_space<hbm>>
      %dma_start3A_664 = arith.constant 8 : i32
      %dma_start3A_665 = arith.constant 0 : i32
      %dma_start3A_666 = tpu.memref_slice %arg6[%dma_start3A_656, %dma_start3A_657, %dma_start3A_664, %dma_start3A_665] : memref<2x8x32x128xf32, #tpu.memory_space<vmem>> -> memref<1x1x8x128xf32, #tpu.memory_space<vmem>>
      %dma_start3A_667 = tpu.memref_squeeze %dma_start3A_666 : memref<1x1x8x128xf32, #tpu.memory_space<vmem>> -> memref<8x128xf32, #tpu.memory_space<vmem>>
      %dma_start3A_668 = arith.constant 8 : i32
      %dma_start3A_669 = tpu.memref_slice %arg3[%dma_start3A_668, %multiple_of3A_655] : memref<32x1000000xf32, #tpu.memory_space<hbm>> -> memref<8x128xf32, #tpu.memory_space<hbm>>
      tpu.enqueue_dma source(%dma_start3A_669 : memref<8x128xf32, #tpu.memory_space<hbm>>) target(%dma_start3A_667 : memref<8x128xf32, #tpu.memory_space<vmem>>) target_semaphore(%arg9 : memref<!tpu.dma_semaphore, #tpu.memory_space<semaphore_mem>>)
      %multiple_of3A_670 = tpu.assume_multiple %shift_left3A_639, 128 : i32
      %dma_start3A_671 = arith.constant 1 : i32
      %dma_start3A_672 = arith.constant 1 : i32
      %dma_start3A_673 = arith.constant 16 : i32
      %dma_start3A_674 = arith.constant 0 : i32
      %dma_start3A_675 = tpu.memref_slice %arg6[%dma_start3A_671, %dma_start3A_672, %dma_start3A_673, %dma_start3A_674] : memref<2x8x32x128xf32, #tpu.memory_space<vmem>> -> memref<1x1x8x128xf32, #tpu.memory_space<vmem>>
      %dma_start3A_676 = tpu.memref_squeeze %dma_start3A_675 : memref<1x1x8x128xf32, #tpu.memory_space<vmem>> -> memref<8x128xf32, #tpu.memory_space<vmem>>
      %dma_start3A_677 = arith.constant 16 : i32
      %dma_start3A_678 = tpu.memref_slice %arg3[%dma_start3A_677, %multiple_of3A_670] : memref<32x1000000xf32, #tpu.memory_space<hbm>> -> memref<8x128xf32, #tpu.memory_space<hbm>>
      %dma_start3A_679 = arith.constant 16 : i32
      %dma_start3A_680 = arith.constant 0 : i32
      %dma_start3A_681 = tpu.memref_slice %arg6[%dma_start3A_671, %dma_start3A_672, %dma_start3A_679, %dma_start3A_680] : memref<2x8x32x128xf32, #tpu.memory_space<vmem>> -> memref<1x1x8x128xf32, #tpu.memory_space<vmem>>
      %dma_start3A_682 = tpu.memref_squeeze %dma_start3A_681 : memref<1x1x8x128xf32, #tpu.memory_space<vmem>> -> memref<8x128xf32, #tpu.memory_space<vmem>>
      %dma_start3A_683 = arith.constant 16 : i32
      %dma_start3A_684 = tpu.memref_slice %arg3[%dma_start3A_683, %multiple_of3A_670] : memref<32x1000000xf32, #tpu.memory_space<hbm>> -> memref<8x128xf32, #tpu.memory_space<hbm>>
      tpu.enqueue_dma source(%dma_start3A_684 : memref<8x128xf32, #tpu.memory_space<hbm>>) target(%dma_start3A_682 : memref<8x128xf32, #tpu.memory_space<vmem>>) target_semaphore(%arg9 : memref<!tpu.dma_semaphore, #tpu.memory_space<semaphore_mem>>)
      %multiple_of3A_685 = tpu.assume_multiple %shift_left3A_639, 128 : i32
      %dma_start3A_686 = arith.constant 1 : i32
      %dma_start3A_687 = arith.constant 1 : i32
      %dma_start3A_688 = arith.constant 24 : i32
      %dma_start3A_689 = arith.constant 0 : i32
      %dma_start3A_690 = tpu.memref_slice %arg6[%dma_start3A_686, %dma_start3A_687, %dma_start3A_688, %dma_start3A_689] : memref<2x8x32x128xf32, #tpu.memory_space<vmem>> -> memref<1x1x8x128xf32, #tpu.memory_space<vmem>>
      %dma_start3A_691 = tpu.memref_squeeze %dma_start3A_690 : memref<1x1x8x128xf32, #tpu.memory_space<vmem>> -> memref<8x128xf32, #tpu.memory_space<vmem>>
      %dma_start3A_692 = arith.constant 24 : i32
      %dma_start3A_693 = tpu.memref_slice %arg3[%dma_start3A_692, %multiple_of3A_685] : memref<32x1000000xf32, #tpu.memory_space<hbm>> -> memref<8x128xf32, #tpu.memory_space<hbm>>
      %dma_start3A_694 = arith.constant 24 : i32
      %dma_start3A_695 = arith.constant 0 : i32
      %dma_start3A_696 = tpu.memref_slice %arg6[%dma_start3A_686, %dma_start3A_687, %dma_start3A_694, %dma_start3A_695] : memref<2x8x32x128xf32, #tpu.memory_space<vmem>> -> memref<1x1x8x128xf32, #tpu.memory_space<vmem>>
      %dma_start3A_697 = tpu.memref_squeeze %dma_start3A_696 : memref<1x1x8x128xf32, #tpu.memory_space<vmem>> -> memref<8x128xf32, #tpu.memory_space<vmem>>
      %dma_start3A_698 = arith.constant 24 : i32
      %dma_start3A_699 = tpu.memref_slice %arg3[%dma_start3A_698, %multiple_of3A_685] : memref<32x1000000xf32, #tpu.memory_space<hbm>> -> memref<8x128xf32, #tpu.memory_space<hbm>>
      tpu.enqueue_dma source(%dma_start3A_699 : memref<8x128xf32, #tpu.memory_space<hbm>>) target(%dma_start3A_697 : memref<8x128xf32, #tpu.memory_space<vmem>>) target_semaphore(%arg9 : memref<!tpu.dma_semaphore, #tpu.memory_space<semaphore_mem>>)
      %shift_right_arithmetic3A_700 = arith.constant 7 : i32
      %shift_right_arithmetic3A_701 = arith.shrsi %squeeze3A_561, %shift_right_arithmetic3A_700 : i32
      %shift_left3A_702 = arith.constant 7 : i32
      %shift_left3A_703 = arith.shli %shift_right_arithmetic3A_701, %shift_left3A_702 : i32
      %multiple_of3A_704 = tpu.assume_multiple %shift_left3A_703, 128 : i32
      %dma_start3A_705 = arith.constant 1 : i32
      %dma_start3A_706 = arith.constant 2 : i32
      %dma_start3A_707 = arith.constant 0 : i32
      %dma_start3A_708 = arith.constant 0 : i32
      %dma_start3A_709 = tpu.memref_slice %arg6[%dma_start3A_705, %dma_start3A_706, %dma_start3A_707, %dma_start3A_708] : memref<2x8x32x128xf32, #tpu.memory_space<vmem>> -> memref<1x1x8x128xf32, #tpu.memory_space<vmem>>
      %dma_start3A_710 = tpu.memref_squeeze %dma_start3A_709 : memref<1x1x8x128xf32, #tpu.memory_space<vmem>> -> memref<8x128xf32, #tpu.memory_space<vmem>>
      %dma_start3A_711 = arith.constant 0 : i32
      %dma_start3A_712 = tpu.memref_slice %arg3[%dma_start3A_711, %multiple_of3A_704] : memref<32x1000000xf32, #tpu.memory_space<hbm>> -> memref<8x128xf32, #tpu.memory_space<hbm>>
      %dma_start3A_713 = arith.constant 0 : i32
      %dma_start3A_714 = arith.constant 0 : i32
      %dma_start3A_715 = tpu.memref_slice %arg6[%dma_start3A_705, %dma_start3A_706, %dma_start3A_713, %dma_start3A_714] : memref<2x8x32x128xf32, #tpu.memory_space<vmem>> -> memref<1x1x8x128xf32, #tpu.memory_space<vmem>>
      %dma_start3A_716 = tpu.memref_squeeze %dma_start3A_715 : memref<1x1x8x128xf32, #tpu.memory_space<vmem>> -> memref<8x128xf32, #tpu.memory_space<vmem>>
      %dma_start3A_717 = arith.constant 0 : i32
      %dma_start3A_718 = tpu.memref_slice %arg3[%dma_start3A_717, %multiple_of3A_704] : memref<32x1000000xf32, #tpu.memory_space<hbm>> -> memref<8x128xf32, #tpu.memory_space<hbm>>
      tpu.enqueue_dma source(%dma_start3A_718 : memref<8x128xf32, #tpu.memory_space<hbm>>) target(%dma_start3A_716 : memref<8x128xf32, #tpu.memory_space<vmem>>) target_semaphore(%arg9 : memref<!tpu.dma_semaphore, #tpu.memory_space<semaphore_mem>>)
      %multiple_of3A_719 = tpu.assume_multiple %shift_left3A_703, 128 : i32
      %dma_start3A_720 = arith.constant 1 : i32
      %dma_start3A_721 = arith.constant 2 : i32
      %dma_start3A_722 = arith.constant 8 : i32
      %dma_start3A_723 = arith.constant 0 : i32
      %dma_start3A_724 = tpu.memref_slice %arg6[%dma_start3A_720, %dma_start3A_721, %dma_start3A_722, %dma_start3A_723] : memref<2x8x32x128xf32, #tpu.memory_space<vmem>> -> memref<1x1x8x128xf32, #tpu.memory_space<vmem>>
      %dma_start3A_725 = tpu.memref_squeeze %dma_start3A_724 : memref<1x1x8x128xf32, #tpu.memory_space<vmem>> -> memref<8x128xf32, #tpu.memory_space<vmem>>
      %dma_start3A_726 = arith.constant 8 : i32
      %dma_start3A_727 = tpu.memref_slice %arg3[%dma_start3A_726, %multiple_of3A_719] : memref<32x1000000xf32, #tpu.memory_space<hbm>> -> memref<8x128xf32, #tpu.memory_space<hbm>>
      %dma_start3A_728 = arith.constant 8 : i32
      %dma_start3A_729 = arith.constant 0 : i32
      %dma_start3A_730 = tpu.memref_slice %arg6[%dma_start3A_720, %dma_start3A_721, %dma_start3A_728, %dma_start3A_729] : memref<2x8x32x128xf32, #tpu.memory_space<vmem>> -> memref<1x1x8x128xf32, #tpu.memory_space<vmem>>
      %dma_start3A_731 = tpu.memref_squeeze %dma_start3A_730 : memref<1x1x8x128xf32, #tpu.memory_space<vmem>> -> memref<8x128xf32, #tpu.memory_space<vmem>>
      %dma_start3A_732 = arith.constant 8 : i32
      %dma_start3A_733 = tpu.memref_slice %arg3[%dma_start3A_732, %multiple_of3A_719] : memref<32x1000000xf32, #tpu.memory_space<hbm>> -> memref<8x128xf32, #tpu.memory_space<hbm>>
      tpu.enqueue_dma source(%dma_start3A_733 : memref<8x128xf32, #tpu.memory_space<hbm>>) target(%dma_start3A_731 : memref<8x128xf32, #tpu.memory_space<vmem>>) target_semaphore(%arg9 : memref<!tpu.dma_semaphore, #tpu.memory_space<semaphore_mem>>)
      %multiple_of3A_734 = tpu.assume_multiple %shift_left3A_703, 128 : i32
      %dma_start3A_735 = arith.constant 1 : i32
      %dma_start3A_736 = arith.constant 2 : i32
      %dma_start3A_737 = arith.constant 16 : i32
      %dma_start3A_738 = arith.constant 0 : i32
      %dma_start3A_739 = tpu.memref_slice %arg6[%dma_start3A_735, %dma_start3A_736, %dma_start3A_737, %dma_start3A_738] : memref<2x8x32x128xf32, #tpu.memory_space<vmem>> -> memref<1x1x8x128xf32, #tpu.memory_space<vmem>>
      %dma_start3A_740 = tpu.memref_squeeze %dma_start3A_739 : memref<1x1x8x128xf32, #tpu.memory_space<vmem>> -> memref<8x128xf32, #tpu.memory_space<vmem>>
      %dma_start3A_741 = arith.constant 16 : i32
      %dma_start3A_742 = tpu.memref_slice %arg3[%dma_start3A_741, %multiple_of3A_734] : memref<32x1000000xf32, #tpu.memory_space<hbm>> -> memref<8x128xf32, #tpu.memory_space<hbm>>
      %dma_start3A_743 = arith.constant 16 : i32
      %dma_start3A_744 = arith.constant 0 : i32
      %dma_start3A_745 = tpu.memref_slice %arg6[%dma_start3A_735, %dma_start3A_736, %dma_start3A_743, %dma_start3A_744] : memref<2x8x32x128xf32, #tpu.memory_space<vmem>> -> memref<1x1x8x128xf32, #tpu.memory_space<vmem>>
      %dma_start3A_746 = tpu.memref_squeeze %dma_start3A_745 : memref<1x1x8x128xf32, #tpu.memory_space<vmem>> -> memref<8x128xf32, #tpu.memory_space<vmem>>
      %dma_start3A_747 = arith.constant 16 : i32
      %dma_start3A_748 = tpu.memref_slice %arg3[%dma_start3A_747, %multiple_of3A_734] : memref<32x1000000xf32, #tpu.memory_space<hbm>> -> memref<8x128xf32, #tpu.memory_space<hbm>>
      tpu.enqueue_dma source(%dma_start3A_748 : memref<8x128xf32, #tpu.memory_space<hbm>>) target(%dma_start3A_746 : memref<8x128xf32, #tpu.memory_space<vmem>>) target_semaphore(%arg9 : memref<!tpu.dma_semaphore, #tpu.memory_space<semaphore_mem>>)
      %multiple_of3A_749 = tpu.assume_multiple %shift_left3A_703, 128 : i32
      %dma_start3A_750 = arith.constant 1 : i32
      %dma_start3A_751 = arith.constant 2 : i32
      %dma_start3A_752 = arith.constant 24 : i32
      %dma_start3A_753 = arith.constant 0 : i32
      %dma_start3A_754 = tpu.memref_slice %arg6[%dma_start3A_750, %dma_start3A_751, %dma_start3A_752, %dma_start3A_753] : memref<2x8x32x128xf32, #tpu.memory_space<vmem>> -> memref<1x1x8x128xf32, #tpu.memory_space<vmem>>
      %dma_start3A_755 = tpu.memref_squeeze %dma_start3A_754 : memref<1x1x8x128xf32, #tpu.memory_space<vmem>> -> memref<8x128xf32, #tpu.memory_space<vmem>>
      %dma_start3A_756 = arith.constant 24 : i32
      %dma_start3A_757 = tpu.memref_slice %arg3[%dma_start3A_756, %multiple_of3A_749] : memref<32x1000000xf32, #tpu.memory_space<hbm>> -> memref<8x128xf32, #tpu.memory_space<hbm>>
      %dma_start3A_758 = arith.constant 24 : i32
      %dma_start3A_759 = arith.constant 0 : i32
      %dma_start3A_760 = tpu.memref_slice %arg6[%dma_start3A_750, %dma_start3A_751, %dma_start3A_758, %dma_start3A_759] : memref<2x8x32x128xf32, #tpu.memory_space<vmem>> -> memref<1x1x8x128xf32, #tpu.memory_space<vmem>>
      %dma_start3A_761 = tpu.memref_squeeze %dma_start3A_760 : memref<1x1x8x128xf32, #tpu.memory_space<vmem>> -> memref<8x128xf32, #tpu.memory_space<vmem>>
      %dma_start3A_762 = arith.constant 24 : i32
      %dma_start3A_763 = tpu.memref_slice %arg3[%dma_start3A_762, %multiple_of3A_749] : memref<32x1000000xf32, #tpu.memory_space<hbm>> -> memref<8x128xf32, #tpu.memory_space<hbm>>
      tpu.enqueue_dma source(%dma_start3A_763 : memref<8x128xf32, #tpu.memory_space<hbm>>) target(%dma_start3A_761 : memref<8x128xf32, #tpu.memory_space<vmem>>) target_semaphore(%arg9 : memref<!tpu.dma_semaphore, #tpu.memory_space<semaphore_mem>>)
      %shift_right_arithmetic3A_764 = arith.constant 7 : i32
      %shift_right_arithmetic3A_765 = arith.shrsi %squeeze3A_563, %shift_right_arithmetic3A_764 : i32
      %shift_left3A_766 = arith.constant 7 : i32
      %shift_left3A_767 = arith.shli %shift_right_arithmetic3A_765, %shift_left3A_766 : i32
      %multiple_of3A_768 = tpu.assume_multiple %shift_left3A_767, 128 : i32
      %dma_start3A_769 = arith.constant 1 : i32
      %dma_start3A_770 = arith.constant 3 : i32
      %dma_start3A_771 = arith.constant 0 : i32
      %dma_start3A_772 = arith.constant 0 : i32
      %dma_start3A_773 = tpu.memref_slice %arg6[%dma_start3A_769, %dma_start3A_770, %dma_start3A_771, %dma_start3A_772] : memref<2x8x32x128xf32, #tpu.memory_space<vmem>> -> memref<1x1x8x128xf32, #tpu.memory_space<vmem>>
      %dma_start3A_774 = tpu.memref_squeeze %dma_start3A_773 : memref<1x1x8x128xf32, #tpu.memory_space<vmem>> -> memref<8x128xf32, #tpu.memory_space<vmem>>
      %dma_start3A_775 = arith.constant 0 : i32
      %dma_start3A_776 = tpu.memref_slice %arg3[%dma_start3A_775, %multiple_of3A_768] : memref<32x1000000xf32, #tpu.memory_space<hbm>> -> memref<8x128xf32, #tpu.memory_space<hbm>>
      %dma_start3A_777 = arith.constant 0 : i32
      %dma_start3A_778 = arith.constant 0 : i32
      %dma_start3A_779 = tpu.memref_slice %arg6[%dma_start3A_769, %dma_start3A_770, %dma_start3A_777, %dma_start3A_778] : memref<2x8x32x128xf32, #tpu.memory_space<vmem>> -> memref<1x1x8x128xf32, #tpu.memory_space<vmem>>
      %dma_start3A_780 = tpu.memref_squeeze %dma_start3A_779 : memref<1x1x8x128xf32, #tpu.memory_space<vmem>> -> memref<8x128xf32, #tpu.memory_space<vmem>>
      %dma_start3A_781 = arith.constant 0 : i32
      %dma_start3A_782 = tpu.memref_slice %arg3[%dma_start3A_781, %multiple_of3A_768] : memref<32x1000000xf32, #tpu.memory_space<hbm>> -> memref<8x128xf32, #tpu.memory_space<hbm>>
      tpu.enqueue_dma source(%dma_start3A_782 : memref<8x128xf32, #tpu.memory_space<hbm>>) target(%dma_start3A_780 : memref<8x128xf32, #tpu.memory_space<vmem>>) target_semaphore(%arg9 : memref<!tpu.dma_semaphore, #tpu.memory_space<semaphore_mem>>)
      %multiple_of3A_783 = tpu.assume_multiple %shift_left3A_767, 128 : i32
      %dma_start3A_784 = arith.constant 1 : i32
      %dma_start3A_785 = arith.constant 3 : i32
      %dma_start3A_786 = arith.constant 8 : i32
      %dma_start3A_787 = arith.constant 0 : i32
      %dma_start3A_788 = tpu.memref_slice %arg6[%dma_start3A_784, %dma_start3A_785, %dma_start3A_786, %dma_start3A_787] : memref<2x8x32x128xf32, #tpu.memory_space<vmem>> -> memref<1x1x8x128xf32, #tpu.memory_space<vmem>>
      %dma_start3A_789 = tpu.memref_squeeze %dma_start3A_788 : memref<1x1x8x128xf32, #tpu.memory_space<vmem>> -> memref<8x128xf32, #tpu.memory_space<vmem>>
      %dma_start3A_790 = arith.constant 8 : i32
      %dma_start3A_791 = tpu.memref_slice %arg3[%dma_start3A_790, %multiple_of3A_783] : memref<32x1000000xf32, #tpu.memory_space<hbm>> -> memref<8x128xf32, #tpu.memory_space<hbm>>
      %dma_start3A_792 = arith.constant 8 : i32
      %dma_start3A_793 = arith.constant 0 : i32
      %dma_start3A_794 = tpu.memref_slice %arg6[%dma_start3A_784, %dma_start3A_785, %dma_start3A_792, %dma_start3A_793] : memref<2x8x32x128xf32, #tpu.memory_space<vmem>> -> memref<1x1x8x128xf32, #tpu.memory_space<vmem>>
      %dma_start3A_795 = tpu.memref_squeeze %dma_start3A_794 : memref<1x1x8x128xf32, #tpu.memory_space<vmem>> -> memref<8x128xf32, #tpu.memory_space<vmem>>
      %dma_start3A_796 = arith.constant 8 : i32
      %dma_start3A_797 = tpu.memref_slice %arg3[%dma_start3A_796, %multiple_of3A_783] : memref<32x1000000xf32, #tpu.memory_space<hbm>> -> memref<8x128xf32, #tpu.memory_space<hbm>>
      tpu.enqueue_dma source(%dma_start3A_797 : memref<8x128xf32, #tpu.memory_space<hbm>>) target(%dma_start3A_795 : memref<8x128xf32, #tpu.memory_space<vmem>>) target_semaphore(%arg9 : memref<!tpu.dma_semaphore, #tpu.memory_space<semaphore_mem>>)
      %multiple_of3A_798 = tpu.assume_multiple %shift_left3A_767, 128 : i32
      %dma_start3A_799 = arith.constant 1 : i32
      %dma_start3A_800 = arith.constant 3 : i32
      %dma_start3A_801 = arith.constant 16 : i32
      %dma_start3A_802 = arith.constant 0 : i32
      %dma_start3A_803 = tpu.memref_slice %arg6[%dma_start3A_799, %dma_start3A_800, %dma_start3A_801, %dma_start3A_802] : memref<2x8x32x128xf32, #tpu.memory_space<vmem>> -> memref<1x1x8x128xf32, #tpu.memory_space<vmem>>
      %dma_start3A_804 = tpu.memref_squeeze %dma_start3A_803 : memref<1x1x8x128xf32, #tpu.memory_space<vmem>> -> memref<8x128xf32, #tpu.memory_space<vmem>>
      %dma_start3A_805 = arith.constant 16 : i32
      %dma_start3A_806 = tpu.memref_slice %arg3[%dma_start3A_805, %multiple_of3A_798] : memref<32x1000000xf32, #tpu.memory_space<hbm>> -> memref<8x128xf32, #tpu.memory_space<hbm>>
      %dma_start3A_807 = arith.constant 16 : i32
      %dma_start3A_808 = arith.constant 0 : i32
      %dma_start3A_809 = tpu.memref_slice %arg6[%dma_start3A_799, %dma_start3A_800, %dma_start3A_807, %dma_start3A_808] : memref<2x8x32x128xf32, #tpu.memory_space<vmem>> -> memref<1x1x8x128xf32, #tpu.memory_space<vmem>>
      %dma_start3A_810 = tpu.memref_squeeze %dma_start3A_809 : memref<1x1x8x128xf32, #tpu.memory_space<vmem>> -> memref<8x128xf32, #tpu.memory_space<vmem>>
      %dma_start3A_811 = arith.constant 16 : i32
      %dma_start3A_812 = tpu.memref_slice %arg3[%dma_start3A_811, %multiple_of3A_798] : memref<32x1000000xf32, #tpu.memory_space<hbm>> -> memref<8x128xf32, #tpu.memory_space<hbm>>
      tpu.enqueue_dma source(%dma_start3A_812 : memref<8x128xf32, #tpu.memory_space<hbm>>) target(%dma_start3A_810 : memref<8x128xf32, #tpu.memory_space<vmem>>) target_semaphore(%arg9 : memref<!tpu.dma_semaphore, #tpu.memory_space<semaphore_mem>>)
      %multiple_of3A_813 = tpu.assume_multiple %shift_left3A_767, 128 : i32
      %dma_start3A_814 = arith.constant 1 : i32
      %dma_start3A_815 = arith.constant 3 : i32
      %dma_start3A_816 = arith.constant 24 : i32
      %dma_start3A_817 = arith.constant 0 : i32
      %dma_start3A_818 = tpu.memref_slice %arg6[%dma_start3A_814, %dma_start3A_815, %dma_start3A_816, %dma_start3A_817] : memref<2x8x32x128xf32, #tpu.memory_space<vmem>> -> memref<1x1x8x128xf32, #tpu.memory_space<vmem>>
      %dma_start3A_819 = tpu.memref_squeeze %dma_start3A_818 : memref<1x1x8x128xf32, #tpu.memory_space<vmem>> -> memref<8x128xf32, #tpu.memory_space<vmem>>
      %dma_start3A_820 = arith.constant 24 : i32
      %dma_start3A_821 = tpu.memref_slice %arg3[%dma_start3A_820, %multiple_of3A_813] : memref<32x1000000xf32, #tpu.memory_space<hbm>> -> memref<8x128xf32, #tpu.memory_space<hbm>>
      %dma_start3A_822 = arith.constant 24 : i32
      %dma_start3A_823 = arith.constant 0 : i32
      %dma_start3A_824 = tpu.memref_slice %arg6[%dma_start3A_814, %dma_start3A_815, %dma_start3A_822, %dma_start3A_823] : memref<2x8x32x128xf32, #tpu.memory_space<vmem>> -> memref<1x1x8x128xf32, #tpu.memory_space<vmem>>
      %dma_start3A_825 = tpu.memref_squeeze %dma_start3A_824 : memref<1x1x8x128xf32, #tpu.memory_space<vmem>> -> memref<8x128xf32, #tpu.memory_space<vmem>>
      %dma_start3A_826 = arith.constant 24 : i32
      %dma_start3A_827 = tpu.memref_slice %arg3[%dma_start3A_826, %multiple_of3A_813] : memref<32x1000000xf32, #tpu.memory_space<hbm>> -> memref<8x128xf32, #tpu.memory_space<hbm>>
      tpu.enqueue_dma source(%dma_start3A_827 : memref<8x128xf32, #tpu.memory_space<hbm>>) target(%dma_start3A_825 : memref<8x128xf32, #tpu.memory_space<vmem>>) target_semaphore(%arg9 : memref<!tpu.dma_semaphore, #tpu.memory_space<semaphore_mem>>)
      %shift_right_arithmetic3A_828 = arith.constant 7 : i32
      %shift_right_arithmetic3A_829 = arith.shrsi %squeeze3A_565, %shift_right_arithmetic3A_828 : i32
      %shift_left3A_830 = arith.constant 7 : i32
      %shift_left3A_831 = arith.shli %shift_right_arithmetic3A_829, %shift_left3A_830 : i32
      %multiple_of3A_832 = tpu.assume_multiple %shift_left3A_831, 128 : i32
      %dma_start3A_833 = arith.constant 1 : i32
      %dma_start3A_834 = arith.constant 4 : i32
      %dma_start3A_835 = arith.constant 0 : i32
      %dma_start3A_836 = arith.constant 0 : i32
      %dma_start3A_837 = tpu.memref_slice %arg6[%dma_start3A_833, %dma_start3A_834, %dma_start3A_835, %dma_start3A_836] : memref<2x8x32x128xf32, #tpu.memory_space<vmem>> -> memref<1x1x8x128xf32, #tpu.memory_space<vmem>>
      %dma_start3A_838 = tpu.memref_squeeze %dma_start3A_837 : memref<1x1x8x128xf32, #tpu.memory_space<vmem>> -> memref<8x128xf32, #tpu.memory_space<vmem>>
      %dma_start3A_839 = arith.constant 0 : i32
      %dma_start3A_840 = tpu.memref_slice %arg3[%dma_start3A_839, %multiple_of3A_832] : memref<32x1000000xf32, #tpu.memory_space<hbm>> -> memref<8x128xf32, #tpu.memory_space<hbm>>
      %dma_start3A_841 = arith.constant 0 : i32
      %dma_start3A_842 = arith.constant 0 : i32
      %dma_start3A_843 = tpu.memref_slice %arg6[%dma_start3A_833, %dma_start3A_834, %dma_start3A_841, %dma_start3A_842] : memref<2x8x32x128xf32, #tpu.memory_space<vmem>> -> memref<1x1x8x128xf32, #tpu.memory_space<vmem>>
      %dma_start3A_844 = tpu.memref_squeeze %dma_start3A_843 : memref<1x1x8x128xf32, #tpu.memory_space<vmem>> -> memref<8x128xf32, #tpu.memory_space<vmem>>
      %dma_start3A_845 = arith.constant 0 : i32
      %dma_start3A_846 = tpu.memref_slice %arg3[%dma_start3A_845, %multiple_of3A_832] : memref<32x1000000xf32, #tpu.memory_space<hbm>> -> memref<8x128xf32, #tpu.memory_space<hbm>>
      tpu.enqueue_dma source(%dma_start3A_846 : memref<8x128xf32, #tpu.memory_space<hbm>>) target(%dma_start3A_844 : memref<8x128xf32, #tpu.memory_space<vmem>>) target_semaphore(%arg9 : memref<!tpu.dma_semaphore, #tpu.memory_space<semaphore_mem>>)
      %multiple_of3A_847 = tpu.assume_multiple %shift_left3A_831, 128 : i32
      %dma_start3A_848 = arith.constant 1 : i32
      %dma_start3A_849 = arith.constant 4 : i32
      %dma_start3A_850 = arith.constant 8 : i32
      %dma_start3A_851 = arith.constant 0 : i32
      %dma_start3A_852 = tpu.memref_slice %arg6[%dma_start3A_848, %dma_start3A_849, %dma_start3A_850, %dma_start3A_851] : memref<2x8x32x128xf32, #tpu.memory_space<vmem>> -> memref<1x1x8x128xf32, #tpu.memory_space<vmem>>
      %dma_start3A_853 = tpu.memref_squeeze %dma_start3A_852 : memref<1x1x8x128xf32, #tpu.memory_space<vmem>> -> memref<8x128xf32, #tpu.memory_space<vmem>>
      %dma_start3A_854 = arith.constant 8 : i32
      %dma_start3A_855 = tpu.memref_slice %arg3[%dma_start3A_854, %multiple_of3A_847] : memref<32x1000000xf32, #tpu.memory_space<hbm>> -> memref<8x128xf32, #tpu.memory_space<hbm>>
      %dma_start3A_856 = arith.constant 8 : i32
      %dma_start3A_857 = arith.constant 0 : i32
      %dma_start3A_858 = tpu.memref_slice %arg6[%dma_start3A_848, %dma_start3A_849, %dma_start3A_856, %dma_start3A_857] : memref<2x8x32x128xf32, #tpu.memory_space<vmem>> -> memref<1x1x8x128xf32, #tpu.memory_space<vmem>>
      %dma_start3A_859 = tpu.memref_squeeze %dma_start3A_858 : memref<1x1x8x128xf32, #tpu.memory_space<vmem>> -> memref<8x128xf32, #tpu.memory_space<vmem>>
      %dma_start3A_860 = arith.constant 8 : i32
      %dma_start3A_861 = tpu.memref_slice %arg3[%dma_start3A_860, %multiple_of3A_847] : memref<32x1000000xf32, #tpu.memory_space<hbm>> -> memref<8x128xf32, #tpu.memory_space<hbm>>
      tpu.enqueue_dma source(%dma_start3A_861 : memref<8x128xf32, #tpu.memory_space<hbm>>) target(%dma_start3A_859 : memref<8x128xf32, #tpu.memory_space<vmem>>) target_semaphore(%arg9 : memref<!tpu.dma_semaphore, #tpu.memory_space<semaphore_mem>>)
      %multiple_of3A_862 = tpu.assume_multiple %shift_left3A_831, 128 : i32
      %dma_start3A_863 = arith.constant 1 : i32
      %dma_start3A_864 = arith.constant 4 : i32
      %dma_start3A_865 = arith.constant 16 : i32
      %dma_start3A_866 = arith.constant 0 : i32
      %dma_start3A_867 = tpu.memref_slice %arg6[%dma_start3A_863, %dma_start3A_864, %dma_start3A_865, %dma_start3A_866] : memref<2x8x32x128xf32, #tpu.memory_space<vmem>> -> memref<1x1x8x128xf32, #tpu.memory_space<vmem>>
      %dma_start3A_868 = tpu.memref_squeeze %dma_start3A_867 : memref<1x1x8x128xf32, #tpu.memory_space<vmem>> -> memref<8x128xf32, #tpu.memory_space<vmem>>
      %dma_start3A_869 = arith.constant 16 : i32
      %dma_start3A_870 = tpu.memref_slice %arg3[%dma_start3A_869, %multiple_of3A_862] : memref<32x1000000xf32, #tpu.memory_space<hbm>> -> memref<8x128xf32, #tpu.memory_space<hbm>>
      %dma_start3A_871 = arith.constant 16 : i32
      %dma_start3A_872 = arith.constant 0 : i32
      %dma_start3A_873 = tpu.memref_slice %arg6[%dma_start3A_863, %dma_start3A_864, %dma_start3A_871, %dma_start3A_872] : memref<2x8x32x128xf32, #tpu.memory_space<vmem>> -> memref<1x1x8x128xf32, #tpu.memory_space<vmem>>
      %dma_start3A_874 = tpu.memref_squeeze %dma_start3A_873 : memref<1x1x8x128xf32, #tpu.memory_space<vmem>> -> memref<8x128xf32, #tpu.memory_space<vmem>>
      %dma_start3A_875 = arith.constant 16 : i32
      %dma_start3A_876 = tpu.memref_slice %arg3[%dma_start3A_875, %multiple_of3A_862] : memref<32x1000000xf32, #tpu.memory_space<hbm>> -> memref<8x128xf32, #tpu.memory_space<hbm>>
      tpu.enqueue_dma source(%dma_start3A_876 : memref<8x128xf32, #tpu.memory_space<hbm>>) target(%dma_start3A_874 : memref<8x128xf32, #tpu.memory_space<vmem>>) target_semaphore(%arg9 : memref<!tpu.dma_semaphore, #tpu.memory_space<semaphore_mem>>)
      %multiple_of3A_877 = tpu.assume_multiple %shift_left3A_831, 128 : i32
      %dma_start3A_878 = arith.constant 1 : i32
      %dma_start3A_879 = arith.constant 4 : i32
      %dma_start3A_880 = arith.constant 24 : i32
      %dma_start3A_881 = arith.constant 0 : i32
      %dma_start3A_882 = tpu.memref_slice %arg6[%dma_start3A_878, %dma_start3A_879, %dma_start3A_880, %dma_start3A_881] : memref<2x8x32x128xf32, #tpu.memory_space<vmem>> -> memref<1x1x8x128xf32, #tpu.memory_space<vmem>>
      %dma_start3A_883 = tpu.memref_squeeze %dma_start3A_882 : memref<1x1x8x128xf32, #tpu.memory_space<vmem>> -> memref<8x128xf32, #tpu.memory_space<vmem>>
      %dma_start3A_884 = arith.constant 24 : i32
      %dma_start3A_885 = tpu.memref_slice %arg3[%dma_start3A_884, %multiple_of3A_877] : memref<32x1000000xf32, #tpu.memory_space<hbm>> -> memref<8x128xf32, #tpu.memory_space<hbm>>
      %dma_start3A_886 = arith.constant 24 : i32
      %dma_start3A_887 = arith.constant 0 : i32
      %dma_start3A_888 = tpu.memref_slice %arg6[%dma_start3A_878, %dma_start3A_879, %dma_start3A_886, %dma_start3A_887] : memref<2x8x32x128xf32, #tpu.memory_space<vmem>> -> memref<1x1x8x128xf32, #tpu.memory_space<vmem>>
      %dma_start3A_889 = tpu.memref_squeeze %dma_start3A_888 : memref<1x1x8x128xf32, #tpu.memory_space<vmem>> -> memref<8x128xf32, #tpu.memory_space<vmem>>
      %dma_start3A_890 = arith.constant 24 : i32
      %dma_start3A_891 = tpu.memref_slice %arg3[%dma_start3A_890, %multiple_of3A_877] : memref<32x1000000xf32, #tpu.memory_space<hbm>> -> memref<8x128xf32, #tpu.memory_space<hbm>>
      tpu.enqueue_dma source(%dma_start3A_891 : memref<8x128xf32, #tpu.memory_space<hbm>>) target(%dma_start3A_889 : memref<8x128xf32, #tpu.memory_space<vmem>>) target_semaphore(%arg9 : memref<!tpu.dma_semaphore, #tpu.memory_space<semaphore_mem>>)
      %shift_right_arithmetic3A_892 = arith.constant 7 : i32
      %shift_right_arithmetic3A_893 = arith.shrsi %squeeze3A_567, %shift_right_arithmetic3A_892 : i32
      %shift_left3A_894 = arith.constant 7 : i32
      %shift_left3A_895 = arith.shli %shift_right_arithmetic3A_893, %shift_left3A_894 : i32
      %multiple_of3A_896 = tpu.assume_multiple %shift_left3A_895, 128 : i32
      %dma_start3A_897 = arith.constant 1 : i32
      %dma_start3A_898 = arith.constant 5 : i32
      %dma_start3A_899 = arith.constant 0 : i32
      %dma_start3A_900 = arith.constant 0 : i32
      %dma_start3A_901 = tpu.memref_slice %arg6[%dma_start3A_897, %dma_start3A_898, %dma_start3A_899, %dma_start3A_900] : memref<2x8x32x128xf32, #tpu.memory_space<vmem>> -> memref<1x1x8x128xf32, #tpu.memory_space<vmem>>
      %dma_start3A_902 = tpu.memref_squeeze %dma_start3A_901 : memref<1x1x8x128xf32, #tpu.memory_space<vmem>> -> memref<8x128xf32, #tpu.memory_space<vmem>>
      %dma_start3A_903 = arith.constant 0 : i32
      %dma_start3A_904 = tpu.memref_slice %arg3[%dma_start3A_903, %multiple_of3A_896] : memref<32x1000000xf32, #tpu.memory_space<hbm>> -> memref<8x128xf32, #tpu.memory_space<hbm>>
      %dma_start3A_905 = arith.constant 0 : i32
      %dma_start3A_906 = arith.constant 0 : i32
      %dma_start3A_907 = tpu.memref_slice %arg6[%dma_start3A_897, %dma_start3A_898, %dma_start3A_905, %dma_start3A_906] : memref<2x8x32x128xf32, #tpu.memory_space<vmem>> -> memref<1x1x8x128xf32, #tpu.memory_space<vmem>>
      %dma_start3A_908 = tpu.memref_squeeze %dma_start3A_907 : memref<1x1x8x128xf32, #tpu.memory_space<vmem>> -> memref<8x128xf32, #tpu.memory_space<vmem>>
      %dma_start3A_909 = arith.constant 0 : i32
      %dma_start3A_910 = tpu.memref_slice %arg3[%dma_start3A_909, %multiple_of3A_896] : memref<32x1000000xf32, #tpu.memory_space<hbm>> -> memref<8x128xf32, #tpu.memory_space<hbm>>
      tpu.enqueue_dma source(%dma_start3A_910 : memref<8x128xf32, #tpu.memory_space<hbm>>) target(%dma_start3A_908 : memref<8x128xf32, #tpu.memory_space<vmem>>) target_semaphore(%arg9 : memref<!tpu.dma_semaphore, #tpu.memory_space<semaphore_mem>>)
      %multiple_of3A_911 = tpu.assume_multiple %shift_left3A_895, 128 : i32
      %dma_start3A_912 = arith.constant 1 : i32
      %dma_start3A_913 = arith.constant 5 : i32
      %dma_start3A_914 = arith.constant 8 : i32
      %dma_start3A_915 = arith.constant 0 : i32
      %dma_start3A_916 = tpu.memref_slice %arg6[%dma_start3A_912, %dma_start3A_913, %dma_start3A_914, %dma_start3A_915] : memref<2x8x32x128xf32, #tpu.memory_space<vmem>> -> memref<1x1x8x128xf32, #tpu.memory_space<vmem>>
      %dma_start3A_917 = tpu.memref_squeeze %dma_start3A_916 : memref<1x1x8x128xf32, #tpu.memory_space<vmem>> -> memref<8x128xf32, #tpu.memory_space<vmem>>
      %dma_start3A_918 = arith.constant 8 : i32
      %dma_start3A_919 = tpu.memref_slice %arg3[%dma_start3A_918, %multiple_of3A_911] : memref<32x1000000xf32, #tpu.memory_space<hbm>> -> memref<8x128xf32, #tpu.memory_space<hbm>>
      %dma_start3A_920 = arith.constant 8 : i32
      %dma_start3A_921 = arith.constant 0 : i32
      %dma_start3A_922 = tpu.memref_slice %arg6[%dma_start3A_912, %dma_start3A_913, %dma_start3A_920, %dma_start3A_921] : memref<2x8x32x128xf32, #tpu.memory_space<vmem>> -> memref<1x1x8x128xf32, #tpu.memory_space<vmem>>
      %dma_start3A_923 = tpu.memref_squeeze %dma_start3A_922 : memref<1x1x8x128xf32, #tpu.memory_space<vmem>> -> memref<8x128xf32, #tpu.memory_space<vmem>>
      %dma_start3A_924 = arith.constant 8 : i32
      %dma_start3A_925 = tpu.memref_slice %arg3[%dma_start3A_924, %multiple_of3A_911] : memref<32x1000000xf32, #tpu.memory_space<hbm>> -> memref<8x128xf32, #tpu.memory_space<hbm>>
      tpu.enqueue_dma source(%dma_start3A_925 : memref<8x128xf32, #tpu.memory_space<hbm>>) target(%dma_start3A_923 : memref<8x128xf32, #tpu.memory_space<vmem>>) target_semaphore(%arg9 : memref<!tpu.dma_semaphore, #tpu.memory_space<semaphore_mem>>)
      %multiple_of3A_926 = tpu.assume_multiple %shift_left3A_895, 128 : i32
      %dma_start3A_927 = arith.constant 1 : i32
      %dma_start3A_928 = arith.constant 5 : i32
      %dma_start3A_929 = arith.constant 16 : i32
      %dma_start3A_930 = arith.constant 0 : i32
      %dma_start3A_931 = tpu.memref_slice %arg6[%dma_start3A_927, %dma_start3A_928, %dma_start3A_929, %dma_start3A_930] : memref<2x8x32x128xf32, #tpu.memory_space<vmem>> -> memref<1x1x8x128xf32, #tpu.memory_space<vmem>>
      %dma_start3A_932 = tpu.memref_squeeze %dma_start3A_931 : memref<1x1x8x128xf32, #tpu.memory_space<vmem>> -> memref<8x128xf32, #tpu.memory_space<vmem>>
      %dma_start3A_933 = arith.constant 16 : i32
      %dma_start3A_934 = tpu.memref_slice %arg3[%dma_start3A_933, %multiple_of3A_926] : memref<32x1000000xf32, #tpu.memory_space<hbm>> -> memref<8x128xf32, #tpu.memory_space<hbm>>
      %dma_start3A_935 = arith.constant 16 : i32
      %dma_start3A_936 = arith.constant 0 : i32
      %dma_start3A_937 = tpu.memref_slice %arg6[%dma_start3A_927, %dma_start3A_928, %dma_start3A_935, %dma_start3A_936] : memref<2x8x32x128xf32, #tpu.memory_space<vmem>> -> memref<1x1x8x128xf32, #tpu.memory_space<vmem>>
      %dma_start3A_938 = tpu.memref_squeeze %dma_start3A_937 : memref<1x1x8x128xf32, #tpu.memory_space<vmem>> -> memref<8x128xf32, #tpu.memory_space<vmem>>
      %dma_start3A_939 = arith.constant 16 : i32
      %dma_start3A_940 = tpu.memref_slice %arg3[%dma_start3A_939, %multiple_of3A_926] : memref<32x1000000xf32, #tpu.memory_space<hbm>> -> memref<8x128xf32, #tpu.memory_space<hbm>>
      tpu.enqueue_dma source(%dma_start3A_940 : memref<8x128xf32, #tpu.memory_space<hbm>>) target(%dma_start3A_938 : memref<8x128xf32, #tpu.memory_space<vmem>>) target_semaphore(%arg9 : memref<!tpu.dma_semaphore, #tpu.memory_space<semaphore_mem>>)
      %multiple_of3A_941 = tpu.assume_multiple %shift_left3A_895, 128 : i32
      %dma_start3A_942 = arith.constant 1 : i32
      %dma_start3A_943 = arith.constant 5 : i32
      %dma_start3A_944 = arith.constant 24 : i32
      %dma_start3A_945 = arith.constant 0 : i32
      %dma_start3A_946 = tpu.memref_slice %arg6[%dma_start3A_942, %dma_start3A_943, %dma_start3A_944, %dma_start3A_945] : memref<2x8x32x128xf32, #tpu.memory_space<vmem>> -> memref<1x1x8x128xf32, #tpu.memory_space<vmem>>
      %dma_start3A_947 = tpu.memref_squeeze %dma_start3A_946 : memref<1x1x8x128xf32, #tpu.memory_space<vmem>> -> memref<8x128xf32, #tpu.memory_space<vmem>>
      %dma_start3A_948 = arith.constant 24 : i32
      %dma_start3A_949 = tpu.memref_slice %arg3[%dma_start3A_948, %multiple_of3A_941] : memref<32x1000000xf32, #tpu.memory_space<hbm>> -> memref<8x128xf32, #tpu.memory_space<hbm>>
      %dma_start3A_950 = arith.constant 24 : i32
      %dma_start3A_951 = arith.constant 0 : i32
      %dma_start3A_952 = tpu.memref_slice %arg6[%dma_start3A_942, %dma_start3A_943, %dma_start3A_950, %dma_start3A_951] : memref<2x8x32x128xf32, #tpu.memory_space<vmem>> -> memref<1x1x8x128xf32, #tpu.memory_space<vmem>>
      %dma_start3A_953 = tpu.memref_squeeze %dma_start3A_952 : memref<1x1x8x128xf32, #tpu.memory_space<vmem>> -> memref<8x128xf32, #tpu.memory_space<vmem>>
      %dma_start3A_954 = arith.constant 24 : i32
      %dma_start3A_955 = tpu.memref_slice %arg3[%dma_start3A_954, %multiple_of3A_941] : memref<32x1000000xf32, #tpu.memory_space<hbm>> -> memref<8x128xf32, #tpu.memory_space<hbm>>
      tpu.enqueue_dma source(%dma_start3A_955 : memref<8x128xf32, #tpu.memory_space<hbm>>) target(%dma_start3A_953 : memref<8x128xf32, #tpu.memory_space<vmem>>) target_semaphore(%arg9 : memref<!tpu.dma_semaphore, #tpu.memory_space<semaphore_mem>>)
      %shift_right_arithmetic3A_956 = arith.constant 7 : i32
      %shift_right_arithmetic3A_957 = arith.shrsi %squeeze3A_569, %shift_right_arithmetic3A_956 : i32
      %shift_left3A_958 = arith.constant 7 : i32
      %shift_left3A_959 = arith.shli %shift_right_arithmetic3A_957, %shift_left3A_958 : i32
      %multiple_of3A_960 = tpu.assume_multiple %shift_left3A_959, 128 : i32
      %dma_start3A_961 = arith.constant 1 : i32
      %dma_start3A_962 = arith.constant 6 : i32
      %dma_start3A_963 = arith.constant 0 : i32
      %dma_start3A_964 = arith.constant 0 : i32
      %dma_start3A_965 = tpu.memref_slice %arg6[%dma_start3A_961, %dma_start3A_962, %dma_start3A_963, %dma_start3A_964] : memref<2x8x32x128xf32, #tpu.memory_space<vmem>> -> memref<1x1x8x128xf32, #tpu.memory_space<vmem>>
      %dma_start3A_966 = tpu.memref_squeeze %dma_start3A_965 : memref<1x1x8x128xf32, #tpu.memory_space<vmem>> -> memref<8x128xf32, #tpu.memory_space<vmem>>
      %dma_start3A_967 = arith.constant 0 : i32
      %dma_start3A_968 = tpu.memref_slice %arg3[%dma_start3A_967, %multiple_of3A_960] : memref<32x1000000xf32, #tpu.memory_space<hbm>> -> memref<8x128xf32, #tpu.memory_space<hbm>>
      %dma_start3A_969 = arith.constant 0 : i32
      %dma_start3A_970 = arith.constant 0 : i32
      %dma_start3A_971 = tpu.memref_slice %arg6[%dma_start3A_961, %dma_start3A_962, %dma_start3A_969, %dma_start3A_970] : memref<2x8x32x128xf32, #tpu.memory_space<vmem>> -> memref<1x1x8x128xf32, #tpu.memory_space<vmem>>
      %dma_start3A_972 = tpu.memref_squeeze %dma_start3A_971 : memref<1x1x8x128xf32, #tpu.memory_space<vmem>> -> memref<8x128xf32, #tpu.memory_space<vmem>>
      %dma_start3A_973 = arith.constant 0 : i32
      %dma_start3A_974 = tpu.memref_slice %arg3[%dma_start3A_973, %multiple_of3A_960] : memref<32x1000000xf32, #tpu.memory_space<hbm>> -> memref<8x128xf32, #tpu.memory_space<hbm>>
      tpu.enqueue_dma source(%dma_start3A_974 : memref<8x128xf32, #tpu.memory_space<hbm>>) target(%dma_start3A_972 : memref<8x128xf32, #tpu.memory_space<vmem>>) target_semaphore(%arg9 : memref<!tpu.dma_semaphore, #tpu.memory_space<semaphore_mem>>)
      %multiple_of3A_975 = tpu.assume_multiple %shift_left3A_959, 128 : i32
      %dma_start3A_976 = arith.constant 1 : i32
      %dma_start3A_977 = arith.constant 6 : i32
      %dma_start3A_978 = arith.constant 8 : i32
      %dma_start3A_979 = arith.constant 0 : i32
      %dma_start3A_980 = tpu.memref_slice %arg6[%dma_start3A_976, %dma_start3A_977, %dma_start3A_978, %dma_start3A_979] : memref<2x8x32x128xf32, #tpu.memory_space<vmem>> -> memref<1x1x8x128xf32, #tpu.memory_space<vmem>>
      %dma_start3A_981 = tpu.memref_squeeze %dma_start3A_980 : memref<1x1x8x128xf32, #tpu.memory_space<vmem>> -> memref<8x128xf32, #tpu.memory_space<vmem>>
      %dma_start3A_982 = arith.constant 8 : i32
      %dma_start3A_983 = tpu.memref_slice %arg3[%dma_start3A_982, %multiple_of3A_975] : memref<32x1000000xf32, #tpu.memory_space<hbm>> -> memref<8x128xf32, #tpu.memory_space<hbm>>
      %dma_start3A_984 = arith.constant 8 : i32
      %dma_start3A_985 = arith.constant 0 : i32
      %dma_start3A_986 = tpu.memref_slice %arg6[%dma_start3A_976, %dma_start3A_977, %dma_start3A_984, %dma_start3A_985] : memref<2x8x32x128xf32, #tpu.memory_space<vmem>> -> memref<1x1x8x128xf32, #tpu.memory_space<vmem>>
      %dma_start3A_987 = tpu.memref_squeeze %dma_start3A_986 : memref<1x1x8x128xf32, #tpu.memory_space<vmem>> -> memref<8x128xf32, #tpu.memory_space<vmem>>
      %dma_start3A_988 = arith.constant 8 : i32
      %dma_start3A_989 = tpu.memref_slice %arg3[%dma_start3A_988, %multiple_of3A_975] : memref<32x1000000xf32, #tpu.memory_space<hbm>> -> memref<8x128xf32, #tpu.memory_space<hbm>>
      tpu.enqueue_dma source(%dma_start3A_989 : memref<8x128xf32, #tpu.memory_space<hbm>>) target(%dma_start3A_987 : memref<8x128xf32, #tpu.memory_space<vmem>>) target_semaphore(%arg9 : memref<!tpu.dma_semaphore, #tpu.memory_space<semaphore_mem>>)
      %multiple_of3A_990 = tpu.assume_multiple %shift_left3A_959, 128 : i32
      %dma_start3A_991 = arith.constant 1 : i32
      %dma_start3A_992 = arith.constant 6 : i32
      %dma_start3A_993 = arith.constant 16 : i32
      %dma_start3A_994 = arith.constant 0 : i32
      %dma_start3A_995 = tpu.memref_slice %arg6[%dma_start3A_991, %dma_start3A_992, %dma_start3A_993, %dma_start3A_994] : memref<2x8x32x128xf32, #tpu.memory_space<vmem>> -> memref<1x1x8x128xf32, #tpu.memory_space<vmem>>
      %dma_start3A_996 = tpu.memref_squeeze %dma_start3A_995 : memref<1x1x8x128xf32, #tpu.memory_space<vmem>> -> memref<8x128xf32, #tpu.memory_space<vmem>>
      %dma_start3A_997 = arith.constant 16 : i32
      %dma_start3A_998 = tpu.memref_slice %arg3[%dma_start3A_997, %multiple_of3A_990] : memref<32x1000000xf32, #tpu.memory_space<hbm>> -> memref<8x128xf32, #tpu.memory_space<hbm>>
      %dma_start3A_999 = arith.constant 16 : i32
      %dma_start3A_1000 = arith.constant 0 : i32
      %dma_start3A_1001 = tpu.memref_slice %arg6[%dma_start3A_991, %dma_start3A_992, %dma_start3A_999, %dma_start3A_1000] : memref<2x8x32x128xf32, #tpu.memory_space<vmem>> -> memref<1x1x8x128xf32, #tpu.memory_space<vmem>>
      %dma_start3A_1002 = tpu.memref_squeeze %dma_start3A_1001 : memref<1x1x8x128xf32, #tpu.memory_space<vmem>> -> memref<8x128xf32, #tpu.memory_space<vmem>>
      %dma_start3A_1003 = arith.constant 16 : i32
      %dma_start3A_1004 = tpu.memref_slice %arg3[%dma_start3A_1003, %multiple_of3A_990] : memref<32x1000000xf32, #tpu.memory_space<hbm>> -> memref<8x128xf32, #tpu.memory_space<hbm>>
      tpu.enqueue_dma source(%dma_start3A_1004 : memref<8x128xf32, #tpu.memory_space<hbm>>) target(%dma_start3A_1002 : memref<8x128xf32, #tpu.memory_space<vmem>>) target_semaphore(%arg9 : memref<!tpu.dma_semaphore, #tpu.memory_space<semaphore_mem>>)
      %multiple_of3A_1005 = tpu.assume_multiple %shift_left3A_959, 128 : i32
      %dma_start3A_1006 = arith.constant 1 : i32
      %dma_start3A_1007 = arith.constant 6 : i32
      %dma_start3A_1008 = arith.constant 24 : i32
      %dma_start3A_1009 = arith.constant 0 : i32
      %dma_start3A_1010 = tpu.memref_slice %arg6[%dma_start3A_1006, %dma_start3A_1007, %dma_start3A_1008, %dma_start3A_1009] : memref<2x8x32x128xf32, #tpu.memory_space<vmem>> -> memref<1x1x8x128xf32, #tpu.memory_space<vmem>>
      %dma_start3A_1011 = tpu.memref_squeeze %dma_start3A_1010 : memref<1x1x8x128xf32, #tpu.memory_space<vmem>> -> memref<8x128xf32, #tpu.memory_space<vmem>>
      %dma_start3A_1012 = arith.constant 24 : i32
      %dma_start3A_1013 = tpu.memref_slice %arg3[%dma_start3A_1012, %multiple_of3A_1005] : memref<32x1000000xf32, #tpu.memory_space<hbm>> -> memref<8x128xf32, #tpu.memory_space<hbm>>
      %dma_start3A_1014 = arith.constant 24 : i32
      %dma_start3A_1015 = arith.constant 0 : i32
      %dma_start3A_1016 = tpu.memref_slice %arg6[%dma_start3A_1006, %dma_start3A_1007, %dma_start3A_1014, %dma_start3A_1015] : memref<2x8x32x128xf32, #tpu.memory_space<vmem>> -> memref<1x1x8x128xf32, #tpu.memory_space<vmem>>
      %dma_start3A_1017 = tpu.memref_squeeze %dma_start3A_1016 : memref<1x1x8x128xf32, #tpu.memory_space<vmem>> -> memref<8x128xf32, #tpu.memory_space<vmem>>
      %dma_start3A_1018 = arith.constant 24 : i32
      %dma_start3A_1019 = tpu.memref_slice %arg3[%dma_start3A_1018, %multiple_of3A_1005] : memref<32x1000000xf32, #tpu.memory_space<hbm>> -> memref<8x128xf32, #tpu.memory_space<hbm>>
      tpu.enqueue_dma source(%dma_start3A_1019 : memref<8x128xf32, #tpu.memory_space<hbm>>) target(%dma_start3A_1017 : memref<8x128xf32, #tpu.memory_space<vmem>>) target_semaphore(%arg9 : memref<!tpu.dma_semaphore, #tpu.memory_space<semaphore_mem>>)
      %shift_right_arithmetic3A_1020 = arith.constant 7 : i32
      %shift_right_arithmetic3A_1021 = arith.shrsi %squeeze3A_571, %shift_right_arithmetic3A_1020 : i32
      %shift_left3A_1022 = arith.constant 7 : i32
      %shift_left3A_1023 = arith.shli %shift_right_arithmetic3A_1021, %shift_left3A_1022 : i32
      %multiple_of3A_1024 = tpu.assume_multiple %shift_left3A_1023, 128 : i32
      %dma_start3A_1025 = arith.constant 1 : i32
      %dma_start3A_1026 = arith.constant 7 : i32
      %dma_start3A_1027 = arith.constant 0 : i32
      %dma_start3A_1028 = arith.constant 0 : i32
      %dma_start3A_1029 = tpu.memref_slice %arg6[%dma_start3A_1025, %dma_start3A_1026, %dma_start3A_1027, %dma_start3A_1028] : memref<2x8x32x128xf32, #tpu.memory_space<vmem>> -> memref<1x1x8x128xf32, #tpu.memory_space<vmem>>
      %dma_start3A_1030 = tpu.memref_squeeze %dma_start3A_1029 : memref<1x1x8x128xf32, #tpu.memory_space<vmem>> -> memref<8x128xf32, #tpu.memory_space<vmem>>
      %dma_start3A_1031 = arith.constant 0 : i32
      %dma_start3A_1032 = tpu.memref_slice %arg3[%dma_start3A_1031, %multiple_of3A_1024] : memref<32x1000000xf32, #tpu.memory_space<hbm>> -> memref<8x128xf32, #tpu.memory_space<hbm>>
      %dma_start3A_1033 = arith.constant 0 : i32
      %dma_start3A_1034 = arith.constant 0 : i32
      %dma_start3A_1035 = tpu.memref_slice %arg6[%dma_start3A_1025, %dma_start3A_1026, %dma_start3A_1033, %dma_start3A_1034] : memref<2x8x32x128xf32, #tpu.memory_space<vmem>> -> memref<1x1x8x128xf32, #tpu.memory_space<vmem>>
      %dma_start3A_1036 = tpu.memref_squeeze %dma_start3A_1035 : memref<1x1x8x128xf32, #tpu.memory_space<vmem>> -> memref<8x128xf32, #tpu.memory_space<vmem>>
      %dma_start3A_1037 = arith.constant 0 : i32
      %dma_start3A_1038 = tpu.memref_slice %arg3[%dma_start3A_1037, %multiple_of3A_1024] : memref<32x1000000xf32, #tpu.memory_space<hbm>> -> memref<8x128xf32, #tpu.memory_space<hbm>>
      tpu.enqueue_dma source(%dma_start3A_1038 : memref<8x128xf32, #tpu.memory_space<hbm>>) target(%dma_start3A_1036 : memref<8x128xf32, #tpu.memory_space<vmem>>) target_semaphore(%arg9 : memref<!tpu.dma_semaphore, #tpu.memory_space<semaphore_mem>>)
      %multiple_of3A_1039 = tpu.assume_multiple %shift_left3A_1023, 128 : i32
      %dma_start3A_1040 = arith.constant 1 : i32
      %dma_start3A_1041 = arith.constant 7 : i32
      %dma_start3A_1042 = arith.constant 8 : i32
      %dma_start3A_1043 = arith.constant 0 : i32
      %dma_start3A_1044 = tpu.memref_slice %arg6[%dma_start3A_1040, %dma_start3A_1041, %dma_start3A_1042, %dma_start3A_1043] : memref<2x8x32x128xf32, #tpu.memory_space<vmem>> -> memref<1x1x8x128xf32, #tpu.memory_space<vmem>>
      %dma_start3A_1045 = tpu.memref_squeeze %dma_start3A_1044 : memref<1x1x8x128xf32, #tpu.memory_space<vmem>> -> memref<8x128xf32, #tpu.memory_space<vmem>>
      %dma_start3A_1046 = arith.constant 8 : i32
      %dma_start3A_1047 = tpu.memref_slice %arg3[%dma_start3A_1046, %multiple_of3A_1039] : memref<32x1000000xf32, #tpu.memory_space<hbm>> -> memref<8x128xf32, #tpu.memory_space<hbm>>
      %dma_start3A_1048 = arith.constant 8 : i32
      %dma_start3A_1049 = arith.constant 0 : i32
      %dma_start3A_1050 = tpu.memref_slice %arg6[%dma_start3A_1040, %dma_start3A_1041, %dma_start3A_1048, %dma_start3A_1049] : memref<2x8x32x128xf32, #tpu.memory_space<vmem>> -> memref<1x1x8x128xf32, #tpu.memory_space<vmem>>
      %dma_start3A_1051 = tpu.memref_squeeze %dma_start3A_1050 : memref<1x1x8x128xf32, #tpu.memory_space<vmem>> -> memref<8x128xf32, #tpu.memory_space<vmem>>
      %dma_start3A_1052 = arith.constant 8 : i32
      %dma_start3A_1053 = tpu.memref_slice %arg3[%dma_start3A_1052, %multiple_of3A_1039] : memref<32x1000000xf32, #tpu.memory_space<hbm>> -> memref<8x128xf32, #tpu.memory_space<hbm>>
      tpu.enqueue_dma source(%dma_start3A_1053 : memref<8x128xf32, #tpu.memory_space<hbm>>) target(%dma_start3A_1051 : memref<8x128xf32, #tpu.memory_space<vmem>>) target_semaphore(%arg9 : memref<!tpu.dma_semaphore, #tpu.memory_space<semaphore_mem>>)
      %multiple_of3A_1054 = tpu.assume_multiple %shift_left3A_1023, 128 : i32
      %dma_start3A_1055 = arith.constant 1 : i32
      %dma_start3A_1056 = arith.constant 7 : i32
      %dma_start3A_1057 = arith.constant 16 : i32
      %dma_start3A_1058 = arith.constant 0 : i32
      %dma_start3A_1059 = tpu.memref_slice %arg6[%dma_start3A_1055, %dma_start3A_1056, %dma_start3A_1057, %dma_start3A_1058] : memref<2x8x32x128xf32, #tpu.memory_space<vmem>> -> memref<1x1x8x128xf32, #tpu.memory_space<vmem>>
      %dma_start3A_1060 = tpu.memref_squeeze %dma_start3A_1059 : memref<1x1x8x128xf32, #tpu.memory_space<vmem>> -> memref<8x128xf32, #tpu.memory_space<vmem>>
      %dma_start3A_1061 = arith.constant 16 : i32
      %dma_start3A_1062 = tpu.memref_slice %arg3[%dma_start3A_1061, %multiple_of3A_1054] : memref<32x1000000xf32, #tpu.memory_space<hbm>> -> memref<8x128xf32, #tpu.memory_space<hbm>>
      %dma_start3A_1063 = arith.constant 16 : i32
      %dma_start3A_1064 = arith.constant 0 : i32
      %dma_start3A_1065 = tpu.memref_slice %arg6[%dma_start3A_1055, %dma_start3A_1056, %dma_start3A_1063, %dma_start3A_1064] : memref<2x8x32x128xf32, #tpu.memory_space<vmem>> -> memref<1x1x8x128xf32, #tpu.memory_space<vmem>>
      %dma_start3A_1066 = tpu.memref_squeeze %dma_start3A_1065 : memref<1x1x8x128xf32, #tpu.memory_space<vmem>> -> memref<8x128xf32, #tpu.memory_space<vmem>>
      %dma_start3A_1067 = arith.constant 16 : i32
      %dma_start3A_1068 = tpu.memref_slice %arg3[%dma_start3A_1067, %multiple_of3A_1054] : memref<32x1000000xf32, #tpu.memory_space<hbm>> -> memref<8x128xf32, #tpu.memory_space<hbm>>
      tpu.enqueue_dma source(%dma_start3A_1068 : memref<8x128xf32, #tpu.memory_space<hbm>>) target(%dma_start3A_1066 : memref<8x128xf32, #tpu.memory_space<vmem>>) target_semaphore(%arg9 : memref<!tpu.dma_semaphore, #tpu.memory_space<semaphore_mem>>)
      %multiple_of3A_1069 = tpu.assume_multiple %shift_left3A_1023, 128 : i32
      %dma_start3A_1070 = arith.constant 1 : i32
      %dma_start3A_1071 = arith.constant 7 : i32
      %dma_start3A_1072 = arith.constant 24 : i32
      %dma_start3A_1073 = arith.constant 0 : i32
      %dma_start3A_1074 = tpu.memref_slice %arg6[%dma_start3A_1070, %dma_start3A_1071, %dma_start3A_1072, %dma_start3A_1073] : memref<2x8x32x128xf32, #tpu.memory_space<vmem>> -> memref<1x1x8x128xf32, #tpu.memory_space<vmem>>
      %dma_start3A_1075 = tpu.memref_squeeze %dma_start3A_1074 : memref<1x1x8x128xf32, #tpu.memory_space<vmem>> -> memref<8x128xf32, #tpu.memory_space<vmem>>
      %dma_start3A_1076 = arith.constant 24 : i32
      %dma_start3A_1077 = tpu.memref_slice %arg3[%dma_start3A_1076, %multiple_of3A_1069] : memref<32x1000000xf32, #tpu.memory_space<hbm>> -> memref<8x128xf32, #tpu.memory_space<hbm>>
      %dma_start3A_1078 = arith.constant 24 : i32
      %dma_start3A_1079 = arith.constant 0 : i32
      %dma_start3A_1080 = tpu.memref_slice %arg6[%dma_start3A_1070, %dma_start3A_1071, %dma_start3A_1078, %dma_start3A_1079] : memref<2x8x32x128xf32, #tpu.memory_space<vmem>> -> memref<1x1x8x128xf32, #tpu.memory_space<vmem>>
      %dma_start3A_1081 = tpu.memref_squeeze %dma_start3A_1080 : memref<1x1x8x128xf32, #tpu.memory_space<vmem>> -> memref<8x128xf32, #tpu.memory_space<vmem>>
      %dma_start3A_1082 = arith.constant 24 : i32
      %dma_start3A_1083 = tpu.memref_slice %arg3[%dma_start3A_1082, %multiple_of3A_1069] : memref<32x1000000xf32, #tpu.memory_space<hbm>> -> memref<8x128xf32, #tpu.memory_space<hbm>>
      tpu.enqueue_dma source(%dma_start3A_1083 : memref<8x128xf32, #tpu.memory_space<hbm>>) target(%dma_start3A_1081 : memref<8x128xf32, #tpu.memory_space<vmem>>) target_semaphore(%arg9 : memref<!tpu.dma_semaphore, #tpu.memory_space<semaphore_mem>>)
      %dma_wait3A = arith.constant 0 : i32
      %dma_wait3A_1084 = arith.constant 0 : i32
      %dma_wait3A_1085 = arith.constant 0 : i32
      %dma_wait3A_1086 = arith.constant 0 : i32
      %dma_wait3A_1087 = tpu.memref_slice %arg6[%dma_wait3A, %dma_wait3A_1084, %dma_wait3A_1085, %dma_wait3A_1086] : memref<2x8x32x128xf32, #tpu.memory_space<vmem>> -> memref<1x1x8x128xf32, #tpu.memory_space<vmem>>
      %dma_wait3A_1088 = tpu.memref_squeeze %dma_wait3A_1087 : memref<1x1x8x128xf32, #tpu.memory_space<vmem>> -> memref<8x128xf32, #tpu.memory_space<vmem>>
      %dma_wait3A_1089 = arith.constant 0 : i32
      %dma_wait3A_1090 = arith.constant 0 : i32
      %dma_wait3A_1091 = tpu.memref_slice %arg3[%dma_wait3A_1089, %dma_wait3A_1090] : memref<32x1000000xf32, #tpu.memory_space<hbm>> -> memref<8x128xf32, #tpu.memory_space<hbm>>
      %dma_wait3A_1092 = arith.constant 0 : i32
      %dma_wait3A_1093 = arith.constant 0 : i32
      %dma_wait3A_1094 = tpu.memref_slice %arg6[%dma_wait3A, %dma_wait3A_1084, %dma_wait3A_1092, %dma_wait3A_1093] : memref<2x8x32x128xf32, #tpu.memory_space<vmem>> -> memref<1x1x8x128xf32, #tpu.memory_space<vmem>>
      %dma_wait3A_1095 = tpu.memref_squeeze %dma_wait3A_1094 : memref<1x1x8x128xf32, #tpu.memory_space<vmem>> -> memref<8x128xf32, #tpu.memory_space<vmem>>
      %dma_wait3A_1096 = arith.constant 0 : i32
      %dma_wait3A_1097 = arith.constant 0 : i32
      %dma_wait3A_1098 = tpu.memref_slice %arg3[%dma_wait3A_1096, %dma_wait3A_1097] : memref<32x1000000xf32, #tpu.memory_space<hbm>> -> memref<8x128xf32, #tpu.memory_space<hbm>>
      tpu.wait_dma2 semaphore(%arg8 : memref<!tpu.dma_semaphore, #tpu.memory_space<semaphore_mem>>) src(%dma_wait3A_1098 : memref<8x128xf32, #tpu.memory_space<hbm>>) dst(%dma_wait3A_1095 : memref<8x128xf32, #tpu.memory_space<vmem>>)
      %dma_wait3A_1099 = arith.constant 0 : i32
      %dma_wait3A_1100 = arith.constant 0 : i32
      %dma_wait3A_1101 = arith.constant 8 : i32
      %dma_wait3A_1102 = arith.constant 0 : i32
      %dma_wait3A_1103 = tpu.memref_slice %arg6[%dma_wait3A_1099, %dma_wait3A_1100, %dma_wait3A_1101, %dma_wait3A_1102] : memref<2x8x32x128xf32, #tpu.memory_space<vmem>> -> memref<1x1x8x128xf32, #tpu.memory_space<vmem>>
      %dma_wait3A_1104 = tpu.memref_squeeze %dma_wait3A_1103 : memref<1x1x8x128xf32, #tpu.memory_space<vmem>> -> memref<8x128xf32, #tpu.memory_space<vmem>>
      %dma_wait3A_1105 = arith.constant 8 : i32
      %dma_wait3A_1106 = arith.constant 0 : i32
      %dma_wait3A_1107 = tpu.memref_slice %arg3[%dma_wait3A_1105, %dma_wait3A_1106] : memref<32x1000000xf32, #tpu.memory_space<hbm>> -> memref<8x128xf32, #tpu.memory_space<hbm>>
      %dma_wait3A_1108 = arith.constant 8 : i32
      %dma_wait3A_1109 = arith.constant 0 : i32
      %dma_wait3A_1110 = tpu.memref_slice %arg6[%dma_wait3A_1099, %dma_wait3A_1100, %dma_wait3A_1108, %dma_wait3A_1109] : memref<2x8x32x128xf32, #tpu.memory_space<vmem>> -> memref<1x1x8x128xf32, #tpu.memory_space<vmem>>
      %dma_wait3A_1111 = tpu.memref_squeeze %dma_wait3A_1110 : memref<1x1x8x128xf32, #tpu.memory_space<vmem>> -> memref<8x128xf32, #tpu.memory_space<vmem>>
      %dma_wait3A_1112 = arith.constant 8 : i32
      %dma_wait3A_1113 = arith.constant 0 : i32
      %dma_wait3A_1114 = tpu.memref_slice %arg3[%dma_wait3A_1112, %dma_wait3A_1113] : memref<32x1000000xf32, #tpu.memory_space<hbm>> -> memref<8x128xf32, #tpu.memory_space<hbm>>
      tpu.wait_dma2 semaphore(%arg8 : memref<!tpu.dma_semaphore, #tpu.memory_space<semaphore_mem>>) src(%dma_wait3A_1114 : memref<8x128xf32, #tpu.memory_space<hbm>>) dst(%dma_wait3A_1111 : memref<8x128xf32, #tpu.memory_space<vmem>>)
      %dma_wait3A_1115 = arith.constant 0 : i32
      %dma_wait3A_1116 = arith.constant 0 : i32
      %dma_wait3A_1117 = arith.constant 16 : i32
      %dma_wait3A_1118 = arith.constant 0 : i32
      %dma_wait3A_1119 = tpu.memref_slice %arg6[%dma_wait3A_1115, %dma_wait3A_1116, %dma_wait3A_1117, %dma_wait3A_1118] : memref<2x8x32x128xf32, #tpu.memory_space<vmem>> -> memref<1x1x8x128xf32, #tpu.memory_space<vmem>>
      %dma_wait3A_1120 = tpu.memref_squeeze %dma_wait3A_1119 : memref<1x1x8x128xf32, #tpu.memory_space<vmem>> -> memref<8x128xf32, #tpu.memory_space<vmem>>
      %dma_wait3A_1121 = arith.constant 16 : i32
      %dma_wait3A_1122 = arith.constant 0 : i32
      %dma_wait3A_1123 = tpu.memref_slice %arg3[%dma_wait3A_1121, %dma_wait3A_1122] : memref<32x1000000xf32, #tpu.memory_space<hbm>> -> memref<8x128xf32, #tpu.memory_space<hbm>>
      %dma_wait3A_1124 = arith.constant 16 : i32
      %dma_wait3A_1125 = arith.constant 0 : i32
      %dma_wait3A_1126 = tpu.memref_slice %arg6[%dma_wait3A_1115, %dma_wait3A_1116, %dma_wait3A_1124, %dma_wait3A_1125] : memref<2x8x32x128xf32, #tpu.memory_space<vmem>> -> memref<1x1x8x128xf32, #tpu.memory_space<vmem>>
      %dma_wait3A_1127 = tpu.memref_squeeze %dma_wait3A_1126 : memref<1x1x8x128xf32, #tpu.memory_space<vmem>> -> memref<8x128xf32, #tpu.memory_space<vmem>>
      %dma_wait3A_1128 = arith.constant 16 : i32
      %dma_wait3A_1129 = arith.constant 0 : i32
      %dma_wait3A_1130 = tpu.memref_slice %arg3[%dma_wait3A_1128, %dma_wait3A_1129] : memref<32x1000000xf32, #tpu.memory_space<hbm>> -> memref<8x128xf32, #tpu.memory_space<hbm>>
      tpu.wait_dma2 semaphore(%arg8 : memref<!tpu.dma_semaphore, #tpu.memory_space<semaphore_mem>>) src(%dma_wait3A_1130 : memref<8x128xf32, #tpu.memory_space<hbm>>) dst(%dma_wait3A_1127 : memref<8x128xf32, #tpu.memory_space<vmem>>)
      %dma_wait3A_1131 = arith.constant 0 : i32
      %dma_wait3A_1132 = arith.constant 0 : i32
      %dma_wait3A_1133 = arith.constant 24 : i32
      %dma_wait3A_1134 = arith.constant 0 : i32
      %dma_wait3A_1135 = tpu.memref_slice %arg6[%dma_wait3A_1131, %dma_wait3A_1132, %dma_wait3A_1133, %dma_wait3A_1134] : memref<2x8x32x128xf32, #tpu.memory_space<vmem>> -> memref<1x1x8x128xf32, #tpu.memory_space<vmem>>
      %dma_wait3A_1136 = tpu.memref_squeeze %dma_wait3A_1135 : memref<1x1x8x128xf32, #tpu.memory_space<vmem>> -> memref<8x128xf32, #tpu.memory_space<vmem>>
      %dma_wait3A_1137 = arith.constant 24 : i32
      %dma_wait3A_1138 = arith.constant 0 : i32
      %dma_wait3A_1139 = tpu.memref_slice %arg3[%dma_wait3A_1137, %dma_wait3A_1138] : memref<32x1000000xf32, #tpu.memory_space<hbm>> -> memref<8x128xf32, #tpu.memory_space<hbm>>
      %dma_wait3A_1140 = arith.constant 24 : i32
      %dma_wait3A_1141 = arith.constant 0 : i32
      %dma_wait3A_1142 = tpu.memref_slice %arg6[%dma_wait3A_1131, %dma_wait3A_1132, %dma_wait3A_1140, %dma_wait3A_1141] : memref<2x8x32x128xf32, #tpu.memory_space<vmem>> -> memref<1x1x8x128xf32, #tpu.memory_space<vmem>>
      %dma_wait3A_1143 = tpu.memref_squeeze %dma_wait3A_1142 : memref<1x1x8x128xf32, #tpu.memory_space<vmem>> -> memref<8x128xf32, #tpu.memory_space<vmem>>
      %dma_wait3A_1144 = arith.constant 24 : i32
      %dma_wait3A_1145 = arith.constant 0 : i32
      %dma_wait3A_1146 = tpu.memref_slice %arg3[%dma_wait3A_1144, %dma_wait3A_1145] : memref<32x1000000xf32, #tpu.memory_space<hbm>> -> memref<8x128xf32, #tpu.memory_space<hbm>>
      tpu.wait_dma2 semaphore(%arg8 : memref<!tpu.dma_semaphore, #tpu.memory_space<semaphore_mem>>) src(%dma_wait3A_1146 : memref<8x128xf32, #tpu.memory_space<hbm>>) dst(%dma_wait3A_1143 : memref<8x128xf32, #tpu.memory_space<vmem>>)
      %dma_wait3A_1147 = arith.constant 0 : i32
      %dma_wait3A_1148 = arith.constant 1 : i32
      %dma_wait3A_1149 = arith.constant 0 : i32
      %dma_wait3A_1150 = arith.constant 0 : i32
      %dma_wait3A_1151 = tpu.memref_slice %arg6[%dma_wait3A_1147, %dma_wait3A_1148, %dma_wait3A_1149, %dma_wait3A_1150] : memref<2x8x32x128xf32, #tpu.memory_space<vmem>> -> memref<1x1x8x128xf32, #tpu.memory_space<vmem>>
      %dma_wait3A_1152 = tpu.memref_squeeze %dma_wait3A_1151 : memref<1x1x8x128xf32, #tpu.memory_space<vmem>> -> memref<8x128xf32, #tpu.memory_space<vmem>>
      %dma_wait3A_1153 = arith.constant 0 : i32
      %dma_wait3A_1154 = arith.constant 0 : i32
      %dma_wait3A_1155 = tpu.memref_slice %arg3[%dma_wait3A_1153, %dma_wait3A_1154] : memref<32x1000000xf32, #tpu.memory_space<hbm>> -> memref<8x128xf32, #tpu.memory_space<hbm>>
      %dma_wait3A_1156 = arith.constant 0 : i32
      %dma_wait3A_1157 = arith.constant 0 : i32
      %dma_wait3A_1158 = tpu.memref_slice %arg6[%dma_wait3A_1147, %dma_wait3A_1148, %dma_wait3A_1156, %dma_wait3A_1157] : memref<2x8x32x128xf32, #tpu.memory_space<vmem>> -> memref<1x1x8x128xf32, #tpu.memory_space<vmem>>
      %dma_wait3A_1159 = tpu.memref_squeeze %dma_wait3A_1158 : memref<1x1x8x128xf32, #tpu.memory_space<vmem>> -> memref<8x128xf32, #tpu.memory_space<vmem>>
      %dma_wait3A_1160 = arith.constant 0 : i32
      %dma_wait3A_1161 = arith.constant 0 : i32
      %dma_wait3A_1162 = tpu.memref_slice %arg3[%dma_wait3A_1160, %dma_wait3A_1161] : memref<32x1000000xf32, #tpu.memory_space<hbm>> -> memref<8x128xf32, #tpu.memory_space<hbm>>
      tpu.wait_dma2 semaphore(%arg8 : memref<!tpu.dma_semaphore, #tpu.memory_space<semaphore_mem>>) src(%dma_wait3A_1162 : memref<8x128xf32, #tpu.memory_space<hbm>>) dst(%dma_wait3A_1159 : memref<8x128xf32, #tpu.memory_space<vmem>>)
      %dma_wait3A_1163 = arith.constant 0 : i32
      %dma_wait3A_1164 = arith.constant 1 : i32
      %dma_wait3A_1165 = arith.constant 8 : i32
      %dma_wait3A_1166 = arith.constant 0 : i32
      %dma_wait3A_1167 = tpu.memref_slice %arg6[%dma_wait3A_1163, %dma_wait3A_1164, %dma_wait3A_1165, %dma_wait3A_1166] : memref<2x8x32x128xf32, #tpu.memory_space<vmem>> -> memref<1x1x8x128xf32, #tpu.memory_space<vmem>>
      %dma_wait3A_1168 = tpu.memref_squeeze %dma_wait3A_1167 : memref<1x1x8x128xf32, #tpu.memory_space<vmem>> -> memref<8x128xf32, #tpu.memory_space<vmem>>
      %dma_wait3A_1169 = arith.constant 8 : i32
      %dma_wait3A_1170 = arith.constant 0 : i32
      %dma_wait3A_1171 = tpu.memref_slice %arg3[%dma_wait3A_1169, %dma_wait3A_1170] : memref<32x1000000xf32, #tpu.memory_space<hbm>> -> memref<8x128xf32, #tpu.memory_space<hbm>>
      %dma_wait3A_1172 = arith.constant 8 : i32
      %dma_wait3A_1173 = arith.constant 0 : i32
      %dma_wait3A_1174 = tpu.memref_slice %arg6[%dma_wait3A_1163, %dma_wait3A_1164, %dma_wait3A_1172, %dma_wait3A_1173] : memref<2x8x32x128xf32, #tpu.memory_space<vmem>> -> memref<1x1x8x128xf32, #tpu.memory_space<vmem>>
      %dma_wait3A_1175 = tpu.memref_squeeze %dma_wait3A_1174 : memref<1x1x8x128xf32, #tpu.memory_space<vmem>> -> memref<8x128xf32, #tpu.memory_space<vmem>>
      %dma_wait3A_1176 = arith.constant 8 : i32
      %dma_wait3A_1177 = arith.constant 0 : i32
      %dma_wait3A_1178 = tpu.memref_slice %arg3[%dma_wait3A_1176, %dma_wait3A_1177] : memref<32x1000000xf32, #tpu.memory_space<hbm>> -> memref<8x128xf32, #tpu.memory_space<hbm>>
      tpu.wait_dma2 semaphore(%arg8 : memref<!tpu.dma_semaphore, #tpu.memory_space<semaphore_mem>>) src(%dma_wait3A_1178 : memref<8x128xf32, #tpu.memory_space<hbm>>) dst(%dma_wait3A_1175 : memref<8x128xf32, #tpu.memory_space<vmem>>)
      %dma_wait3A_1179 = arith.constant 0 : i32
      %dma_wait3A_1180 = arith.constant 1 : i32
      %dma_wait3A_1181 = arith.constant 16 : i32
      %dma_wait3A_1182 = arith.constant 0 : i32
      %dma_wait3A_1183 = tpu.memref_slice %arg6[%dma_wait3A_1179, %dma_wait3A_1180, %dma_wait3A_1181, %dma_wait3A_1182] : memref<2x8x32x128xf32, #tpu.memory_space<vmem>> -> memref<1x1x8x128xf32, #tpu.memory_space<vmem>>
      %dma_wait3A_1184 = tpu.memref_squeeze %dma_wait3A_1183 : memref<1x1x8x128xf32, #tpu.memory_space<vmem>> -> memref<8x128xf32, #tpu.memory_space<vmem>>
      %dma_wait3A_1185 = arith.constant 16 : i32
      %dma_wait3A_1186 = arith.constant 0 : i32
      %dma_wait3A_1187 = tpu.memref_slice %arg3[%dma_wait3A_1185, %dma_wait3A_1186] : memref<32x1000000xf32, #tpu.memory_space<hbm>> -> memref<8x128xf32, #tpu.memory_space<hbm>>
      %dma_wait3A_1188 = arith.constant 16 : i32
      %dma_wait3A_1189 = arith.constant 0 : i32
      %dma_wait3A_1190 = tpu.memref_slice %arg6[%dma_wait3A_1179, %dma_wait3A_1180, %dma_wait3A_1188, %dma_wait3A_1189] : memref<2x8x32x128xf32, #tpu.memory_space<vmem>> -> memref<1x1x8x128xf32, #tpu.memory_space<vmem>>
      %dma_wait3A_1191 = tpu.memref_squeeze %dma_wait3A_1190 : memref<1x1x8x128xf32, #tpu.memory_space<vmem>> -> memref<8x128xf32, #tpu.memory_space<vmem>>
      %dma_wait3A_1192 = arith.constant 16 : i32
      %dma_wait3A_1193 = arith.constant 0 : i32
      %dma_wait3A_1194 = tpu.memref_slice %arg3[%dma_wait3A_1192, %dma_wait3A_1193] : memref<32x1000000xf32, #tpu.memory_space<hbm>> -> memref<8x128xf32, #tpu.memory_space<hbm>>
      tpu.wait_dma2 semaphore(%arg8 : memref<!tpu.dma_semaphore, #tpu.memory_space<semaphore_mem>>) src(%dma_wait3A_1194 : memref<8x128xf32, #tpu.memory_space<hbm>>) dst(%dma_wait3A_1191 : memref<8x128xf32, #tpu.memory_space<vmem>>)
      %dma_wait3A_1195 = arith.constant 0 : i32
      %dma_wait3A_1196 = arith.constant 1 : i32
      %dma_wait3A_1197 = arith.constant 24 : i32
      %dma_wait3A_1198 = arith.constant 0 : i32
      %dma_wait3A_1199 = tpu.memref_slice %arg6[%dma_wait3A_1195, %dma_wait3A_1196, %dma_wait3A_1197, %dma_wait3A_1198] : memref<2x8x32x128xf32, #tpu.memory_space<vmem>> -> memref<1x1x8x128xf32, #tpu.memory_space<vmem>>
      %dma_wait3A_1200 = tpu.memref_squeeze %dma_wait3A_1199 : memref<1x1x8x128xf32, #tpu.memory_space<vmem>> -> memref<8x128xf32, #tpu.memory_space<vmem>>
      %dma_wait3A_1201 = arith.constant 24 : i32
      %dma_wait3A_1202 = arith.constant 0 : i32
      %dma_wait3A_1203 = tpu.memref_slice %arg3[%dma_wait3A_1201, %dma_wait3A_1202] : memref<32x1000000xf32, #tpu.memory_space<hbm>> -> memref<8x128xf32, #tpu.memory_space<hbm>>
      %dma_wait3A_1204 = arith.constant 24 : i32
      %dma_wait3A_1205 = arith.constant 0 : i32
      %dma_wait3A_1206 = tpu.memref_slice %arg6[%dma_wait3A_1195, %dma_wait3A_1196, %dma_wait3A_1204, %dma_wait3A_1205] : memref<2x8x32x128xf32, #tpu.memory_space<vmem>> -> memref<1x1x8x128xf32, #tpu.memory_space<vmem>>
      %dma_wait3A_1207 = tpu.memref_squeeze %dma_wait3A_1206 : memref<1x1x8x128xf32, #tpu.memory_space<vmem>> -> memref<8x128xf32, #tpu.memory_space<vmem>>
      %dma_wait3A_1208 = arith.constant 24 : i32
      %dma_wait3A_1209 = arith.constant 0 : i32
      %dma_wait3A_1210 = tpu.memref_slice %arg3[%dma_wait3A_1208, %dma_wait3A_1209] : memref<32x1000000xf32, #tpu.memory_space<hbm>> -> memref<8x128xf32, #tpu.memory_space<hbm>>
      tpu.wait_dma2 semaphore(%arg8 : memref<!tpu.dma_semaphore, #tpu.memory_space<semaphore_mem>>) src(%dma_wait3A_1210 : memref<8x128xf32, #tpu.memory_space<hbm>>) dst(%dma_wait3A_1207 : memref<8x128xf32, #tpu.memory_space<vmem>>)
      %dma_wait3A_1211 = arith.constant 0 : i32
      %dma_wait3A_1212 = arith.constant 2 : i32
      %dma_wait3A_1213 = arith.constant 0 : i32
      %dma_wait3A_1214 = arith.constant 0 : i32
      %dma_wait3A_1215 = tpu.memref_slice %arg6[%dma_wait3A_1211, %dma_wait3A_1212, %dma_wait3A_1213, %dma_wait3A_1214] : memref<2x8x32x128xf32, #tpu.memory_space<vmem>> -> memref<1x1x8x128xf32, #tpu.memory_space<vmem>>
      %dma_wait3A_1216 = tpu.memref_squeeze %dma_wait3A_1215 : memref<1x1x8x128xf32, #tpu.memory_space<vmem>> -> memref<8x128xf32, #tpu.memory_space<vmem>>
      %dma_wait3A_1217 = arith.constant 0 : i32
      %dma_wait3A_1218 = arith.constant 0 : i32
      %dma_wait3A_1219 = tpu.memref_slice %arg3[%dma_wait3A_1217, %dma_wait3A_1218] : memref<32x1000000xf32, #tpu.memory_space<hbm>> -> memref<8x128xf32, #tpu.memory_space<hbm>>
      %dma_wait3A_1220 = arith.constant 0 : i32
      %dma_wait3A_1221 = arith.constant 0 : i32
      %dma_wait3A_1222 = tpu.memref_slice %arg6[%dma_wait3A_1211, %dma_wait3A_1212, %dma_wait3A_1220, %dma_wait3A_1221] : memref<2x8x32x128xf32, #tpu.memory_space<vmem>> -> memref<1x1x8x128xf32, #tpu.memory_space<vmem>>
      %dma_wait3A_1223 = tpu.memref_squeeze %dma_wait3A_1222 : memref<1x1x8x128xf32, #tpu.memory_space<vmem>> -> memref<8x128xf32, #tpu.memory_space<vmem>>
      %dma_wait3A_1224 = arith.constant 0 : i32
      %dma_wait3A_1225 = arith.constant 0 : i32
      %dma_wait3A_1226 = tpu.memref_slice %arg3[%dma_wait3A_1224, %dma_wait3A_1225] : memref<32x1000000xf32, #tpu.memory_space<hbm>> -> memref<8x128xf32, #tpu.memory_space<hbm>>
      tpu.wait_dma2 semaphore(%arg8 : memref<!tpu.dma_semaphore, #tpu.memory_space<semaphore_mem>>) src(%dma_wait3A_1226 : memref<8x128xf32, #tpu.memory_space<hbm>>) dst(%dma_wait3A_1223 : memref<8x128xf32, #tpu.memory_space<vmem>>)
      %dma_wait3A_1227 = arith.constant 0 : i32
      %dma_wait3A_1228 = arith.constant 2 : i32
      %dma_wait3A_1229 = arith.constant 8 : i32
      %dma_wait3A_1230 = arith.constant 0 : i32
      %dma_wait3A_1231 = tpu.memref_slice %arg6[%dma_wait3A_1227, %dma_wait3A_1228, %dma_wait3A_1229, %dma_wait3A_1230] : memref<2x8x32x128xf32, #tpu.memory_space<vmem>> -> memref<1x1x8x128xf32, #tpu.memory_space<vmem>>
      %dma_wait3A_1232 = tpu.memref_squeeze %dma_wait3A_1231 : memref<1x1x8x128xf32, #tpu.memory_space<vmem>> -> memref<8x128xf32, #tpu.memory_space<vmem>>
      %dma_wait3A_1233 = arith.constant 8 : i32
      %dma_wait3A_1234 = arith.constant 0 : i32
      %dma_wait3A_1235 = tpu.memref_slice %arg3[%dma_wait3A_1233, %dma_wait3A_1234] : memref<32x1000000xf32, #tpu.memory_space<hbm>> -> memref<8x128xf32, #tpu.memory_space<hbm>>
      %dma_wait3A_1236 = arith.constant 8 : i32
      %dma_wait3A_1237 = arith.constant 0 : i32
      %dma_wait3A_1238 = tpu.memref_slice %arg6[%dma_wait3A_1227, %dma_wait3A_1228, %dma_wait3A_1236, %dma_wait3A_1237] : memref<2x8x32x128xf32, #tpu.memory_space<vmem>> -> memref<1x1x8x128xf32, #tpu.memory_space<vmem>>
      %dma_wait3A_1239 = tpu.memref_squeeze %dma_wait3A_1238 : memref<1x1x8x128xf32, #tpu.memory_space<vmem>> -> memref<8x128xf32, #tpu.memory_space<vmem>>
      %dma_wait3A_1240 = arith.constant 8 : i32
      %dma_wait3A_1241 = arith.constant 0 : i32
      %dma_wait3A_1242 = tpu.memref_slice %arg3[%dma_wait3A_1240, %dma_wait3A_1241] : memref<32x1000000xf32, #tpu.memory_space<hbm>> -> memref<8x128xf32, #tpu.memory_space<hbm>>
      tpu.wait_dma2 semaphore(%arg8 : memref<!tpu.dma_semaphore, #tpu.memory_space<semaphore_mem>>) src(%dma_wait3A_1242 : memref<8x128xf32, #tpu.memory_space<hbm>>) dst(%dma_wait3A_1239 : memref<8x128xf32, #tpu.memory_space<vmem>>)
      %dma_wait3A_1243 = arith.constant 0 : i32
      %dma_wait3A_1244 = arith.constant 2 : i32
      %dma_wait3A_1245 = arith.constant 16 : i32
      %dma_wait3A_1246 = arith.constant 0 : i32
      %dma_wait3A_1247 = tpu.memref_slice %arg6[%dma_wait3A_1243, %dma_wait3A_1244, %dma_wait3A_1245, %dma_wait3A_1246] : memref<2x8x32x128xf32, #tpu.memory_space<vmem>> -> memref<1x1x8x128xf32, #tpu.memory_space<vmem>>
      %dma_wait3A_1248 = tpu.memref_squeeze %dma_wait3A_1247 : memref<1x1x8x128xf32, #tpu.memory_space<vmem>> -> memref<8x128xf32, #tpu.memory_space<vmem>>
      %dma_wait3A_1249 = arith.constant 16 : i32
      %dma_wait3A_1250 = arith.constant 0 : i32
      %dma_wait3A_1251 = tpu.memref_slice %arg3[%dma_wait3A_1249, %dma_wait3A_1250] : memref<32x1000000xf32, #tpu.memory_space<hbm>> -> memref<8x128xf32, #tpu.memory_space<hbm>>
      %dma_wait3A_1252 = arith.constant 16 : i32
      %dma_wait3A_1253 = arith.constant 0 : i32
      %dma_wait3A_1254 = tpu.memref_slice %arg6[%dma_wait3A_1243, %dma_wait3A_1244, %dma_wait3A_1252, %dma_wait3A_1253] : memref<2x8x32x128xf32, #tpu.memory_space<vmem>> -> memref<1x1x8x128xf32, #tpu.memory_space<vmem>>
      %dma_wait3A_1255 = tpu.memref_squeeze %dma_wait3A_1254 : memref<1x1x8x128xf32, #tpu.memory_space<vmem>> -> memref<8x128xf32, #tpu.memory_space<vmem>>
      %dma_wait3A_1256 = arith.constant 16 : i32
      %dma_wait3A_1257 = arith.constant 0 : i32
      %dma_wait3A_1258 = tpu.memref_slice %arg3[%dma_wait3A_1256, %dma_wait3A_1257] : memref<32x1000000xf32, #tpu.memory_space<hbm>> -> memref<8x128xf32, #tpu.memory_space<hbm>>
      tpu.wait_dma2 semaphore(%arg8 : memref<!tpu.dma_semaphore, #tpu.memory_space<semaphore_mem>>) src(%dma_wait3A_1258 : memref<8x128xf32, #tpu.memory_space<hbm>>) dst(%dma_wait3A_1255 : memref<8x128xf32, #tpu.memory_space<vmem>>)
      %dma_wait3A_1259 = arith.constant 0 : i32
      %dma_wait3A_1260 = arith.constant 2 : i32
      %dma_wait3A_1261 = arith.constant 24 : i32
      %dma_wait3A_1262 = arith.constant 0 : i32
      %dma_wait3A_1263 = tpu.memref_slice %arg6[%dma_wait3A_1259, %dma_wait3A_1260, %dma_wait3A_1261, %dma_wait3A_1262] : memref<2x8x32x128xf32, #tpu.memory_space<vmem>> -> memref<1x1x8x128xf32, #tpu.memory_space<vmem>>
      %dma_wait3A_1264 = tpu.memref_squeeze %dma_wait3A_1263 : memref<1x1x8x128xf32, #tpu.memory_space<vmem>> -> memref<8x128xf32, #tpu.memory_space<vmem>>
      %dma_wait3A_1265 = arith.constant 24 : i32
      %dma_wait3A_1266 = arith.constant 0 : i32
      %dma_wait3A_1267 = tpu.memref_slice %arg3[%dma_wait3A_1265, %dma_wait3A_1266] : memref<32x1000000xf32, #tpu.memory_space<hbm>> -> memref<8x128xf32, #tpu.memory_space<hbm>>
      %dma_wait3A_1268 = arith.constant 24 : i32
      %dma_wait3A_1269 = arith.constant 0 : i32
      %dma_wait3A_1270 = tpu.memref_slice %arg6[%dma_wait3A_1259, %dma_wait3A_1260, %dma_wait3A_1268, %dma_wait3A_1269] : memref<2x8x32x128xf32, #tpu.memory_space<vmem>> -> memref<1x1x8x128xf32, #tpu.memory_space<vmem>>
      %dma_wait3A_1271 = tpu.memref_squeeze %dma_wait3A_1270 : memref<1x1x8x128xf32, #tpu.memory_space<vmem>> -> memref<8x128xf32, #tpu.memory_space<vmem>>
      %dma_wait3A_1272 = arith.constant 24 : i32
      %dma_wait3A_1273 = arith.constant 0 : i32
      %dma_wait3A_1274 = tpu.memref_slice %arg3[%dma_wait3A_1272, %dma_wait3A_1273] : memref<32x1000000xf32, #tpu.memory_space<hbm>> -> memref<8x128xf32, #tpu.memory_space<hbm>>
      tpu.wait_dma2 semaphore(%arg8 : memref<!tpu.dma_semaphore, #tpu.memory_space<semaphore_mem>>) src(%dma_wait3A_1274 : memref<8x128xf32, #tpu.memory_space<hbm>>) dst(%dma_wait3A_1271 : memref<8x128xf32, #tpu.memory_space<vmem>>)
      %dma_wait3A_1275 = arith.constant 0 : i32
      %dma_wait3A_1276 = arith.constant 3 : i32
      %dma_wait3A_1277 = arith.constant 0 : i32
      %dma_wait3A_1278 = arith.constant 0 : i32
      %dma_wait3A_1279 = tpu.memref_slice %arg6[%dma_wait3A_1275, %dma_wait3A_1276, %dma_wait3A_1277, %dma_wait3A_1278] : memref<2x8x32x128xf32, #tpu.memory_space<vmem>> -> memref<1x1x8x128xf32, #tpu.memory_space<vmem>>
      %dma_wait3A_1280 = tpu.memref_squeeze %dma_wait3A_1279 : memref<1x1x8x128xf32, #tpu.memory_space<vmem>> -> memref<8x128xf32, #tpu.memory_space<vmem>>
      %dma_wait3A_1281 = arith.constant 0 : i32
      %dma_wait3A_1282 = arith.constant 0 : i32
      %dma_wait3A_1283 = tpu.memref_slice %arg3[%dma_wait3A_1281, %dma_wait3A_1282] : memref<32x1000000xf32, #tpu.memory_space<hbm>> -> memref<8x128xf32, #tpu.memory_space<hbm>>
      %dma_wait3A_1284 = arith.constant 0 : i32
      %dma_wait3A_1285 = arith.constant 0 : i32
      %dma_wait3A_1286 = tpu.memref_slice %arg6[%dma_wait3A_1275, %dma_wait3A_1276, %dma_wait3A_1284, %dma_wait3A_1285] : memref<2x8x32x128xf32, #tpu.memory_space<vmem>> -> memref<1x1x8x128xf32, #tpu.memory_space<vmem>>
      %dma_wait3A_1287 = tpu.memref_squeeze %dma_wait3A_1286 : memref<1x1x8x128xf32, #tpu.memory_space<vmem>> -> memref<8x128xf32, #tpu.memory_space<vmem>>
      %dma_wait3A_1288 = arith.constant 0 : i32
      %dma_wait3A_1289 = arith.constant 0 : i32
      %dma_wait3A_1290 = tpu.memref_slice %arg3[%dma_wait3A_1288, %dma_wait3A_1289] : memref<32x1000000xf32, #tpu.memory_space<hbm>> -> memref<8x128xf32, #tpu.memory_space<hbm>>
      tpu.wait_dma2 semaphore(%arg8 : memref<!tpu.dma_semaphore, #tpu.memory_space<semaphore_mem>>) src(%dma_wait3A_1290 : memref<8x128xf32, #tpu.memory_space<hbm>>) dst(%dma_wait3A_1287 : memref<8x128xf32, #tpu.memory_space<vmem>>)
      %dma_wait3A_1291 = arith.constant 0 : i32
      %dma_wait3A_1292 = arith.constant 3 : i32
      %dma_wait3A_1293 = arith.constant 8 : i32
      %dma_wait3A_1294 = arith.constant 0 : i32
      %dma_wait3A_1295 = tpu.memref_slice %arg6[%dma_wait3A_1291, %dma_wait3A_1292, %dma_wait3A_1293, %dma_wait3A_1294] : memref<2x8x32x128xf32, #tpu.memory_space<vmem>> -> memref<1x1x8x128xf32, #tpu.memory_space<vmem>>
      %dma_wait3A_1296 = tpu.memref_squeeze %dma_wait3A_1295 : memref<1x1x8x128xf32, #tpu.memory_space<vmem>> -> memref<8x128xf32, #tpu.memory_space<vmem>>
      %dma_wait3A_1297 = arith.constant 8 : i32
      %dma_wait3A_1298 = arith.constant 0 : i32
      %dma_wait3A_1299 = tpu.memref_slice %arg3[%dma_wait3A_1297, %dma_wait3A_1298] : memref<32x1000000xf32, #tpu.memory_space<hbm>> -> memref<8x128xf32, #tpu.memory_space<hbm>>
      %dma_wait3A_1300 = arith.constant 8 : i32
      %dma_wait3A_1301 = arith.constant 0 : i32
      %dma_wait3A_1302 = tpu.memref_slice %arg6[%dma_wait3A_1291, %dma_wait3A_1292, %dma_wait3A_1300, %dma_wait3A_1301] : memref<2x8x32x128xf32, #tpu.memory_space<vmem>> -> memref<1x1x8x128xf32, #tpu.memory_space<vmem>>
      %dma_wait3A_1303 = tpu.memref_squeeze %dma_wait3A_1302 : memref<1x1x8x128xf32, #tpu.memory_space<vmem>> -> memref<8x128xf32, #tpu.memory_space<vmem>>
      %dma_wait3A_1304 = arith.constant 8 : i32
      %dma_wait3A_1305 = arith.constant 0 : i32
      %dma_wait3A_1306 = tpu.memref_slice %arg3[%dma_wait3A_1304, %dma_wait3A_1305] : memref<32x1000000xf32, #tpu.memory_space<hbm>> -> memref<8x128xf32, #tpu.memory_space<hbm>>
      tpu.wait_dma2 semaphore(%arg8 : memref<!tpu.dma_semaphore, #tpu.memory_space<semaphore_mem>>) src(%dma_wait3A_1306 : memref<8x128xf32, #tpu.memory_space<hbm>>) dst(%dma_wait3A_1303 : memref<8x128xf32, #tpu.memory_space<vmem>>)
      %dma_wait3A_1307 = arith.constant 0 : i32
      %dma_wait3A_1308 = arith.constant 3 : i32
      %dma_wait3A_1309 = arith.constant 16 : i32
      %dma_wait3A_1310 = arith.constant 0 : i32
      %dma_wait3A_1311 = tpu.memref_slice %arg6[%dma_wait3A_1307, %dma_wait3A_1308, %dma_wait3A_1309, %dma_wait3A_1310] : memref<2x8x32x128xf32, #tpu.memory_space<vmem>> -> memref<1x1x8x128xf32, #tpu.memory_space<vmem>>
      %dma_wait3A_1312 = tpu.memref_squeeze %dma_wait3A_1311 : memref<1x1x8x128xf32, #tpu.memory_space<vmem>> -> memref<8x128xf32, #tpu.memory_space<vmem>>
      %dma_wait3A_1313 = arith.constant 16 : i32
      %dma_wait3A_1314 = arith.constant 0 : i32
      %dma_wait3A_1315 = tpu.memref_slice %arg3[%dma_wait3A_1313, %dma_wait3A_1314] : memref<32x1000000xf32, #tpu.memory_space<hbm>> -> memref<8x128xf32, #tpu.memory_space<hbm>>
      %dma_wait3A_1316 = arith.constant 16 : i32
      %dma_wait3A_1317 = arith.constant 0 : i32
      %dma_wait3A_1318 = tpu.memref_slice %arg6[%dma_wait3A_1307, %dma_wait3A_1308, %dma_wait3A_1316, %dma_wait3A_1317] : memref<2x8x32x128xf32, #tpu.memory_space<vmem>> -> memref<1x1x8x128xf32, #tpu.memory_space<vmem>>
      %dma_wait3A_1319 = tpu.memref_squeeze %dma_wait3A_1318 : memref<1x1x8x128xf32, #tpu.memory_space<vmem>> -> memref<8x128xf32, #tpu.memory_space<vmem>>
      %dma_wait3A_1320 = arith.constant 16 : i32
      %dma_wait3A_1321 = arith.constant 0 : i32
      %dma_wait3A_1322 = tpu.memref_slice %arg3[%dma_wait3A_1320, %dma_wait3A_1321] : memref<32x1000000xf32, #tpu.memory_space<hbm>> -> memref<8x128xf32, #tpu.memory_space<hbm>>
      tpu.wait_dma2 semaphore(%arg8 : memref<!tpu.dma_semaphore, #tpu.memory_space<semaphore_mem>>) src(%dma_wait3A_1322 : memref<8x128xf32, #tpu.memory_space<hbm>>) dst(%dma_wait3A_1319 : memref<8x128xf32, #tpu.memory_space<vmem>>)
      %dma_wait3A_1323 = arith.constant 0 : i32
      %dma_wait3A_1324 = arith.constant 3 : i32
      %dma_wait3A_1325 = arith.constant 24 : i32
      %dma_wait3A_1326 = arith.constant 0 : i32
      %dma_wait3A_1327 = tpu.memref_slice %arg6[%dma_wait3A_1323, %dma_wait3A_1324, %dma_wait3A_1325, %dma_wait3A_1326] : memref<2x8x32x128xf32, #tpu.memory_space<vmem>> -> memref<1x1x8x128xf32, #tpu.memory_space<vmem>>
      %dma_wait3A_1328 = tpu.memref_squeeze %dma_wait3A_1327 : memref<1x1x8x128xf32, #tpu.memory_space<vmem>> -> memref<8x128xf32, #tpu.memory_space<vmem>>
      %dma_wait3A_1329 = arith.constant 24 : i32
      %dma_wait3A_1330 = arith.constant 0 : i32
      %dma_wait3A_1331 = tpu.memref_slice %arg3[%dma_wait3A_1329, %dma_wait3A_1330] : memref<32x1000000xf32, #tpu.memory_space<hbm>> -> memref<8x128xf32, #tpu.memory_space<hbm>>
      %dma_wait3A_1332 = arith.constant 24 : i32
      %dma_wait3A_1333 = arith.constant 0 : i32
      %dma_wait3A_1334 = tpu.memref_slice %arg6[%dma_wait3A_1323, %dma_wait3A_1324, %dma_wait3A_1332, %dma_wait3A_1333] : memref<2x8x32x128xf32, #tpu.memory_space<vmem>> -> memref<1x1x8x128xf32, #tpu.memory_space<vmem>>
      %dma_wait3A_1335 = tpu.memref_squeeze %dma_wait3A_1334 : memref<1x1x8x128xf32, #tpu.memory_space<vmem>> -> memref<8x128xf32, #tpu.memory_space<vmem>>
      %dma_wait3A_1336 = arith.constant 24 : i32
      %dma_wait3A_1337 = arith.constant 0 : i32
      %dma_wait3A_1338 = tpu.memref_slice %arg3[%dma_wait3A_1336, %dma_wait3A_1337] : memref<32x1000000xf32, #tpu.memory_space<hbm>> -> memref<8x128xf32, #tpu.memory_space<hbm>>
      tpu.wait_dma2 semaphore(%arg8 : memref<!tpu.dma_semaphore, #tpu.memory_space<semaphore_mem>>) src(%dma_wait3A_1338 : memref<8x128xf32, #tpu.memory_space<hbm>>) dst(%dma_wait3A_1335 : memref<8x128xf32, #tpu.memory_space<vmem>>)
      %dma_wait3A_1339 = arith.constant 0 : i32
      %dma_wait3A_1340 = arith.constant 4 : i32
      %dma_wait3A_1341 = arith.constant 0 : i32
      %dma_wait3A_1342 = arith.constant 0 : i32
      %dma_wait3A_1343 = tpu.memref_slice %arg6[%dma_wait3A_1339, %dma_wait3A_1340, %dma_wait3A_1341, %dma_wait3A_1342] : memref<2x8x32x128xf32, #tpu.memory_space<vmem>> -> memref<1x1x8x128xf32, #tpu.memory_space<vmem>>
      %dma_wait3A_1344 = tpu.memref_squeeze %dma_wait3A_1343 : memref<1x1x8x128xf32, #tpu.memory_space<vmem>> -> memref<8x128xf32, #tpu.memory_space<vmem>>
      %dma_wait3A_1345 = arith.constant 0 : i32
      %dma_wait3A_1346 = arith.constant 0 : i32
      %dma_wait3A_1347 = tpu.memref_slice %arg3[%dma_wait3A_1345, %dma_wait3A_1346] : memref<32x1000000xf32, #tpu.memory_space<hbm>> -> memref<8x128xf32, #tpu.memory_space<hbm>>
      %dma_wait3A_1348 = arith.constant 0 : i32
      %dma_wait3A_1349 = arith.constant 0 : i32
      %dma_wait3A_1350 = tpu.memref_slice %arg6[%dma_wait3A_1339, %dma_wait3A_1340, %dma_wait3A_1348, %dma_wait3A_1349] : memref<2x8x32x128xf32, #tpu.memory_space<vmem>> -> memref<1x1x8x128xf32, #tpu.memory_space<vmem>>
      %dma_wait3A_1351 = tpu.memref_squeeze %dma_wait3A_1350 : memref<1x1x8x128xf32, #tpu.memory_space<vmem>> -> memref<8x128xf32, #tpu.memory_space<vmem>>
      %dma_wait3A_1352 = arith.constant 0 : i32
      %dma_wait3A_1353 = arith.constant 0 : i32
      %dma_wait3A_1354 = tpu.memref_slice %arg3[%dma_wait3A_1352, %dma_wait3A_1353] : memref<32x1000000xf32, #tpu.memory_space<hbm>> -> memref<8x128xf32, #tpu.memory_space<hbm>>
      tpu.wait_dma2 semaphore(%arg8 : memref<!tpu.dma_semaphore, #tpu.memory_space<semaphore_mem>>) src(%dma_wait3A_1354 : memref<8x128xf32, #tpu.memory_space<hbm>>) dst(%dma_wait3A_1351 : memref<8x128xf32, #tpu.memory_space<vmem>>)
      %dma_wait3A_1355 = arith.constant 0 : i32
      %dma_wait3A_1356 = arith.constant 4 : i32
      %dma_wait3A_1357 = arith.constant 8 : i32
      %dma_wait3A_1358 = arith.constant 0 : i32
      %dma_wait3A_1359 = tpu.memref_slice %arg6[%dma_wait3A_1355, %dma_wait3A_1356, %dma_wait3A_1357, %dma_wait3A_1358] : memref<2x8x32x128xf32, #tpu.memory_space<vmem>> -> memref<1x1x8x128xf32, #tpu.memory_space<vmem>>
      %dma_wait3A_1360 = tpu.memref_squeeze %dma_wait3A_1359 : memref<1x1x8x128xf32, #tpu.memory_space<vmem>> -> memref<8x128xf32, #tpu.memory_space<vmem>>
      %dma_wait3A_1361 = arith.constant 8 : i32
      %dma_wait3A_1362 = arith.constant 0 : i32
      %dma_wait3A_1363 = tpu.memref_slice %arg3[%dma_wait3A_1361, %dma_wait3A_1362] : memref<32x1000000xf32, #tpu.memory_space<hbm>> -> memref<8x128xf32, #tpu.memory_space<hbm>>
      %dma_wait3A_1364 = arith.constant 8 : i32
      %dma_wait3A_1365 = arith.constant 0 : i32
      %dma_wait3A_1366 = tpu.memref_slice %arg6[%dma_wait3A_1355, %dma_wait3A_1356, %dma_wait3A_1364, %dma_wait3A_1365] : memref<2x8x32x128xf32, #tpu.memory_space<vmem>> -> memref<1x1x8x128xf32, #tpu.memory_space<vmem>>
      %dma_wait3A_1367 = tpu.memref_squeeze %dma_wait3A_1366 : memref<1x1x8x128xf32, #tpu.memory_space<vmem>> -> memref<8x128xf32, #tpu.memory_space<vmem>>
      %dma_wait3A_1368 = arith.constant 8 : i32
      %dma_wait3A_1369 = arith.constant 0 : i32
      %dma_wait3A_1370 = tpu.memref_slice %arg3[%dma_wait3A_1368, %dma_wait3A_1369] : memref<32x1000000xf32, #tpu.memory_space<hbm>> -> memref<8x128xf32, #tpu.memory_space<hbm>>
      tpu.wait_dma2 semaphore(%arg8 : memref<!tpu.dma_semaphore, #tpu.memory_space<semaphore_mem>>) src(%dma_wait3A_1370 : memref<8x128xf32, #tpu.memory_space<hbm>>) dst(%dma_wait3A_1367 : memref<8x128xf32, #tpu.memory_space<vmem>>)
      %dma_wait3A_1371 = arith.constant 0 : i32
      %dma_wait3A_1372 = arith.constant 4 : i32
      %dma_wait3A_1373 = arith.constant 16 : i32
      %dma_wait3A_1374 = arith.constant 0 : i32
      %dma_wait3A_1375 = tpu.memref_slice %arg6[%dma_wait3A_1371, %dma_wait3A_1372, %dma_wait3A_1373, %dma_wait3A_1374] : memref<2x8x32x128xf32, #tpu.memory_space<vmem>> -> memref<1x1x8x128xf32, #tpu.memory_space<vmem>>
      %dma_wait3A_1376 = tpu.memref_squeeze %dma_wait3A_1375 : memref<1x1x8x128xf32, #tpu.memory_space<vmem>> -> memref<8x128xf32, #tpu.memory_space<vmem>>
      %dma_wait3A_1377 = arith.constant 16 : i32
      %dma_wait3A_1378 = arith.constant 0 : i32
      %dma_wait3A_1379 = tpu.memref_slice %arg3[%dma_wait3A_1377, %dma_wait3A_1378] : memref<32x1000000xf32, #tpu.memory_space<hbm>> -> memref<8x128xf32, #tpu.memory_space<hbm>>
      %dma_wait3A_1380 = arith.constant 16 : i32
      %dma_wait3A_1381 = arith.constant 0 : i32
      %dma_wait3A_1382 = tpu.memref_slice %arg6[%dma_wait3A_1371, %dma_wait3A_1372, %dma_wait3A_1380, %dma_wait3A_1381] : memref<2x8x32x128xf32, #tpu.memory_space<vmem>> -> memref<1x1x8x128xf32, #tpu.memory_space<vmem>>
      %dma_wait3A_1383 = tpu.memref_squeeze %dma_wait3A_1382 : memref<1x1x8x128xf32, #tpu.memory_space<vmem>> -> memref<8x128xf32, #tpu.memory_space<vmem>>
      %dma_wait3A_1384 = arith.constant 16 : i32
      %dma_wait3A_1385 = arith.constant 0 : i32
      %dma_wait3A_1386 = tpu.memref_slice %arg3[%dma_wait3A_1384, %dma_wait3A_1385] : memref<32x1000000xf32, #tpu.memory_space<hbm>> -> memref<8x128xf32, #tpu.memory_space<hbm>>
      tpu.wait_dma2 semaphore(%arg8 : memref<!tpu.dma_semaphore, #tpu.memory_space<semaphore_mem>>) src(%dma_wait3A_1386 : memref<8x128xf32, #tpu.memory_space<hbm>>) dst(%dma_wait3A_1383 : memref<8x128xf32, #tpu.memory_space<vmem>>)
      %dma_wait3A_1387 = arith.constant 0 : i32
      %dma_wait3A_1388 = arith.constant 4 : i32
      %dma_wait3A_1389 = arith.constant 24 : i32
      %dma_wait3A_1390 = arith.constant 0 : i32
      %dma_wait3A_1391 = tpu.memref_slice %arg6[%dma_wait3A_1387, %dma_wait3A_1388, %dma_wait3A_1389, %dma_wait3A_1390] : memref<2x8x32x128xf32, #tpu.memory_space<vmem>> -> memref<1x1x8x128xf32, #tpu.memory_space<vmem>>
      %dma_wait3A_1392 = tpu.memref_squeeze %dma_wait3A_1391 : memref<1x1x8x128xf32, #tpu.memory_space<vmem>> -> memref<8x128xf32, #tpu.memory_space<vmem>>
      %dma_wait3A_1393 = arith.constant 24 : i32
      %dma_wait3A_1394 = arith.constant 0 : i32
      %dma_wait3A_1395 = tpu.memref_slice %arg3[%dma_wait3A_1393, %dma_wait3A_1394] : memref<32x1000000xf32, #tpu.memory_space<hbm>> -> memref<8x128xf32, #tpu.memory_space<hbm>>
      %dma_wait3A_1396 = arith.constant 24 : i32
      %dma_wait3A_1397 = arith.constant 0 : i32
      %dma_wait3A_1398 = tpu.memref_slice %arg6[%dma_wait3A_1387, %dma_wait3A_1388, %dma_wait3A_1396, %dma_wait3A_1397] : memref<2x8x32x128xf32, #tpu.memory_space<vmem>> -> memref<1x1x8x128xf32, #tpu.memory_space<vmem>>
      %dma_wait3A_1399 = tpu.memref_squeeze %dma_wait3A_1398 : memref<1x1x8x128xf32, #tpu.memory_space<vmem>> -> memref<8x128xf32, #tpu.memory_space<vmem>>
      %dma_wait3A_1400 = arith.constant 24 : i32
      %dma_wait3A_1401 = arith.constant 0 : i32
      %dma_wait3A_1402 = tpu.memref_slice %arg3[%dma_wait3A_1400, %dma_wait3A_1401] : memref<32x1000000xf32, #tpu.memory_space<hbm>> -> memref<8x128xf32, #tpu.memory_space<hbm>>
      tpu.wait_dma2 semaphore(%arg8 : memref<!tpu.dma_semaphore, #tpu.memory_space<semaphore_mem>>) src(%dma_wait3A_1402 : memref<8x128xf32, #tpu.memory_space<hbm>>) dst(%dma_wait3A_1399 : memref<8x128xf32, #tpu.memory_space<vmem>>)
      %dma_wait3A_1403 = arith.constant 0 : i32
      %dma_wait3A_1404 = arith.constant 5 : i32
      %dma_wait3A_1405 = arith.constant 0 : i32
      %dma_wait3A_1406 = arith.constant 0 : i32
      %dma_wait3A_1407 = tpu.memref_slice %arg6[%dma_wait3A_1403, %dma_wait3A_1404, %dma_wait3A_1405, %dma_wait3A_1406] : memref<2x8x32x128xf32, #tpu.memory_space<vmem>> -> memref<1x1x8x128xf32, #tpu.memory_space<vmem>>
      %dma_wait3A_1408 = tpu.memref_squeeze %dma_wait3A_1407 : memref<1x1x8x128xf32, #tpu.memory_space<vmem>> -> memref<8x128xf32, #tpu.memory_space<vmem>>
      %dma_wait3A_1409 = arith.constant 0 : i32
      %dma_wait3A_1410 = arith.constant 0 : i32
      %dma_wait3A_1411 = tpu.memref_slice %arg3[%dma_wait3A_1409, %dma_wait3A_1410] : memref<32x1000000xf32, #tpu.memory_space<hbm>> -> memref<8x128xf32, #tpu.memory_space<hbm>>
      %dma_wait3A_1412 = arith.constant 0 : i32
      %dma_wait3A_1413 = arith.constant 0 : i32
      %dma_wait3A_1414 = tpu.memref_slice %arg6[%dma_wait3A_1403, %dma_wait3A_1404, %dma_wait3A_1412, %dma_wait3A_1413] : memref<2x8x32x128xf32, #tpu.memory_space<vmem>> -> memref<1x1x8x128xf32, #tpu.memory_space<vmem>>
      %dma_wait3A_1415 = tpu.memref_squeeze %dma_wait3A_1414 : memref<1x1x8x128xf32, #tpu.memory_space<vmem>> -> memref<8x128xf32, #tpu.memory_space<vmem>>
      %dma_wait3A_1416 = arith.constant 0 : i32
      %dma_wait3A_1417 = arith.constant 0 : i32
      %dma_wait3A_1418 = tpu.memref_slice %arg3[%dma_wait3A_1416, %dma_wait3A_1417] : memref<32x1000000xf32, #tpu.memory_space<hbm>> -> memref<8x128xf32, #tpu.memory_space<hbm>>
      tpu.wait_dma2 semaphore(%arg8 : memref<!tpu.dma_semaphore, #tpu.memory_space<semaphore_mem>>) src(%dma_wait3A_1418 : memref<8x128xf32, #tpu.memory_space<hbm>>) dst(%dma_wait3A_1415 : memref<8x128xf32, #tpu.memory_space<vmem>>)
      %dma_wait3A_1419 = arith.constant 0 : i32
      %dma_wait3A_1420 = arith.constant 5 : i32
      %dma_wait3A_1421 = arith.constant 8 : i32
      %dma_wait3A_1422 = arith.constant 0 : i32
      %dma_wait3A_1423 = tpu.memref_slice %arg6[%dma_wait3A_1419, %dma_wait3A_1420, %dma_wait3A_1421, %dma_wait3A_1422] : memref<2x8x32x128xf32, #tpu.memory_space<vmem>> -> memref<1x1x8x128xf32, #tpu.memory_space<vmem>>
      %dma_wait3A_1424 = tpu.memref_squeeze %dma_wait3A_1423 : memref<1x1x8x128xf32, #tpu.memory_space<vmem>> -> memref<8x128xf32, #tpu.memory_space<vmem>>
      %dma_wait3A_1425 = arith.constant 8 : i32
      %dma_wait3A_1426 = arith.constant 0 : i32
      %dma_wait3A_1427 = tpu.memref_slice %arg3[%dma_wait3A_1425, %dma_wait3A_1426] : memref<32x1000000xf32, #tpu.memory_space<hbm>> -> memref<8x128xf32, #tpu.memory_space<hbm>>
      %dma_wait3A_1428 = arith.constant 8 : i32
      %dma_wait3A_1429 = arith.constant 0 : i32
      %dma_wait3A_1430 = tpu.memref_slice %arg6[%dma_wait3A_1419, %dma_wait3A_1420, %dma_wait3A_1428, %dma_wait3A_1429] : memref<2x8x32x128xf32, #tpu.memory_space<vmem>> -> memref<1x1x8x128xf32, #tpu.memory_space<vmem>>
      %dma_wait3A_1431 = tpu.memref_squeeze %dma_wait3A_1430 : memref<1x1x8x128xf32, #tpu.memory_space<vmem>> -> memref<8x128xf32, #tpu.memory_space<vmem>>
      %dma_wait3A_1432 = arith.constant 8 : i32
      %dma_wait3A_1433 = arith.constant 0 : i32
      %dma_wait3A_1434 = tpu.memref_slice %arg3[%dma_wait3A_1432, %dma_wait3A_1433] : memref<32x1000000xf32, #tpu.memory_space<hbm>> -> memref<8x128xf32, #tpu.memory_space<hbm>>
      tpu.wait_dma2 semaphore(%arg8 : memref<!tpu.dma_semaphore, #tpu.memory_space<semaphore_mem>>) src(%dma_wait3A_1434 : memref<8x128xf32, #tpu.memory_space<hbm>>) dst(%dma_wait3A_1431 : memref<8x128xf32, #tpu.memory_space<vmem>>)
      %dma_wait3A_1435 = arith.constant 0 : i32
      %dma_wait3A_1436 = arith.constant 5 : i32
      %dma_wait3A_1437 = arith.constant 16 : i32
      %dma_wait3A_1438 = arith.constant 0 : i32
      %dma_wait3A_1439 = tpu.memref_slice %arg6[%dma_wait3A_1435, %dma_wait3A_1436, %dma_wait3A_1437, %dma_wait3A_1438] : memref<2x8x32x128xf32, #tpu.memory_space<vmem>> -> memref<1x1x8x128xf32, #tpu.memory_space<vmem>>
      %dma_wait3A_1440 = tpu.memref_squeeze %dma_wait3A_1439 : memref<1x1x8x128xf32, #tpu.memory_space<vmem>> -> memref<8x128xf32, #tpu.memory_space<vmem>>
      %dma_wait3A_1441 = arith.constant 16 : i32
      %dma_wait3A_1442 = arith.constant 0 : i32
      %dma_wait3A_1443 = tpu.memref_slice %arg3[%dma_wait3A_1441, %dma_wait3A_1442] : memref<32x1000000xf32, #tpu.memory_space<hbm>> -> memref<8x128xf32, #tpu.memory_space<hbm>>
      %dma_wait3A_1444 = arith.constant 16 : i32
      %dma_wait3A_1445 = arith.constant 0 : i32
      %dma_wait3A_1446 = tpu.memref_slice %arg6[%dma_wait3A_1435, %dma_wait3A_1436, %dma_wait3A_1444, %dma_wait3A_1445] : memref<2x8x32x128xf32, #tpu.memory_space<vmem>> -> memref<1x1x8x128xf32, #tpu.memory_space<vmem>>
      %dma_wait3A_1447 = tpu.memref_squeeze %dma_wait3A_1446 : memref<1x1x8x128xf32, #tpu.memory_space<vmem>> -> memref<8x128xf32, #tpu.memory_space<vmem>>
      %dma_wait3A_1448 = arith.constant 16 : i32
      %dma_wait3A_1449 = arith.constant 0 : i32
      %dma_wait3A_1450 = tpu.memref_slice %arg3[%dma_wait3A_1448, %dma_wait3A_1449] : memref<32x1000000xf32, #tpu.memory_space<hbm>> -> memref<8x128xf32, #tpu.memory_space<hbm>>
      tpu.wait_dma2 semaphore(%arg8 : memref<!tpu.dma_semaphore, #tpu.memory_space<semaphore_mem>>) src(%dma_wait3A_1450 : memref<8x128xf32, #tpu.memory_space<hbm>>) dst(%dma_wait3A_1447 : memref<8x128xf32, #tpu.memory_space<vmem>>)
      %dma_wait3A_1451 = arith.constant 0 : i32
      %dma_wait3A_1452 = arith.constant 5 : i32
      %dma_wait3A_1453 = arith.constant 24 : i32
      %dma_wait3A_1454 = arith.constant 0 : i32
      %dma_wait3A_1455 = tpu.memref_slice %arg6[%dma_wait3A_1451, %dma_wait3A_1452, %dma_wait3A_1453, %dma_wait3A_1454] : memref<2x8x32x128xf32, #tpu.memory_space<vmem>> -> memref<1x1x8x128xf32, #tpu.memory_space<vmem>>
      %dma_wait3A_1456 = tpu.memref_squeeze %dma_wait3A_1455 : memref<1x1x8x128xf32, #tpu.memory_space<vmem>> -> memref<8x128xf32, #tpu.memory_space<vmem>>
      %dma_wait3A_1457 = arith.constant 24 : i32
      %dma_wait3A_1458 = arith.constant 0 : i32
      %dma_wait3A_1459 = tpu.memref_slice %arg3[%dma_wait3A_1457, %dma_wait3A_1458] : memref<32x1000000xf32, #tpu.memory_space<hbm>> -> memref<8x128xf32, #tpu.memory_space<hbm>>
      %dma_wait3A_1460 = arith.constant 24 : i32
      %dma_wait3A_1461 = arith.constant 0 : i32
      %dma_wait3A_1462 = tpu.memref_slice %arg6[%dma_wait3A_1451, %dma_wait3A_1452, %dma_wait3A_1460, %dma_wait3A_1461] : memref<2x8x32x128xf32, #tpu.memory_space<vmem>> -> memref<1x1x8x128xf32, #tpu.memory_space<vmem>>
      %dma_wait3A_1463 = tpu.memref_squeeze %dma_wait3A_1462 : memref<1x1x8x128xf32, #tpu.memory_space<vmem>> -> memref<8x128xf32, #tpu.memory_space<vmem>>
      %dma_wait3A_1464 = arith.constant 24 : i32
      %dma_wait3A_1465 = arith.constant 0 : i32
      %dma_wait3A_1466 = tpu.memref_slice %arg3[%dma_wait3A_1464, %dma_wait3A_1465] : memref<32x1000000xf32, #tpu.memory_space<hbm>> -> memref<8x128xf32, #tpu.memory_space<hbm>>
      tpu.wait_dma2 semaphore(%arg8 : memref<!tpu.dma_semaphore, #tpu.memory_space<semaphore_mem>>) src(%dma_wait3A_1466 : memref<8x128xf32, #tpu.memory_space<hbm>>) dst(%dma_wait3A_1463 : memref<8x128xf32, #tpu.memory_space<vmem>>)
      %dma_wait3A_1467 = arith.constant 0 : i32
      %dma_wait3A_1468 = arith.constant 6 : i32
      %dma_wait3A_1469 = arith.constant 0 : i32
      %dma_wait3A_1470 = arith.constant 0 : i32
      %dma_wait3A_1471 = tpu.memref_slice %arg6[%dma_wait3A_1467, %dma_wait3A_1468, %dma_wait3A_1469, %dma_wait3A_1470] : memref<2x8x32x128xf32, #tpu.memory_space<vmem>> -> memref<1x1x8x128xf32, #tpu.memory_space<vmem>>
      %dma_wait3A_1472 = tpu.memref_squeeze %dma_wait3A_1471 : memref<1x1x8x128xf32, #tpu.memory_space<vmem>> -> memref<8x128xf32, #tpu.memory_space<vmem>>
      %dma_wait3A_1473 = arith.constant 0 : i32
      %dma_wait3A_1474 = arith.constant 0 : i32
      %dma_wait3A_1475 = tpu.memref_slice %arg3[%dma_wait3A_1473, %dma_wait3A_1474] : memref<32x1000000xf32, #tpu.memory_space<hbm>> -> memref<8x128xf32, #tpu.memory_space<hbm>>
      %dma_wait3A_1476 = arith.constant 0 : i32
      %dma_wait3A_1477 = arith.constant 0 : i32
      %dma_wait3A_1478 = tpu.memref_slice %arg6[%dma_wait3A_1467, %dma_wait3A_1468, %dma_wait3A_1476, %dma_wait3A_1477] : memref<2x8x32x128xf32, #tpu.memory_space<vmem>> -> memref<1x1x8x128xf32, #tpu.memory_space<vmem>>
      %dma_wait3A_1479 = tpu.memref_squeeze %dma_wait3A_1478 : memref<1x1x8x128xf32, #tpu.memory_space<vmem>> -> memref<8x128xf32, #tpu.memory_space<vmem>>
      %dma_wait3A_1480 = arith.constant 0 : i32
      %dma_wait3A_1481 = arith.constant 0 : i32
      %dma_wait3A_1482 = tpu.memref_slice %arg3[%dma_wait3A_1480, %dma_wait3A_1481] : memref<32x1000000xf32, #tpu.memory_space<hbm>> -> memref<8x128xf32, #tpu.memory_space<hbm>>
      tpu.wait_dma2 semaphore(%arg8 : memref<!tpu.dma_semaphore, #tpu.memory_space<semaphore_mem>>) src(%dma_wait3A_1482 : memref<8x128xf32, #tpu.memory_space<hbm>>) dst(%dma_wait3A_1479 : memref<8x128xf32, #tpu.memory_space<vmem>>)
      %dma_wait3A_1483 = arith.constant 0 : i32
      %dma_wait3A_1484 = arith.constant 6 : i32
      %dma_wait3A_1485 = arith.constant 8 : i32
      %dma_wait3A_1486 = arith.constant 0 : i32
      %dma_wait3A_1487 = tpu.memref_slice %arg6[%dma_wait3A_1483, %dma_wait3A_1484, %dma_wait3A_1485, %dma_wait3A_1486] : memref<2x8x32x128xf32, #tpu.memory_space<vmem>> -> memref<1x1x8x128xf32, #tpu.memory_space<vmem>>
      %dma_wait3A_1488 = tpu.memref_squeeze %dma_wait3A_1487 : memref<1x1x8x128xf32, #tpu.memory_space<vmem>> -> memref<8x128xf32, #tpu.memory_space<vmem>>
      %dma_wait3A_1489 = arith.constant 8 : i32
      %dma_wait3A_1490 = arith.constant 0 : i32
      %dma_wait3A_1491 = tpu.memref_slice %arg3[%dma_wait3A_1489, %dma_wait3A_1490] : memref<32x1000000xf32, #tpu.memory_space<hbm>> -> memref<8x128xf32, #tpu.memory_space<hbm>>
      %dma_wait3A_1492 = arith.constant 8 : i32
      %dma_wait3A_1493 = arith.constant 0 : i32
      %dma_wait3A_1494 = tpu.memref_slice %arg6[%dma_wait3A_1483, %dma_wait3A_1484, %dma_wait3A_1492, %dma_wait3A_1493] : memref<2x8x32x128xf32, #tpu.memory_space<vmem>> -> memref<1x1x8x128xf32, #tpu.memory_space<vmem>>
      %dma_wait3A_1495 = tpu.memref_squeeze %dma_wait3A_1494 : memref<1x1x8x128xf32, #tpu.memory_space<vmem>> -> memref<8x128xf32, #tpu.memory_space<vmem>>
      %dma_wait3A_1496 = arith.constant 8 : i32
      %dma_wait3A_1497 = arith.constant 0 : i32
      %dma_wait3A_1498 = tpu.memref_slice %arg3[%dma_wait3A_1496, %dma_wait3A_1497] : memref<32x1000000xf32, #tpu.memory_space<hbm>> -> memref<8x128xf32, #tpu.memory_space<hbm>>
      tpu.wait_dma2 semaphore(%arg8 : memref<!tpu.dma_semaphore, #tpu.memory_space<semaphore_mem>>) src(%dma_wait3A_1498 : memref<8x128xf32, #tpu.memory_space<hbm>>) dst(%dma_wait3A_1495 : memref<8x128xf32, #tpu.memory_space<vmem>>)
      %dma_wait3A_1499 = arith.constant 0 : i32
      %dma_wait3A_1500 = arith.constant 6 : i32
      %dma_wait3A_1501 = arith.constant 16 : i32
      %dma_wait3A_1502 = arith.constant 0 : i32
      %dma_wait3A_1503 = tpu.memref_slice %arg6[%dma_wait3A_1499, %dma_wait3A_1500, %dma_wait3A_1501, %dma_wait3A_1502] : memref<2x8x32x128xf32, #tpu.memory_space<vmem>> -> memref<1x1x8x128xf32, #tpu.memory_space<vmem>>
      %dma_wait3A_1504 = tpu.memref_squeeze %dma_wait3A_1503 : memref<1x1x8x128xf32, #tpu.memory_space<vmem>> -> memref<8x128xf32, #tpu.memory_space<vmem>>
      %dma_wait3A_1505 = arith.constant 16 : i32
      %dma_wait3A_1506 = arith.constant 0 : i32
      %dma_wait3A_1507 = tpu.memref_slice %arg3[%dma_wait3A_1505, %dma_wait3A_1506] : memref<32x1000000xf32, #tpu.memory_space<hbm>> -> memref<8x128xf32, #tpu.memory_space<hbm>>
      %dma_wait3A_1508 = arith.constant 16 : i32
      %dma_wait3A_1509 = arith.constant 0 : i32
      %dma_wait3A_1510 = tpu.memref_slice %arg6[%dma_wait3A_1499, %dma_wait3A_1500, %dma_wait3A_1508, %dma_wait3A_1509] : memref<2x8x32x128xf32, #tpu.memory_space<vmem>> -> memref<1x1x8x128xf32, #tpu.memory_space<vmem>>
      %dma_wait3A_1511 = tpu.memref_squeeze %dma_wait3A_1510 : memref<1x1x8x128xf32, #tpu.memory_space<vmem>> -> memref<8x128xf32, #tpu.memory_space<vmem>>
      %dma_wait3A_1512 = arith.constant 16 : i32
      %dma_wait3A_1513 = arith.constant 0 : i32
      %dma_wait3A_1514 = tpu.memref_slice %arg3[%dma_wait3A_1512, %dma_wait3A_1513] : memref<32x1000000xf32, #tpu.memory_space<hbm>> -> memref<8x128xf32, #tpu.memory_space<hbm>>
      tpu.wait_dma2 semaphore(%arg8 : memref<!tpu.dma_semaphore, #tpu.memory_space<semaphore_mem>>) src(%dma_wait3A_1514 : memref<8x128xf32, #tpu.memory_space<hbm>>) dst(%dma_wait3A_1511 : memref<8x128xf32, #tpu.memory_space<vmem>>)
      %dma_wait3A_1515 = arith.constant 0 : i32
      %dma_wait3A_1516 = arith.constant 6 : i32
      %dma_wait3A_1517 = arith.constant 24 : i32
      %dma_wait3A_1518 = arith.constant 0 : i32
      %dma_wait3A_1519 = tpu.memref_slice %arg6[%dma_wait3A_1515, %dma_wait3A_1516, %dma_wait3A_1517, %dma_wait3A_1518] : memref<2x8x32x128xf32, #tpu.memory_space<vmem>> -> memref<1x1x8x128xf32, #tpu.memory_space<vmem>>
      %dma_wait3A_1520 = tpu.memref_squeeze %dma_wait3A_1519 : memref<1x1x8x128xf32, #tpu.memory_space<vmem>> -> memref<8x128xf32, #tpu.memory_space<vmem>>
      %dma_wait3A_1521 = arith.constant 24 : i32
      %dma_wait3A_1522 = arith.constant 0 : i32
      %dma_wait3A_1523 = tpu.memref_slice %arg3[%dma_wait3A_1521, %dma_wait3A_1522] : memref<32x1000000xf32, #tpu.memory_space<hbm>> -> memref<8x128xf32, #tpu.memory_space<hbm>>
      %dma_wait3A_1524 = arith.constant 24 : i32
      %dma_wait3A_1525 = arith.constant 0 : i32
      %dma_wait3A_1526 = tpu.memref_slice %arg6[%dma_wait3A_1515, %dma_wait3A_1516, %dma_wait3A_1524, %dma_wait3A_1525] : memref<2x8x32x128xf32, #tpu.memory_space<vmem>> -> memref<1x1x8x128xf32, #tpu.memory_space<vmem>>
      %dma_wait3A_1527 = tpu.memref_squeeze %dma_wait3A_1526 : memref<1x1x8x128xf32, #tpu.memory_space<vmem>> -> memref<8x128xf32, #tpu.memory_space<vmem>>
      %dma_wait3A_1528 = arith.constant 24 : i32
      %dma_wait3A_1529 = arith.constant 0 : i32
      %dma_wait3A_1530 = tpu.memref_slice %arg3[%dma_wait3A_1528, %dma_wait3A_1529] : memref<32x1000000xf32, #tpu.memory_space<hbm>> -> memref<8x128xf32, #tpu.memory_space<hbm>>
      tpu.wait_dma2 semaphore(%arg8 : memref<!tpu.dma_semaphore, #tpu.memory_space<semaphore_mem>>) src(%dma_wait3A_1530 : memref<8x128xf32, #tpu.memory_space<hbm>>) dst(%dma_wait3A_1527 : memref<8x128xf32, #tpu.memory_space<vmem>>)
      %dma_wait3A_1531 = arith.constant 0 : i32
      %dma_wait3A_1532 = arith.constant 7 : i32
      %dma_wait3A_1533 = arith.constant 0 : i32
      %dma_wait3A_1534 = arith.constant 0 : i32
      %dma_wait3A_1535 = tpu.memref_slice %arg6[%dma_wait3A_1531, %dma_wait3A_1532, %dma_wait3A_1533, %dma_wait3A_1534] : memref<2x8x32x128xf32, #tpu.memory_space<vmem>> -> memref<1x1x8x128xf32, #tpu.memory_space<vmem>>
      %dma_wait3A_1536 = tpu.memref_squeeze %dma_wait3A_1535 : memref<1x1x8x128xf32, #tpu.memory_space<vmem>> -> memref<8x128xf32, #tpu.memory_space<vmem>>
      %dma_wait3A_1537 = arith.constant 0 : i32
      %dma_wait3A_1538 = arith.constant 0 : i32
      %dma_wait3A_1539 = tpu.memref_slice %arg3[%dma_wait3A_1537, %dma_wait3A_1538] : memref<32x1000000xf32, #tpu.memory_space<hbm>> -> memref<8x128xf32, #tpu.memory_space<hbm>>
      %dma_wait3A_1540 = arith.constant 0 : i32
      %dma_wait3A_1541 = arith.constant 0 : i32
      %dma_wait3A_1542 = tpu.memref_slice %arg6[%dma_wait3A_1531, %dma_wait3A_1532, %dma_wait3A_1540, %dma_wait3A_1541] : memref<2x8x32x128xf32, #tpu.memory_space<vmem>> -> memref<1x1x8x128xf32, #tpu.memory_space<vmem>>
      %dma_wait3A_1543 = tpu.memref_squeeze %dma_wait3A_1542 : memref<1x1x8x128xf32, #tpu.memory_space<vmem>> -> memref<8x128xf32, #tpu.memory_space<vmem>>
      %dma_wait3A_1544 = arith.constant 0 : i32
      %dma_wait3A_1545 = arith.constant 0 : i32
      %dma_wait3A_1546 = tpu.memref_slice %arg3[%dma_wait3A_1544, %dma_wait3A_1545] : memref<32x1000000xf32, #tpu.memory_space<hbm>> -> memref<8x128xf32, #tpu.memory_space<hbm>>
      tpu.wait_dma2 semaphore(%arg8 : memref<!tpu.dma_semaphore, #tpu.memory_space<semaphore_mem>>) src(%dma_wait3A_1546 : memref<8x128xf32, #tpu.memory_space<hbm>>) dst(%dma_wait3A_1543 : memref<8x128xf32, #tpu.memory_space<vmem>>)
      %dma_wait3A_1547 = arith.constant 0 : i32
      %dma_wait3A_1548 = arith.constant 7 : i32
      %dma_wait3A_1549 = arith.constant 8 : i32
      %dma_wait3A_1550 = arith.constant 0 : i32
      %dma_wait3A_1551 = tpu.memref_slice %arg6[%dma_wait3A_1547, %dma_wait3A_1548, %dma_wait3A_1549, %dma_wait3A_1550] : memref<2x8x32x128xf32, #tpu.memory_space<vmem>> -> memref<1x1x8x128xf32, #tpu.memory_space<vmem>>
      %dma_wait3A_1552 = tpu.memref_squeeze %dma_wait3A_1551 : memref<1x1x8x128xf32, #tpu.memory_space<vmem>> -> memref<8x128xf32, #tpu.memory_space<vmem>>
      %dma_wait3A_1553 = arith.constant 8 : i32
      %dma_wait3A_1554 = arith.constant 0 : i32
      %dma_wait3A_1555 = tpu.memref_slice %arg3[%dma_wait3A_1553, %dma_wait3A_1554] : memref<32x1000000xf32, #tpu.memory_space<hbm>> -> memref<8x128xf32, #tpu.memory_space<hbm>>
      %dma_wait3A_1556 = arith.constant 8 : i32
      %dma_wait3A_1557 = arith.constant 0 : i32
      %dma_wait3A_1558 = tpu.memref_slice %arg6[%dma_wait3A_1547, %dma_wait3A_1548, %dma_wait3A_1556, %dma_wait3A_1557] : memref<2x8x32x128xf32, #tpu.memory_space<vmem>> -> memref<1x1x8x128xf32, #tpu.memory_space<vmem>>
      %dma_wait3A_1559 = tpu.memref_squeeze %dma_wait3A_1558 : memref<1x1x8x128xf32, #tpu.memory_space<vmem>> -> memref<8x128xf32, #tpu.memory_space<vmem>>
      %dma_wait3A_1560 = arith.constant 8 : i32
      %dma_wait3A_1561 = arith.constant 0 : i32
      %dma_wait3A_1562 = tpu.memref_slice %arg3[%dma_wait3A_1560, %dma_wait3A_1561] : memref<32x1000000xf32, #tpu.memory_space<hbm>> -> memref<8x128xf32, #tpu.memory_space<hbm>>
      tpu.wait_dma2 semaphore(%arg8 : memref<!tpu.dma_semaphore, #tpu.memory_space<semaphore_mem>>) src(%dma_wait3A_1562 : memref<8x128xf32, #tpu.memory_space<hbm>>) dst(%dma_wait3A_1559 : memref<8x128xf32, #tpu.memory_space<vmem>>)
      %dma_wait3A_1563 = arith.constant 0 : i32
      %dma_wait3A_1564 = arith.constant 7 : i32
      %dma_wait3A_1565 = arith.constant 16 : i32
      %dma_wait3A_1566 = arith.constant 0 : i32
      %dma_wait3A_1567 = tpu.memref_slice %arg6[%dma_wait3A_1563, %dma_wait3A_1564, %dma_wait3A_1565, %dma_wait3A_1566] : memref<2x8x32x128xf32, #tpu.memory_space<vmem>> -> memref<1x1x8x128xf32, #tpu.memory_space<vmem>>
      %dma_wait3A_1568 = tpu.memref_squeeze %dma_wait3A_1567 : memref<1x1x8x128xf32, #tpu.memory_space<vmem>> -> memref<8x128xf32, #tpu.memory_space<vmem>>
      %dma_wait3A_1569 = arith.constant 16 : i32
      %dma_wait3A_1570 = arith.constant 0 : i32
      %dma_wait3A_1571 = tpu.memref_slice %arg3[%dma_wait3A_1569, %dma_wait3A_1570] : memref<32x1000000xf32, #tpu.memory_space<hbm>> -> memref<8x128xf32, #tpu.memory_space<hbm>>
      %dma_wait3A_1572 = arith.constant 16 : i32
      %dma_wait3A_1573 = arith.constant 0 : i32
      %dma_wait3A_1574 = tpu.memref_slice %arg6[%dma_wait3A_1563, %dma_wait3A_1564, %dma_wait3A_1572, %dma_wait3A_1573] : memref<2x8x32x128xf32, #tpu.memory_space<vmem>> -> memref<1x1x8x128xf32, #tpu.memory_space<vmem>>
      %dma_wait3A_1575 = tpu.memref_squeeze %dma_wait3A_1574 : memref<1x1x8x128xf32, #tpu.memory_space<vmem>> -> memref<8x128xf32, #tpu.memory_space<vmem>>
      %dma_wait3A_1576 = arith.constant 16 : i32
      %dma_wait3A_1577 = arith.constant 0 : i32
      %dma_wait3A_1578 = tpu.memref_slice %arg3[%dma_wait3A_1576, %dma_wait3A_1577] : memref<32x1000000xf32, #tpu.memory_space<hbm>> -> memref<8x128xf32, #tpu.memory_space<hbm>>
      tpu.wait_dma2 semaphore(%arg8 : memref<!tpu.dma_semaphore, #tpu.memory_space<semaphore_mem>>) src(%dma_wait3A_1578 : memref<8x128xf32, #tpu.memory_space<hbm>>) dst(%dma_wait3A_1575 : memref<8x128xf32, #tpu.memory_space<vmem>>)
      %dma_wait3A_1579 = arith.constant 0 : i32
      %dma_wait3A_1580 = arith.constant 7 : i32
      %dma_wait3A_1581 = arith.constant 24 : i32
      %dma_wait3A_1582 = arith.constant 0 : i32
      %dma_wait3A_1583 = tpu.memref_slice %arg6[%dma_wait3A_1579, %dma_wait3A_1580, %dma_wait3A_1581, %dma_wait3A_1582] : memref<2x8x32x128xf32, #tpu.memory_space<vmem>> -> memref<1x1x8x128xf32, #tpu.memory_space<vmem>>
      %dma_wait3A_1584 = tpu.memref_squeeze %dma_wait3A_1583 : memref<1x1x8x128xf32, #tpu.memory_space<vmem>> -> memref<8x128xf32, #tpu.memory_space<vmem>>
      %dma_wait3A_1585 = arith.constant 24 : i32
      %dma_wait3A_1586 = arith.constant 0 : i32
      %dma_wait3A_1587 = tpu.memref_slice %arg3[%dma_wait3A_1585, %dma_wait3A_1586] : memref<32x1000000xf32, #tpu.memory_space<hbm>> -> memref<8x128xf32, #tpu.memory_space<hbm>>
      %dma_wait3A_1588 = arith.constant 24 : i32
      %dma_wait3A_1589 = arith.constant 0 : i32
      %dma_wait3A_1590 = tpu.memref_slice %arg6[%dma_wait3A_1579, %dma_wait3A_1580, %dma_wait3A_1588, %dma_wait3A_1589] : memref<2x8x32x128xf32, #tpu.memory_space<vmem>> -> memref<1x1x8x128xf32, #tpu.memory_space<vmem>>
      %dma_wait3A_1591 = tpu.memref_squeeze %dma_wait3A_1590 : memref<1x1x8x128xf32, #tpu.memory_space<vmem>> -> memref<8x128xf32, #tpu.memory_space<vmem>>
      %dma_wait3A_1592 = arith.constant 24 : i32
      %dma_wait3A_1593 = arith.constant 0 : i32
      %dma_wait3A_1594 = tpu.memref_slice %arg3[%dma_wait3A_1592, %dma_wait3A_1593] : memref<32x1000000xf32, #tpu.memory_space<hbm>> -> memref<8x128xf32, #tpu.memory_space<hbm>>
      tpu.wait_dma2 semaphore(%arg8 : memref<!tpu.dma_semaphore, #tpu.memory_space<semaphore_mem>>) src(%dma_wait3A_1594 : memref<8x128xf32, #tpu.memory_space<hbm>>) dst(%dma_wait3A_1591 : memref<8x128xf32, #tpu.memory_space<vmem>>)
      %mul3A_1595 = arith.constant 2 : i32
      %mul3A_1596 = arith.muli %scan3A_532, %mul3A_1595 : i32
      %mul3A_1597 = arith.constant 8 : i32
      %mul3A_1598 = arith.muli %mul3A_1596, %mul3A_1597 : i32
      %add3A_1599 = arith.constant 0 : i32
      %add3A_1600 = arith.addi %mul3A_1598, %add3A_1599 : i32
      %and3A = arith.constant 127 : i32
      %and3A_1601 = arith.andi %squeeze3A_541, %and3A : i32
      %broadcast_in_dim3A = arith.constant 0 : i32
      %broadcast_in_dim3A_1602 = vector.broadcast %broadcast_in_dim3A : i32 to vector<16xi32>
      %add3A_1603 = vector.broadcast %and3A_1601 : i32 to vector<16xi32>
      %add3A_1604 = arith.addi %broadcast_in_dim3A_1602, %add3A_1603 : vector<16xi32>
      %gather3A = arith.constant 0 : i32
      %gather3A_1605 = arith.constant 0 : i32
      %gather3A_1606 = arith.constant 0 : i32
      %gather3A_1607 = arith.constant 0 : i32
      %gather3A_1608 = tpu.memref_slice %arg6[%gather3A, %gather3A_1605, %gather3A_1606, %gather3A_1607] : memref<2x8x32x128xf32, #tpu.memory_space<vmem>> -> memref<1x1x32x128xf32, #tpu.memory_space<vmem>>
      %gather3A_1609 = tpu.memref_squeeze %gather3A_1608 : memref<1x1x32x128xf32, #tpu.memory_space<vmem>> -> memref<32x128xf32, #tpu.memory_space<vmem>>
      %gather3A_1610 = tpu.vector_load_idx %gather3A_1609[%iota3A, %add3A_1604] : memref<32x128xf32, #tpu.memory_space<vmem>>[vector<16xi32>, vector<16xi32>], vector<16xf32>,
      %add3A_1611 = arith.constant 16 : i32
      %add3A_1612 = vector.broadcast %add3A_1611 : i32 to vector<16xi32>
      %add3A_1613 = arith.addi %iota3A, %add3A_1612 : vector<16xi32>
      %gather3A_1614 = arith.constant 0 : i32
      %gather3A_1615 = arith.constant 0 : i32
      %gather3A_1616 = arith.constant 0 : i32
      %gather3A_1617 = arith.constant 0 : i32
      %gather3A_1618 = tpu.memref_slice %arg6[%gather3A_1614, %gather3A_1615, %gather3A_1616, %gather3A_1617] : memref<2x8x32x128xf32, #tpu.memory_space<vmem>> -> memref<1x1x32x128xf32, #tpu.memory_space<vmem>>
      %gather3A_1619 = tpu.memref_squeeze %gather3A_1618 : memref<1x1x32x128xf32, #tpu.memory_space<vmem>> -> memref<32x128xf32, #tpu.memory_space<vmem>>
      %gather3A_1620 = tpu.vector_load_idx %gather3A_1619[%add3A_1613, %add3A_1604] : memref<32x128xf32, #tpu.memory_space<vmem>>[vector<16xi32>, vector<16xi32>], vector<16xf32>,
      %mul3A_1621 = arith.constant 32 : i32
      %mul3A_1622 = arith.muli %add3A_1600, %mul3A_1621 : i32
      %swap3A = arith.index_cast %mul3A_1622 : i32 to index
      %swap3A_1623 = tpu.vector_load %arg7[%swap3A] {strides = array<i32>} : memref<16384xf32, #tpu.memory_space<vmem>>, vector<16xf32>,
      tpu.vector_store %arg7[%swap3A], %gather3A_1610 {strides = array<i32>} : memref<16384xf32, #tpu.memory_space<vmem>>, vector<16xf32>,
      %mul3A_1624 = arith.constant 32 : i32
      %mul3A_1625 = arith.muli %add3A_1600, %mul3A_1624 : i32
      %add3A_1626 = arith.constant 16 : i32
      %add3A_1627 = arith.addi %mul3A_1625, %add3A_1626 : i32
      %swap3A_1628 = arith.index_cast %add3A_1627 : i32 to index
      %swap3A_1629 = tpu.vector_load %arg7[%swap3A_1628] {strides = array<i32>} : memref<16384xf32, #tpu.memory_space<vmem>>, vector<16xf32>,
      tpu.vector_store %arg7[%swap3A_1628], %gather3A_1620 {strides = array<i32>} : memref<16384xf32, #tpu.memory_space<vmem>>, vector<16xf32>,
      %mul3A_1630 = arith.constant 2 : i32
      %mul3A_1631 = arith.muli %scan3A_532, %mul3A_1630 : i32
      %mul3A_1632 = arith.constant 8 : i32
      %mul3A_1633 = arith.muli %mul3A_1631, %mul3A_1632 : i32
      %add3A_1634 = arith.constant 1 : i32
      %add3A_1635 = arith.addi %mul3A_1633, %add3A_1634 : i32
      %and3A_1636 = arith.constant 127 : i32
      %and3A_1637 = arith.andi %squeeze3A_543, %and3A_1636 : i32
      %broadcast_in_dim3A_1638 = arith.constant 0 : i32
      %broadcast_in_dim3A_1639 = vector.broadcast %broadcast_in_dim3A_1638 : i32 to vector<16xi32>
      %add3A_1640 = vector.broadcast %and3A_1637 : i32 to vector<16xi32>
      %add3A_1641 = arith.addi %broadcast_in_dim3A_1639, %add3A_1640 : vector<16xi32>
      %gather3A_1642 = arith.constant 0 : i32
      %gather3A_1643 = arith.constant 1 : i32
      %gather3A_1644 = arith.constant 0 : i32
      %gather3A_1645 = arith.constant 0 : i32
      %gather3A_1646 = tpu.memref_slice %arg6[%gather3A_1642, %gather3A_1643, %gather3A_1644, %gather3A_1645] : memref<2x8x32x128xf32, #tpu.memory_space<vmem>> -> memref<1x1x32x128xf32, #tpu.memory_space<vmem>>
      %gather3A_1647 = tpu.memref_squeeze %gather3A_1646 : memref<1x1x32x128xf32, #tpu.memory_space<vmem>> -> memref<32x128xf32, #tpu.memory_space<vmem>>
      %gather3A_1648 = tpu.vector_load_idx %gather3A_1647[%iota3A, %add3A_1641] : memref<32x128xf32, #tpu.memory_space<vmem>>[vector<16xi32>, vector<16xi32>], vector<16xf32>,
      %add3A_1649 = arith.constant 16 : i32
      %add3A_1650 = vector.broadcast %add3A_1649 : i32 to vector<16xi32>
      %add3A_1651 = arith.addi %iota3A, %add3A_1650 : vector<16xi32>
      %gather3A_1652 = arith.constant 0 : i32
      %gather3A_1653 = arith.constant 1 : i32
      %gather3A_1654 = arith.constant 0 : i32
      %gather3A_1655 = arith.constant 0 : i32
      %gather3A_1656 = tpu.memref_slice %arg6[%gather3A_1652, %gather3A_1653, %gather3A_1654, %gather3A_1655] : memref<2x8x32x128xf32, #tpu.memory_space<vmem>> -> memref<1x1x32x128xf32, #tpu.memory_space<vmem>>
      %gather3A_1657 = tpu.memref_squeeze %gather3A_1656 : memref<1x1x32x128xf32, #tpu.memory_space<vmem>> -> memref<32x128xf32, #tpu.memory_space<vmem>>
      %gather3A_1658 = tpu.vector_load_idx %gather3A_1657[%add3A_1651, %add3A_1641] : memref<32x128xf32, #tpu.memory_space<vmem>>[vector<16xi32>, vector<16xi32>], vector<16xf32>,
      %mul3A_1659 = arith.constant 32 : i32
      %mul3A_1660 = arith.muli %add3A_1635, %mul3A_1659 : i32
      %swap3A_1661 = arith.index_cast %mul3A_1660 : i32 to index
      %swap3A_1662 = tpu.vector_load %arg7[%swap3A_1661] {strides = array<i32>} : memref<16384xf32, #tpu.memory_space<vmem>>, vector<16xf32>,
      tpu.vector_store %arg7[%swap3A_1661], %gather3A_1648 {strides = array<i32>} : memref<16384xf32, #tpu.memory_space<vmem>>, vector<16xf32>,
      %mul3A_1663 = arith.constant 32 : i32
      %mul3A_1664 = arith.muli %add3A_1635, %mul3A_1663 : i32
      %add3A_1665 = arith.constant 16 : i32
      %add3A_1666 = arith.addi %mul3A_1664, %add3A_1665 : i32
      %swap3A_1667 = arith.index_cast %add3A_1666 : i32 to index
      %swap3A_1668 = tpu.vector_load %arg7[%swap3A_1667] {strides = array<i32>} : memref<16384xf32, #tpu.memory_space<vmem>>, vector<16xf32>,
      tpu.vector_store %arg7[%swap3A_1667], %gather3A_1658 {strides = array<i32>} : memref<16384xf32, #tpu.memory_space<vmem>>, vector<16xf32>,
      %mul3A_1669 = arith.constant 2 : i32
      %mul3A_1670 = arith.muli %scan3A_532, %mul3A_1669 : i32
      %mul3A_1671 = arith.constant 8 : i32
      %mul3A_1672 = arith.muli %mul3A_1670, %mul3A_1671 : i32
      %add3A_1673 = arith.constant 2 : i32
      %add3A_1674 = arith.addi %mul3A_1672, %add3A_1673 : i32
      %and3A_1675 = arith.constant 127 : i32
      %and3A_1676 = arith.andi %squeeze3A_545, %and3A_1675 : i32
      %broadcast_in_dim3A_1677 = arith.constant 0 : i32
      %broadcast_in_dim3A_1678 = vector.broadcast %broadcast_in_dim3A_1677 : i32 to vector<16xi32>
      %add3A_1679 = vector.broadcast %and3A_1676 : i32 to vector<16xi32>
      %add3A_1680 = arith.addi %broadcast_in_dim3A_1678, %add3A_1679 : vector<16xi32>
      %gather3A_1681 = arith.constant 0 : i32
      %gather3A_1682 = arith.constant 2 : i32
      %gather3A_1683 = arith.constant 0 : i32
      %gather3A_1684 = arith.constant 0 : i32
      %gather3A_1685 = tpu.memref_slice %arg6[%gather3A_1681, %gather3A_1682, %gather3A_1683, %gather3A_1684] : memref<2x8x32x128xf32, #tpu.memory_space<vmem>> -> memref<1x1x32x128xf32, #tpu.memory_space<vmem>>
      %gather3A_1686 = tpu.memref_squeeze %gather3A_1685 : memref<1x1x32x128xf32, #tpu.memory_space<vmem>> -> memref<32x128xf32, #tpu.memory_space<vmem>>
      %gather3A_1687 = tpu.vector_load_idx %gather3A_1686[%iota3A, %add3A_1680] : memref<32x128xf32, #tpu.memory_space<vmem>>[vector<16xi32>, vector<16xi32>], vector<16xf32>,
      %add3A_1688 = arith.constant 16 : i32
      %add3A_1689 = vector.broadcast %add3A_1688 : i32 to vector<16xi32>
      %add3A_1690 = arith.addi %iota3A, %add3A_1689 : vector<16xi32>
      %gather3A_1691 = arith.constant 0 : i32
      %gather3A_1692 = arith.constant 2 : i32
      %gather3A_1693 = arith.constant 0 : i32
      %gather3A_1694 = arith.constant 0 : i32
      %gather3A_1695 = tpu.memref_slice %arg6[%gather3A_1691, %gather3A_1692, %gather3A_1693, %gather3A_1694] : memref<2x8x32x128xf32, #tpu.memory_space<vmem>> -> memref<1x1x32x128xf32, #tpu.memory_space<vmem>>
      %gather3A_1696 = tpu.memref_squeeze %gather3A_1695 : memref<1x1x32x128xf32, #tpu.memory_space<vmem>> -> memref<32x128xf32, #tpu.memory_space<vmem>>
      %gather3A_1697 = tpu.vector_load_idx %gather3A_1696[%add3A_1690, %add3A_1680] : memref<32x128xf32, #tpu.memory_space<vmem>>[vector<16xi32>, vector<16xi32>], vector<16xf32>,
      %mul3A_1698 = arith.constant 32 : i32
      %mul3A_1699 = arith.muli %add3A_1674, %mul3A_1698 : i32
      %swap3A_1700 = arith.index_cast %mul3A_1699 : i32 to index
      %swap3A_1701 = tpu.vector_load %arg7[%swap3A_1700] {strides = array<i32>} : memref<16384xf32, #tpu.memory_space<vmem>>, vector<16xf32>,
      tpu.vector_store %arg7[%swap3A_1700], %gather3A_1687 {strides = array<i32>} : memref<16384xf32, #tpu.memory_space<vmem>>, vector<16xf32>,
      %mul3A_1702 = arith.constant 32 : i32
      %mul3A_1703 = arith.muli %add3A_1674, %mul3A_1702 : i32
      %add3A_1704 = arith.constant 16 : i32
      %add3A_1705 = arith.addi %mul3A_1703, %add3A_1704 : i32
      %swap3A_1706 = arith.index_cast %add3A_1705 : i32 to index
      %swap3A_1707 = tpu.vector_load %arg7[%swap3A_1706] {strides = array<i32>} : memref<16384xf32, #tpu.memory_space<vmem>>, vector<16xf32>,
      tpu.vector_store %arg7[%swap3A_1706], %gather3A_1697 {strides = array<i32>} : memref<16384xf32, #tpu.memory_space<vmem>>, vector<16xf32>,
      %mul3A_1708 = arith.constant 2 : i32
      %mul3A_1709 = arith.muli %scan3A_532, %mul3A_1708 : i32
      %mul3A_1710 = arith.constant 8 : i32
      %mul3A_1711 = arith.muli %mul3A_1709, %mul3A_1710 : i32
      %add3A_1712 = arith.constant 3 : i32
      %add3A_1713 = arith.addi %mul3A_1711, %add3A_1712 : i32
      %and3A_1714 = arith.constant 127 : i32
      %and3A_1715 = arith.andi %squeeze3A_547, %and3A_1714 : i32
      %broadcast_in_dim3A_1716 = arith.constant 0 : i32
      %broadcast_in_dim3A_1717 = vector.broadcast %broadcast_in_dim3A_1716 : i32 to vector<16xi32>
      %add3A_1718 = vector.broadcast %and3A_1715 : i32 to vector<16xi32>
      %add3A_1719 = arith.addi %broadcast_in_dim3A_1717, %add3A_1718 : vector<16xi32>
      %gather3A_1720 = arith.constant 0 : i32
      %gather3A_1721 = arith.constant 3 : i32
      %gather3A_1722 = arith.constant 0 : i32
      %gather3A_1723 = arith.constant 0 : i32
      %gather3A_1724 = tpu.memref_slice %arg6[%gather3A_1720, %gather3A_1721, %gather3A_1722, %gather3A_1723] : memref<2x8x32x128xf32, #tpu.memory_space<vmem>> -> memref<1x1x32x128xf32, #tpu.memory_space<vmem>>
      %gather3A_1725 = tpu.memref_squeeze %gather3A_1724 : memref<1x1x32x128xf32, #tpu.memory_space<vmem>> -> memref<32x128xf32, #tpu.memory_space<vmem>>
      %gather3A_1726 = tpu.vector_load_idx %gather3A_1725[%iota3A, %add3A_1719] : memref<32x128xf32, #tpu.memory_space<vmem>>[vector<16xi32>, vector<16xi32>], vector<16xf32>,
      %add3A_1727 = arith.constant 16 : i32
      %add3A_1728 = vector.broadcast %add3A_1727 : i32 to vector<16xi32>
      %add3A_1729 = arith.addi %iota3A, %add3A_1728 : vector<16xi32>
      %gather3A_1730 = arith.constant 0 : i32
      %gather3A_1731 = arith.constant 3 : i32
      %gather3A_1732 = arith.constant 0 : i32
      %gather3A_1733 = arith.constant 0 : i32
      %gather3A_1734 = tpu.memref_slice %arg6[%gather3A_1730, %gather3A_1731, %gather3A_1732, %gather3A_1733] : memref<2x8x32x128xf32, #tpu.memory_space<vmem>> -> memref<1x1x32x128xf32, #tpu.memory_space<vmem>>
      %gather3A_1735 = tpu.memref_squeeze %gather3A_1734 : memref<1x1x32x128xf32, #tpu.memory_space<vmem>> -> memref<32x128xf32, #tpu.memory_space<vmem>>
      %gather3A_1736 = tpu.vector_load_idx %gather3A_1735[%add3A_1729, %add3A_1719] : memref<32x128xf32, #tpu.memory_space<vmem>>[vector<16xi32>, vector<16xi32>], vector<16xf32>,
      %mul3A_1737 = arith.constant 32 : i32
      %mul3A_1738 = arith.muli %add3A_1713, %mul3A_1737 : i32
      %swap3A_1739 = arith.index_cast %mul3A_1738 : i32 to index
      %swap3A_1740 = tpu.vector_load %arg7[%swap3A_1739] {strides = array<i32>} : memref<16384xf32, #tpu.memory_space<vmem>>, vector<16xf32>,
      tpu.vector_store %arg7[%swap3A_1739], %gather3A_1726 {strides = array<i32>} : memref<16384xf32, #tpu.memory_space<vmem>>, vector<16xf32>,
      %mul3A_1741 = arith.constant 32 : i32
      %mul3A_1742 = arith.muli %add3A_1713, %mul3A_1741 : i32
      %add3A_1743 = arith.constant 16 : i32
      %add3A_1744 = arith.addi %mul3A_1742, %add3A_1743 : i32
      %swap3A_1745 = arith.index_cast %add3A_1744 : i32 to index
      %swap3A_1746 = tpu.vector_load %arg7[%swap3A_1745] {strides = array<i32>} : memref<16384xf32, #tpu.memory_space<vmem>>, vector<16xf32>,
      tpu.vector_store %arg7[%swap3A_1745], %gather3A_1736 {strides = array<i32>} : memref<16384xf32, #tpu.memory_space<vmem>>, vector<16xf32>,
      %mul3A_1747 = arith.constant 2 : i32
      %mul3A_1748 = arith.muli %scan3A_532, %mul3A_1747 : i32
      %mul3A_1749 = arith.constant 8 : i32
      %mul3A_1750 = arith.muli %mul3A_1748, %mul3A_1749 : i32
      %add3A_1751 = arith.constant 4 : i32
      %add3A_1752 = arith.addi %mul3A_1750, %add3A_1751 : i32
      %and3A_1753 = arith.constant 127 : i32
      %and3A_1754 = arith.andi %squeeze3A_549, %and3A_1753 : i32
      %broadcast_in_dim3A_1755 = arith.constant 0 : i32
      %broadcast_in_dim3A_1756 = vector.broadcast %broadcast_in_dim3A_1755 : i32 to vector<16xi32>
      %add3A_1757 = vector.broadcast %and3A_1754 : i32 to vector<16xi32>
      %add3A_1758 = arith.addi %broadcast_in_dim3A_1756, %add3A_1757 : vector<16xi32>
      %gather3A_1759 = arith.constant 0 : i32
      %gather3A_1760 = arith.constant 4 : i32
      %gather3A_1761 = arith.constant 0 : i32
      %gather3A_1762 = arith.constant 0 : i32
      %gather3A_1763 = tpu.memref_slice %arg6[%gather3A_1759, %gather3A_1760, %gather3A_1761, %gather3A_1762] : memref<2x8x32x128xf32, #tpu.memory_space<vmem>> -> memref<1x1x32x128xf32, #tpu.memory_space<vmem>>
      %gather3A_1764 = tpu.memref_squeeze %gather3A_1763 : memref<1x1x32x128xf32, #tpu.memory_space<vmem>> -> memref<32x128xf32, #tpu.memory_space<vmem>>
      %gather3A_1765 = tpu.vector_load_idx %gather3A_1764[%iota3A, %add3A_1758] : memref<32x128xf32, #tpu.memory_space<vmem>>[vector<16xi32>, vector<16xi32>], vector<16xf32>,
      %add3A_1766 = arith.constant 16 : i32
      %add3A_1767 = vector.broadcast %add3A_1766 : i32 to vector<16xi32>
      %add3A_1768 = arith.addi %iota3A, %add3A_1767 : vector<16xi32>
      %gather3A_1769 = arith.constant 0 : i32
      %gather3A_1770 = arith.constant 4 : i32
      %gather3A_1771 = arith.constant 0 : i32
      %gather3A_1772 = arith.constant 0 : i32
      %gather3A_1773 = tpu.memref_slice %arg6[%gather3A_1769, %gather3A_1770, %gather3A_1771, %gather3A_1772] : memref<2x8x32x128xf32, #tpu.memory_space<vmem>> -> memref<1x1x32x128xf32, #tpu.memory_space<vmem>>
      %gather3A_1774 = tpu.memref_squeeze %gather3A_1773 : memref<1x1x32x128xf32, #tpu.memory_space<vmem>> -> memref<32x128xf32, #tpu.memory_space<vmem>>
      %gather3A_1775 = tpu.vector_load_idx %gather3A_1774[%add3A_1768, %add3A_1758] : memref<32x128xf32, #tpu.memory_space<vmem>>[vector<16xi32>, vector<16xi32>], vector<16xf32>,
      %mul3A_1776 = arith.constant 32 : i32
      %mul3A_1777 = arith.muli %add3A_1752, %mul3A_1776 : i32
      %swap3A_1778 = arith.index_cast %mul3A_1777 : i32 to index
      %swap3A_1779 = tpu.vector_load %arg7[%swap3A_1778] {strides = array<i32>} : memref<16384xf32, #tpu.memory_space<vmem>>, vector<16xf32>,
      tpu.vector_store %arg7[%swap3A_1778], %gather3A_1765 {strides = array<i32>} : memref<16384xf32, #tpu.memory_space<vmem>>, vector<16xf32>,
      %mul3A_1780 = arith.constant 32 : i32
      %mul3A_1781 = arith.muli %add3A_1752, %mul3A_1780 : i32
      %add3A_1782 = arith.constant 16 : i32
      %add3A_1783 = arith.addi %mul3A_1781, %add3A_1782 : i32
      %swap3A_1784 = arith.index_cast %add3A_1783 : i32 to index
      %swap3A_1785 = tpu.vector_load %arg7[%swap3A_1784] {strides = array<i32>} : memref<16384xf32, #tpu.memory_space<vmem>>, vector<16xf32>,
      tpu.vector_store %arg7[%swap3A_1784], %gather3A_1775 {strides = array<i32>} : memref<16384xf32, #tpu.memory_space<vmem>>, vector<16xf32>,
      %mul3A_1786 = arith.constant 2 : i32
      %mul3A_1787 = arith.muli %scan3A_532, %mul3A_1786 : i32
      %mul3A_1788 = arith.constant 8 : i32
      %mul3A_1789 = arith.muli %mul3A_1787, %mul3A_1788 : i32
      %add3A_1790 = arith.constant 5 : i32
      %add3A_1791 = arith.addi %mul3A_1789, %add3A_1790 : i32
      %and3A_1792 = arith.constant 127 : i32
      %and3A_1793 = arith.andi %squeeze3A_551, %and3A_1792 : i32
      %broadcast_in_dim3A_1794 = arith.constant 0 : i32
      %broadcast_in_dim3A_1795 = vector.broadcast %broadcast_in_dim3A_1794 : i32 to vector<16xi32>
      %add3A_1796 = vector.broadcast %and3A_1793 : i32 to vector<16xi32>
      %add3A_1797 = arith.addi %broadcast_in_dim3A_1795, %add3A_1796 : vector<16xi32>
      %gather3A_1798 = arith.constant 0 : i32
      %gather3A_1799 = arith.constant 5 : i32
      %gather3A_1800 = arith.constant 0 : i32
      %gather3A_1801 = arith.constant 0 : i32
      %gather3A_1802 = tpu.memref_slice %arg6[%gather3A_1798, %gather3A_1799, %gather3A_1800, %gather3A_1801] : memref<2x8x32x128xf32, #tpu.memory_space<vmem>> -> memref<1x1x32x128xf32, #tpu.memory_space<vmem>>
      %gather3A_1803 = tpu.memref_squeeze %gather3A_1802 : memref<1x1x32x128xf32, #tpu.memory_space<vmem>> -> memref<32x128xf32, #tpu.memory_space<vmem>>
      %gather3A_1804 = tpu.vector_load_idx %gather3A_1803[%iota3A, %add3A_1797] : memref<32x128xf32, #tpu.memory_space<vmem>>[vector<16xi32>, vector<16xi32>], vector<16xf32>,
      %add3A_1805 = arith.constant 16 : i32
      %add3A_1806 = vector.broadcast %add3A_1805 : i32 to vector<16xi32>
      %add3A_1807 = arith.addi %iota3A, %add3A_1806 : vector<16xi32>
      %gather3A_1808 = arith.constant 0 : i32
      %gather3A_1809 = arith.constant 5 : i32
      %gather3A_1810 = arith.constant 0 : i32
      %gather3A_1811 = arith.constant 0 : i32
      %gather3A_1812 = tpu.memref_slice %arg6[%gather3A_1808, %gather3A_1809, %gather3A_1810, %gather3A_1811] : memref<2x8x32x128xf32, #tpu.memory_space<vmem>> -> memref<1x1x32x128xf32, #tpu.memory_space<vmem>>
      %gather3A_1813 = tpu.memref_squeeze %gather3A_1812 : memref<1x1x32x128xf32, #tpu.memory_space<vmem>> -> memref<32x128xf32, #tpu.memory_space<vmem>>
      %gather3A_1814 = tpu.vector_load_idx %gather3A_1813[%add3A_1807, %add3A_1797] : memref<32x128xf32, #tpu.memory_space<vmem>>[vector<16xi32>, vector<16xi32>], vector<16xf32>,
      %mul3A_1815 = arith.constant 32 : i32
      %mul3A_1816 = arith.muli %add3A_1791, %mul3A_1815 : i32
      %swap3A_1817 = arith.index_cast %mul3A_1816 : i32 to index
      %swap3A_1818 = tpu.vector_load %arg7[%swap3A_1817] {strides = array<i32>} : memref<16384xf32, #tpu.memory_space<vmem>>, vector<16xf32>,
      tpu.vector_store %arg7[%swap3A_1817], %gather3A_1804 {strides = array<i32>} : memref<16384xf32, #tpu.memory_space<vmem>>, vector<16xf32>,
      %mul3A_1819 = arith.constant 32 : i32
      %mul3A_1820 = arith.muli %add3A_1791, %mul3A_1819 : i32
      %add3A_1821 = arith.constant 16 : i32
      %add3A_1822 = arith.addi %mul3A_1820, %add3A_1821 : i32
      %swap3A_1823 = arith.index_cast %add3A_1822 : i32 to index
      %swap3A_1824 = tpu.vector_load %arg7[%swap3A_1823] {strides = array<i32>} : memref<16384xf32, #tpu.memory_space<vmem>>, vector<16xf32>,
      tpu.vector_store %arg7[%swap3A_1823], %gather3A_1814 {strides = array<i32>} : memref<16384xf32, #tpu.memory_space<vmem>>, vector<16xf32>,
      %mul3A_1825 = arith.constant 2 : i32
      %mul3A_1826 = arith.muli %scan3A_532, %mul3A_1825 : i32
      %mul3A_1827 = arith.constant 8 : i32
      %mul3A_1828 = arith.muli %mul3A_1826, %mul3A_1827 : i32
      %add3A_1829 = arith.constant 6 : i32
      %add3A_1830 = arith.addi %mul3A_1828, %add3A_1829 : i32
      %and3A_1831 = arith.constant 127 : i32
      %and3A_1832 = arith.andi %squeeze3A_553, %and3A_1831 : i32
      %broadcast_in_dim3A_1833 = arith.constant 0 : i32
      %broadcast_in_dim3A_1834 = vector.broadcast %broadcast_in_dim3A_1833 : i32 to vector<16xi32>
      %add3A_1835 = vector.broadcast %and3A_1832 : i32 to vector<16xi32>
      %add3A_1836 = arith.addi %broadcast_in_dim3A_1834, %add3A_1835 : vector<16xi32>
      %gather3A_1837 = arith.constant 0 : i32
      %gather3A_1838 = arith.constant 6 : i32
      %gather3A_1839 = arith.constant 0 : i32
      %gather3A_1840 = arith.constant 0 : i32
      %gather3A_1841 = tpu.memref_slice %arg6[%gather3A_1837, %gather3A_1838, %gather3A_1839, %gather3A_1840] : memref<2x8x32x128xf32, #tpu.memory_space<vmem>> -> memref<1x1x32x128xf32, #tpu.memory_space<vmem>>
      %gather3A_1842 = tpu.memref_squeeze %gather3A_1841 : memref<1x1x32x128xf32, #tpu.memory_space<vmem>> -> memref<32x128xf32, #tpu.memory_space<vmem>>
      %gather3A_1843 = tpu.vector_load_idx %gather3A_1842[%iota3A, %add3A_1836] : memref<32x128xf32, #tpu.memory_space<vmem>>[vector<16xi32>, vector<16xi32>], vector<16xf32>,
      %add3A_1844 = arith.constant 16 : i32
      %add3A_1845 = vector.broadcast %add3A_1844 : i32 to vector<16xi32>
      %add3A_1846 = arith.addi %iota3A, %add3A_1845 : vector<16xi32>
      %gather3A_1847 = arith.constant 0 : i32
      %gather3A_1848 = arith.constant 6 : i32
      %gather3A_1849 = arith.constant 0 : i32
      %gather3A_1850 = arith.constant 0 : i32
      %gather3A_1851 = tpu.memref_slice %arg6[%gather3A_1847, %gather3A_1848, %gather3A_1849, %gather3A_1850] : memref<2x8x32x128xf32, #tpu.memory_space<vmem>> -> memref<1x1x32x128xf32, #tpu.memory_space<vmem>>
      %gather3A_1852 = tpu.memref_squeeze %gather3A_1851 : memref<1x1x32x128xf32, #tpu.memory_space<vmem>> -> memref<32x128xf32, #tpu.memory_space<vmem>>
      %gather3A_1853 = tpu.vector_load_idx %gather3A_1852[%add3A_1846, %add3A_1836] : memref<32x128xf32, #tpu.memory_space<vmem>>[vector<16xi32>, vector<16xi32>], vector<16xf32>,
      %mul3A_1854 = arith.constant 32 : i32
      %mul3A_1855 = arith.muli %add3A_1830, %mul3A_1854 : i32
      %swap3A_1856 = arith.index_cast %mul3A_1855 : i32 to index
      %swap3A_1857 = tpu.vector_load %arg7[%swap3A_1856] {strides = array<i32>} : memref<16384xf32, #tpu.memory_space<vmem>>, vector<16xf32>,
      tpu.vector_store %arg7[%swap3A_1856], %gather3A_1843 {strides = array<i32>} : memref<16384xf32, #tpu.memory_space<vmem>>, vector<16xf32>,
      %mul3A_1858 = arith.constant 32 : i32
      %mul3A_1859 = arith.muli %add3A_1830, %mul3A_1858 : i32
      %add3A_1860 = arith.constant 16 : i32
      %add3A_1861 = arith.addi %mul3A_1859, %add3A_1860 : i32
      %swap3A_1862 = arith.index_cast %add3A_1861 : i32 to index
      %swap3A_1863 = tpu.vector_load %arg7[%swap3A_1862] {strides = array<i32>} : memref<16384xf32, #tpu.memory_space<vmem>>, vector<16xf32>,
      tpu.vector_store %arg7[%swap3A_1862], %gather3A_1853 {strides = array<i32>} : memref<16384xf32, #tpu.memory_space<vmem>>, vector<16xf32>,
      %mul3A_1864 = arith.constant 2 : i32
      %mul3A_1865 = arith.muli %scan3A_532, %mul3A_1864 : i32
      %mul3A_1866 = arith.constant 8 : i32
      %mul3A_1867 = arith.muli %mul3A_1865, %mul3A_1866 : i32
      %add3A_1868 = arith.constant 7 : i32
      %add3A_1869 = arith.addi %mul3A_1867, %add3A_1868 : i32
      %and3A_1870 = arith.constant 127 : i32
      %and3A_1871 = arith.andi %squeeze3A_555, %and3A_1870 : i32
      %broadcast_in_dim3A_1872 = arith.constant 0 : i32
      %broadcast_in_dim3A_1873 = vector.broadcast %broadcast_in_dim3A_1872 : i32 to vector<16xi32>
      %add3A_1874 = vector.broadcast %and3A_1871 : i32 to vector<16xi32>
      %add3A_1875 = arith.addi %broadcast_in_dim3A_1873, %add3A_1874 : vector<16xi32>
      %gather3A_1876 = arith.constant 0 : i32
      %gather3A_1877 = arith.constant 7 : i32
      %gather3A_1878 = arith.constant 0 : i32
      %gather3A_1879 = arith.constant 0 : i32
      %gather3A_1880 = tpu.memref_slice %arg6[%gather3A_1876, %gather3A_1877, %gather3A_1878, %gather3A_1879] : memref<2x8x32x128xf32, #tpu.memory_space<vmem>> -> memref<1x1x32x128xf32, #tpu.memory_space<vmem>>
      %gather3A_1881 = tpu.memref_squeeze %gather3A_1880 : memref<1x1x32x128xf32, #tpu.memory_space<vmem>> -> memref<32x128xf32, #tpu.memory_space<vmem>>
      %gather3A_1882 = tpu.vector_load_idx %gather3A_1881[%iota3A, %add3A_1875] : memref<32x128xf32, #tpu.memory_space<vmem>>[vector<16xi32>, vector<16xi32>], vector<16xf32>,
      %add3A_1883 = arith.constant 16 : i32
      %add3A_1884 = vector.broadcast %add3A_1883 : i32 to vector<16xi32>
      %add3A_1885 = arith.addi %iota3A, %add3A_1884 : vector<16xi32>
      %gather3A_1886 = arith.constant 0 : i32
      %gather3A_1887 = arith.constant 7 : i32
      %gather3A_1888 = arith.constant 0 : i32
      %gather3A_1889 = arith.constant 0 : i32
      %gather3A_1890 = tpu.memref_slice %arg6[%gather3A_1886, %gather3A_1887, %gather3A_1888, %gather3A_1889] : memref<2x8x32x128xf32, #tpu.memory_space<vmem>> -> memref<1x1x32x128xf32, #tpu.memory_space<vmem>>
      %gather3A_1891 = tpu.memref_squeeze %gather3A_1890 : memref<1x1x32x128xf32, #tpu.memory_space<vmem>> -> memref<32x128xf32, #tpu.memory_space<vmem>>
      %gather3A_1892 = tpu.vector_load_idx %gather3A_1891[%add3A_1885, %add3A_1875] : memref<32x128xf32, #tpu.memory_space<vmem>>[vector<16xi32>, vector<16xi32>], vector<16xf32>,
      %mul3A_1893 = arith.constant 32 : i32
      %mul3A_1894 = arith.muli %add3A_1869, %mul3A_1893 : i32
      %swap3A_1895 = arith.index_cast %mul3A_1894 : i32 to index
      %swap3A_1896 = tpu.vector_load %arg7[%swap3A_1895] {strides = array<i32>} : memref<16384xf32, #tpu.memory_space<vmem>>, vector<16xf32>,
      tpu.vector_store %arg7[%swap3A_1895], %gather3A_1882 {strides = array<i32>} : memref<16384xf32, #tpu.memory_space<vmem>>, vector<16xf32>,
      %mul3A_1897 = arith.constant 32 : i32
      %mul3A_1898 = arith.muli %add3A_1869, %mul3A_1897 : i32
      %add3A_1899 = arith.constant 16 : i32
      %add3A_1900 = arith.addi %mul3A_1898, %add3A_1899 : i32
      %swap3A_1901 = arith.index_cast %add3A_1900 : i32 to index
      %swap3A_1902 = tpu.vector_load %arg7[%swap3A_1901] {strides = array<i32>} : memref<16384xf32, #tpu.memory_space<vmem>>, vector<16xf32>,
      tpu.vector_store %arg7[%swap3A_1901], %gather3A_1892 {strides = array<i32>} : memref<16384xf32, #tpu.memory_space<vmem>>, vector<16xf32>,
      %add3A_1903 = arith.constant 1 : i32
      %add3A_1904 = arith.addi %scan3A_532, %add3A_1903 : i32
      %lt3A = arith.constant 32 : i32
      %lt3A_1905 = arith.cmpi slt, %add3A_1904, %lt3A : i32
      %convert_element_type3A = arith.extui %lt3A_1905 : i1 to i32
      %cond3A = arith.constant 0 : i32
      %cond3A_1906 = arith.cmpi ne, %convert_element_type3A, %cond3A : i32
      scf.if %cond3A_1906 {
        %add3A_2748 = arith.constant 1 : i32
        %add3A_2749 = arith.addi %scan3A_532, %add3A_2748 : i32
        %mul3A_2750 = arith.constant 2 : i32
        %mul3A_2751 = arith.muli %add3A_2749, %mul3A_2750 : i32
        %mul3A_2752 = arith.constant 8 : i32
        %mul3A_2753 = arith.muli %mul3A_2751, %mul3A_2752 : i32
        %get3A_2754 = arith.index_cast %mul3A_2753 : i32 to index
        %get3A_2755 = tpu.vector_load %arg5[%get3A_2754] {strides = array<i32>} : memref<512xi32, #tpu.memory_space<vmem>>, vector<16xi32>,
        %slice3A_2756 = vector.extract_strided_slice %get3A_2755 {offsets = [0], sizes = [1], strides = [1]} : vector<16xi32> to vector<1xi32>
        %squeeze3A_2757 = vector.extract %slice3A_2756[0] : i32 from vector<1xi32>
        %shift_right_arithmetic3A_2758 = arith.constant 7 : i32
        %shift_right_arithmetic3A_2759 = arith.shrsi %squeeze3A_2757, %shift_right_arithmetic3A_2758 : i32
        %shift_left3A_2760 = arith.constant 7 : i32
        %shift_left3A_2761 = arith.shli %shift_right_arithmetic3A_2759, %shift_left3A_2760 : i32
        %multiple_of3A_2762 = tpu.assume_multiple %shift_left3A_2761, 128 : i32
        %dma_start3A_2763 = arith.constant 0 : i32
        %dma_start3A_2764 = arith.constant 0 : i32
        %dma_start3A_2765 = arith.constant 0 : i32
        %dma_start3A_2766 = arith.constant 0 : i32
        %dma_start3A_2767 = tpu.memref_slice %arg6[%dma_start3A_2763, %dma_start3A_2764, %dma_start3A_2765, %dma_start3A_2766] : memref<2x8x32x128xf32, #tpu.memory_space<vmem>> -> memref<1x1x8x128xf32, #tpu.memory_space<vmem>>
        %dma_start3A_2768 = tpu.memref_squeeze %dma_start3A_2767 : memref<1x1x8x128xf32, #tpu.memory_space<vmem>> -> memref<8x128xf32, #tpu.memory_space<vmem>>
        %dma_start3A_2769 = arith.constant 0 : i32
        %dma_start3A_2770 = tpu.memref_slice %arg3[%dma_start3A_2769, %multiple_of3A_2762] : memref<32x1000000xf32, #tpu.memory_space<hbm>> -> memref<8x128xf32, #tpu.memory_space<hbm>>
        %dma_start3A_2771 = arith.constant 0 : i32
        %dma_start3A_2772 = arith.constant 0 : i32
        %dma_start3A_2773 = tpu.memref_slice %arg6[%dma_start3A_2763, %dma_start3A_2764, %dma_start3A_2771, %dma_start3A_2772] : memref<2x8x32x128xf32, #tpu.memory_space<vmem>> -> memref<1x1x8x128xf32, #tpu.memory_space<vmem>>
        %dma_start3A_2774 = tpu.memref_squeeze %dma_start3A_2773 : memref<1x1x8x128xf32, #tpu.memory_space<vmem>> -> memref<8x128xf32, #tpu.memory_space<vmem>>
        %dma_start3A_2775 = arith.constant 0 : i32
        %dma_start3A_2776 = tpu.memref_slice %arg3[%dma_start3A_2775, %multiple_of3A_2762] : memref<32x1000000xf32, #tpu.memory_space<hbm>> -> memref<8x128xf32, #tpu.memory_space<hbm>>
        tpu.enqueue_dma source(%dma_start3A_2776 : memref<8x128xf32, #tpu.memory_space<hbm>>) target(%dma_start3A_2774 : memref<8x128xf32, #tpu.memory_space<vmem>>) target_semaphore(%arg8 : memref<!tpu.dma_semaphore, #tpu.memory_space<semaphore_mem>>)
        %multiple_of3A_2777 = tpu.assume_multiple %shift_left3A_2761, 128 : i32
        %dma_start3A_2778 = arith.constant 0 : i32
        %dma_start3A_2779 = arith.constant 0 : i32
        %dma_start3A_2780 = arith.constant 8 : i32
        %dma_start3A_2781 = arith.constant 0 : i32
        %dma_start3A_2782 = tpu.memref_slice %arg6[%dma_start3A_2778, %dma_start3A_2779, %dma_start3A_2780, %dma_start3A_2781] : memref<2x8x32x128xf32, #tpu.memory_space<vmem>> -> memref<1x1x8x128xf32, #tpu.memory_space<vmem>>
        %dma_start3A_2783 = tpu.memref_squeeze %dma_start3A_2782 : memref<1x1x8x128xf32, #tpu.memory_space<vmem>> -> memref<8x128xf32, #tpu.memory_space<vmem>>
        %dma_start3A_2784 = arith.constant 8 : i32
        %dma_start3A_2785 = tpu.memref_slice %arg3[%dma_start3A_2784, %multiple_of3A_2777] : memref<32x1000000xf32, #tpu.memory_space<hbm>> -> memref<8x128xf32, #tpu.memory_space<hbm>>
        %dma_start3A_2786 = arith.constant 8 : i32
        %dma_start3A_2787 = arith.constant 0 : i32
        %dma_start3A_2788 = tpu.memref_slice %arg6[%dma_start3A_2778, %dma_start3A_2779, %dma_start3A_2786, %dma_start3A_2787] : memref<2x8x32x128xf32, #tpu.memory_space<vmem>> -> memref<1x1x8x128xf32, #tpu.memory_space<vmem>>
        %dma_start3A_2789 = tpu.memref_squeeze %dma_start3A_2788 : memref<1x1x8x128xf32, #tpu.memory_space<vmem>> -> memref<8x128xf32, #tpu.memory_space<vmem>>
        %dma_start3A_2790 = arith.constant 8 : i32
        %dma_start3A_2791 = tpu.memref_slice %arg3[%dma_start3A_2790, %multiple_of3A_2777] : memref<32x1000000xf32, #tpu.memory_space<hbm>> -> memref<8x128xf32, #tpu.memory_space<hbm>>
        tpu.enqueue_dma source(%dma_start3A_2791 : memref<8x128xf32, #tpu.memory_space<hbm>>) target(%dma_start3A_2789 : memref<8x128xf32, #tpu.memory_space<vmem>>) target_semaphore(%arg8 : memref<!tpu.dma_semaphore, #tpu.memory_space<semaphore_mem>>)
        %multiple_of3A_2792 = tpu.assume_multiple %shift_left3A_2761, 128 : i32
        %dma_start3A_2793 = arith.constant 0 : i32
        %dma_start3A_2794 = arith.constant 0 : i32
        %dma_start3A_2795 = arith.constant 16 : i32
        %dma_start3A_2796 = arith.constant 0 : i32
        %dma_start3A_2797 = tpu.memref_slice %arg6[%dma_start3A_2793, %dma_start3A_2794, %dma_start3A_2795, %dma_start3A_2796] : memref<2x8x32x128xf32, #tpu.memory_space<vmem>> -> memref<1x1x8x128xf32, #tpu.memory_space<vmem>>
        %dma_start3A_2798 = tpu.memref_squeeze %dma_start3A_2797 : memref<1x1x8x128xf32, #tpu.memory_space<vmem>> -> memref<8x128xf32, #tpu.memory_space<vmem>>
        %dma_start3A_2799 = arith.constant 16 : i32
        %dma_start3A_2800 = tpu.memref_slice %arg3[%dma_start3A_2799, %multiple_of3A_2792] : memref<32x1000000xf32, #tpu.memory_space<hbm>> -> memref<8x128xf32, #tpu.memory_space<hbm>>
        %dma_start3A_2801 = arith.constant 16 : i32
        %dma_start3A_2802 = arith.constant 0 : i32
        %dma_start3A_2803 = tpu.memref_slice %arg6[%dma_start3A_2793, %dma_start3A_2794, %dma_start3A_2801, %dma_start3A_2802] : memref<2x8x32x128xf32, #tpu.memory_space<vmem>> -> memref<1x1x8x128xf32, #tpu.memory_space<vmem>>
        %dma_start3A_2804 = tpu.memref_squeeze %dma_start3A_2803 : memref<1x1x8x128xf32, #tpu.memory_space<vmem>> -> memref<8x128xf32, #tpu.memory_space<vmem>>
        %dma_start3A_2805 = arith.constant 16 : i32
        %dma_start3A_2806 = tpu.memref_slice %arg3[%dma_start3A_2805, %multiple_of3A_2792] : memref<32x1000000xf32, #tpu.memory_space<hbm>> -> memref<8x128xf32, #tpu.memory_space<hbm>>
        tpu.enqueue_dma source(%dma_start3A_2806 : memref<8x128xf32, #tpu.memory_space<hbm>>) target(%dma_start3A_2804 : memref<8x128xf32, #tpu.memory_space<vmem>>) target_semaphore(%arg8 : memref<!tpu.dma_semaphore, #tpu.memory_space<semaphore_mem>>)
        %multiple_of3A_2807 = tpu.assume_multiple %shift_left3A_2761, 128 : i32
        %dma_start3A_2808 = arith.constant 0 : i32
        %dma_start3A_2809 = arith.constant 0 : i32
        %dma_start3A_2810 = arith.constant 24 : i32
        %dma_start3A_2811 = arith.constant 0 : i32
        %dma_start3A_2812 = tpu.memref_slice %arg6[%dma_start3A_2808, %dma_start3A_2809, %dma_start3A_2810, %dma_start3A_2811] : memref<2x8x32x128xf32, #tpu.memory_space<vmem>> -> memref<1x1x8x128xf32, #tpu.memory_space<vmem>>
        %dma_start3A_2813 = tpu.memref_squeeze %dma_start3A_2812 : memref<1x1x8x128xf32, #tpu.memory_space<vmem>> -> memref<8x128xf32, #tpu.memory_space<vmem>>
        %dma_start3A_2814 = arith.constant 24 : i32
        %dma_start3A_2815 = tpu.memref_slice %arg3[%dma_start3A_2814, %multiple_of3A_2807] : memref<32x1000000xf32, #tpu.memory_space<hbm>> -> memref<8x128xf32, #tpu.memory_space<hbm>>
        %dma_start3A_2816 = arith.constant 24 : i32
        %dma_start3A_2817 = arith.constant 0 : i32
        %dma_start3A_2818 = tpu.memref_slice %arg6[%dma_start3A_2808, %dma_start3A_2809, %dma_start3A_2816, %dma_start3A_2817] : memref<2x8x32x128xf32, #tpu.memory_space<vmem>> -> memref<1x1x8x128xf32, #tpu.memory_space<vmem>>
        %dma_start3A_2819 = tpu.memref_squeeze %dma_start3A_2818 : memref<1x1x8x128xf32, #tpu.memory_space<vmem>> -> memref<8x128xf32, #tpu.memory_space<vmem>>
        %dma_start3A_2820 = arith.constant 24 : i32
        %dma_start3A_2821 = tpu.memref_slice %arg3[%dma_start3A_2820, %multiple_of3A_2807] : memref<32x1000000xf32, #tpu.memory_space<hbm>> -> memref<8x128xf32, #tpu.memory_space<hbm>>
        tpu.enqueue_dma source(%dma_start3A_2821 : memref<8x128xf32, #tpu.memory_space<hbm>>) target(%dma_start3A_2819 : memref<8x128xf32, #tpu.memory_space<vmem>>) target_semaphore(%arg8 : memref<!tpu.dma_semaphore, #tpu.memory_space<semaphore_mem>>)
        %slice3A_2822 = vector.extract_strided_slice %get3A_2755 {offsets = [1], sizes = [1], strides = [1]} : vector<16xi32> to vector<1xi32>
        %squeeze3A_2823 = vector.extract %slice3A_2822[0] : i32 from vector<1xi32>
        %shift_right_arithmetic3A_2824 = arith.constant 7 : i32
        %shift_right_arithmetic3A_2825 = arith.shrsi %squeeze3A_2823, %shift_right_arithmetic3A_2824 : i32
        %shift_left3A_2826 = arith.constant 7 : i32
        %shift_left3A_2827 = arith.shli %shift_right_arithmetic3A_2825, %shift_left3A_2826 : i32
        %multiple_of3A_2828 = tpu.assume_multiple %shift_left3A_2827, 128 : i32
        %dma_start3A_2829 = arith.constant 0 : i32
        %dma_start3A_2830 = arith.constant 1 : i32
        %dma_start3A_2831 = arith.constant 0 : i32
        %dma_start3A_2832 = arith.constant 0 : i32
        %dma_start3A_2833 = tpu.memref_slice %arg6[%dma_start3A_2829, %dma_start3A_2830, %dma_start3A_2831, %dma_start3A_2832] : memref<2x8x32x128xf32, #tpu.memory_space<vmem>> -> memref<1x1x8x128xf32, #tpu.memory_space<vmem>>
        %dma_start3A_2834 = tpu.memref_squeeze %dma_start3A_2833 : memref<1x1x8x128xf32, #tpu.memory_space<vmem>> -> memref<8x128xf32, #tpu.memory_space<vmem>>
        %dma_start3A_2835 = arith.constant 0 : i32
        %dma_start3A_2836 = tpu.memref_slice %arg3[%dma_start3A_2835, %multiple_of3A_2828] : memref<32x1000000xf32, #tpu.memory_space<hbm>> -> memref<8x128xf32, #tpu.memory_space<hbm>>
        %dma_start3A_2837 = arith.constant 0 : i32
        %dma_start3A_2838 = arith.constant 0 : i32
        %dma_start3A_2839 = tpu.memref_slice %arg6[%dma_start3A_2829, %dma_start3A_2830, %dma_start3A_2837, %dma_start3A_2838] : memref<2x8x32x128xf32, #tpu.memory_space<vmem>> -> memref<1x1x8x128xf32, #tpu.memory_space<vmem>>
        %dma_start3A_2840 = tpu.memref_squeeze %dma_start3A_2839 : memref<1x1x8x128xf32, #tpu.memory_space<vmem>> -> memref<8x128xf32, #tpu.memory_space<vmem>>
        %dma_start3A_2841 = arith.constant 0 : i32
        %dma_start3A_2842 = tpu.memref_slice %arg3[%dma_start3A_2841, %multiple_of3A_2828] : memref<32x1000000xf32, #tpu.memory_space<hbm>> -> memref<8x128xf32, #tpu.memory_space<hbm>>
        tpu.enqueue_dma source(%dma_start3A_2842 : memref<8x128xf32, #tpu.memory_space<hbm>>) target(%dma_start3A_2840 : memref<8x128xf32, #tpu.memory_space<vmem>>) target_semaphore(%arg8 : memref<!tpu.dma_semaphore, #tpu.memory_space<semaphore_mem>>)
        %multiple_of3A_2843 = tpu.assume_multiple %shift_left3A_2827, 128 : i32
        %dma_start3A_2844 = arith.constant 0 : i32
        %dma_start3A_2845 = arith.constant 1 : i32
        %dma_start3A_2846 = arith.constant 8 : i32
        %dma_start3A_2847 = arith.constant 0 : i32
        %dma_start3A_2848 = tpu.memref_slice %arg6[%dma_start3A_2844, %dma_start3A_2845, %dma_start3A_2846, %dma_start3A_2847] : memref<2x8x32x128xf32, #tpu.memory_space<vmem>> -> memref<1x1x8x128xf32, #tpu.memory_space<vmem>>
        %dma_start3A_2849 = tpu.memref_squeeze %dma_start3A_2848 : memref<1x1x8x128xf32, #tpu.memory_space<vmem>> -> memref<8x128xf32, #tpu.memory_space<vmem>>
        %dma_start3A_2850 = arith.constant 8 : i32
        %dma_start3A_2851 = tpu.memref_slice %arg3[%dma_start3A_2850, %multiple_of3A_2843] : memref<32x1000000xf32, #tpu.memory_space<hbm>> -> memref<8x128xf32, #tpu.memory_space<hbm>>
        %dma_start3A_2852 = arith.constant 8 : i32
        %dma_start3A_2853 = arith.constant 0 : i32
        %dma_start3A_2854 = tpu.memref_slice %arg6[%dma_start3A_2844, %dma_start3A_2845, %dma_start3A_2852, %dma_start3A_2853] : memref<2x8x32x128xf32, #tpu.memory_space<vmem>> -> memref<1x1x8x128xf32, #tpu.memory_space<vmem>>
        %dma_start3A_2855 = tpu.memref_squeeze %dma_start3A_2854 : memref<1x1x8x128xf32, #tpu.memory_space<vmem>> -> memref<8x128xf32, #tpu.memory_space<vmem>>
        %dma_start3A_2856 = arith.constant 8 : i32
        %dma_start3A_2857 = tpu.memref_slice %arg3[%dma_start3A_2856, %multiple_of3A_2843] : memref<32x1000000xf32, #tpu.memory_space<hbm>> -> memref<8x128xf32, #tpu.memory_space<hbm>>
        tpu.enqueue_dma source(%dma_start3A_2857 : memref<8x128xf32, #tpu.memory_space<hbm>>) target(%dma_start3A_2855 : memref<8x128xf32, #tpu.memory_space<vmem>>) target_semaphore(%arg8 : memref<!tpu.dma_semaphore, #tpu.memory_space<semaphore_mem>>)
        %multiple_of3A_2858 = tpu.assume_multiple %shift_left3A_2827, 128 : i32
        %dma_start3A_2859 = arith.constant 0 : i32
        %dma_start3A_2860 = arith.constant 1 : i32
        %dma_start3A_2861 = arith.constant 16 : i32
        %dma_start3A_2862 = arith.constant 0 : i32
        %dma_start3A_2863 = tpu.memref_slice %arg6[%dma_start3A_2859, %dma_start3A_2860, %dma_start3A_2861, %dma_start3A_2862] : memref<2x8x32x128xf32, #tpu.memory_space<vmem>> -> memref<1x1x8x128xf32, #tpu.memory_space<vmem>>
        %dma_start3A_2864 = tpu.memref_squeeze %dma_start3A_2863 : memref<1x1x8x128xf32, #tpu.memory_space<vmem>> -> memref<8x128xf32, #tpu.memory_space<vmem>>
        %dma_start3A_2865 = arith.constant 16 : i32
        %dma_start3A_2866 = tpu.memref_slice %arg3[%dma_start3A_2865, %multiple_of3A_2858] : memref<32x1000000xf32, #tpu.memory_space<hbm>> -> memref<8x128xf32, #tpu.memory_space<hbm>>
        %dma_start3A_2867 = arith.constant 16 : i32
        %dma_start3A_2868 = arith.constant 0 : i32
        %dma_start3A_2869 = tpu.memref_slice %arg6[%dma_start3A_2859, %dma_start3A_2860, %dma_start3A_2867, %dma_start3A_2868] : memref<2x8x32x128xf32, #tpu.memory_space<vmem>> -> memref<1x1x8x128xf32, #tpu.memory_space<vmem>>
        %dma_start3A_2870 = tpu.memref_squeeze %dma_start3A_2869 : memref<1x1x8x128xf32, #tpu.memory_space<vmem>> -> memref<8x128xf32, #tpu.memory_space<vmem>>
        %dma_start3A_2871 = arith.constant 16 : i32
        %dma_start3A_2872 = tpu.memref_slice %arg3[%dma_start3A_2871, %multiple_of3A_2858] : memref<32x1000000xf32, #tpu.memory_space<hbm>> -> memref<8x128xf32, #tpu.memory_space<hbm>>
        tpu.enqueue_dma source(%dma_start3A_2872 : memref<8x128xf32, #tpu.memory_space<hbm>>) target(%dma_start3A_2870 : memref<8x128xf32, #tpu.memory_space<vmem>>) target_semaphore(%arg8 : memref<!tpu.dma_semaphore, #tpu.memory_space<semaphore_mem>>)
        %multiple_of3A_2873 = tpu.assume_multiple %shift_left3A_2827, 128 : i32
        %dma_start3A_2874 = arith.constant 0 : i32
        %dma_start3A_2875 = arith.constant 1 : i32
        %dma_start3A_2876 = arith.constant 24 : i32
        %dma_start3A_2877 = arith.constant 0 : i32
        %dma_start3A_2878 = tpu.memref_slice %arg6[%dma_start3A_2874, %dma_start3A_2875, %dma_start3A_2876, %dma_start3A_2877] : memref<2x8x32x128xf32, #tpu.memory_space<vmem>> -> memref<1x1x8x128xf32, #tpu.memory_space<vmem>>
        %dma_start3A_2879 = tpu.memref_squeeze %dma_start3A_2878 : memref<1x1x8x128xf32, #tpu.memory_space<vmem>> -> memref<8x128xf32, #tpu.memory_space<vmem>>
        %dma_start3A_2880 = arith.constant 24 : i32
        %dma_start3A_2881 = tpu.memref_slice %arg3[%dma_start3A_2880, %multiple_of3A_2873] : memref<32x1000000xf32, #tpu.memory_space<hbm>> -> memref<8x128xf32, #tpu.memory_space<hbm>>
        %dma_start3A_2882 = arith.constant 24 : i32
        %dma_start3A_2883 = arith.constant 0 : i32
        %dma_start3A_2884 = tpu.memref_slice %arg6[%dma_start3A_2874, %dma_start3A_2875, %dma_start3A_2882, %dma_start3A_2883] : memref<2x8x32x128xf32, #tpu.memory_space<vmem>> -> memref<1x1x8x128xf32, #tpu.memory_space<vmem>>
        %dma_start3A_2885 = tpu.memref_squeeze %dma_start3A_2884 : memref<1x1x8x128xf32, #tpu.memory_space<vmem>> -> memref<8x128xf32, #tpu.memory_space<vmem>>
        %dma_start3A_2886 = arith.constant 24 : i32
        %dma_start3A_2887 = tpu.memref_slice %arg3[%dma_start3A_2886, %multiple_of3A_2873] : memref<32x1000000xf32, #tpu.memory_space<hbm>> -> memref<8x128xf32, #tpu.memory_space<hbm>>
        tpu.enqueue_dma source(%dma_start3A_2887 : memref<8x128xf32, #tpu.memory_space<hbm>>) target(%dma_start3A_2885 : memref<8x128xf32, #tpu.memory_space<vmem>>) target_semaphore(%arg8 : memref<!tpu.dma_semaphore, #tpu.memory_space<semaphore_mem>>)
        %slice3A_2888 = vector.extract_strided_slice %get3A_2755 {offsets = [2], sizes = [1], strides = [1]} : vector<16xi32> to vector<1xi32>
        %squeeze3A_2889 = vector.extract %slice3A_2888[0] : i32 from vector<1xi32>
        %shift_right_arithmetic3A_2890 = arith.constant 7 : i32
        %shift_right_arithmetic3A_2891 = arith.shrsi %squeeze3A_2889, %shift_right_arithmetic3A_2890 : i32
        %shift_left3A_2892 = arith.constant 7 : i32
        %shift_left3A_2893 = arith.shli %shift_right_arithmetic3A_2891, %shift_left3A_2892 : i32
        %multiple_of3A_2894 = tpu.assume_multiple %shift_left3A_2893, 128 : i32
        %dma_start3A_2895 = arith.constant 0 : i32
        %dma_start3A_2896 = arith.constant 2 : i32
        %dma_start3A_2897 = arith.constant 0 : i32
        %dma_start3A_2898 = arith.constant 0 : i32
        %dma_start3A_2899 = tpu.memref_slice %arg6[%dma_start3A_2895, %dma_start3A_2896, %dma_start3A_2897, %dma_start3A_2898] : memref<2x8x32x128xf32, #tpu.memory_space<vmem>> -> memref<1x1x8x128xf32, #tpu.memory_space<vmem>>
        %dma_start3A_2900 = tpu.memref_squeeze %dma_start3A_2899 : memref<1x1x8x128xf32, #tpu.memory_space<vmem>> -> memref<8x128xf32, #tpu.memory_space<vmem>>
        %dma_start3A_2901 = arith.constant 0 : i32
        %dma_start3A_2902 = tpu.memref_slice %arg3[%dma_start3A_2901, %multiple_of3A_2894] : memref<32x1000000xf32, #tpu.memory_space<hbm>> -> memref<8x128xf32, #tpu.memory_space<hbm>>
        %dma_start3A_2903 = arith.constant 0 : i32
        %dma_start3A_2904 = arith.constant 0 : i32
        %dma_start3A_2905 = tpu.memref_slice %arg6[%dma_start3A_2895, %dma_start3A_2896, %dma_start3A_2903, %dma_start3A_2904] : memref<2x8x32x128xf32, #tpu.memory_space<vmem>> -> memref<1x1x8x128xf32, #tpu.memory_space<vmem>>
        %dma_start3A_2906 = tpu.memref_squeeze %dma_start3A_2905 : memref<1x1x8x128xf32, #tpu.memory_space<vmem>> -> memref<8x128xf32, #tpu.memory_space<vmem>>
        %dma_start3A_2907 = arith.constant 0 : i32
        %dma_start3A_2908 = tpu.memref_slice %arg3[%dma_start3A_2907, %multiple_of3A_2894] : memref<32x1000000xf32, #tpu.memory_space<hbm>> -> memref<8x128xf32, #tpu.memory_space<hbm>>
        tpu.enqueue_dma source(%dma_start3A_2908 : memref<8x128xf32, #tpu.memory_space<hbm>>) target(%dma_start3A_2906 : memref<8x128xf32, #tpu.memory_space<vmem>>) target_semaphore(%arg8 : memref<!tpu.dma_semaphore, #tpu.memory_space<semaphore_mem>>)
        %multiple_of3A_2909 = tpu.assume_multiple %shift_left3A_2893, 128 : i32
        %dma_start3A_2910 = arith.constant 0 : i32
        %dma_start3A_2911 = arith.constant 2 : i32
        %dma_start3A_2912 = arith.constant 8 : i32
        %dma_start3A_2913 = arith.constant 0 : i32
        %dma_start3A_2914 = tpu.memref_slice %arg6[%dma_start3A_2910, %dma_start3A_2911, %dma_start3A_2912, %dma_start3A_2913] : memref<2x8x32x128xf32, #tpu.memory_space<vmem>> -> memref<1x1x8x128xf32, #tpu.memory_space<vmem>>
        %dma_start3A_2915 = tpu.memref_squeeze %dma_start3A_2914 : memref<1x1x8x128xf32, #tpu.memory_space<vmem>> -> memref<8x128xf32, #tpu.memory_space<vmem>>
        %dma_start3A_2916 = arith.constant 8 : i32
        %dma_start3A_2917 = tpu.memref_slice %arg3[%dma_start3A_2916, %multiple_of3A_2909] : memref<32x1000000xf32, #tpu.memory_space<hbm>> -> memref<8x128xf32, #tpu.memory_space<hbm>>
        %dma_start3A_2918 = arith.constant 8 : i32
        %dma_start3A_2919 = arith.constant 0 : i32
        %dma_start3A_2920 = tpu.memref_slice %arg6[%dma_start3A_2910, %dma_start3A_2911, %dma_start3A_2918, %dma_start3A_2919] : memref<2x8x32x128xf32, #tpu.memory_space<vmem>> -> memref<1x1x8x128xf32, #tpu.memory_space<vmem>>
        %dma_start3A_2921 = tpu.memref_squeeze %dma_start3A_2920 : memref<1x1x8x128xf32, #tpu.memory_space<vmem>> -> memref<8x128xf32, #tpu.memory_space<vmem>>
        %dma_start3A_2922 = arith.constant 8 : i32
        %dma_start3A_2923 = tpu.memref_slice %arg3[%dma_start3A_2922, %multiple_of3A_2909] : memref<32x1000000xf32, #tpu.memory_space<hbm>> -> memref<8x128xf32, #tpu.memory_space<hbm>>
        tpu.enqueue_dma source(%dma_start3A_2923 : memref<8x128xf32, #tpu.memory_space<hbm>>) target(%dma_start3A_2921 : memref<8x128xf32, #tpu.memory_space<vmem>>) target_semaphore(%arg8 : memref<!tpu.dma_semaphore, #tpu.memory_space<semaphore_mem>>)
        %multiple_of3A_2924 = tpu.assume_multiple %shift_left3A_2893, 128 : i32
        %dma_start3A_2925 = arith.constant 0 : i32
        %dma_start3A_2926 = arith.constant 2 : i32
        %dma_start3A_2927 = arith.constant 16 : i32
        %dma_start3A_2928 = arith.constant 0 : i32
        %dma_start3A_2929 = tpu.memref_slice %arg6[%dma_start3A_2925, %dma_start3A_2926, %dma_start3A_2927, %dma_start3A_2928] : memref<2x8x32x128xf32, #tpu.memory_space<vmem>> -> memref<1x1x8x128xf32, #tpu.memory_space<vmem>>
        %dma_start3A_2930 = tpu.memref_squeeze %dma_start3A_2929 : memref<1x1x8x128xf32, #tpu.memory_space<vmem>> -> memref<8x128xf32, #tpu.memory_space<vmem>>
        %dma_start3A_2931 = arith.constant 16 : i32
        %dma_start3A_2932 = tpu.memref_slice %arg3[%dma_start3A_2931, %multiple_of3A_2924] : memref<32x1000000xf32, #tpu.memory_space<hbm>> -> memref<8x128xf32, #tpu.memory_space<hbm>>
        %dma_start3A_2933 = arith.constant 16 : i32
        %dma_start3A_2934 = arith.constant 0 : i32
        %dma_start3A_2935 = tpu.memref_slice %arg6[%dma_start3A_2925, %dma_start3A_2926, %dma_start3A_2933, %dma_start3A_2934] : memref<2x8x32x128xf32, #tpu.memory_space<vmem>> -> memref<1x1x8x128xf32, #tpu.memory_space<vmem>>
        %dma_start3A_2936 = tpu.memref_squeeze %dma_start3A_2935 : memref<1x1x8x128xf32, #tpu.memory_space<vmem>> -> memref<8x128xf32, #tpu.memory_space<vmem>>
        %dma_start3A_2937 = arith.constant 16 : i32
        %dma_start3A_2938 = tpu.memref_slice %arg3[%dma_start3A_2937, %multiple_of3A_2924] : memref<32x1000000xf32, #tpu.memory_space<hbm>> -> memref<8x128xf32, #tpu.memory_space<hbm>>
        tpu.enqueue_dma source(%dma_start3A_2938 : memref<8x128xf32, #tpu.memory_space<hbm>>) target(%dma_start3A_2936 : memref<8x128xf32, #tpu.memory_space<vmem>>) target_semaphore(%arg8 : memref<!tpu.dma_semaphore, #tpu.memory_space<semaphore_mem>>)
        %multiple_of3A_2939 = tpu.assume_multiple %shift_left3A_2893, 128 : i32
        %dma_start3A_2940 = arith.constant 0 : i32
        %dma_start3A_2941 = arith.constant 2 : i32
        %dma_start3A_2942 = arith.constant 24 : i32
        %dma_start3A_2943 = arith.constant 0 : i32
        %dma_start3A_2944 = tpu.memref_slice %arg6[%dma_start3A_2940, %dma_start3A_2941, %dma_start3A_2942, %dma_start3A_2943] : memref<2x8x32x128xf32, #tpu.memory_space<vmem>> -> memref<1x1x8x128xf32, #tpu.memory_space<vmem>>
        %dma_start3A_2945 = tpu.memref_squeeze %dma_start3A_2944 : memref<1x1x8x128xf32, #tpu.memory_space<vmem>> -> memref<8x128xf32, #tpu.memory_space<vmem>>
        %dma_start3A_2946 = arith.constant 24 : i32
        %dma_start3A_2947 = tpu.memref_slice %arg3[%dma_start3A_2946, %multiple_of3A_2939] : memref<32x1000000xf32, #tpu.memory_space<hbm>> -> memref<8x128xf32, #tpu.memory_space<hbm>>
        %dma_start3A_2948 = arith.constant 24 : i32
        %dma_start3A_2949 = arith.constant 0 : i32
        %dma_start3A_2950 = tpu.memref_slice %arg6[%dma_start3A_2940, %dma_start3A_2941, %dma_start3A_2948, %dma_start3A_2949] : memref<2x8x32x128xf32, #tpu.memory_space<vmem>> -> memref<1x1x8x128xf32, #tpu.memory_space<vmem>>
        %dma_start3A_2951 = tpu.memref_squeeze %dma_start3A_2950 : memref<1x1x8x128xf32, #tpu.memory_space<vmem>> -> memref<8x128xf32, #tpu.memory_space<vmem>>
        %dma_start3A_2952 = arith.constant 24 : i32
        %dma_start3A_2953 = tpu.memref_slice %arg3[%dma_start3A_2952, %multiple_of3A_2939] : memref<32x1000000xf32, #tpu.memory_space<hbm>> -> memref<8x128xf32, #tpu.memory_space<hbm>>
        tpu.enqueue_dma source(%dma_start3A_2953 : memref<8x128xf32, #tpu.memory_space<hbm>>) target(%dma_start3A_2951 : memref<8x128xf32, #tpu.memory_space<vmem>>) target_semaphore(%arg8 : memref<!tpu.dma_semaphore, #tpu.memory_space<semaphore_mem>>)
        %slice3A_2954 = vector.extract_strided_slice %get3A_2755 {offsets = [3], sizes = [1], strides = [1]} : vector<16xi32> to vector<1xi32>
        %squeeze3A_2955 = vector.extract %slice3A_2954[0] : i32 from vector<1xi32>
        %shift_right_arithmetic3A_2956 = arith.constant 7 : i32
        %shift_right_arithmetic3A_2957 = arith.shrsi %squeeze3A_2955, %shift_right_arithmetic3A_2956 : i32
        %shift_left3A_2958 = arith.constant 7 : i32
        %shift_left3A_2959 = arith.shli %shift_right_arithmetic3A_2957, %shift_left3A_2958 : i32
        %multiple_of3A_2960 = tpu.assume_multiple %shift_left3A_2959, 128 : i32
        %dma_start3A_2961 = arith.constant 0 : i32
        %dma_start3A_2962 = arith.constant 3 : i32
        %dma_start3A_2963 = arith.constant 0 : i32
        %dma_start3A_2964 = arith.constant 0 : i32
        %dma_start3A_2965 = tpu.memref_slice %arg6[%dma_start3A_2961, %dma_start3A_2962, %dma_start3A_2963, %dma_start3A_2964] : memref<2x8x32x128xf32, #tpu.memory_space<vmem>> -> memref<1x1x8x128xf32, #tpu.memory_space<vmem>>
        %dma_start3A_2966 = tpu.memref_squeeze %dma_start3A_2965 : memref<1x1x8x128xf32, #tpu.memory_space<vmem>> -> memref<8x128xf32, #tpu.memory_space<vmem>>
        %dma_start3A_2967 = arith.constant 0 : i32
        %dma_start3A_2968 = tpu.memref_slice %arg3[%dma_start3A_2967, %multiple_of3A_2960] : memref<32x1000000xf32, #tpu.memory_space<hbm>> -> memref<8x128xf32, #tpu.memory_space<hbm>>
        %dma_start3A_2969 = arith.constant 0 : i32
        %dma_start3A_2970 = arith.constant 0 : i32
        %dma_start3A_2971 = tpu.memref_slice %arg6[%dma_start3A_2961, %dma_start3A_2962, %dma_start3A_2969, %dma_start3A_2970] : memref<2x8x32x128xf32, #tpu.memory_space<vmem>> -> memref<1x1x8x128xf32, #tpu.memory_space<vmem>>
        %dma_start3A_2972 = tpu.memref_squeeze %dma_start3A_2971 : memref<1x1x8x128xf32, #tpu.memory_space<vmem>> -> memref<8x128xf32, #tpu.memory_space<vmem>>
        %dma_start3A_2973 = arith.constant 0 : i32
        %dma_start3A_2974 = tpu.memref_slice %arg3[%dma_start3A_2973, %multiple_of3A_2960] : memref<32x1000000xf32, #tpu.memory_space<hbm>> -> memref<8x128xf32, #tpu.memory_space<hbm>>
        tpu.enqueue_dma source(%dma_start3A_2974 : memref<8x128xf32, #tpu.memory_space<hbm>>) target(%dma_start3A_2972 : memref<8x128xf32, #tpu.memory_space<vmem>>) target_semaphore(%arg8 : memref<!tpu.dma_semaphore, #tpu.memory_space<semaphore_mem>>)
        %multiple_of3A_2975 = tpu.assume_multiple %shift_left3A_2959, 128 : i32
        %dma_start3A_2976 = arith.constant 0 : i32
        %dma_start3A_2977 = arith.constant 3 : i32
        %dma_start3A_2978 = arith.constant 8 : i32
        %dma_start3A_2979 = arith.constant 0 : i32
        %dma_start3A_2980 = tpu.memref_slice %arg6[%dma_start3A_2976, %dma_start3A_2977, %dma_start3A_2978, %dma_start3A_2979] : memref<2x8x32x128xf32, #tpu.memory_space<vmem>> -> memref<1x1x8x128xf32, #tpu.memory_space<vmem>>
        %dma_start3A_2981 = tpu.memref_squeeze %dma_start3A_2980 : memref<1x1x8x128xf32, #tpu.memory_space<vmem>> -> memref<8x128xf32, #tpu.memory_space<vmem>>
        %dma_start3A_2982 = arith.constant 8 : i32
        %dma_start3A_2983 = tpu.memref_slice %arg3[%dma_start3A_2982, %multiple_of3A_2975] : memref<32x1000000xf32, #tpu.memory_space<hbm>> -> memref<8x128xf32, #tpu.memory_space<hbm>>
        %dma_start3A_2984 = arith.constant 8 : i32
        %dma_start3A_2985 = arith.constant 0 : i32
        %dma_start3A_2986 = tpu.memref_slice %arg6[%dma_start3A_2976, %dma_start3A_2977, %dma_start3A_2984, %dma_start3A_2985] : memref<2x8x32x128xf32, #tpu.memory_space<vmem>> -> memref<1x1x8x128xf32, #tpu.memory_space<vmem>>
        %dma_start3A_2987 = tpu.memref_squeeze %dma_start3A_2986 : memref<1x1x8x128xf32, #tpu.memory_space<vmem>> -> memref<8x128xf32, #tpu.memory_space<vmem>>
        %dma_start3A_2988 = arith.constant 8 : i32
        %dma_start3A_2989 = tpu.memref_slice %arg3[%dma_start3A_2988, %multiple_of3A_2975] : memref<32x1000000xf32, #tpu.memory_space<hbm>> -> memref<8x128xf32, #tpu.memory_space<hbm>>
        tpu.enqueue_dma source(%dma_start3A_2989 : memref<8x128xf32, #tpu.memory_space<hbm>>) target(%dma_start3A_2987 : memref<8x128xf32, #tpu.memory_space<vmem>>) target_semaphore(%arg8 : memref<!tpu.dma_semaphore, #tpu.memory_space<semaphore_mem>>)
        %multiple_of3A_2990 = tpu.assume_multiple %shift_left3A_2959, 128 : i32
        %dma_start3A_2991 = arith.constant 0 : i32
        %dma_start3A_2992 = arith.constant 3 : i32
        %dma_start3A_2993 = arith.constant 16 : i32
        %dma_start3A_2994 = arith.constant 0 : i32
        %dma_start3A_2995 = tpu.memref_slice %arg6[%dma_start3A_2991, %dma_start3A_2992, %dma_start3A_2993, %dma_start3A_2994] : memref<2x8x32x128xf32, #tpu.memory_space<vmem>> -> memref<1x1x8x128xf32, #tpu.memory_space<vmem>>
        %dma_start3A_2996 = tpu.memref_squeeze %dma_start3A_2995 : memref<1x1x8x128xf32, #tpu.memory_space<vmem>> -> memref<8x128xf32, #tpu.memory_space<vmem>>
        %dma_start3A_2997 = arith.constant 16 : i32
        %dma_start3A_2998 = tpu.memref_slice %arg3[%dma_start3A_2997, %multiple_of3A_2990] : memref<32x1000000xf32, #tpu.memory_space<hbm>> -> memref<8x128xf32, #tpu.memory_space<hbm>>
        %dma_start3A_2999 = arith.constant 16 : i32
        %dma_start3A_3000 = arith.constant 0 : i32
        %dma_start3A_3001 = tpu.memref_slice %arg6[%dma_start3A_2991, %dma_start3A_2992, %dma_start3A_2999, %dma_start3A_3000] : memref<2x8x32x128xf32, #tpu.memory_space<vmem>> -> memref<1x1x8x128xf32, #tpu.memory_space<vmem>>
        %dma_start3A_3002 = tpu.memref_squeeze %dma_start3A_3001 : memref<1x1x8x128xf32, #tpu.memory_space<vmem>> -> memref<8x128xf32, #tpu.memory_space<vmem>>
        %dma_start3A_3003 = arith.constant 16 : i32
        %dma_start3A_3004 = tpu.memref_slice %arg3[%dma_start3A_3003, %multiple_of3A_2990] : memref<32x1000000xf32, #tpu.memory_space<hbm>> -> memref<8x128xf32, #tpu.memory_space<hbm>>
        tpu.enqueue_dma source(%dma_start3A_3004 : memref<8x128xf32, #tpu.memory_space<hbm>>) target(%dma_start3A_3002 : memref<8x128xf32, #tpu.memory_space<vmem>>) target_semaphore(%arg8 : memref<!tpu.dma_semaphore, #tpu.memory_space<semaphore_mem>>)
        %multiple_of3A_3005 = tpu.assume_multiple %shift_left3A_2959, 128 : i32
        %dma_start3A_3006 = arith.constant 0 : i32
        %dma_start3A_3007 = arith.constant 3 : i32
        %dma_start3A_3008 = arith.constant 24 : i32
        %dma_start3A_3009 = arith.constant 0 : i32
        %dma_start3A_3010 = tpu.memref_slice %arg6[%dma_start3A_3006, %dma_start3A_3007, %dma_start3A_3008, %dma_start3A_3009] : memref<2x8x32x128xf32, #tpu.memory_space<vmem>> -> memref<1x1x8x128xf32, #tpu.memory_space<vmem>>
        %dma_start3A_3011 = tpu.memref_squeeze %dma_start3A_3010 : memref<1x1x8x128xf32, #tpu.memory_space<vmem>> -> memref<8x128xf32, #tpu.memory_space<vmem>>
        %dma_start3A_3012 = arith.constant 24 : i32
        %dma_start3A_3013 = tpu.memref_slice %arg3[%dma_start3A_3012, %multiple_of3A_3005] : memref<32x1000000xf32, #tpu.memory_space<hbm>> -> memref<8x128xf32, #tpu.memory_space<hbm>>
        %dma_start3A_3014 = arith.constant 24 : i32
        %dma_start3A_3015 = arith.constant 0 : i32
        %dma_start3A_3016 = tpu.memref_slice %arg6[%dma_start3A_3006, %dma_start3A_3007, %dma_start3A_3014, %dma_start3A_3015] : memref<2x8x32x128xf32, #tpu.memory_space<vmem>> -> memref<1x1x8x128xf32, #tpu.memory_space<vmem>>
        %dma_start3A_3017 = tpu.memref_squeeze %dma_start3A_3016 : memref<1x1x8x128xf32, #tpu.memory_space<vmem>> -> memref<8x128xf32, #tpu.memory_space<vmem>>
        %dma_start3A_3018 = arith.constant 24 : i32
        %dma_start3A_3019 = tpu.memref_slice %arg3[%dma_start3A_3018, %multiple_of3A_3005] : memref<32x1000000xf32, #tpu.memory_space<hbm>> -> memref<8x128xf32, #tpu.memory_space<hbm>>
        tpu.enqueue_dma source(%dma_start3A_3019 : memref<8x128xf32, #tpu.memory_space<hbm>>) target(%dma_start3A_3017 : memref<8x128xf32, #tpu.memory_space<vmem>>) target_semaphore(%arg8 : memref<!tpu.dma_semaphore, #tpu.memory_space<semaphore_mem>>)
        %slice3A_3020 = vector.extract_strided_slice %get3A_2755 {offsets = [4], sizes = [1], strides = [1]} : vector<16xi32> to vector<1xi32>
        %squeeze3A_3021 = vector.extract %slice3A_3020[0] : i32 from vector<1xi32>
        %shift_right_arithmetic3A_3022 = arith.constant 7 : i32
        %shift_right_arithmetic3A_3023 = arith.shrsi %squeeze3A_3021, %shift_right_arithmetic3A_3022 : i32
        %shift_left3A_3024 = arith.constant 7 : i32
        %shift_left3A_3025 = arith.shli %shift_right_arithmetic3A_3023, %shift_left3A_3024 : i32
        %multiple_of3A_3026 = tpu.assume_multiple %shift_left3A_3025, 128 : i32
        %dma_start3A_3027 = arith.constant 0 : i32
        %dma_start3A_3028 = arith.constant 4 : i32
        %dma_start3A_3029 = arith.constant 0 : i32
        %dma_start3A_3030 = arith.constant 0 : i32
        %dma_start3A_3031 = tpu.memref_slice %arg6[%dma_start3A_3027, %dma_start3A_3028, %dma_start3A_3029, %dma_start3A_3030] : memref<2x8x32x128xf32, #tpu.memory_space<vmem>> -> memref<1x1x8x128xf32, #tpu.memory_space<vmem>>
        %dma_start3A_3032 = tpu.memref_squeeze %dma_start3A_3031 : memref<1x1x8x128xf32, #tpu.memory_space<vmem>> -> memref<8x128xf32, #tpu.memory_space<vmem>>
        %dma_start3A_3033 = arith.constant 0 : i32
        %dma_start3A_3034 = tpu.memref_slice %arg3[%dma_start3A_3033, %multiple_of3A_3026] : memref<32x1000000xf32, #tpu.memory_space<hbm>> -> memref<8x128xf32, #tpu.memory_space<hbm>>
        %dma_start3A_3035 = arith.constant 0 : i32
        %dma_start3A_3036 = arith.constant 0 : i32
        %dma_start3A_3037 = tpu.memref_slice %arg6[%dma_start3A_3027, %dma_start3A_3028, %dma_start3A_3035, %dma_start3A_3036] : memref<2x8x32x128xf32, #tpu.memory_space<vmem>> -> memref<1x1x8x128xf32, #tpu.memory_space<vmem>>
        %dma_start3A_3038 = tpu.memref_squeeze %dma_start3A_3037 : memref<1x1x8x128xf32, #tpu.memory_space<vmem>> -> memref<8x128xf32, #tpu.memory_space<vmem>>
        %dma_start3A_3039 = arith.constant 0 : i32
        %dma_start3A_3040 = tpu.memref_slice %arg3[%dma_start3A_3039, %multiple_of3A_3026] : memref<32x1000000xf32, #tpu.memory_space<hbm>> -> memref<8x128xf32, #tpu.memory_space<hbm>>
        tpu.enqueue_dma source(%dma_start3A_3040 : memref<8x128xf32, #tpu.memory_space<hbm>>) target(%dma_start3A_3038 : memref<8x128xf32, #tpu.memory_space<vmem>>) target_semaphore(%arg8 : memref<!tpu.dma_semaphore, #tpu.memory_space<semaphore_mem>>)
        %multiple_of3A_3041 = tpu.assume_multiple %shift_left3A_3025, 128 : i32
        %dma_start3A_3042 = arith.constant 0 : i32
        %dma_start3A_3043 = arith.constant 4 : i32
        %dma_start3A_3044 = arith.constant 8 : i32
        %dma_start3A_3045 = arith.constant 0 : i32
        %dma_start3A_3046 = tpu.memref_slice %arg6[%dma_start3A_3042, %dma_start3A_3043, %dma_start3A_3044, %dma_start3A_3045] : memref<2x8x32x128xf32, #tpu.memory_space<vmem>> -> memref<1x1x8x128xf32, #tpu.memory_space<vmem>>
        %dma_start3A_3047 = tpu.memref_squeeze %dma_start3A_3046 : memref<1x1x8x128xf32, #tpu.memory_space<vmem>> -> memref<8x128xf32, #tpu.memory_space<vmem>>
        %dma_start3A_3048 = arith.constant 8 : i32
        %dma_start3A_3049 = tpu.memref_slice %arg3[%dma_start3A_3048, %multiple_of3A_3041] : memref<32x1000000xf32, #tpu.memory_space<hbm>> -> memref<8x128xf32, #tpu.memory_space<hbm>>
        %dma_start3A_3050 = arith.constant 8 : i32
        %dma_start3A_3051 = arith.constant 0 : i32
        %dma_start3A_3052 = tpu.memref_slice %arg6[%dma_start3A_3042, %dma_start3A_3043, %dma_start3A_3050, %dma_start3A_3051] : memref<2x8x32x128xf32, #tpu.memory_space<vmem>> -> memref<1x1x8x128xf32, #tpu.memory_space<vmem>>
        %dma_start3A_3053 = tpu.memref_squeeze %dma_start3A_3052 : memref<1x1x8x128xf32, #tpu.memory_space<vmem>> -> memref<8x128xf32, #tpu.memory_space<vmem>>
        %dma_start3A_3054 = arith.constant 8 : i32
        %dma_start3A_3055 = tpu.memref_slice %arg3[%dma_start3A_3054, %multiple_of3A_3041] : memref<32x1000000xf32, #tpu.memory_space<hbm>> -> memref<8x128xf32, #tpu.memory_space<hbm>>
        tpu.enqueue_dma source(%dma_start3A_3055 : memref<8x128xf32, #tpu.memory_space<hbm>>) target(%dma_start3A_3053 : memref<8x128xf32, #tpu.memory_space<vmem>>) target_semaphore(%arg8 : memref<!tpu.dma_semaphore, #tpu.memory_space<semaphore_mem>>)
        %multiple_of3A_3056 = tpu.assume_multiple %shift_left3A_3025, 128 : i32
        %dma_start3A_3057 = arith.constant 0 : i32
        %dma_start3A_3058 = arith.constant 4 : i32
        %dma_start3A_3059 = arith.constant 16 : i32
        %dma_start3A_3060 = arith.constant 0 : i32
        %dma_start3A_3061 = tpu.memref_slice %arg6[%dma_start3A_3057, %dma_start3A_3058, %dma_start3A_3059, %dma_start3A_3060] : memref<2x8x32x128xf32, #tpu.memory_space<vmem>> -> memref<1x1x8x128xf32, #tpu.memory_space<vmem>>
        %dma_start3A_3062 = tpu.memref_squeeze %dma_start3A_3061 : memref<1x1x8x128xf32, #tpu.memory_space<vmem>> -> memref<8x128xf32, #tpu.memory_space<vmem>>
        %dma_start3A_3063 = arith.constant 16 : i32
        %dma_start3A_3064 = tpu.memref_slice %arg3[%dma_start3A_3063, %multiple_of3A_3056] : memref<32x1000000xf32, #tpu.memory_space<hbm>> -> memref<8x128xf32, #tpu.memory_space<hbm>>
        %dma_start3A_3065 = arith.constant 16 : i32
        %dma_start3A_3066 = arith.constant 0 : i32
        %dma_start3A_3067 = tpu.memref_slice %arg6[%dma_start3A_3057, %dma_start3A_3058, %dma_start3A_3065, %dma_start3A_3066] : memref<2x8x32x128xf32, #tpu.memory_space<vmem>> -> memref<1x1x8x128xf32, #tpu.memory_space<vmem>>
        %dma_start3A_3068 = tpu.memref_squeeze %dma_start3A_3067 : memref<1x1x8x128xf32, #tpu.memory_space<vmem>> -> memref<8x128xf32, #tpu.memory_space<vmem>>
        %dma_start3A_3069 = arith.constant 16 : i32
        %dma_start3A_3070 = tpu.memref_slice %arg3[%dma_start3A_3069, %multiple_of3A_3056] : memref<32x1000000xf32, #tpu.memory_space<hbm>> -> memref<8x128xf32, #tpu.memory_space<hbm>>
        tpu.enqueue_dma source(%dma_start3A_3070 : memref<8x128xf32, #tpu.memory_space<hbm>>) target(%dma_start3A_3068 : memref<8x128xf32, #tpu.memory_space<vmem>>) target_semaphore(%arg8 : memref<!tpu.dma_semaphore, #tpu.memory_space<semaphore_mem>>)
        %multiple_of3A_3071 = tpu.assume_multiple %shift_left3A_3025, 128 : i32
        %dma_start3A_3072 = arith.constant 0 : i32
        %dma_start3A_3073 = arith.constant 4 : i32
        %dma_start3A_3074 = arith.constant 24 : i32
        %dma_start3A_3075 = arith.constant 0 : i32
        %dma_start3A_3076 = tpu.memref_slice %arg6[%dma_start3A_3072, %dma_start3A_3073, %dma_start3A_3074, %dma_start3A_3075] : memref<2x8x32x128xf32, #tpu.memory_space<vmem>> -> memref<1x1x8x128xf32, #tpu.memory_space<vmem>>
        %dma_start3A_3077 = tpu.memref_squeeze %dma_start3A_3076 : memref<1x1x8x128xf32, #tpu.memory_space<vmem>> -> memref<8x128xf32, #tpu.memory_space<vmem>>
        %dma_start3A_3078 = arith.constant 24 : i32
        %dma_start3A_3079 = tpu.memref_slice %arg3[%dma_start3A_3078, %multiple_of3A_3071] : memref<32x1000000xf32, #tpu.memory_space<hbm>> -> memref<8x128xf32, #tpu.memory_space<hbm>>
        %dma_start3A_3080 = arith.constant 24 : i32
        %dma_start3A_3081 = arith.constant 0 : i32
        %dma_start3A_3082 = tpu.memref_slice %arg6[%dma_start3A_3072, %dma_start3A_3073, %dma_start3A_3080, %dma_start3A_3081] : memref<2x8x32x128xf32, #tpu.memory_space<vmem>> -> memref<1x1x8x128xf32, #tpu.memory_space<vmem>>
        %dma_start3A_3083 = tpu.memref_squeeze %dma_start3A_3082 : memref<1x1x8x128xf32, #tpu.memory_space<vmem>> -> memref<8x128xf32, #tpu.memory_space<vmem>>
        %dma_start3A_3084 = arith.constant 24 : i32
        %dma_start3A_3085 = tpu.memref_slice %arg3[%dma_start3A_3084, %multiple_of3A_3071] : memref<32x1000000xf32, #tpu.memory_space<hbm>> -> memref<8x128xf32, #tpu.memory_space<hbm>>
        tpu.enqueue_dma source(%dma_start3A_3085 : memref<8x128xf32, #tpu.memory_space<hbm>>) target(%dma_start3A_3083 : memref<8x128xf32, #tpu.memory_space<vmem>>) target_semaphore(%arg8 : memref<!tpu.dma_semaphore, #tpu.memory_space<semaphore_mem>>)
        %slice3A_3086 = vector.extract_strided_slice %get3A_2755 {offsets = [5], sizes = [1], strides = [1]} : vector<16xi32> to vector<1xi32>
        %squeeze3A_3087 = vector.extract %slice3A_3086[0] : i32 from vector<1xi32>
        %shift_right_arithmetic3A_3088 = arith.constant 7 : i32
        %shift_right_arithmetic3A_3089 = arith.shrsi %squeeze3A_3087, %shift_right_arithmetic3A_3088 : i32
        %shift_left3A_3090 = arith.constant 7 : i32
        %shift_left3A_3091 = arith.shli %shift_right_arithmetic3A_3089, %shift_left3A_3090 : i32
        %multiple_of3A_3092 = tpu.assume_multiple %shift_left3A_3091, 128 : i32
        %dma_start3A_3093 = arith.constant 0 : i32
        %dma_start3A_3094 = arith.constant 5 : i32
        %dma_start3A_3095 = arith.constant 0 : i32
        %dma_start3A_3096 = arith.constant 0 : i32
        %dma_start3A_3097 = tpu.memref_slice %arg6[%dma_start3A_3093, %dma_start3A_3094, %dma_start3A_3095, %dma_start3A_3096] : memref<2x8x32x128xf32, #tpu.memory_space<vmem>> -> memref<1x1x8x128xf32, #tpu.memory_space<vmem>>
        %dma_start3A_3098 = tpu.memref_squeeze %dma_start3A_3097 : memref<1x1x8x128xf32, #tpu.memory_space<vmem>> -> memref<8x128xf32, #tpu.memory_space<vmem>>
        %dma_start3A_3099 = arith.constant 0 : i32
        %dma_start3A_3100 = tpu.memref_slice %arg3[%dma_start3A_3099, %multiple_of3A_3092] : memref<32x1000000xf32, #tpu.memory_space<hbm>> -> memref<8x128xf32, #tpu.memory_space<hbm>>
        %dma_start3A_3101 = arith.constant 0 : i32
        %dma_start3A_3102 = arith.constant 0 : i32
        %dma_start3A_3103 = tpu.memref_slice %arg6[%dma_start3A_3093, %dma_start3A_3094, %dma_start3A_3101, %dma_start3A_3102] : memref<2x8x32x128xf32, #tpu.memory_space<vmem>> -> memref<1x1x8x128xf32, #tpu.memory_space<vmem>>
        %dma_start3A_3104 = tpu.memref_squeeze %dma_start3A_3103 : memref<1x1x8x128xf32, #tpu.memory_space<vmem>> -> memref<8x128xf32, #tpu.memory_space<vmem>>
        %dma_start3A_3105 = arith.constant 0 : i32
        %dma_start3A_3106 = tpu.memref_slice %arg3[%dma_start3A_3105, %multiple_of3A_3092] : memref<32x1000000xf32, #tpu.memory_space<hbm>> -> memref<8x128xf32, #tpu.memory_space<hbm>>
        tpu.enqueue_dma source(%dma_start3A_3106 : memref<8x128xf32, #tpu.memory_space<hbm>>) target(%dma_start3A_3104 : memref<8x128xf32, #tpu.memory_space<vmem>>) target_semaphore(%arg8 : memref<!tpu.dma_semaphore, #tpu.memory_space<semaphore_mem>>)
        %multiple_of3A_3107 = tpu.assume_multiple %shift_left3A_3091, 128 : i32
        %dma_start3A_3108 = arith.constant 0 : i32
        %dma_start3A_3109 = arith.constant 5 : i32
        %dma_start3A_3110 = arith.constant 8 : i32
        %dma_start3A_3111 = arith.constant 0 : i32
        %dma_start3A_3112 = tpu.memref_slice %arg6[%dma_start3A_3108, %dma_start3A_3109, %dma_start3A_3110, %dma_start3A_3111] : memref<2x8x32x128xf32, #tpu.memory_space<vmem>> -> memref<1x1x8x128xf32, #tpu.memory_space<vmem>>
        %dma_start3A_3113 = tpu.memref_squeeze %dma_start3A_3112 : memref<1x1x8x128xf32, #tpu.memory_space<vmem>> -> memref<8x128xf32, #tpu.memory_space<vmem>>
        %dma_start3A_3114 = arith.constant 8 : i32
        %dma_start3A_3115 = tpu.memref_slice %arg3[%dma_start3A_3114, %multiple_of3A_3107] : memref<32x1000000xf32, #tpu.memory_space<hbm>> -> memref<8x128xf32, #tpu.memory_space<hbm>>
        %dma_start3A_3116 = arith.constant 8 : i32
        %dma_start3A_3117 = arith.constant 0 : i32
        %dma_start3A_3118 = tpu.memref_slice %arg6[%dma_start3A_3108, %dma_start3A_3109, %dma_start3A_3116, %dma_start3A_3117] : memref<2x8x32x128xf32, #tpu.memory_space<vmem>> -> memref<1x1x8x128xf32, #tpu.memory_space<vmem>>
        %dma_start3A_3119 = tpu.memref_squeeze %dma_start3A_3118 : memref<1x1x8x128xf32, #tpu.memory_space<vmem>> -> memref<8x128xf32, #tpu.memory_space<vmem>>
        %dma_start3A_3120 = arith.constant 8 : i32
        %dma_start3A_3121 = tpu.memref_slice %arg3[%dma_start3A_3120, %multiple_of3A_3107] : memref<32x1000000xf32, #tpu.memory_space<hbm>> -> memref<8x128xf32, #tpu.memory_space<hbm>>
        tpu.enqueue_dma source(%dma_start3A_3121 : memref<8x128xf32, #tpu.memory_space<hbm>>) target(%dma_start3A_3119 : memref<8x128xf32, #tpu.memory_space<vmem>>) target_semaphore(%arg8 : memref<!tpu.dma_semaphore, #tpu.memory_space<semaphore_mem>>)
        %multiple_of3A_3122 = tpu.assume_multiple %shift_left3A_3091, 128 : i32
        %dma_start3A_3123 = arith.constant 0 : i32
        %dma_start3A_3124 = arith.constant 5 : i32
        %dma_start3A_3125 = arith.constant 16 : i32
        %dma_start3A_3126 = arith.constant 0 : i32
        %dma_start3A_3127 = tpu.memref_slice %arg6[%dma_start3A_3123, %dma_start3A_3124, %dma_start3A_3125, %dma_start3A_3126] : memref<2x8x32x128xf32, #tpu.memory_space<vmem>> -> memref<1x1x8x128xf32, #tpu.memory_space<vmem>>
        %dma_start3A_3128 = tpu.memref_squeeze %dma_start3A_3127 : memref<1x1x8x128xf32, #tpu.memory_space<vmem>> -> memref<8x128xf32, #tpu.memory_space<vmem>>
        %dma_start3A_3129 = arith.constant 16 : i32
        %dma_start3A_3130 = tpu.memref_slice %arg3[%dma_start3A_3129, %multiple_of3A_3122] : memref<32x1000000xf32, #tpu.memory_space<hbm>> -> memref<8x128xf32, #tpu.memory_space<hbm>>
        %dma_start3A_3131 = arith.constant 16 : i32
        %dma_start3A_3132 = arith.constant 0 : i32
        %dma_start3A_3133 = tpu.memref_slice %arg6[%dma_start3A_3123, %dma_start3A_3124, %dma_start3A_3131, %dma_start3A_3132] : memref<2x8x32x128xf32, #tpu.memory_space<vmem>> -> memref<1x1x8x128xf32, #tpu.memory_space<vmem>>
        %dma_start3A_3134 = tpu.memref_squeeze %dma_start3A_3133 : memref<1x1x8x128xf32, #tpu.memory_space<vmem>> -> memref<8x128xf32, #tpu.memory_space<vmem>>
        %dma_start3A_3135 = arith.constant 16 : i32
        %dma_start3A_3136 = tpu.memref_slice %arg3[%dma_start3A_3135, %multiple_of3A_3122] : memref<32x1000000xf32, #tpu.memory_space<hbm>> -> memref<8x128xf32, #tpu.memory_space<hbm>>
        tpu.enqueue_dma source(%dma_start3A_3136 : memref<8x128xf32, #tpu.memory_space<hbm>>) target(%dma_start3A_3134 : memref<8x128xf32, #tpu.memory_space<vmem>>) target_semaphore(%arg8 : memref<!tpu.dma_semaphore, #tpu.memory_space<semaphore_mem>>)
        %multiple_of3A_3137 = tpu.assume_multiple %shift_left3A_3091, 128 : i32
        %dma_start3A_3138 = arith.constant 0 : i32
        %dma_start3A_3139 = arith.constant 5 : i32
        %dma_start3A_3140 = arith.constant 24 : i32
        %dma_start3A_3141 = arith.constant 0 : i32
        %dma_start3A_3142 = tpu.memref_slice %arg6[%dma_start3A_3138, %dma_start3A_3139, %dma_start3A_3140, %dma_start3A_3141] : memref<2x8x32x128xf32, #tpu.memory_space<vmem>> -> memref<1x1x8x128xf32, #tpu.memory_space<vmem>>
        %dma_start3A_3143 = tpu.memref_squeeze %dma_start3A_3142 : memref<1x1x8x128xf32, #tpu.memory_space<vmem>> -> memref<8x128xf32, #tpu.memory_space<vmem>>
        %dma_start3A_3144 = arith.constant 24 : i32
        %dma_start3A_3145 = tpu.memref_slice %arg3[%dma_start3A_3144, %multiple_of3A_3137] : memref<32x1000000xf32, #tpu.memory_space<hbm>> -> memref<8x128xf32, #tpu.memory_space<hbm>>
        %dma_start3A_3146 = arith.constant 24 : i32
        %dma_start3A_3147 = arith.constant 0 : i32
        %dma_start3A_3148 = tpu.memref_slice %arg6[%dma_start3A_3138, %dma_start3A_3139, %dma_start3A_3146, %dma_start3A_3147] : memref<2x8x32x128xf32, #tpu.memory_space<vmem>> -> memref<1x1x8x128xf32, #tpu.memory_space<vmem>>
        %dma_start3A_3149 = tpu.memref_squeeze %dma_start3A_3148 : memref<1x1x8x128xf32, #tpu.memory_space<vmem>> -> memref<8x128xf32, #tpu.memory_space<vmem>>
        %dma_start3A_3150 = arith.constant 24 : i32
        %dma_start3A_3151 = tpu.memref_slice %arg3[%dma_start3A_3150, %multiple_of3A_3137] : memref<32x1000000xf32, #tpu.memory_space<hbm>> -> memref<8x128xf32, #tpu.memory_space<hbm>>
        tpu.enqueue_dma source(%dma_start3A_3151 : memref<8x128xf32, #tpu.memory_space<hbm>>) target(%dma_start3A_3149 : memref<8x128xf32, #tpu.memory_space<vmem>>) target_semaphore(%arg8 : memref<!tpu.dma_semaphore, #tpu.memory_space<semaphore_mem>>)
        %slice3A_3152 = vector.extract_strided_slice %get3A_2755 {offsets = [6], sizes = [1], strides = [1]} : vector<16xi32> to vector<1xi32>
        %squeeze3A_3153 = vector.extract %slice3A_3152[0] : i32 from vector<1xi32>
        %shift_right_arithmetic3A_3154 = arith.constant 7 : i32
        %shift_right_arithmetic3A_3155 = arith.shrsi %squeeze3A_3153, %shift_right_arithmetic3A_3154 : i32
        %shift_left3A_3156 = arith.constant 7 : i32
        %shift_left3A_3157 = arith.shli %shift_right_arithmetic3A_3155, %shift_left3A_3156 : i32
        %multiple_of3A_3158 = tpu.assume_multiple %shift_left3A_3157, 128 : i32
        %dma_start3A_3159 = arith.constant 0 : i32
        %dma_start3A_3160 = arith.constant 6 : i32
        %dma_start3A_3161 = arith.constant 0 : i32
        %dma_start3A_3162 = arith.constant 0 : i32
        %dma_start3A_3163 = tpu.memref_slice %arg6[%dma_start3A_3159, %dma_start3A_3160, %dma_start3A_3161, %dma_start3A_3162] : memref<2x8x32x128xf32, #tpu.memory_space<vmem>> -> memref<1x1x8x128xf32, #tpu.memory_space<vmem>>
        %dma_start3A_3164 = tpu.memref_squeeze %dma_start3A_3163 : memref<1x1x8x128xf32, #tpu.memory_space<vmem>> -> memref<8x128xf32, #tpu.memory_space<vmem>>
        %dma_start3A_3165 = arith.constant 0 : i32
        %dma_start3A_3166 = tpu.memref_slice %arg3[%dma_start3A_3165, %multiple_of3A_3158] : memref<32x1000000xf32, #tpu.memory_space<hbm>> -> memref<8x128xf32, #tpu.memory_space<hbm>>
        %dma_start3A_3167 = arith.constant 0 : i32
        %dma_start3A_3168 = arith.constant 0 : i32
        %dma_start3A_3169 = tpu.memref_slice %arg6[%dma_start3A_3159, %dma_start3A_3160, %dma_start3A_3167, %dma_start3A_3168] : memref<2x8x32x128xf32, #tpu.memory_space<vmem>> -> memref<1x1x8x128xf32, #tpu.memory_space<vmem>>
        %dma_start3A_3170 = tpu.memref_squeeze %dma_start3A_3169 : memref<1x1x8x128xf32, #tpu.memory_space<vmem>> -> memref<8x128xf32, #tpu.memory_space<vmem>>
        %dma_start3A_3171 = arith.constant 0 : i32
        %dma_start3A_3172 = tpu.memref_slice %arg3[%dma_start3A_3171, %multiple_of3A_3158] : memref<32x1000000xf32, #tpu.memory_space<hbm>> -> memref<8x128xf32, #tpu.memory_space<hbm>>
        tpu.enqueue_dma source(%dma_start3A_3172 : memref<8x128xf32, #tpu.memory_space<hbm>>) target(%dma_start3A_3170 : memref<8x128xf32, #tpu.memory_space<vmem>>) target_semaphore(%arg8 : memref<!tpu.dma_semaphore, #tpu.memory_space<semaphore_mem>>)
        %multiple_of3A_3173 = tpu.assume_multiple %shift_left3A_3157, 128 : i32
        %dma_start3A_3174 = arith.constant 0 : i32
        %dma_start3A_3175 = arith.constant 6 : i32
        %dma_start3A_3176 = arith.constant 8 : i32
        %dma_start3A_3177 = arith.constant 0 : i32
        %dma_start3A_3178 = tpu.memref_slice %arg6[%dma_start3A_3174, %dma_start3A_3175, %dma_start3A_3176, %dma_start3A_3177] : memref<2x8x32x128xf32, #tpu.memory_space<vmem>> -> memref<1x1x8x128xf32, #tpu.memory_space<vmem>>
        %dma_start3A_3179 = tpu.memref_squeeze %dma_start3A_3178 : memref<1x1x8x128xf32, #tpu.memory_space<vmem>> -> memref<8x128xf32, #tpu.memory_space<vmem>>
        %dma_start3A_3180 = arith.constant 8 : i32
        %dma_start3A_3181 = tpu.memref_slice %arg3[%dma_start3A_3180, %multiple_of3A_3173] : memref<32x1000000xf32, #tpu.memory_space<hbm>> -> memref<8x128xf32, #tpu.memory_space<hbm>>
        %dma_start3A_3182 = arith.constant 8 : i32
        %dma_start3A_3183 = arith.constant 0 : i32
        %dma_start3A_3184 = tpu.memref_slice %arg6[%dma_start3A_3174, %dma_start3A_3175, %dma_start3A_3182, %dma_start3A_3183] : memref<2x8x32x128xf32, #tpu.memory_space<vmem>> -> memref<1x1x8x128xf32, #tpu.memory_space<vmem>>
        %dma_start3A_3185 = tpu.memref_squeeze %dma_start3A_3184 : memref<1x1x8x128xf32, #tpu.memory_space<vmem>> -> memref<8x128xf32, #tpu.memory_space<vmem>>
        %dma_start3A_3186 = arith.constant 8 : i32
        %dma_start3A_3187 = tpu.memref_slice %arg3[%dma_start3A_3186, %multiple_of3A_3173] : memref<32x1000000xf32, #tpu.memory_space<hbm>> -> memref<8x128xf32, #tpu.memory_space<hbm>>
        tpu.enqueue_dma source(%dma_start3A_3187 : memref<8x128xf32, #tpu.memory_space<hbm>>) target(%dma_start3A_3185 : memref<8x128xf32, #tpu.memory_space<vmem>>) target_semaphore(%arg8 : memref<!tpu.dma_semaphore, #tpu.memory_space<semaphore_mem>>)
        %multiple_of3A_3188 = tpu.assume_multiple %shift_left3A_3157, 128 : i32
        %dma_start3A_3189 = arith.constant 0 : i32
        %dma_start3A_3190 = arith.constant 6 : i32
        %dma_start3A_3191 = arith.constant 16 : i32
        %dma_start3A_3192 = arith.constant 0 : i32
        %dma_start3A_3193 = tpu.memref_slice %arg6[%dma_start3A_3189, %dma_start3A_3190, %dma_start3A_3191, %dma_start3A_3192] : memref<2x8x32x128xf32, #tpu.memory_space<vmem>> -> memref<1x1x8x128xf32, #tpu.memory_space<vmem>>
        %dma_start3A_3194 = tpu.memref_squeeze %dma_start3A_3193 : memref<1x1x8x128xf32, #tpu.memory_space<vmem>> -> memref<8x128xf32, #tpu.memory_space<vmem>>
        %dma_start3A_3195 = arith.constant 16 : i32
        %dma_start3A_3196 = tpu.memref_slice %arg3[%dma_start3A_3195, %multiple_of3A_3188] : memref<32x1000000xf32, #tpu.memory_space<hbm>> -> memref<8x128xf32, #tpu.memory_space<hbm>>
        %dma_start3A_3197 = arith.constant 16 : i32
        %dma_start3A_3198 = arith.constant 0 : i32
        %dma_start3A_3199 = tpu.memref_slice %arg6[%dma_start3A_3189, %dma_start3A_3190, %dma_start3A_3197, %dma_start3A_3198] : memref<2x8x32x128xf32, #tpu.memory_space<vmem>> -> memref<1x1x8x128xf32, #tpu.memory_space<vmem>>
        %dma_start3A_3200 = tpu.memref_squeeze %dma_start3A_3199 : memref<1x1x8x128xf32, #tpu.memory_space<vmem>> -> memref<8x128xf32, #tpu.memory_space<vmem>>
        %dma_start3A_3201 = arith.constant 16 : i32
        %dma_start3A_3202 = tpu.memref_slice %arg3[%dma_start3A_3201, %multiple_of3A_3188] : memref<32x1000000xf32, #tpu.memory_space<hbm>> -> memref<8x128xf32, #tpu.memory_space<hbm>>
        tpu.enqueue_dma source(%dma_start3A_3202 : memref<8x128xf32, #tpu.memory_space<hbm>>) target(%dma_start3A_3200 : memref<8x128xf32, #tpu.memory_space<vmem>>) target_semaphore(%arg8 : memref<!tpu.dma_semaphore, #tpu.memory_space<semaphore_mem>>)
        %multiple_of3A_3203 = tpu.assume_multiple %shift_left3A_3157, 128 : i32
        %dma_start3A_3204 = arith.constant 0 : i32
        %dma_start3A_3205 = arith.constant 6 : i32
        %dma_start3A_3206 = arith.constant 24 : i32
        %dma_start3A_3207 = arith.constant 0 : i32
        %dma_start3A_3208 = tpu.memref_slice %arg6[%dma_start3A_3204, %dma_start3A_3205, %dma_start3A_3206, %dma_start3A_3207] : memref<2x8x32x128xf32, #tpu.memory_space<vmem>> -> memref<1x1x8x128xf32, #tpu.memory_space<vmem>>
        %dma_start3A_3209 = tpu.memref_squeeze %dma_start3A_3208 : memref<1x1x8x128xf32, #tpu.memory_space<vmem>> -> memref<8x128xf32, #tpu.memory_space<vmem>>
        %dma_start3A_3210 = arith.constant 24 : i32
        %dma_start3A_3211 = tpu.memref_slice %arg3[%dma_start3A_3210, %multiple_of3A_3203] : memref<32x1000000xf32, #tpu.memory_space<hbm>> -> memref<8x128xf32, #tpu.memory_space<hbm>>
        %dma_start3A_3212 = arith.constant 24 : i32
        %dma_start3A_3213 = arith.constant 0 : i32
        %dma_start3A_3214 = tpu.memref_slice %arg6[%dma_start3A_3204, %dma_start3A_3205, %dma_start3A_3212, %dma_start3A_3213] : memref<2x8x32x128xf32, #tpu.memory_space<vmem>> -> memref<1x1x8x128xf32, #tpu.memory_space<vmem>>
        %dma_start3A_3215 = tpu.memref_squeeze %dma_start3A_3214 : memref<1x1x8x128xf32, #tpu.memory_space<vmem>> -> memref<8x128xf32, #tpu.memory_space<vmem>>
        %dma_start3A_3216 = arith.constant 24 : i32
        %dma_start3A_3217 = tpu.memref_slice %arg3[%dma_start3A_3216, %multiple_of3A_3203] : memref<32x1000000xf32, #tpu.memory_space<hbm>> -> memref<8x128xf32, #tpu.memory_space<hbm>>
        tpu.enqueue_dma source(%dma_start3A_3217 : memref<8x128xf32, #tpu.memory_space<hbm>>) target(%dma_start3A_3215 : memref<8x128xf32, #tpu.memory_space<vmem>>) target_semaphore(%arg8 : memref<!tpu.dma_semaphore, #tpu.memory_space<semaphore_mem>>)
        %slice3A_3218 = vector.extract_strided_slice %get3A_2755 {offsets = [7], sizes = [1], strides = [1]} : vector<16xi32> to vector<1xi32>
        %squeeze3A_3219 = vector.extract %slice3A_3218[0] : i32 from vector<1xi32>
        %shift_right_arithmetic3A_3220 = arith.constant 7 : i32
        %shift_right_arithmetic3A_3221 = arith.shrsi %squeeze3A_3219, %shift_right_arithmetic3A_3220 : i32
        %shift_left3A_3222 = arith.constant 7 : i32
        %shift_left3A_3223 = arith.shli %shift_right_arithmetic3A_3221, %shift_left3A_3222 : i32
        %multiple_of3A_3224 = tpu.assume_multiple %shift_left3A_3223, 128 : i32
        %dma_start3A_3225 = arith.constant 0 : i32
        %dma_start3A_3226 = arith.constant 7 : i32
        %dma_start3A_3227 = arith.constant 0 : i32
        %dma_start3A_3228 = arith.constant 0 : i32
        %dma_start3A_3229 = tpu.memref_slice %arg6[%dma_start3A_3225, %dma_start3A_3226, %dma_start3A_3227, %dma_start3A_3228] : memref<2x8x32x128xf32, #tpu.memory_space<vmem>> -> memref<1x1x8x128xf32, #tpu.memory_space<vmem>>
        %dma_start3A_3230 = tpu.memref_squeeze %dma_start3A_3229 : memref<1x1x8x128xf32, #tpu.memory_space<vmem>> -> memref<8x128xf32, #tpu.memory_space<vmem>>
        %dma_start3A_3231 = arith.constant 0 : i32
        %dma_start3A_3232 = tpu.memref_slice %arg3[%dma_start3A_3231, %multiple_of3A_3224] : memref<32x1000000xf32, #tpu.memory_space<hbm>> -> memref<8x128xf32, #tpu.memory_space<hbm>>
        %dma_start3A_3233 = arith.constant 0 : i32
        %dma_start3A_3234 = arith.constant 0 : i32
        %dma_start3A_3235 = tpu.memref_slice %arg6[%dma_start3A_3225, %dma_start3A_3226, %dma_start3A_3233, %dma_start3A_3234] : memref<2x8x32x128xf32, #tpu.memory_space<vmem>> -> memref<1x1x8x128xf32, #tpu.memory_space<vmem>>
        %dma_start3A_3236 = tpu.memref_squeeze %dma_start3A_3235 : memref<1x1x8x128xf32, #tpu.memory_space<vmem>> -> memref<8x128xf32, #tpu.memory_space<vmem>>
        %dma_start3A_3237 = arith.constant 0 : i32
        %dma_start3A_3238 = tpu.memref_slice %arg3[%dma_start3A_3237, %multiple_of3A_3224] : memref<32x1000000xf32, #tpu.memory_space<hbm>> -> memref<8x128xf32, #tpu.memory_space<hbm>>
        tpu.enqueue_dma source(%dma_start3A_3238 : memref<8x128xf32, #tpu.memory_space<hbm>>) target(%dma_start3A_3236 : memref<8x128xf32, #tpu.memory_space<vmem>>) target_semaphore(%arg8 : memref<!tpu.dma_semaphore, #tpu.memory_space<semaphore_mem>>)
        %multiple_of3A_3239 = tpu.assume_multiple %shift_left3A_3223, 128 : i32
        %dma_start3A_3240 = arith.constant 0 : i32
        %dma_start3A_3241 = arith.constant 7 : i32
        %dma_start3A_3242 = arith.constant 8 : i32
        %dma_start3A_3243 = arith.constant 0 : i32
        %dma_start3A_3244 = tpu.memref_slice %arg6[%dma_start3A_3240, %dma_start3A_3241, %dma_start3A_3242, %dma_start3A_3243] : memref<2x8x32x128xf32, #tpu.memory_space<vmem>> -> memref<1x1x8x128xf32, #tpu.memory_space<vmem>>
        %dma_start3A_3245 = tpu.memref_squeeze %dma_start3A_3244 : memref<1x1x8x128xf32, #tpu.memory_space<vmem>> -> memref<8x128xf32, #tpu.memory_space<vmem>>
        %dma_start3A_3246 = arith.constant 8 : i32
        %dma_start3A_3247 = tpu.memref_slice %arg3[%dma_start3A_3246, %multiple_of3A_3239] : memref<32x1000000xf32, #tpu.memory_space<hbm>> -> memref<8x128xf32, #tpu.memory_space<hbm>>
        %dma_start3A_3248 = arith.constant 8 : i32
        %dma_start3A_3249 = arith.constant 0 : i32
        %dma_start3A_3250 = tpu.memref_slice %arg6[%dma_start3A_3240, %dma_start3A_3241, %dma_start3A_3248, %dma_start3A_3249] : memref<2x8x32x128xf32, #tpu.memory_space<vmem>> -> memref<1x1x8x128xf32, #tpu.memory_space<vmem>>
        %dma_start3A_3251 = tpu.memref_squeeze %dma_start3A_3250 : memref<1x1x8x128xf32, #tpu.memory_space<vmem>> -> memref<8x128xf32, #tpu.memory_space<vmem>>
        %dma_start3A_3252 = arith.constant 8 : i32
        %dma_start3A_3253 = tpu.memref_slice %arg3[%dma_start3A_3252, %multiple_of3A_3239] : memref<32x1000000xf32, #tpu.memory_space<hbm>> -> memref<8x128xf32, #tpu.memory_space<hbm>>
        tpu.enqueue_dma source(%dma_start3A_3253 : memref<8x128xf32, #tpu.memory_space<hbm>>) target(%dma_start3A_3251 : memref<8x128xf32, #tpu.memory_space<vmem>>) target_semaphore(%arg8 : memref<!tpu.dma_semaphore, #tpu.memory_space<semaphore_mem>>)
        %multiple_of3A_3254 = tpu.assume_multiple %shift_left3A_3223, 128 : i32
        %dma_start3A_3255 = arith.constant 0 : i32
        %dma_start3A_3256 = arith.constant 7 : i32
        %dma_start3A_3257 = arith.constant 16 : i32
        %dma_start3A_3258 = arith.constant 0 : i32
        %dma_start3A_3259 = tpu.memref_slice %arg6[%dma_start3A_3255, %dma_start3A_3256, %dma_start3A_3257, %dma_start3A_3258] : memref<2x8x32x128xf32, #tpu.memory_space<vmem>> -> memref<1x1x8x128xf32, #tpu.memory_space<vmem>>
        %dma_start3A_3260 = tpu.memref_squeeze %dma_start3A_3259 : memref<1x1x8x128xf32, #tpu.memory_space<vmem>> -> memref<8x128xf32, #tpu.memory_space<vmem>>
        %dma_start3A_3261 = arith.constant 16 : i32
        %dma_start3A_3262 = tpu.memref_slice %arg3[%dma_start3A_3261, %multiple_of3A_3254] : memref<32x1000000xf32, #tpu.memory_space<hbm>> -> memref<8x128xf32, #tpu.memory_space<hbm>>
        %dma_start3A_3263 = arith.constant 16 : i32
        %dma_start3A_3264 = arith.constant 0 : i32
        %dma_start3A_3265 = tpu.memref_slice %arg6[%dma_start3A_3255, %dma_start3A_3256, %dma_start3A_3263, %dma_start3A_3264] : memref<2x8x32x128xf32, #tpu.memory_space<vmem>> -> memref<1x1x8x128xf32, #tpu.memory_space<vmem>>
        %dma_start3A_3266 = tpu.memref_squeeze %dma_start3A_3265 : memref<1x1x8x128xf32, #tpu.memory_space<vmem>> -> memref<8x128xf32, #tpu.memory_space<vmem>>
        %dma_start3A_3267 = arith.constant 16 : i32
        %dma_start3A_3268 = tpu.memref_slice %arg3[%dma_start3A_3267, %multiple_of3A_3254] : memref<32x1000000xf32, #tpu.memory_space<hbm>> -> memref<8x128xf32, #tpu.memory_space<hbm>>
        tpu.enqueue_dma source(%dma_start3A_3268 : memref<8x128xf32, #tpu.memory_space<hbm>>) target(%dma_start3A_3266 : memref<8x128xf32, #tpu.memory_space<vmem>>) target_semaphore(%arg8 : memref<!tpu.dma_semaphore, #tpu.memory_space<semaphore_mem>>)
        %multiple_of3A_3269 = tpu.assume_multiple %shift_left3A_3223, 128 : i32
        %dma_start3A_3270 = arith.constant 0 : i32
        %dma_start3A_3271 = arith.constant 7 : i32
        %dma_start3A_3272 = arith.constant 24 : i32
        %dma_start3A_3273 = arith.constant 0 : i32
        %dma_start3A_3274 = tpu.memref_slice %arg6[%dma_start3A_3270, %dma_start3A_3271, %dma_start3A_3272, %dma_start3A_3273] : memref<2x8x32x128xf32, #tpu.memory_space<vmem>> -> memref<1x1x8x128xf32, #tpu.memory_space<vmem>>
        %dma_start3A_3275 = tpu.memref_squeeze %dma_start3A_3274 : memref<1x1x8x128xf32, #tpu.memory_space<vmem>> -> memref<8x128xf32, #tpu.memory_space<vmem>>
        %dma_start3A_3276 = arith.constant 24 : i32
        %dma_start3A_3277 = tpu.memref_slice %arg3[%dma_start3A_3276, %multiple_of3A_3269] : memref<32x1000000xf32, #tpu.memory_space<hbm>> -> memref<8x128xf32, #tpu.memory_space<hbm>>
        %dma_start3A_3278 = arith.constant 24 : i32
        %dma_start3A_3279 = arith.constant 0 : i32
        %dma_start3A_3280 = tpu.memref_slice %arg6[%dma_start3A_3270, %dma_start3A_3271, %dma_start3A_3278, %dma_start3A_3279] : memref<2x8x32x128xf32, #tpu.memory_space<vmem>> -> memref<1x1x8x128xf32, #tpu.memory_space<vmem>>
        %dma_start3A_3281 = tpu.memref_squeeze %dma_start3A_3280 : memref<1x1x8x128xf32, #tpu.memory_space<vmem>> -> memref<8x128xf32, #tpu.memory_space<vmem>>
        %dma_start3A_3282 = arith.constant 24 : i32
        %dma_start3A_3283 = tpu.memref_slice %arg3[%dma_start3A_3282, %multiple_of3A_3269] : memref<32x1000000xf32, #tpu.memory_space<hbm>> -> memref<8x128xf32, #tpu.memory_space<hbm>>
        tpu.enqueue_dma source(%dma_start3A_3283 : memref<8x128xf32, #tpu.memory_space<hbm>>) target(%dma_start3A_3281 : memref<8x128xf32, #tpu.memory_space<vmem>>) target_semaphore(%arg8 : memref<!tpu.dma_semaphore, #tpu.memory_space<semaphore_mem>>)
      } else {
      }
      %dma_wait3A_1907 = arith.constant 1 : i32
      %dma_wait3A_1908 = arith.constant 0 : i32
      %dma_wait3A_1909 = arith.constant 0 : i32
      %dma_wait3A_1910 = arith.constant 0 : i32
      %dma_wait3A_1911 = tpu.memref_slice %arg6[%dma_wait3A_1907, %dma_wait3A_1908, %dma_wait3A_1909, %dma_wait3A_1910] : memref<2x8x32x128xf32, #tpu.memory_space<vmem>> -> memref<1x1x8x128xf32, #tpu.memory_space<vmem>>
      %dma_wait3A_1912 = tpu.memref_squeeze %dma_wait3A_1911 : memref<1x1x8x128xf32, #tpu.memory_space<vmem>> -> memref<8x128xf32, #tpu.memory_space<vmem>>
      %dma_wait3A_1913 = arith.constant 0 : i32
      %dma_wait3A_1914 = arith.constant 0 : i32
      %dma_wait3A_1915 = tpu.memref_slice %arg3[%dma_wait3A_1913, %dma_wait3A_1914] : memref<32x1000000xf32, #tpu.memory_space<hbm>> -> memref<8x128xf32, #tpu.memory_space<hbm>>
      %dma_wait3A_1916 = arith.constant 0 : i32
      %dma_wait3A_1917 = arith.constant 0 : i32
      %dma_wait3A_1918 = tpu.memref_slice %arg6[%dma_wait3A_1907, %dma_wait3A_1908, %dma_wait3A_1916, %dma_wait3A_1917] : memref<2x8x32x128xf32, #tpu.memory_space<vmem>> -> memref<1x1x8x128xf32, #tpu.memory_space<vmem>>
      %dma_wait3A_1919 = tpu.memref_squeeze %dma_wait3A_1918 : memref<1x1x8x128xf32, #tpu.memory_space<vmem>> -> memref<8x128xf32, #tpu.memory_space<vmem>>
      %dma_wait3A_1920 = arith.constant 0 : i32
      %dma_wait3A_1921 = arith.constant 0 : i32
      %dma_wait3A_1922 = tpu.memref_slice %arg3[%dma_wait3A_1920, %dma_wait3A_1921] : memref<32x1000000xf32, #tpu.memory_space<hbm>> -> memref<8x128xf32, #tpu.memory_space<hbm>>
      tpu.wait_dma2 semaphore(%arg9 : memref<!tpu.dma_semaphore, #tpu.memory_space<semaphore_mem>>) src(%dma_wait3A_1922 : memref<8x128xf32, #tpu.memory_space<hbm>>) dst(%dma_wait3A_1919 : memref<8x128xf32, #tpu.memory_space<vmem>>)
      %dma_wait3A_1923 = arith.constant 1 : i32
      %dma_wait3A_1924 = arith.constant 0 : i32
      %dma_wait3A_1925 = arith.constant 8 : i32
      %dma_wait3A_1926 = arith.constant 0 : i32
      %dma_wait3A_1927 = tpu.memref_slice %arg6[%dma_wait3A_1923, %dma_wait3A_1924, %dma_wait3A_1925, %dma_wait3A_1926] : memref<2x8x32x128xf32, #tpu.memory_space<vmem>> -> memref<1x1x8x128xf32, #tpu.memory_space<vmem>>
      %dma_wait3A_1928 = tpu.memref_squeeze %dma_wait3A_1927 : memref<1x1x8x128xf32, #tpu.memory_space<vmem>> -> memref<8x128xf32, #tpu.memory_space<vmem>>
      %dma_wait3A_1929 = arith.constant 8 : i32
      %dma_wait3A_1930 = arith.constant 0 : i32
      %dma_wait3A_1931 = tpu.memref_slice %arg3[%dma_wait3A_1929, %dma_wait3A_1930] : memref<32x1000000xf32, #tpu.memory_space<hbm>> -> memref<8x128xf32, #tpu.memory_space<hbm>>
      %dma_wait3A_1932 = arith.constant 8 : i32
      %dma_wait3A_1933 = arith.constant 0 : i32
      %dma_wait3A_1934 = tpu.memref_slice %arg6[%dma_wait3A_1923, %dma_wait3A_1924, %dma_wait3A_1932, %dma_wait3A_1933] : memref<2x8x32x128xf32, #tpu.memory_space<vmem>> -> memref<1x1x8x128xf32, #tpu.memory_space<vmem>>
      %dma_wait3A_1935 = tpu.memref_squeeze %dma_wait3A_1934 : memref<1x1x8x128xf32, #tpu.memory_space<vmem>> -> memref<8x128xf32, #tpu.memory_space<vmem>>
      %dma_wait3A_1936 = arith.constant 8 : i32
      %dma_wait3A_1937 = arith.constant 0 : i32
      %dma_wait3A_1938 = tpu.memref_slice %arg3[%dma_wait3A_1936, %dma_wait3A_1937] : memref<32x1000000xf32, #tpu.memory_space<hbm>> -> memref<8x128xf32, #tpu.memory_space<hbm>>
      tpu.wait_dma2 semaphore(%arg9 : memref<!tpu.dma_semaphore, #tpu.memory_space<semaphore_mem>>) src(%dma_wait3A_1938 : memref<8x128xf32, #tpu.memory_space<hbm>>) dst(%dma_wait3A_1935 : memref<8x128xf32, #tpu.memory_space<vmem>>)
      %dma_wait3A_1939 = arith.constant 1 : i32
      %dma_wait3A_1940 = arith.constant 0 : i32
      %dma_wait3A_1941 = arith.constant 16 : i32
      %dma_wait3A_1942 = arith.constant 0 : i32
      %dma_wait3A_1943 = tpu.memref_slice %arg6[%dma_wait3A_1939, %dma_wait3A_1940, %dma_wait3A_1941, %dma_wait3A_1942] : memref<2x8x32x128xf32, #tpu.memory_space<vmem>> -> memref<1x1x8x128xf32, #tpu.memory_space<vmem>>
      %dma_wait3A_1944 = tpu.memref_squeeze %dma_wait3A_1943 : memref<1x1x8x128xf32, #tpu.memory_space<vmem>> -> memref<8x128xf32, #tpu.memory_space<vmem>>
      %dma_wait3A_1945 = arith.constant 16 : i32
      %dma_wait3A_1946 = arith.constant 0 : i32
      %dma_wait3A_1947 = tpu.memref_slice %arg3[%dma_wait3A_1945, %dma_wait3A_1946] : memref<32x1000000xf32, #tpu.memory_space<hbm>> -> memref<8x128xf32, #tpu.memory_space<hbm>>
      %dma_wait3A_1948 = arith.constant 16 : i32
      %dma_wait3A_1949 = arith.constant 0 : i32
      %dma_wait3A_1950 = tpu.memref_slice %arg6[%dma_wait3A_1939, %dma_wait3A_1940, %dma_wait3A_1948, %dma_wait3A_1949] : memref<2x8x32x128xf32, #tpu.memory_space<vmem>> -> memref<1x1x8x128xf32, #tpu.memory_space<vmem>>
      %dma_wait3A_1951 = tpu.memref_squeeze %dma_wait3A_1950 : memref<1x1x8x128xf32, #tpu.memory_space<vmem>> -> memref<8x128xf32, #tpu.memory_space<vmem>>
      %dma_wait3A_1952 = arith.constant 16 : i32
      %dma_wait3A_1953 = arith.constant 0 : i32
      %dma_wait3A_1954 = tpu.memref_slice %arg3[%dma_wait3A_1952, %dma_wait3A_1953] : memref<32x1000000xf32, #tpu.memory_space<hbm>> -> memref<8x128xf32, #tpu.memory_space<hbm>>
      tpu.wait_dma2 semaphore(%arg9 : memref<!tpu.dma_semaphore, #tpu.memory_space<semaphore_mem>>) src(%dma_wait3A_1954 : memref<8x128xf32, #tpu.memory_space<hbm>>) dst(%dma_wait3A_1951 : memref<8x128xf32, #tpu.memory_space<vmem>>)
      %dma_wait3A_1955 = arith.constant 1 : i32
      %dma_wait3A_1956 = arith.constant 0 : i32
      %dma_wait3A_1957 = arith.constant 24 : i32
      %dma_wait3A_1958 = arith.constant 0 : i32
      %dma_wait3A_1959 = tpu.memref_slice %arg6[%dma_wait3A_1955, %dma_wait3A_1956, %dma_wait3A_1957, %dma_wait3A_1958] : memref<2x8x32x128xf32, #tpu.memory_space<vmem>> -> memref<1x1x8x128xf32, #tpu.memory_space<vmem>>
      %dma_wait3A_1960 = tpu.memref_squeeze %dma_wait3A_1959 : memref<1x1x8x128xf32, #tpu.memory_space<vmem>> -> memref<8x128xf32, #tpu.memory_space<vmem>>
      %dma_wait3A_1961 = arith.constant 24 : i32
      %dma_wait3A_1962 = arith.constant 0 : i32
      %dma_wait3A_1963 = tpu.memref_slice %arg3[%dma_wait3A_1961, %dma_wait3A_1962] : memref<32x1000000xf32, #tpu.memory_space<hbm>> -> memref<8x128xf32, #tpu.memory_space<hbm>>
      %dma_wait3A_1964 = arith.constant 24 : i32
      %dma_wait3A_1965 = arith.constant 0 : i32
      %dma_wait3A_1966 = tpu.memref_slice %arg6[%dma_wait3A_1955, %dma_wait3A_1956, %dma_wait3A_1964, %dma_wait3A_1965] : memref<2x8x32x128xf32, #tpu.memory_space<vmem>> -> memref<1x1x8x128xf32, #tpu.memory_space<vmem>>
      %dma_wait3A_1967 = tpu.memref_squeeze %dma_wait3A_1966 : memref<1x1x8x128xf32, #tpu.memory_space<vmem>> -> memref<8x128xf32, #tpu.memory_space<vmem>>
      %dma_wait3A_1968 = arith.constant 24 : i32
      %dma_wait3A_1969 = arith.constant 0 : i32
      %dma_wait3A_1970 = tpu.memref_slice %arg3[%dma_wait3A_1968, %dma_wait3A_1969] : memref<32x1000000xf32, #tpu.memory_space<hbm>> -> memref<8x128xf32, #tpu.memory_space<hbm>>
      tpu.wait_dma2 semaphore(%arg9 : memref<!tpu.dma_semaphore, #tpu.memory_space<semaphore_mem>>) src(%dma_wait3A_1970 : memref<8x128xf32, #tpu.memory_space<hbm>>) dst(%dma_wait3A_1967 : memref<8x128xf32, #tpu.memory_space<vmem>>)
      %dma_wait3A_1971 = arith.constant 1 : i32
      %dma_wait3A_1972 = arith.constant 1 : i32
      %dma_wait3A_1973 = arith.constant 0 : i32
      %dma_wait3A_1974 = arith.constant 0 : i32
      %dma_wait3A_1975 = tpu.memref_slice %arg6[%dma_wait3A_1971, %dma_wait3A_1972, %dma_wait3A_1973, %dma_wait3A_1974] : memref<2x8x32x128xf32, #tpu.memory_space<vmem>> -> memref<1x1x8x128xf32, #tpu.memory_space<vmem>>
      %dma_wait3A_1976 = tpu.memref_squeeze %dma_wait3A_1975 : memref<1x1x8x128xf32, #tpu.memory_space<vmem>> -> memref<8x128xf32, #tpu.memory_space<vmem>>
      %dma_wait3A_1977 = arith.constant 0 : i32
      %dma_wait3A_1978 = arith.constant 0 : i32
      %dma_wait3A_1979 = tpu.memref_slice %arg3[%dma_wait3A_1977, %dma_wait3A_1978] : memref<32x1000000xf32, #tpu.memory_space<hbm>> -> memref<8x128xf32, #tpu.memory_space<hbm>>
      %dma_wait3A_1980 = arith.constant 0 : i32
      %dma_wait3A_1981 = arith.constant 0 : i32
      %dma_wait3A_1982 = tpu.memref_slice %arg6[%dma_wait3A_1971, %dma_wait3A_1972, %dma_wait3A_1980, %dma_wait3A_1981] : memref<2x8x32x128xf32, #tpu.memory_space<vmem>> -> memref<1x1x8x128xf32, #tpu.memory_space<vmem>>
      %dma_wait3A_1983 = tpu.memref_squeeze %dma_wait3A_1982 : memref<1x1x8x128xf32, #tpu.memory_space<vmem>> -> memref<8x128xf32, #tpu.memory_space<vmem>>
      %dma_wait3A_1984 = arith.constant 0 : i32
      %dma_wait3A_1985 = arith.constant 0 : i32
      %dma_wait3A_1986 = tpu.memref_slice %arg3[%dma_wait3A_1984, %dma_wait3A_1985] : memref<32x1000000xf32, #tpu.memory_space<hbm>> -> memref<8x128xf32, #tpu.memory_space<hbm>>
      tpu.wait_dma2 semaphore(%arg9 : memref<!tpu.dma_semaphore, #tpu.memory_space<semaphore_mem>>) src(%dma_wait3A_1986 : memref<8x128xf32, #tpu.memory_space<hbm>>) dst(%dma_wait3A_1983 : memref<8x128xf32, #tpu.memory_space<vmem>>)
      %dma_wait3A_1987 = arith.constant 1 : i32
      %dma_wait3A_1988 = arith.constant 1 : i32
      %dma_wait3A_1989 = arith.constant 8 : i32
      %dma_wait3A_1990 = arith.constant 0 : i32
      %dma_wait3A_1991 = tpu.memref_slice %arg6[%dma_wait3A_1987, %dma_wait3A_1988, %dma_wait3A_1989, %dma_wait3A_1990] : memref<2x8x32x128xf32, #tpu.memory_space<vmem>> -> memref<1x1x8x128xf32, #tpu.memory_space<vmem>>
      %dma_wait3A_1992 = tpu.memref_squeeze %dma_wait3A_1991 : memref<1x1x8x128xf32, #tpu.memory_space<vmem>> -> memref<8x128xf32, #tpu.memory_space<vmem>>
      %dma_wait3A_1993 = arith.constant 8 : i32
      %dma_wait3A_1994 = arith.constant 0 : i32
      %dma_wait3A_1995 = tpu.memref_slice %arg3[%dma_wait3A_1993, %dma_wait3A_1994] : memref<32x1000000xf32, #tpu.memory_space<hbm>> -> memref<8x128xf32, #tpu.memory_space<hbm>>
      %dma_wait3A_1996 = arith.constant 8 : i32
      %dma_wait3A_1997 = arith.constant 0 : i32
      %dma_wait3A_1998 = tpu.memref_slice %arg6[%dma_wait3A_1987, %dma_wait3A_1988, %dma_wait3A_1996, %dma_wait3A_1997] : memref<2x8x32x128xf32, #tpu.memory_space<vmem>> -> memref<1x1x8x128xf32, #tpu.memory_space<vmem>>
      %dma_wait3A_1999 = tpu.memref_squeeze %dma_wait3A_1998 : memref<1x1x8x128xf32, #tpu.memory_space<vmem>> -> memref<8x128xf32, #tpu.memory_space<vmem>>
      %dma_wait3A_2000 = arith.constant 8 : i32
      %dma_wait3A_2001 = arith.constant 0 : i32
      %dma_wait3A_2002 = tpu.memref_slice %arg3[%dma_wait3A_2000, %dma_wait3A_2001] : memref<32x1000000xf32, #tpu.memory_space<hbm>> -> memref<8x128xf32, #tpu.memory_space<hbm>>
      tpu.wait_dma2 semaphore(%arg9 : memref<!tpu.dma_semaphore, #tpu.memory_space<semaphore_mem>>) src(%dma_wait3A_2002 : memref<8x128xf32, #tpu.memory_space<hbm>>) dst(%dma_wait3A_1999 : memref<8x128xf32, #tpu.memory_space<vmem>>)
      %dma_wait3A_2003 = arith.constant 1 : i32
      %dma_wait3A_2004 = arith.constant 1 : i32
      %dma_wait3A_2005 = arith.constant 16 : i32
      %dma_wait3A_2006 = arith.constant 0 : i32
      %dma_wait3A_2007 = tpu.memref_slice %arg6[%dma_wait3A_2003, %dma_wait3A_2004, %dma_wait3A_2005, %dma_wait3A_2006] : memref<2x8x32x128xf32, #tpu.memory_space<vmem>> -> memref<1x1x8x128xf32, #tpu.memory_space<vmem>>
      %dma_wait3A_2008 = tpu.memref_squeeze %dma_wait3A_2007 : memref<1x1x8x128xf32, #tpu.memory_space<vmem>> -> memref<8x128xf32, #tpu.memory_space<vmem>>
      %dma_wait3A_2009 = arith.constant 16 : i32
      %dma_wait3A_2010 = arith.constant 0 : i32
      %dma_wait3A_2011 = tpu.memref_slice %arg3[%dma_wait3A_2009, %dma_wait3A_2010] : memref<32x1000000xf32, #tpu.memory_space<hbm>> -> memref<8x128xf32, #tpu.memory_space<hbm>>
      %dma_wait3A_2012 = arith.constant 16 : i32
      %dma_wait3A_2013 = arith.constant 0 : i32
      %dma_wait3A_2014 = tpu.memref_slice %arg6[%dma_wait3A_2003, %dma_wait3A_2004, %dma_wait3A_2012, %dma_wait3A_2013] : memref<2x8x32x128xf32, #tpu.memory_space<vmem>> -> memref<1x1x8x128xf32, #tpu.memory_space<vmem>>
      %dma_wait3A_2015 = tpu.memref_squeeze %dma_wait3A_2014 : memref<1x1x8x128xf32, #tpu.memory_space<vmem>> -> memref<8x128xf32, #tpu.memory_space<vmem>>
      %dma_wait3A_2016 = arith.constant 16 : i32
      %dma_wait3A_2017 = arith.constant 0 : i32
      %dma_wait3A_2018 = tpu.memref_slice %arg3[%dma_wait3A_2016, %dma_wait3A_2017] : memref<32x1000000xf32, #tpu.memory_space<hbm>> -> memref<8x128xf32, #tpu.memory_space<hbm>>
      tpu.wait_dma2 semaphore(%arg9 : memref<!tpu.dma_semaphore, #tpu.memory_space<semaphore_mem>>) src(%dma_wait3A_2018 : memref<8x128xf32, #tpu.memory_space<hbm>>) dst(%dma_wait3A_2015 : memref<8x128xf32, #tpu.memory_space<vmem>>)
      %dma_wait3A_2019 = arith.constant 1 : i32
      %dma_wait3A_2020 = arith.constant 1 : i32
      %dma_wait3A_2021 = arith.constant 24 : i32
      %dma_wait3A_2022 = arith.constant 0 : i32
      %dma_wait3A_2023 = tpu.memref_slice %arg6[%dma_wait3A_2019, %dma_wait3A_2020, %dma_wait3A_2021, %dma_wait3A_2022] : memref<2x8x32x128xf32, #tpu.memory_space<vmem>> -> memref<1x1x8x128xf32, #tpu.memory_space<vmem>>
      %dma_wait3A_2024 = tpu.memref_squeeze %dma_wait3A_2023 : memref<1x1x8x128xf32, #tpu.memory_space<vmem>> -> memref<8x128xf32, #tpu.memory_space<vmem>>
      %dma_wait3A_2025 = arith.constant 24 : i32
      %dma_wait3A_2026 = arith.constant 0 : i32
      %dma_wait3A_2027 = tpu.memref_slice %arg3[%dma_wait3A_2025, %dma_wait3A_2026] : memref<32x1000000xf32, #tpu.memory_space<hbm>> -> memref<8x128xf32, #tpu.memory_space<hbm>>
      %dma_wait3A_2028 = arith.constant 24 : i32
      %dma_wait3A_2029 = arith.constant 0 : i32
      %dma_wait3A_2030 = tpu.memref_slice %arg6[%dma_wait3A_2019, %dma_wait3A_2020, %dma_wait3A_2028, %dma_wait3A_2029] : memref<2x8x32x128xf32, #tpu.memory_space<vmem>> -> memref<1x1x8x128xf32, #tpu.memory_space<vmem>>
      %dma_wait3A_2031 = tpu.memref_squeeze %dma_wait3A_2030 : memref<1x1x8x128xf32, #tpu.memory_space<vmem>> -> memref<8x128xf32, #tpu.memory_space<vmem>>
      %dma_wait3A_2032 = arith.constant 24 : i32
      %dma_wait3A_2033 = arith.constant 0 : i32
      %dma_wait3A_2034 = tpu.memref_slice %arg3[%dma_wait3A_2032, %dma_wait3A_2033] : memref<32x1000000xf32, #tpu.memory_space<hbm>> -> memref<8x128xf32, #tpu.memory_space<hbm>>
      tpu.wait_dma2 semaphore(%arg9 : memref<!tpu.dma_semaphore, #tpu.memory_space<semaphore_mem>>) src(%dma_wait3A_2034 : memref<8x128xf32, #tpu.memory_space<hbm>>) dst(%dma_wait3A_2031 : memref<8x128xf32, #tpu.memory_space<vmem>>)
      %dma_wait3A_2035 = arith.constant 1 : i32
      %dma_wait3A_2036 = arith.constant 2 : i32
      %dma_wait3A_2037 = arith.constant 0 : i32
      %dma_wait3A_2038 = arith.constant 0 : i32
      %dma_wait3A_2039 = tpu.memref_slice %arg6[%dma_wait3A_2035, %dma_wait3A_2036, %dma_wait3A_2037, %dma_wait3A_2038] : memref<2x8x32x128xf32, #tpu.memory_space<vmem>> -> memref<1x1x8x128xf32, #tpu.memory_space<vmem>>
      %dma_wait3A_2040 = tpu.memref_squeeze %dma_wait3A_2039 : memref<1x1x8x128xf32, #tpu.memory_space<vmem>> -> memref<8x128xf32, #tpu.memory_space<vmem>>
      %dma_wait3A_2041 = arith.constant 0 : i32
      %dma_wait3A_2042 = arith.constant 0 : i32
      %dma_wait3A_2043 = tpu.memref_slice %arg3[%dma_wait3A_2041, %dma_wait3A_2042] : memref<32x1000000xf32, #tpu.memory_space<hbm>> -> memref<8x128xf32, #tpu.memory_space<hbm>>
      %dma_wait3A_2044 = arith.constant 0 : i32
      %dma_wait3A_2045 = arith.constant 0 : i32
      %dma_wait3A_2046 = tpu.memref_slice %arg6[%dma_wait3A_2035, %dma_wait3A_2036, %dma_wait3A_2044, %dma_wait3A_2045] : memref<2x8x32x128xf32, #tpu.memory_space<vmem>> -> memref<1x1x8x128xf32, #tpu.memory_space<vmem>>
      %dma_wait3A_2047 = tpu.memref_squeeze %dma_wait3A_2046 : memref<1x1x8x128xf32, #tpu.memory_space<vmem>> -> memref<8x128xf32, #tpu.memory_space<vmem>>
      %dma_wait3A_2048 = arith.constant 0 : i32
      %dma_wait3A_2049 = arith.constant 0 : i32
      %dma_wait3A_2050 = tpu.memref_slice %arg3[%dma_wait3A_2048, %dma_wait3A_2049] : memref<32x1000000xf32, #tpu.memory_space<hbm>> -> memref<8x128xf32, #tpu.memory_space<hbm>>
      tpu.wait_dma2 semaphore(%arg9 : memref<!tpu.dma_semaphore, #tpu.memory_space<semaphore_mem>>) src(%dma_wait3A_2050 : memref<8x128xf32, #tpu.memory_space<hbm>>) dst(%dma_wait3A_2047 : memref<8x128xf32, #tpu.memory_space<vmem>>)
      %dma_wait3A_2051 = arith.constant 1 : i32
      %dma_wait3A_2052 = arith.constant 2 : i32
      %dma_wait3A_2053 = arith.constant 8 : i32
      %dma_wait3A_2054 = arith.constant 0 : i32
      %dma_wait3A_2055 = tpu.memref_slice %arg6[%dma_wait3A_2051, %dma_wait3A_2052, %dma_wait3A_2053, %dma_wait3A_2054] : memref<2x8x32x128xf32, #tpu.memory_space<vmem>> -> memref<1x1x8x128xf32, #tpu.memory_space<vmem>>
      %dma_wait3A_2056 = tpu.memref_squeeze %dma_wait3A_2055 : memref<1x1x8x128xf32, #tpu.memory_space<vmem>> -> memref<8x128xf32, #tpu.memory_space<vmem>>
      %dma_wait3A_2057 = arith.constant 8 : i32
      %dma_wait3A_2058 = arith.constant 0 : i32
      %dma_wait3A_2059 = tpu.memref_slice %arg3[%dma_wait3A_2057, %dma_wait3A_2058] : memref<32x1000000xf32, #tpu.memory_space<hbm>> -> memref<8x128xf32, #tpu.memory_space<hbm>>
      %dma_wait3A_2060 = arith.constant 8 : i32
      %dma_wait3A_2061 = arith.constant 0 : i32
      %dma_wait3A_2062 = tpu.memref_slice %arg6[%dma_wait3A_2051, %dma_wait3A_2052, %dma_wait3A_2060, %dma_wait3A_2061] : memref<2x8x32x128xf32, #tpu.memory_space<vmem>> -> memref<1x1x8x128xf32, #tpu.memory_space<vmem>>
      %dma_wait3A_2063 = tpu.memref_squeeze %dma_wait3A_2062 : memref<1x1x8x128xf32, #tpu.memory_space<vmem>> -> memref<8x128xf32, #tpu.memory_space<vmem>>
      %dma_wait3A_2064 = arith.constant 8 : i32
      %dma_wait3A_2065 = arith.constant 0 : i32
      %dma_wait3A_2066 = tpu.memref_slice %arg3[%dma_wait3A_2064, %dma_wait3A_2065] : memref<32x1000000xf32, #tpu.memory_space<hbm>> -> memref<8x128xf32, #tpu.memory_space<hbm>>
      tpu.wait_dma2 semaphore(%arg9 : memref<!tpu.dma_semaphore, #tpu.memory_space<semaphore_mem>>) src(%dma_wait3A_2066 : memref<8x128xf32, #tpu.memory_space<hbm>>) dst(%dma_wait3A_2063 : memref<8x128xf32, #tpu.memory_space<vmem>>)
      %dma_wait3A_2067 = arith.constant 1 : i32
      %dma_wait3A_2068 = arith.constant 2 : i32
      %dma_wait3A_2069 = arith.constant 16 : i32
      %dma_wait3A_2070 = arith.constant 0 : i32
      %dma_wait3A_2071 = tpu.memref_slice %arg6[%dma_wait3A_2067, %dma_wait3A_2068, %dma_wait3A_2069, %dma_wait3A_2070] : memref<2x8x32x128xf32, #tpu.memory_space<vmem>> -> memref<1x1x8x128xf32, #tpu.memory_space<vmem>>
      %dma_wait3A_2072 = tpu.memref_squeeze %dma_wait3A_2071 : memref<1x1x8x128xf32, #tpu.memory_space<vmem>> -> memref<8x128xf32, #tpu.memory_space<vmem>>
      %dma_wait3A_2073 = arith.constant 16 : i32
      %dma_wait3A_2074 = arith.constant 0 : i32
      %dma_wait3A_2075 = tpu.memref_slice %arg3[%dma_wait3A_2073, %dma_wait3A_2074] : memref<32x1000000xf32, #tpu.memory_space<hbm>> -> memref<8x128xf32, #tpu.memory_space<hbm>>
      %dma_wait3A_2076 = arith.constant 16 : i32
      %dma_wait3A_2077 = arith.constant 0 : i32
      %dma_wait3A_2078 = tpu.memref_slice %arg6[%dma_wait3A_2067, %dma_wait3A_2068, %dma_wait3A_2076, %dma_wait3A_2077] : memref<2x8x32x128xf32, #tpu.memory_space<vmem>> -> memref<1x1x8x128xf32, #tpu.memory_space<vmem>>
      %dma_wait3A_2079 = tpu.memref_squeeze %dma_wait3A_2078 : memref<1x1x8x128xf32, #tpu.memory_space<vmem>> -> memref<8x128xf32, #tpu.memory_space<vmem>>
      %dma_wait3A_2080 = arith.constant 16 : i32
      %dma_wait3A_2081 = arith.constant 0 : i32
      %dma_wait3A_2082 = tpu.memref_slice %arg3[%dma_wait3A_2080, %dma_wait3A_2081] : memref<32x1000000xf32, #tpu.memory_space<hbm>> -> memref<8x128xf32, #tpu.memory_space<hbm>>
      tpu.wait_dma2 semaphore(%arg9 : memref<!tpu.dma_semaphore, #tpu.memory_space<semaphore_mem>>) src(%dma_wait3A_2082 : memref<8x128xf32, #tpu.memory_space<hbm>>) dst(%dma_wait3A_2079 : memref<8x128xf32, #tpu.memory_space<vmem>>)
      %dma_wait3A_2083 = arith.constant 1 : i32
      %dma_wait3A_2084 = arith.constant 2 : i32
      %dma_wait3A_2085 = arith.constant 24 : i32
      %dma_wait3A_2086 = arith.constant 0 : i32
      %dma_wait3A_2087 = tpu.memref_slice %arg6[%dma_wait3A_2083, %dma_wait3A_2084, %dma_wait3A_2085, %dma_wait3A_2086] : memref<2x8x32x128xf32, #tpu.memory_space<vmem>> -> memref<1x1x8x128xf32, #tpu.memory_space<vmem>>
      %dma_wait3A_2088 = tpu.memref_squeeze %dma_wait3A_2087 : memref<1x1x8x128xf32, #tpu.memory_space<vmem>> -> memref<8x128xf32, #tpu.memory_space<vmem>>
      %dma_wait3A_2089 = arith.constant 24 : i32
      %dma_wait3A_2090 = arith.constant 0 : i32
      %dma_wait3A_2091 = tpu.memref_slice %arg3[%dma_wait3A_2089, %dma_wait3A_2090] : memref<32x1000000xf32, #tpu.memory_space<hbm>> -> memref<8x128xf32, #tpu.memory_space<hbm>>
      %dma_wait3A_2092 = arith.constant 24 : i32
      %dma_wait3A_2093 = arith.constant 0 : i32
      %dma_wait3A_2094 = tpu.memref_slice %arg6[%dma_wait3A_2083, %dma_wait3A_2084, %dma_wait3A_2092, %dma_wait3A_2093] : memref<2x8x32x128xf32, #tpu.memory_space<vmem>> -> memref<1x1x8x128xf32, #tpu.memory_space<vmem>>
      %dma_wait3A_2095 = tpu.memref_squeeze %dma_wait3A_2094 : memref<1x1x8x128xf32, #tpu.memory_space<vmem>> -> memref<8x128xf32, #tpu.memory_space<vmem>>
      %dma_wait3A_2096 = arith.constant 24 : i32
      %dma_wait3A_2097 = arith.constant 0 : i32
      %dma_wait3A_2098 = tpu.memref_slice %arg3[%dma_wait3A_2096, %dma_wait3A_2097] : memref<32x1000000xf32, #tpu.memory_space<hbm>> -> memref<8x128xf32, #tpu.memory_space<hbm>>
      tpu.wait_dma2 semaphore(%arg9 : memref<!tpu.dma_semaphore, #tpu.memory_space<semaphore_mem>>) src(%dma_wait3A_2098 : memref<8x128xf32, #tpu.memory_space<hbm>>) dst(%dma_wait3A_2095 : memref<8x128xf32, #tpu.memory_space<vmem>>)
      %dma_wait3A_2099 = arith.constant 1 : i32
      %dma_wait3A_2100 = arith.constant 3 : i32
      %dma_wait3A_2101 = arith.constant 0 : i32
      %dma_wait3A_2102 = arith.constant 0 : i32
      %dma_wait3A_2103 = tpu.memref_slice %arg6[%dma_wait3A_2099, %dma_wait3A_2100, %dma_wait3A_2101, %dma_wait3A_2102] : memref<2x8x32x128xf32, #tpu.memory_space<vmem>> -> memref<1x1x8x128xf32, #tpu.memory_space<vmem>>
      %dma_wait3A_2104 = tpu.memref_squeeze %dma_wait3A_2103 : memref<1x1x8x128xf32, #tpu.memory_space<vmem>> -> memref<8x128xf32, #tpu.memory_space<vmem>>
      %dma_wait3A_2105 = arith.constant 0 : i32
      %dma_wait3A_2106 = arith.constant 0 : i32
      %dma_wait3A_2107 = tpu.memref_slice %arg3[%dma_wait3A_2105, %dma_wait3A_2106] : memref<32x1000000xf32, #tpu.memory_space<hbm>> -> memref<8x128xf32, #tpu.memory_space<hbm>>
      %dma_wait3A_2108 = arith.constant 0 : i32
      %dma_wait3A_2109 = arith.constant 0 : i32
      %dma_wait3A_2110 = tpu.memref_slice %arg6[%dma_wait3A_2099, %dma_wait3A_2100, %dma_wait3A_2108, %dma_wait3A_2109] : memref<2x8x32x128xf32, #tpu.memory_space<vmem>> -> memref<1x1x8x128xf32, #tpu.memory_space<vmem>>
      %dma_wait3A_2111 = tpu.memref_squeeze %dma_wait3A_2110 : memref<1x1x8x128xf32, #tpu.memory_space<vmem>> -> memref<8x128xf32, #tpu.memory_space<vmem>>
      %dma_wait3A_2112 = arith.constant 0 : i32
      %dma_wait3A_2113 = arith.constant 0 : i32
      %dma_wait3A_2114 = tpu.memref_slice %arg3[%dma_wait3A_2112, %dma_wait3A_2113] : memref<32x1000000xf32, #tpu.memory_space<hbm>> -> memref<8x128xf32, #tpu.memory_space<hbm>>
      tpu.wait_dma2 semaphore(%arg9 : memref<!tpu.dma_semaphore, #tpu.memory_space<semaphore_mem>>) src(%dma_wait3A_2114 : memref<8x128xf32, #tpu.memory_space<hbm>>) dst(%dma_wait3A_2111 : memref<8x128xf32, #tpu.memory_space<vmem>>)
      %dma_wait3A_2115 = arith.constant 1 : i32
      %dma_wait3A_2116 = arith.constant 3 : i32
      %dma_wait3A_2117 = arith.constant 8 : i32
      %dma_wait3A_2118 = arith.constant 0 : i32
      %dma_wait3A_2119 = tpu.memref_slice %arg6[%dma_wait3A_2115, %dma_wait3A_2116, %dma_wait3A_2117, %dma_wait3A_2118] : memref<2x8x32x128xf32, #tpu.memory_space<vmem>> -> memref<1x1x8x128xf32, #tpu.memory_space<vmem>>
      %dma_wait3A_2120 = tpu.memref_squeeze %dma_wait3A_2119 : memref<1x1x8x128xf32, #tpu.memory_space<vmem>> -> memref<8x128xf32, #tpu.memory_space<vmem>>
      %dma_wait3A_2121 = arith.constant 8 : i32
      %dma_wait3A_2122 = arith.constant 0 : i32
      %dma_wait3A_2123 = tpu.memref_slice %arg3[%dma_wait3A_2121, %dma_wait3A_2122] : memref<32x1000000xf32, #tpu.memory_space<hbm>> -> memref<8x128xf32, #tpu.memory_space<hbm>>
      %dma_wait3A_2124 = arith.constant 8 : i32
      %dma_wait3A_2125 = arith.constant 0 : i32
      %dma_wait3A_2126 = tpu.memref_slice %arg6[%dma_wait3A_2115, %dma_wait3A_2116, %dma_wait3A_2124, %dma_wait3A_2125] : memref<2x8x32x128xf32, #tpu.memory_space<vmem>> -> memref<1x1x8x128xf32, #tpu.memory_space<vmem>>
      %dma_wait3A_2127 = tpu.memref_squeeze %dma_wait3A_2126 : memref<1x1x8x128xf32, #tpu.memory_space<vmem>> -> memref<8x128xf32, #tpu.memory_space<vmem>>
      %dma_wait3A_2128 = arith.constant 8 : i32
      %dma_wait3A_2129 = arith.constant 0 : i32
      %dma_wait3A_2130 = tpu.memref_slice %arg3[%dma_wait3A_2128, %dma_wait3A_2129] : memref<32x1000000xf32, #tpu.memory_space<hbm>> -> memref<8x128xf32, #tpu.memory_space<hbm>>
      tpu.wait_dma2 semaphore(%arg9 : memref<!tpu.dma_semaphore, #tpu.memory_space<semaphore_mem>>) src(%dma_wait3A_2130 : memref<8x128xf32, #tpu.memory_space<hbm>>) dst(%dma_wait3A_2127 : memref<8x128xf32, #tpu.memory_space<vmem>>)
      %dma_wait3A_2131 = arith.constant 1 : i32
      %dma_wait3A_2132 = arith.constant 3 : i32
      %dma_wait3A_2133 = arith.constant 16 : i32
      %dma_wait3A_2134 = arith.constant 0 : i32
      %dma_wait3A_2135 = tpu.memref_slice %arg6[%dma_wait3A_2131, %dma_wait3A_2132, %dma_wait3A_2133, %dma_wait3A_2134] : memref<2x8x32x128xf32, #tpu.memory_space<vmem>> -> memref<1x1x8x128xf32, #tpu.memory_space<vmem>>
      %dma_wait3A_2136 = tpu.memref_squeeze %dma_wait3A_2135 : memref<1x1x8x128xf32, #tpu.memory_space<vmem>> -> memref<8x128xf32, #tpu.memory_space<vmem>>
      %dma_wait3A_2137 = arith.constant 16 : i32
      %dma_wait3A_2138 = arith.constant 0 : i32
      %dma_wait3A_2139 = tpu.memref_slice %arg3[%dma_wait3A_2137, %dma_wait3A_2138] : memref<32x1000000xf32, #tpu.memory_space<hbm>> -> memref<8x128xf32, #tpu.memory_space<hbm>>
      %dma_wait3A_2140 = arith.constant 16 : i32
      %dma_wait3A_2141 = arith.constant 0 : i32
      %dma_wait3A_2142 = tpu.memref_slice %arg6[%dma_wait3A_2131, %dma_wait3A_2132, %dma_wait3A_2140, %dma_wait3A_2141] : memref<2x8x32x128xf32, #tpu.memory_space<vmem>> -> memref<1x1x8x128xf32, #tpu.memory_space<vmem>>
      %dma_wait3A_2143 = tpu.memref_squeeze %dma_wait3A_2142 : memref<1x1x8x128xf32, #tpu.memory_space<vmem>> -> memref<8x128xf32, #tpu.memory_space<vmem>>
      %dma_wait3A_2144 = arith.constant 16 : i32
      %dma_wait3A_2145 = arith.constant 0 : i32
      %dma_wait3A_2146 = tpu.memref_slice %arg3[%dma_wait3A_2144, %dma_wait3A_2145] : memref<32x1000000xf32, #tpu.memory_space<hbm>> -> memref<8x128xf32, #tpu.memory_space<hbm>>
      tpu.wait_dma2 semaphore(%arg9 : memref<!tpu.dma_semaphore, #tpu.memory_space<semaphore_mem>>) src(%dma_wait3A_2146 : memref<8x128xf32, #tpu.memory_space<hbm>>) dst(%dma_wait3A_2143 : memref<8x128xf32, #tpu.memory_space<vmem>>)
      %dma_wait3A_2147 = arith.constant 1 : i32
      %dma_wait3A_2148 = arith.constant 3 : i32
      %dma_wait3A_2149 = arith.constant 24 : i32
      %dma_wait3A_2150 = arith.constant 0 : i32
      %dma_wait3A_2151 = tpu.memref_slice %arg6[%dma_wait3A_2147, %dma_wait3A_2148, %dma_wait3A_2149, %dma_wait3A_2150] : memref<2x8x32x128xf32, #tpu.memory_space<vmem>> -> memref<1x1x8x128xf32, #tpu.memory_space<vmem>>
      %dma_wait3A_2152 = tpu.memref_squeeze %dma_wait3A_2151 : memref<1x1x8x128xf32, #tpu.memory_space<vmem>> -> memref<8x128xf32, #tpu.memory_space<vmem>>
      %dma_wait3A_2153 = arith.constant 24 : i32
      %dma_wait3A_2154 = arith.constant 0 : i32
      %dma_wait3A_2155 = tpu.memref_slice %arg3[%dma_wait3A_2153, %dma_wait3A_2154] : memref<32x1000000xf32, #tpu.memory_space<hbm>> -> memref<8x128xf32, #tpu.memory_space<hbm>>
      %dma_wait3A_2156 = arith.constant 24 : i32
      %dma_wait3A_2157 = arith.constant 0 : i32
      %dma_wait3A_2158 = tpu.memref_slice %arg6[%dma_wait3A_2147, %dma_wait3A_2148, %dma_wait3A_2156, %dma_wait3A_2157] : memref<2x8x32x128xf32, #tpu.memory_space<vmem>> -> memref<1x1x8x128xf32, #tpu.memory_space<vmem>>
      %dma_wait3A_2159 = tpu.memref_squeeze %dma_wait3A_2158 : memref<1x1x8x128xf32, #tpu.memory_space<vmem>> -> memref<8x128xf32, #tpu.memory_space<vmem>>
      %dma_wait3A_2160 = arith.constant 24 : i32
      %dma_wait3A_2161 = arith.constant 0 : i32
      %dma_wait3A_2162 = tpu.memref_slice %arg3[%dma_wait3A_2160, %dma_wait3A_2161] : memref<32x1000000xf32, #tpu.memory_space<hbm>> -> memref<8x128xf32, #tpu.memory_space<hbm>>
      tpu.wait_dma2 semaphore(%arg9 : memref<!tpu.dma_semaphore, #tpu.memory_space<semaphore_mem>>) src(%dma_wait3A_2162 : memref<8x128xf32, #tpu.memory_space<hbm>>) dst(%dma_wait3A_2159 : memref<8x128xf32, #tpu.memory_space<vmem>>)
      %dma_wait3A_2163 = arith.constant 1 : i32
      %dma_wait3A_2164 = arith.constant 4 : i32
      %dma_wait3A_2165 = arith.constant 0 : i32
      %dma_wait3A_2166 = arith.constant 0 : i32
      %dma_wait3A_2167 = tpu.memref_slice %arg6[%dma_wait3A_2163, %dma_wait3A_2164, %dma_wait3A_2165, %dma_wait3A_2166] : memref<2x8x32x128xf32, #tpu.memory_space<vmem>> -> memref<1x1x8x128xf32, #tpu.memory_space<vmem>>
      %dma_wait3A_2168 = tpu.memref_squeeze %dma_wait3A_2167 : memref<1x1x8x128xf32, #tpu.memory_space<vmem>> -> memref<8x128xf32, #tpu.memory_space<vmem>>
      %dma_wait3A_2169 = arith.constant 0 : i32
      %dma_wait3A_2170 = arith.constant 0 : i32
      %dma_wait3A_2171 = tpu.memref_slice %arg3[%dma_wait3A_2169, %dma_wait3A_2170] : memref<32x1000000xf32, #tpu.memory_space<hbm>> -> memref<8x128xf32, #tpu.memory_space<hbm>>
      %dma_wait3A_2172 = arith.constant 0 : i32
      %dma_wait3A_2173 = arith.constant 0 : i32
      %dma_wait3A_2174 = tpu.memref_slice %arg6[%dma_wait3A_2163, %dma_wait3A_2164, %dma_wait3A_2172, %dma_wait3A_2173] : memref<2x8x32x128xf32, #tpu.memory_space<vmem>> -> memref<1x1x8x128xf32, #tpu.memory_space<vmem>>
      %dma_wait3A_2175 = tpu.memref_squeeze %dma_wait3A_2174 : memref<1x1x8x128xf32, #tpu.memory_space<vmem>> -> memref<8x128xf32, #tpu.memory_space<vmem>>
      %dma_wait3A_2176 = arith.constant 0 : i32
      %dma_wait3A_2177 = arith.constant 0 : i32
      %dma_wait3A_2178 = tpu.memref_slice %arg3[%dma_wait3A_2176, %dma_wait3A_2177] : memref<32x1000000xf32, #tpu.memory_space<hbm>> -> memref<8x128xf32, #tpu.memory_space<hbm>>
      tpu.wait_dma2 semaphore(%arg9 : memref<!tpu.dma_semaphore, #tpu.memory_space<semaphore_mem>>) src(%dma_wait3A_2178 : memref<8x128xf32, #tpu.memory_space<hbm>>) dst(%dma_wait3A_2175 : memref<8x128xf32, #tpu.memory_space<vmem>>)
      %dma_wait3A_2179 = arith.constant 1 : i32
      %dma_wait3A_2180 = arith.constant 4 : i32
      %dma_wait3A_2181 = arith.constant 8 : i32
      %dma_wait3A_2182 = arith.constant 0 : i32
      %dma_wait3A_2183 = tpu.memref_slice %arg6[%dma_wait3A_2179, %dma_wait3A_2180, %dma_wait3A_2181, %dma_wait3A_2182] : memref<2x8x32x128xf32, #tpu.memory_space<vmem>> -> memref<1x1x8x128xf32, #tpu.memory_space<vmem>>
      %dma_wait3A_2184 = tpu.memref_squeeze %dma_wait3A_2183 : memref<1x1x8x128xf32, #tpu.memory_space<vmem>> -> memref<8x128xf32, #tpu.memory_space<vmem>>
      %dma_wait3A_2185 = arith.constant 8 : i32
      %dma_wait3A_2186 = arith.constant 0 : i32
      %dma_wait3A_2187 = tpu.memref_slice %arg3[%dma_wait3A_2185, %dma_wait3A_2186] : memref<32x1000000xf32, #tpu.memory_space<hbm>> -> memref<8x128xf32, #tpu.memory_space<hbm>>
      %dma_wait3A_2188 = arith.constant 8 : i32
      %dma_wait3A_2189 = arith.constant 0 : i32
      %dma_wait3A_2190 = tpu.memref_slice %arg6[%dma_wait3A_2179, %dma_wait3A_2180, %dma_wait3A_2188, %dma_wait3A_2189] : memref<2x8x32x128xf32, #tpu.memory_space<vmem>> -> memref<1x1x8x128xf32, #tpu.memory_space<vmem>>
      %dma_wait3A_2191 = tpu.memref_squeeze %dma_wait3A_2190 : memref<1x1x8x128xf32, #tpu.memory_space<vmem>> -> memref<8x128xf32, #tpu.memory_space<vmem>>
      %dma_wait3A_2192 = arith.constant 8 : i32
      %dma_wait3A_2193 = arith.constant 0 : i32
      %dma_wait3A_2194 = tpu.memref_slice %arg3[%dma_wait3A_2192, %dma_wait3A_2193] : memref<32x1000000xf32, #tpu.memory_space<hbm>> -> memref<8x128xf32, #tpu.memory_space<hbm>>
      tpu.wait_dma2 semaphore(%arg9 : memref<!tpu.dma_semaphore, #tpu.memory_space<semaphore_mem>>) src(%dma_wait3A_2194 : memref<8x128xf32, #tpu.memory_space<hbm>>) dst(%dma_wait3A_2191 : memref<8x128xf32, #tpu.memory_space<vmem>>)
      %dma_wait3A_2195 = arith.constant 1 : i32
      %dma_wait3A_2196 = arith.constant 4 : i32
      %dma_wait3A_2197 = arith.constant 16 : i32
      %dma_wait3A_2198 = arith.constant 0 : i32
      %dma_wait3A_2199 = tpu.memref_slice %arg6[%dma_wait3A_2195, %dma_wait3A_2196, %dma_wait3A_2197, %dma_wait3A_2198] : memref<2x8x32x128xf32, #tpu.memory_space<vmem>> -> memref<1x1x8x128xf32, #tpu.memory_space<vmem>>
      %dma_wait3A_2200 = tpu.memref_squeeze %dma_wait3A_2199 : memref<1x1x8x128xf32, #tpu.memory_space<vmem>> -> memref<8x128xf32, #tpu.memory_space<vmem>>
      %dma_wait3A_2201 = arith.constant 16 : i32
      %dma_wait3A_2202 = arith.constant 0 : i32
      %dma_wait3A_2203 = tpu.memref_slice %arg3[%dma_wait3A_2201, %dma_wait3A_2202] : memref<32x1000000xf32, #tpu.memory_space<hbm>> -> memref<8x128xf32, #tpu.memory_space<hbm>>
      %dma_wait3A_2204 = arith.constant 16 : i32
      %dma_wait3A_2205 = arith.constant 0 : i32
      %dma_wait3A_2206 = tpu.memref_slice %arg6[%dma_wait3A_2195, %dma_wait3A_2196, %dma_wait3A_2204, %dma_wait3A_2205] : memref<2x8x32x128xf32, #tpu.memory_space<vmem>> -> memref<1x1x8x128xf32, #tpu.memory_space<vmem>>
      %dma_wait3A_2207 = tpu.memref_squeeze %dma_wait3A_2206 : memref<1x1x8x128xf32, #tpu.memory_space<vmem>> -> memref<8x128xf32, #tpu.memory_space<vmem>>
      %dma_wait3A_2208 = arith.constant 16 : i32
      %dma_wait3A_2209 = arith.constant 0 : i32
      %dma_wait3A_2210 = tpu.memref_slice %arg3[%dma_wait3A_2208, %dma_wait3A_2209] : memref<32x1000000xf32, #tpu.memory_space<hbm>> -> memref<8x128xf32, #tpu.memory_space<hbm>>
      tpu.wait_dma2 semaphore(%arg9 : memref<!tpu.dma_semaphore, #tpu.memory_space<semaphore_mem>>) src(%dma_wait3A_2210 : memref<8x128xf32, #tpu.memory_space<hbm>>) dst(%dma_wait3A_2207 : memref<8x128xf32, #tpu.memory_space<vmem>>)
      %dma_wait3A_2211 = arith.constant 1 : i32
      %dma_wait3A_2212 = arith.constant 4 : i32
      %dma_wait3A_2213 = arith.constant 24 : i32
      %dma_wait3A_2214 = arith.constant 0 : i32
      %dma_wait3A_2215 = tpu.memref_slice %arg6[%dma_wait3A_2211, %dma_wait3A_2212, %dma_wait3A_2213, %dma_wait3A_2214] : memref<2x8x32x128xf32, #tpu.memory_space<vmem>> -> memref<1x1x8x128xf32, #tpu.memory_space<vmem>>
      %dma_wait3A_2216 = tpu.memref_squeeze %dma_wait3A_2215 : memref<1x1x8x128xf32, #tpu.memory_space<vmem>> -> memref<8x128xf32, #tpu.memory_space<vmem>>
      %dma_wait3A_2217 = arith.constant 24 : i32
      %dma_wait3A_2218 = arith.constant 0 : i32
      %dma_wait3A_2219 = tpu.memref_slice %arg3[%dma_wait3A_2217, %dma_wait3A_2218] : memref<32x1000000xf32, #tpu.memory_space<hbm>> -> memref<8x128xf32, #tpu.memory_space<hbm>>
      %dma_wait3A_2220 = arith.constant 24 : i32
      %dma_wait3A_2221 = arith.constant 0 : i32
      %dma_wait3A_2222 = tpu.memref_slice %arg6[%dma_wait3A_2211, %dma_wait3A_2212, %dma_wait3A_2220, %dma_wait3A_2221] : memref<2x8x32x128xf32, #tpu.memory_space<vmem>> -> memref<1x1x8x128xf32, #tpu.memory_space<vmem>>
      %dma_wait3A_2223 = tpu.memref_squeeze %dma_wait3A_2222 : memref<1x1x8x128xf32, #tpu.memory_space<vmem>> -> memref<8x128xf32, #tpu.memory_space<vmem>>
      %dma_wait3A_2224 = arith.constant 24 : i32
      %dma_wait3A_2225 = arith.constant 0 : i32
      %dma_wait3A_2226 = tpu.memref_slice %arg3[%dma_wait3A_2224, %dma_wait3A_2225] : memref<32x1000000xf32, #tpu.memory_space<hbm>> -> memref<8x128xf32, #tpu.memory_space<hbm>>
      tpu.wait_dma2 semaphore(%arg9 : memref<!tpu.dma_semaphore, #tpu.memory_space<semaphore_mem>>) src(%dma_wait3A_2226 : memref<8x128xf32, #tpu.memory_space<hbm>>) dst(%dma_wait3A_2223 : memref<8x128xf32, #tpu.memory_space<vmem>>)
      %dma_wait3A_2227 = arith.constant 1 : i32
      %dma_wait3A_2228 = arith.constant 5 : i32
      %dma_wait3A_2229 = arith.constant 0 : i32
      %dma_wait3A_2230 = arith.constant 0 : i32
      %dma_wait3A_2231 = tpu.memref_slice %arg6[%dma_wait3A_2227, %dma_wait3A_2228, %dma_wait3A_2229, %dma_wait3A_2230] : memref<2x8x32x128xf32, #tpu.memory_space<vmem>> -> memref<1x1x8x128xf32, #tpu.memory_space<vmem>>
      %dma_wait3A_2232 = tpu.memref_squeeze %dma_wait3A_2231 : memref<1x1x8x128xf32, #tpu.memory_space<vmem>> -> memref<8x128xf32, #tpu.memory_space<vmem>>
      %dma_wait3A_2233 = arith.constant 0 : i32
      %dma_wait3A_2234 = arith.constant 0 : i32
      %dma_wait3A_2235 = tpu.memref_slice %arg3[%dma_wait3A_2233, %dma_wait3A_2234] : memref<32x1000000xf32, #tpu.memory_space<hbm>> -> memref<8x128xf32, #tpu.memory_space<hbm>>
      %dma_wait3A_2236 = arith.constant 0 : i32
      %dma_wait3A_2237 = arith.constant 0 : i32
      %dma_wait3A_2238 = tpu.memref_slice %arg6[%dma_wait3A_2227, %dma_wait3A_2228, %dma_wait3A_2236, %dma_wait3A_2237] : memref<2x8x32x128xf32, #tpu.memory_space<vmem>> -> memref<1x1x8x128xf32, #tpu.memory_space<vmem>>
      %dma_wait3A_2239 = tpu.memref_squeeze %dma_wait3A_2238 : memref<1x1x8x128xf32, #tpu.memory_space<vmem>> -> memref<8x128xf32, #tpu.memory_space<vmem>>
      %dma_wait3A_2240 = arith.constant 0 : i32
      %dma_wait3A_2241 = arith.constant 0 : i32
      %dma_wait3A_2242 = tpu.memref_slice %arg3[%dma_wait3A_2240, %dma_wait3A_2241] : memref<32x1000000xf32, #tpu.memory_space<hbm>> -> memref<8x128xf32, #tpu.memory_space<hbm>>
      tpu.wait_dma2 semaphore(%arg9 : memref<!tpu.dma_semaphore, #tpu.memory_space<semaphore_mem>>) src(%dma_wait3A_2242 : memref<8x128xf32, #tpu.memory_space<hbm>>) dst(%dma_wait3A_2239 : memref<8x128xf32, #tpu.memory_space<vmem>>)
      %dma_wait3A_2243 = arith.constant 1 : i32
      %dma_wait3A_2244 = arith.constant 5 : i32
      %dma_wait3A_2245 = arith.constant 8 : i32
      %dma_wait3A_2246 = arith.constant 0 : i32
      %dma_wait3A_2247 = tpu.memref_slice %arg6[%dma_wait3A_2243, %dma_wait3A_2244, %dma_wait3A_2245, %dma_wait3A_2246] : memref<2x8x32x128xf32, #tpu.memory_space<vmem>> -> memref<1x1x8x128xf32, #tpu.memory_space<vmem>>
      %dma_wait3A_2248 = tpu.memref_squeeze %dma_wait3A_2247 : memref<1x1x8x128xf32, #tpu.memory_space<vmem>> -> memref<8x128xf32, #tpu.memory_space<vmem>>
      %dma_wait3A_2249 = arith.constant 8 : i32
      %dma_wait3A_2250 = arith.constant 0 : i32
      %dma_wait3A_2251 = tpu.memref_slice %arg3[%dma_wait3A_2249, %dma_wait3A_2250] : memref<32x1000000xf32, #tpu.memory_space<hbm>> -> memref<8x128xf32, #tpu.memory_space<hbm>>
      %dma_wait3A_2252 = arith.constant 8 : i32
      %dma_wait3A_2253 = arith.constant 0 : i32
      %dma_wait3A_2254 = tpu.memref_slice %arg6[%dma_wait3A_2243, %dma_wait3A_2244, %dma_wait3A_2252, %dma_wait3A_2253] : memref<2x8x32x128xf32, #tpu.memory_space<vmem>> -> memref<1x1x8x128xf32, #tpu.memory_space<vmem>>
      %dma_wait3A_2255 = tpu.memref_squeeze %dma_wait3A_2254 : memref<1x1x8x128xf32, #tpu.memory_space<vmem>> -> memref<8x128xf32, #tpu.memory_space<vmem>>
      %dma_wait3A_2256 = arith.constant 8 : i32
      %dma_wait3A_2257 = arith.constant 0 : i32
      %dma_wait3A_2258 = tpu.memref_slice %arg3[%dma_wait3A_2256, %dma_wait3A_2257] : memref<32x1000000xf32, #tpu.memory_space<hbm>> -> memref<8x128xf32, #tpu.memory_space<hbm>>
      tpu.wait_dma2 semaphore(%arg9 : memref<!tpu.dma_semaphore, #tpu.memory_space<semaphore_mem>>) src(%dma_wait3A_2258 : memref<8x128xf32, #tpu.memory_space<hbm>>) dst(%dma_wait3A_2255 : memref<8x128xf32, #tpu.memory_space<vmem>>)
      %dma_wait3A_2259 = arith.constant 1 : i32
      %dma_wait3A_2260 = arith.constant 5 : i32
      %dma_wait3A_2261 = arith.constant 16 : i32
      %dma_wait3A_2262 = arith.constant 0 : i32
      %dma_wait3A_2263 = tpu.memref_slice %arg6[%dma_wait3A_2259, %dma_wait3A_2260, %dma_wait3A_2261, %dma_wait3A_2262] : memref<2x8x32x128xf32, #tpu.memory_space<vmem>> -> memref<1x1x8x128xf32, #tpu.memory_space<vmem>>
      %dma_wait3A_2264 = tpu.memref_squeeze %dma_wait3A_2263 : memref<1x1x8x128xf32, #tpu.memory_space<vmem>> -> memref<8x128xf32, #tpu.memory_space<vmem>>
      %dma_wait3A_2265 = arith.constant 16 : i32
      %dma_wait3A_2266 = arith.constant 0 : i32
      %dma_wait3A_2267 = tpu.memref_slice %arg3[%dma_wait3A_2265, %dma_wait3A_2266] : memref<32x1000000xf32, #tpu.memory_space<hbm>> -> memref<8x128xf32, #tpu.memory_space<hbm>>
      %dma_wait3A_2268 = arith.constant 16 : i32
      %dma_wait3A_2269 = arith.constant 0 : i32
      %dma_wait3A_2270 = tpu.memref_slice %arg6[%dma_wait3A_2259, %dma_wait3A_2260, %dma_wait3A_2268, %dma_wait3A_2269] : memref<2x8x32x128xf32, #tpu.memory_space<vmem>> -> memref<1x1x8x128xf32, #tpu.memory_space<vmem>>
      %dma_wait3A_2271 = tpu.memref_squeeze %dma_wait3A_2270 : memref<1x1x8x128xf32, #tpu.memory_space<vmem>> -> memref<8x128xf32, #tpu.memory_space<vmem>>
      %dma_wait3A_2272 = arith.constant 16 : i32
      %dma_wait3A_2273 = arith.constant 0 : i32
      %dma_wait3A_2274 = tpu.memref_slice %arg3[%dma_wait3A_2272, %dma_wait3A_2273] : memref<32x1000000xf32, #tpu.memory_space<hbm>> -> memref<8x128xf32, #tpu.memory_space<hbm>>
      tpu.wait_dma2 semaphore(%arg9 : memref<!tpu.dma_semaphore, #tpu.memory_space<semaphore_mem>>) src(%dma_wait3A_2274 : memref<8x128xf32, #tpu.memory_space<hbm>>) dst(%dma_wait3A_2271 : memref<8x128xf32, #tpu.memory_space<vmem>>)
      %dma_wait3A_2275 = arith.constant 1 : i32
      %dma_wait3A_2276 = arith.constant 5 : i32
      %dma_wait3A_2277 = arith.constant 24 : i32
      %dma_wait3A_2278 = arith.constant 0 : i32
      %dma_wait3A_2279 = tpu.memref_slice %arg6[%dma_wait3A_2275, %dma_wait3A_2276, %dma_wait3A_2277, %dma_wait3A_2278] : memref<2x8x32x128xf32, #tpu.memory_space<vmem>> -> memref<1x1x8x128xf32, #tpu.memory_space<vmem>>
      %dma_wait3A_2280 = tpu.memref_squeeze %dma_wait3A_2279 : memref<1x1x8x128xf32, #tpu.memory_space<vmem>> -> memref<8x128xf32, #tpu.memory_space<vmem>>
      %dma_wait3A_2281 = arith.constant 24 : i32
      %dma_wait3A_2282 = arith.constant 0 : i32
      %dma_wait3A_2283 = tpu.memref_slice %arg3[%dma_wait3A_2281, %dma_wait3A_2282] : memref<32x1000000xf32, #tpu.memory_space<hbm>> -> memref<8x128xf32, #tpu.memory_space<hbm>>
      %dma_wait3A_2284 = arith.constant 24 : i32
      %dma_wait3A_2285 = arith.constant 0 : i32
      %dma_wait3A_2286 = tpu.memref_slice %arg6[%dma_wait3A_2275, %dma_wait3A_2276, %dma_wait3A_2284, %dma_wait3A_2285] : memref<2x8x32x128xf32, #tpu.memory_space<vmem>> -> memref<1x1x8x128xf32, #tpu.memory_space<vmem>>
      %dma_wait3A_2287 = tpu.memref_squeeze %dma_wait3A_2286 : memref<1x1x8x128xf32, #tpu.memory_space<vmem>> -> memref<8x128xf32, #tpu.memory_space<vmem>>
      %dma_wait3A_2288 = arith.constant 24 : i32
      %dma_wait3A_2289 = arith.constant 0 : i32
      %dma_wait3A_2290 = tpu.memref_slice %arg3[%dma_wait3A_2288, %dma_wait3A_2289] : memref<32x1000000xf32, #tpu.memory_space<hbm>> -> memref<8x128xf32, #tpu.memory_space<hbm>>
      tpu.wait_dma2 semaphore(%arg9 : memref<!tpu.dma_semaphore, #tpu.memory_space<semaphore_mem>>) src(%dma_wait3A_2290 : memref<8x128xf32, #tpu.memory_space<hbm>>) dst(%dma_wait3A_2287 : memref<8x128xf32, #tpu.memory_space<vmem>>)
      %dma_wait3A_2291 = arith.constant 1 : i32
      %dma_wait3A_2292 = arith.constant 6 : i32
      %dma_wait3A_2293 = arith.constant 0 : i32
      %dma_wait3A_2294 = arith.constant 0 : i32
      %dma_wait3A_2295 = tpu.memref_slice %arg6[%dma_wait3A_2291, %dma_wait3A_2292, %dma_wait3A_2293, %dma_wait3A_2294] : memref<2x8x32x128xf32, #tpu.memory_space<vmem>> -> memref<1x1x8x128xf32, #tpu.memory_space<vmem>>
      %dma_wait3A_2296 = tpu.memref_squeeze %dma_wait3A_2295 : memref<1x1x8x128xf32, #tpu.memory_space<vmem>> -> memref<8x128xf32, #tpu.memory_space<vmem>>
      %dma_wait3A_2297 = arith.constant 0 : i32
      %dma_wait3A_2298 = arith.constant 0 : i32
      %dma_wait3A_2299 = tpu.memref_slice %arg3[%dma_wait3A_2297, %dma_wait3A_2298] : memref<32x1000000xf32, #tpu.memory_space<hbm>> -> memref<8x128xf32, #tpu.memory_space<hbm>>
      %dma_wait3A_2300 = arith.constant 0 : i32
      %dma_wait3A_2301 = arith.constant 0 : i32
      %dma_wait3A_2302 = tpu.memref_slice %arg6[%dma_wait3A_2291, %dma_wait3A_2292, %dma_wait3A_2300, %dma_wait3A_2301] : memref<2x8x32x128xf32, #tpu.memory_space<vmem>> -> memref<1x1x8x128xf32, #tpu.memory_space<vmem>>
      %dma_wait3A_2303 = tpu.memref_squeeze %dma_wait3A_2302 : memref<1x1x8x128xf32, #tpu.memory_space<vmem>> -> memref<8x128xf32, #tpu.memory_space<vmem>>
      %dma_wait3A_2304 = arith.constant 0 : i32
      %dma_wait3A_2305 = arith.constant 0 : i32
      %dma_wait3A_2306 = tpu.memref_slice %arg3[%dma_wait3A_2304, %dma_wait3A_2305] : memref<32x1000000xf32, #tpu.memory_space<hbm>> -> memref<8x128xf32, #tpu.memory_space<hbm>>
      tpu.wait_dma2 semaphore(%arg9 : memref<!tpu.dma_semaphore, #tpu.memory_space<semaphore_mem>>) src(%dma_wait3A_2306 : memref<8x128xf32, #tpu.memory_space<hbm>>) dst(%dma_wait3A_2303 : memref<8x128xf32, #tpu.memory_space<vmem>>)
      %dma_wait3A_2307 = arith.constant 1 : i32
      %dma_wait3A_2308 = arith.constant 6 : i32
      %dma_wait3A_2309 = arith.constant 8 : i32
      %dma_wait3A_2310 = arith.constant 0 : i32
      %dma_wait3A_2311 = tpu.memref_slice %arg6[%dma_wait3A_2307, %dma_wait3A_2308, %dma_wait3A_2309, %dma_wait3A_2310] : memref<2x8x32x128xf32, #tpu.memory_space<vmem>> -> memref<1x1x8x128xf32, #tpu.memory_space<vmem>>
      %dma_wait3A_2312 = tpu.memref_squeeze %dma_wait3A_2311 : memref<1x1x8x128xf32, #tpu.memory_space<vmem>> -> memref<8x128xf32, #tpu.memory_space<vmem>>
      %dma_wait3A_2313 = arith.constant 8 : i32
      %dma_wait3A_2314 = arith.constant 0 : i32
      %dma_wait3A_2315 = tpu.memref_slice %arg3[%dma_wait3A_2313, %dma_wait3A_2314] : memref<32x1000000xf32, #tpu.memory_space<hbm>> -> memref<8x128xf32, #tpu.memory_space<hbm>>
      %dma_wait3A_2316 = arith.constant 8 : i32
      %dma_wait3A_2317 = arith.constant 0 : i32
      %dma_wait3A_2318 = tpu.memref_slice %arg6[%dma_wait3A_2307, %dma_wait3A_2308, %dma_wait3A_2316, %dma_wait3A_2317] : memref<2x8x32x128xf32, #tpu.memory_space<vmem>> -> memref<1x1x8x128xf32, #tpu.memory_space<vmem>>
      %dma_wait3A_2319 = tpu.memref_squeeze %dma_wait3A_2318 : memref<1x1x8x128xf32, #tpu.memory_space<vmem>> -> memref<8x128xf32, #tpu.memory_space<vmem>>
      %dma_wait3A_2320 = arith.constant 8 : i32
      %dma_wait3A_2321 = arith.constant 0 : i32
      %dma_wait3A_2322 = tpu.memref_slice %arg3[%dma_wait3A_2320, %dma_wait3A_2321] : memref<32x1000000xf32, #tpu.memory_space<hbm>> -> memref<8x128xf32, #tpu.memory_space<hbm>>
      tpu.wait_dma2 semaphore(%arg9 : memref<!tpu.dma_semaphore, #tpu.memory_space<semaphore_mem>>) src(%dma_wait3A_2322 : memref<8x128xf32, #tpu.memory_space<hbm>>) dst(%dma_wait3A_2319 : memref<8x128xf32, #tpu.memory_space<vmem>>)
      %dma_wait3A_2323 = arith.constant 1 : i32
      %dma_wait3A_2324 = arith.constant 6 : i32
      %dma_wait3A_2325 = arith.constant 16 : i32
      %dma_wait3A_2326 = arith.constant 0 : i32
      %dma_wait3A_2327 = tpu.memref_slice %arg6[%dma_wait3A_2323, %dma_wait3A_2324, %dma_wait3A_2325, %dma_wait3A_2326] : memref<2x8x32x128xf32, #tpu.memory_space<vmem>> -> memref<1x1x8x128xf32, #tpu.memory_space<vmem>>
      %dma_wait3A_2328 = tpu.memref_squeeze %dma_wait3A_2327 : memref<1x1x8x128xf32, #tpu.memory_space<vmem>> -> memref<8x128xf32, #tpu.memory_space<vmem>>
      %dma_wait3A_2329 = arith.constant 16 : i32
      %dma_wait3A_2330 = arith.constant 0 : i32
      %dma_wait3A_2331 = tpu.memref_slice %arg3[%dma_wait3A_2329, %dma_wait3A_2330] : memref<32x1000000xf32, #tpu.memory_space<hbm>> -> memref<8x128xf32, #tpu.memory_space<hbm>>
      %dma_wait3A_2332 = arith.constant 16 : i32
      %dma_wait3A_2333 = arith.constant 0 : i32
      %dma_wait3A_2334 = tpu.memref_slice %arg6[%dma_wait3A_2323, %dma_wait3A_2324, %dma_wait3A_2332, %dma_wait3A_2333] : memref<2x8x32x128xf32, #tpu.memory_space<vmem>> -> memref<1x1x8x128xf32, #tpu.memory_space<vmem>>
      %dma_wait3A_2335 = tpu.memref_squeeze %dma_wait3A_2334 : memref<1x1x8x128xf32, #tpu.memory_space<vmem>> -> memref<8x128xf32, #tpu.memory_space<vmem>>
      %dma_wait3A_2336 = arith.constant 16 : i32
      %dma_wait3A_2337 = arith.constant 0 : i32
      %dma_wait3A_2338 = tpu.memref_slice %arg3[%dma_wait3A_2336, %dma_wait3A_2337] : memref<32x1000000xf32, #tpu.memory_space<hbm>> -> memref<8x128xf32, #tpu.memory_space<hbm>>
      tpu.wait_dma2 semaphore(%arg9 : memref<!tpu.dma_semaphore, #tpu.memory_space<semaphore_mem>>) src(%dma_wait3A_2338 : memref<8x128xf32, #tpu.memory_space<hbm>>) dst(%dma_wait3A_2335 : memref<8x128xf32, #tpu.memory_space<vmem>>)
      %dma_wait3A_2339 = arith.constant 1 : i32
      %dma_wait3A_2340 = arith.constant 6 : i32
      %dma_wait3A_2341 = arith.constant 24 : i32
      %dma_wait3A_2342 = arith.constant 0 : i32
      %dma_wait3A_2343 = tpu.memref_slice %arg6[%dma_wait3A_2339, %dma_wait3A_2340, %dma_wait3A_2341, %dma_wait3A_2342] : memref<2x8x32x128xf32, #tpu.memory_space<vmem>> -> memref<1x1x8x128xf32, #tpu.memory_space<vmem>>
      %dma_wait3A_2344 = tpu.memref_squeeze %dma_wait3A_2343 : memref<1x1x8x128xf32, #tpu.memory_space<vmem>> -> memref<8x128xf32, #tpu.memory_space<vmem>>
      %dma_wait3A_2345 = arith.constant 24 : i32
      %dma_wait3A_2346 = arith.constant 0 : i32
      %dma_wait3A_2347 = tpu.memref_slice %arg3[%dma_wait3A_2345, %dma_wait3A_2346] : memref<32x1000000xf32, #tpu.memory_space<hbm>> -> memref<8x128xf32, #tpu.memory_space<hbm>>
      %dma_wait3A_2348 = arith.constant 24 : i32
      %dma_wait3A_2349 = arith.constant 0 : i32
      %dma_wait3A_2350 = tpu.memref_slice %arg6[%dma_wait3A_2339, %dma_wait3A_2340, %dma_wait3A_2348, %dma_wait3A_2349] : memref<2x8x32x128xf32, #tpu.memory_space<vmem>> -> memref<1x1x8x128xf32, #tpu.memory_space<vmem>>
      %dma_wait3A_2351 = tpu.memref_squeeze %dma_wait3A_2350 : memref<1x1x8x128xf32, #tpu.memory_space<vmem>> -> memref<8x128xf32, #tpu.memory_space<vmem>>
      %dma_wait3A_2352 = arith.constant 24 : i32
      %dma_wait3A_2353 = arith.constant 0 : i32
      %dma_wait3A_2354 = tpu.memref_slice %arg3[%dma_wait3A_2352, %dma_wait3A_2353] : memref<32x1000000xf32, #tpu.memory_space<hbm>> -> memref<8x128xf32, #tpu.memory_space<hbm>>
      tpu.wait_dma2 semaphore(%arg9 : memref<!tpu.dma_semaphore, #tpu.memory_space<semaphore_mem>>) src(%dma_wait3A_2354 : memref<8x128xf32, #tpu.memory_space<hbm>>) dst(%dma_wait3A_2351 : memref<8x128xf32, #tpu.memory_space<vmem>>)
      %dma_wait3A_2355 = arith.constant 1 : i32
      %dma_wait3A_2356 = arith.constant 7 : i32
      %dma_wait3A_2357 = arith.constant 0 : i32
      %dma_wait3A_2358 = arith.constant 0 : i32
      %dma_wait3A_2359 = tpu.memref_slice %arg6[%dma_wait3A_2355, %dma_wait3A_2356, %dma_wait3A_2357, %dma_wait3A_2358] : memref<2x8x32x128xf32, #tpu.memory_space<vmem>> -> memref<1x1x8x128xf32, #tpu.memory_space<vmem>>
      %dma_wait3A_2360 = tpu.memref_squeeze %dma_wait3A_2359 : memref<1x1x8x128xf32, #tpu.memory_space<vmem>> -> memref<8x128xf32, #tpu.memory_space<vmem>>
      %dma_wait3A_2361 = arith.constant 0 : i32
      %dma_wait3A_2362 = arith.constant 0 : i32
      %dma_wait3A_2363 = tpu.memref_slice %arg3[%dma_wait3A_2361, %dma_wait3A_2362] : memref<32x1000000xf32, #tpu.memory_space<hbm>> -> memref<8x128xf32, #tpu.memory_space<hbm>>
      %dma_wait3A_2364 = arith.constant 0 : i32
      %dma_wait3A_2365 = arith.constant 0 : i32
      %dma_wait3A_2366 = tpu.memref_slice %arg6[%dma_wait3A_2355, %dma_wait3A_2356, %dma_wait3A_2364, %dma_wait3A_2365] : memref<2x8x32x128xf32, #tpu.memory_space<vmem>> -> memref<1x1x8x128xf32, #tpu.memory_space<vmem>>
      %dma_wait3A_2367 = tpu.memref_squeeze %dma_wait3A_2366 : memref<1x1x8x128xf32, #tpu.memory_space<vmem>> -> memref<8x128xf32, #tpu.memory_space<vmem>>
      %dma_wait3A_2368 = arith.constant 0 : i32
      %dma_wait3A_2369 = arith.constant 0 : i32
      %dma_wait3A_2370 = tpu.memref_slice %arg3[%dma_wait3A_2368, %dma_wait3A_2369] : memref<32x1000000xf32, #tpu.memory_space<hbm>> -> memref<8x128xf32, #tpu.memory_space<hbm>>
      tpu.wait_dma2 semaphore(%arg9 : memref<!tpu.dma_semaphore, #tpu.memory_space<semaphore_mem>>) src(%dma_wait3A_2370 : memref<8x128xf32, #tpu.memory_space<hbm>>) dst(%dma_wait3A_2367 : memref<8x128xf32, #tpu.memory_space<vmem>>)
      %dma_wait3A_2371 = arith.constant 1 : i32
      %dma_wait3A_2372 = arith.constant 7 : i32
      %dma_wait3A_2373 = arith.constant 8 : i32
      %dma_wait3A_2374 = arith.constant 0 : i32
      %dma_wait3A_2375 = tpu.memref_slice %arg6[%dma_wait3A_2371, %dma_wait3A_2372, %dma_wait3A_2373, %dma_wait3A_2374] : memref<2x8x32x128xf32, #tpu.memory_space<vmem>> -> memref<1x1x8x128xf32, #tpu.memory_space<vmem>>
      %dma_wait3A_2376 = tpu.memref_squeeze %dma_wait3A_2375 : memref<1x1x8x128xf32, #tpu.memory_space<vmem>> -> memref<8x128xf32, #tpu.memory_space<vmem>>
      %dma_wait3A_2377 = arith.constant 8 : i32
      %dma_wait3A_2378 = arith.constant 0 : i32
      %dma_wait3A_2379 = tpu.memref_slice %arg3[%dma_wait3A_2377, %dma_wait3A_2378] : memref<32x1000000xf32, #tpu.memory_space<hbm>> -> memref<8x128xf32, #tpu.memory_space<hbm>>
      %dma_wait3A_2380 = arith.constant 8 : i32
      %dma_wait3A_2381 = arith.constant 0 : i32
      %dma_wait3A_2382 = tpu.memref_slice %arg6[%dma_wait3A_2371, %dma_wait3A_2372, %dma_wait3A_2380, %dma_wait3A_2381] : memref<2x8x32x128xf32, #tpu.memory_space<vmem>> -> memref<1x1x8x128xf32, #tpu.memory_space<vmem>>
      %dma_wait3A_2383 = tpu.memref_squeeze %dma_wait3A_2382 : memref<1x1x8x128xf32, #tpu.memory_space<vmem>> -> memref<8x128xf32, #tpu.memory_space<vmem>>
      %dma_wait3A_2384 = arith.constant 8 : i32
      %dma_wait3A_2385 = arith.constant 0 : i32
      %dma_wait3A_2386 = tpu.memref_slice %arg3[%dma_wait3A_2384, %dma_wait3A_2385] : memref<32x1000000xf32, #tpu.memory_space<hbm>> -> memref<8x128xf32, #tpu.memory_space<hbm>>
      tpu.wait_dma2 semaphore(%arg9 : memref<!tpu.dma_semaphore, #tpu.memory_space<semaphore_mem>>) src(%dma_wait3A_2386 : memref<8x128xf32, #tpu.memory_space<hbm>>) dst(%dma_wait3A_2383 : memref<8x128xf32, #tpu.memory_space<vmem>>)
      %dma_wait3A_2387 = arith.constant 1 : i32
      %dma_wait3A_2388 = arith.constant 7 : i32
      %dma_wait3A_2389 = arith.constant 16 : i32
      %dma_wait3A_2390 = arith.constant 0 : i32
      %dma_wait3A_2391 = tpu.memref_slice %arg6[%dma_wait3A_2387, %dma_wait3A_2388, %dma_wait3A_2389, %dma_wait3A_2390] : memref<2x8x32x128xf32, #tpu.memory_space<vmem>> -> memref<1x1x8x128xf32, #tpu.memory_space<vmem>>
      %dma_wait3A_2392 = tpu.memref_squeeze %dma_wait3A_2391 : memref<1x1x8x128xf32, #tpu.memory_space<vmem>> -> memref<8x128xf32, #tpu.memory_space<vmem>>
      %dma_wait3A_2393 = arith.constant 16 : i32
      %dma_wait3A_2394 = arith.constant 0 : i32
      %dma_wait3A_2395 = tpu.memref_slice %arg3[%dma_wait3A_2393, %dma_wait3A_2394] : memref<32x1000000xf32, #tpu.memory_space<hbm>> -> memref<8x128xf32, #tpu.memory_space<hbm>>
      %dma_wait3A_2396 = arith.constant 16 : i32
      %dma_wait3A_2397 = arith.constant 0 : i32
      %dma_wait3A_2398 = tpu.memref_slice %arg6[%dma_wait3A_2387, %dma_wait3A_2388, %dma_wait3A_2396, %dma_wait3A_2397] : memref<2x8x32x128xf32, #tpu.memory_space<vmem>> -> memref<1x1x8x128xf32, #tpu.memory_space<vmem>>
      %dma_wait3A_2399 = tpu.memref_squeeze %dma_wait3A_2398 : memref<1x1x8x128xf32, #tpu.memory_space<vmem>> -> memref<8x128xf32, #tpu.memory_space<vmem>>
      %dma_wait3A_2400 = arith.constant 16 : i32
      %dma_wait3A_2401 = arith.constant 0 : i32
      %dma_wait3A_2402 = tpu.memref_slice %arg3[%dma_wait3A_2400, %dma_wait3A_2401] : memref<32x1000000xf32, #tpu.memory_space<hbm>> -> memref<8x128xf32, #tpu.memory_space<hbm>>
      tpu.wait_dma2 semaphore(%arg9 : memref<!tpu.dma_semaphore, #tpu.memory_space<semaphore_mem>>) src(%dma_wait3A_2402 : memref<8x128xf32, #tpu.memory_space<hbm>>) dst(%dma_wait3A_2399 : memref<8x128xf32, #tpu.memory_space<vmem>>)
      %dma_wait3A_2403 = arith.constant 1 : i32
      %dma_wait3A_2404 = arith.constant 7 : i32
      %dma_wait3A_2405 = arith.constant 24 : i32
      %dma_wait3A_2406 = arith.constant 0 : i32
      %dma_wait3A_2407 = tpu.memref_slice %arg6[%dma_wait3A_2403, %dma_wait3A_2404, %dma_wait3A_2405, %dma_wait3A_2406] : memref<2x8x32x128xf32, #tpu.memory_space<vmem>> -> memref<1x1x8x128xf32, #tpu.memory_space<vmem>>
      %dma_wait3A_2408 = tpu.memref_squeeze %dma_wait3A_2407 : memref<1x1x8x128xf32, #tpu.memory_space<vmem>> -> memref<8x128xf32, #tpu.memory_space<vmem>>
      %dma_wait3A_2409 = arith.constant 24 : i32
      %dma_wait3A_2410 = arith.constant 0 : i32
      %dma_wait3A_2411 = tpu.memref_slice %arg3[%dma_wait3A_2409, %dma_wait3A_2410] : memref<32x1000000xf32, #tpu.memory_space<hbm>> -> memref<8x128xf32, #tpu.memory_space<hbm>>
      %dma_wait3A_2412 = arith.constant 24 : i32
      %dma_wait3A_2413 = arith.constant 0 : i32
      %dma_wait3A_2414 = tpu.memref_slice %arg6[%dma_wait3A_2403, %dma_wait3A_2404, %dma_wait3A_2412, %dma_wait3A_2413] : memref<2x8x32x128xf32, #tpu.memory_space<vmem>> -> memref<1x1x8x128xf32, #tpu.memory_space<vmem>>
      %dma_wait3A_2415 = tpu.memref_squeeze %dma_wait3A_2414 : memref<1x1x8x128xf32, #tpu.memory_space<vmem>> -> memref<8x128xf32, #tpu.memory_space<vmem>>
      %dma_wait3A_2416 = arith.constant 24 : i32
      %dma_wait3A_2417 = arith.constant 0 : i32
      %dma_wait3A_2418 = tpu.memref_slice %arg3[%dma_wait3A_2416, %dma_wait3A_2417] : memref<32x1000000xf32, #tpu.memory_space<hbm>> -> memref<8x128xf32, #tpu.memory_space<hbm>>
      tpu.wait_dma2 semaphore(%arg9 : memref<!tpu.dma_semaphore, #tpu.memory_space<semaphore_mem>>) src(%dma_wait3A_2418 : memref<8x128xf32, #tpu.memory_space<hbm>>) dst(%dma_wait3A_2415 : memref<8x128xf32, #tpu.memory_space<vmem>>)
      %mul3A_2419 = arith.constant 2 : i32
      %mul3A_2420 = arith.muli %scan3A_532, %mul3A_2419 : i32
      %mul3A_2421 = arith.constant 8 : i32
      %mul3A_2422 = arith.muli %mul3A_2420, %mul3A_2421 : i32
      %add3A_2423 = arith.constant 8 : i32
      %add3A_2424 = arith.addi %mul3A_2422, %add3A_2423 : i32
      %add3A_2425 = arith.constant 0 : i32
      %add3A_2426 = arith.addi %add3A_2424, %add3A_2425 : i32
      %and3A_2427 = arith.constant 127 : i32
      %and3A_2428 = arith.andi %squeeze3A_557, %and3A_2427 : i32
      %broadcast_in_dim3A_2429 = arith.constant 0 : i32
      %broadcast_in_dim3A_2430 = vector.broadcast %broadcast_in_dim3A_2429 : i32 to vector<16xi32>
      %add3A_2431 = vector.broadcast %and3A_2428 : i32 to vector<16xi32>
      %add3A_2432 = arith.addi %broadcast_in_dim3A_2430, %add3A_2431 : vector<16xi32>
      %gather3A_2433 = arith.constant 1 : i32
      %gather3A_2434 = arith.constant 0 : i32
      %gather3A_2435 = arith.constant 0 : i32
      %gather3A_2436 = arith.constant 0 : i32
      %gather3A_2437 = tpu.memref_slice %arg6[%gather3A_2433, %gather3A_2434, %gather3A_2435, %gather3A_2436] : memref<2x8x32x128xf32, #tpu.memory_space<vmem>> -> memref<1x1x32x128xf32, #tpu.memory_space<vmem>>
      %gather3A_2438 = tpu.memref_squeeze %gather3A_2437 : memref<1x1x32x128xf32, #tpu.memory_space<vmem>> -> memref<32x128xf32, #tpu.memory_space<vmem>>
      %gather3A_2439 = tpu.vector_load_idx %gather3A_2438[%iota3A, %add3A_2432] : memref<32x128xf32, #tpu.memory_space<vmem>>[vector<16xi32>, vector<16xi32>], vector<16xf32>,
      %add3A_2440 = arith.constant 16 : i32
      %add3A_2441 = vector.broadcast %add3A_2440 : i32 to vector<16xi32>
      %add3A_2442 = arith.addi %iota3A, %add3A_2441 : vector<16xi32>
      %gather3A_2443 = arith.constant 1 : i32
      %gather3A_2444 = arith.constant 0 : i32
      %gather3A_2445 = arith.constant 0 : i32
      %gather3A_2446 = arith.constant 0 : i32
      %gather3A_2447 = tpu.memref_slice %arg6[%gather3A_2443, %gather3A_2444, %gather3A_2445, %gather3A_2446] : memref<2x8x32x128xf32, #tpu.memory_space<vmem>> -> memref<1x1x32x128xf32, #tpu.memory_space<vmem>>
      %gather3A_2448 = tpu.memref_squeeze %gather3A_2447 : memref<1x1x32x128xf32, #tpu.memory_space<vmem>> -> memref<32x128xf32, #tpu.memory_space<vmem>>
      %gather3A_2449 = tpu.vector_load_idx %gather3A_2448[%add3A_2442, %add3A_2432] : memref<32x128xf32, #tpu.memory_space<vmem>>[vector<16xi32>, vector<16xi32>], vector<16xf32>,
      %mul3A_2450 = arith.constant 32 : i32
      %mul3A_2451 = arith.muli %add3A_2426, %mul3A_2450 : i32
      %swap3A_2452 = arith.index_cast %mul3A_2451 : i32 to index
      %swap3A_2453 = tpu.vector_load %arg7[%swap3A_2452] {strides = array<i32>} : memref<16384xf32, #tpu.memory_space<vmem>>, vector<16xf32>,
      tpu.vector_store %arg7[%swap3A_2452], %gather3A_2439 {strides = array<i32>} : memref<16384xf32, #tpu.memory_space<vmem>>, vector<16xf32>,
      %mul3A_2454 = arith.constant 32 : i32
      %mul3A_2455 = arith.muli %add3A_2426, %mul3A_2454 : i32
      %add3A_2456 = arith.constant 16 : i32
      %add3A_2457 = arith.addi %mul3A_2455, %add3A_2456 : i32
      %swap3A_2458 = arith.index_cast %add3A_2457 : i32 to index
      %swap3A_2459 = tpu.vector_load %arg7[%swap3A_2458] {strides = array<i32>} : memref<16384xf32, #tpu.memory_space<vmem>>, vector<16xf32>,
      tpu.vector_store %arg7[%swap3A_2458], %gather3A_2449 {strides = array<i32>} : memref<16384xf32, #tpu.memory_space<vmem>>, vector<16xf32>,
      %mul3A_2460 = arith.constant 2 : i32
      %mul3A_2461 = arith.muli %scan3A_532, %mul3A_2460 : i32
      %mul3A_2462 = arith.constant 8 : i32
      %mul3A_2463 = arith.muli %mul3A_2461, %mul3A_2462 : i32
      %add3A_2464 = arith.constant 8 : i32
      %add3A_2465 = arith.addi %mul3A_2463, %add3A_2464 : i32
      %add3A_2466 = arith.constant 1 : i32
      %add3A_2467 = arith.addi %add3A_2465, %add3A_2466 : i32
      %and3A_2468 = arith.constant 127 : i32
      %and3A_2469 = arith.andi %squeeze3A_559, %and3A_2468 : i32
      %broadcast_in_dim3A_2470 = arith.constant 0 : i32
      %broadcast_in_dim3A_2471 = vector.broadcast %broadcast_in_dim3A_2470 : i32 to vector<16xi32>
      %add3A_2472 = vector.broadcast %and3A_2469 : i32 to vector<16xi32>
      %add3A_2473 = arith.addi %broadcast_in_dim3A_2471, %add3A_2472 : vector<16xi32>
      %gather3A_2474 = arith.constant 1 : i32
      %gather3A_2475 = arith.constant 1 : i32
      %gather3A_2476 = arith.constant 0 : i32
      %gather3A_2477 = arith.constant 0 : i32
      %gather3A_2478 = tpu.memref_slice %arg6[%gather3A_2474, %gather3A_2475, %gather3A_2476, %gather3A_2477] : memref<2x8x32x128xf32, #tpu.memory_space<vmem>> -> memref<1x1x32x128xf32, #tpu.memory_space<vmem>>
      %gather3A_2479 = tpu.memref_squeeze %gather3A_2478 : memref<1x1x32x128xf32, #tpu.memory_space<vmem>> -> memref<32x128xf32, #tpu.memory_space<vmem>>
      %gather3A_2480 = tpu.vector_load_idx %gather3A_2479[%iota3A, %add3A_2473] : memref<32x128xf32, #tpu.memory_space<vmem>>[vector<16xi32>, vector<16xi32>], vector<16xf32>,
      %add3A_2481 = arith.constant 16 : i32
      %add3A_2482 = vector.broadcast %add3A_2481 : i32 to vector<16xi32>
      %add3A_2483 = arith.addi %iota3A, %add3A_2482 : vector<16xi32>
      %gather3A_2484 = arith.constant 1 : i32
      %gather3A_2485 = arith.constant 1 : i32
      %gather3A_2486 = arith.constant 0 : i32
      %gather3A_2487 = arith.constant 0 : i32
      %gather3A_2488 = tpu.memref_slice %arg6[%gather3A_2484, %gather3A_2485, %gather3A_2486, %gather3A_2487] : memref<2x8x32x128xf32, #tpu.memory_space<vmem>> -> memref<1x1x32x128xf32, #tpu.memory_space<vmem>>
      %gather3A_2489 = tpu.memref_squeeze %gather3A_2488 : memref<1x1x32x128xf32, #tpu.memory_space<vmem>> -> memref<32x128xf32, #tpu.memory_space<vmem>>
      %gather3A_2490 = tpu.vector_load_idx %gather3A_2489[%add3A_2483, %add3A_2473] : memref<32x128xf32, #tpu.memory_space<vmem>>[vector<16xi32>, vector<16xi32>], vector<16xf32>,
      %mul3A_2491 = arith.constant 32 : i32
      %mul3A_2492 = arith.muli %add3A_2467, %mul3A_2491 : i32
      %swap3A_2493 = arith.index_cast %mul3A_2492 : i32 to index
      %swap3A_2494 = tpu.vector_load %arg7[%swap3A_2493] {strides = array<i32>} : memref<16384xf32, #tpu.memory_space<vmem>>, vector<16xf32>,
      tpu.vector_store %arg7[%swap3A_2493], %gather3A_2480 {strides = array<i32>} : memref<16384xf32, #tpu.memory_space<vmem>>, vector<16xf32>,
      %mul3A_2495 = arith.constant 32 : i32
      %mul3A_2496 = arith.muli %add3A_2467, %mul3A_2495 : i32
      %add3A_2497 = arith.constant 16 : i32
      %add3A_2498 = arith.addi %mul3A_2496, %add3A_2497 : i32
      %swap3A_2499 = arith.index_cast %add3A_2498 : i32 to index
      %swap3A_2500 = tpu.vector_load %arg7[%swap3A_2499] {strides = array<i32>} : memref<16384xf32, #tpu.memory_space<vmem>>, vector<16xf32>,
      tpu.vector_store %arg7[%swap3A_2499], %gather3A_2490 {strides = array<i32>} : memref<16384xf32, #tpu.memory_space<vmem>>, vector<16xf32>,
      %mul3A_2501 = arith.constant 2 : i32
      %mul3A_2502 = arith.muli %scan3A_532, %mul3A_2501 : i32
      %mul3A_2503 = arith.constant 8 : i32
      %mul3A_2504 = arith.muli %mul3A_2502, %mul3A_2503 : i32
      %add3A_2505 = arith.constant 8 : i32
      %add3A_2506 = arith.addi %mul3A_2504, %add3A_2505 : i32
      %add3A_2507 = arith.constant 2 : i32
      %add3A_2508 = arith.addi %add3A_2506, %add3A_2507 : i32
      %and3A_2509 = arith.constant 127 : i32
      %and3A_2510 = arith.andi %squeeze3A_561, %and3A_2509 : i32
      %broadcast_in_dim3A_2511 = arith.constant 0 : i32
      %broadcast_in_dim3A_2512 = vector.broadcast %broadcast_in_dim3A_2511 : i32 to vector<16xi32>
      %add3A_2513 = vector.broadcast %and3A_2510 : i32 to vector<16xi32>
      %add3A_2514 = arith.addi %broadcast_in_dim3A_2512, %add3A_2513 : vector<16xi32>
      %gather3A_2515 = arith.constant 1 : i32
      %gather3A_2516 = arith.constant 2 : i32
      %gather3A_2517 = arith.constant 0 : i32
      %gather3A_2518 = arith.constant 0 : i32
      %gather3A_2519 = tpu.memref_slice %arg6[%gather3A_2515, %gather3A_2516, %gather3A_2517, %gather3A_2518] : memref<2x8x32x128xf32, #tpu.memory_space<vmem>> -> memref<1x1x32x128xf32, #tpu.memory_space<vmem>>
      %gather3A_2520 = tpu.memref_squeeze %gather3A_2519 : memref<1x1x32x128xf32, #tpu.memory_space<vmem>> -> memref<32x128xf32, #tpu.memory_space<vmem>>
      %gather3A_2521 = tpu.vector_load_idx %gather3A_2520[%iota3A, %add3A_2514] : memref<32x128xf32, #tpu.memory_space<vmem>>[vector<16xi32>, vector<16xi32>], vector<16xf32>,
      %add3A_2522 = arith.constant 16 : i32
      %add3A_2523 = vector.broadcast %add3A_2522 : i32 to vector<16xi32>
      %add3A_2524 = arith.addi %iota3A, %add3A_2523 : vector<16xi32>
      %gather3A_2525 = arith.constant 1 : i32
      %gather3A_2526 = arith.constant 2 : i32
      %gather3A_2527 = arith.constant 0 : i32
      %gather3A_2528 = arith.constant 0 : i32
      %gather3A_2529 = tpu.memref_slice %arg6[%gather3A_2525, %gather3A_2526, %gather3A_2527, %gather3A_2528] : memref<2x8x32x128xf32, #tpu.memory_space<vmem>> -> memref<1x1x32x128xf32, #tpu.memory_space<vmem>>
      %gather3A_2530 = tpu.memref_squeeze %gather3A_2529 : memref<1x1x32x128xf32, #tpu.memory_space<vmem>> -> memref<32x128xf32, #tpu.memory_space<vmem>>
      %gather3A_2531 = tpu.vector_load_idx %gather3A_2530[%add3A_2524, %add3A_2514] : memref<32x128xf32, #tpu.memory_space<vmem>>[vector<16xi32>, vector<16xi32>], vector<16xf32>,
      %mul3A_2532 = arith.constant 32 : i32
      %mul3A_2533 = arith.muli %add3A_2508, %mul3A_2532 : i32
      %swap3A_2534 = arith.index_cast %mul3A_2533 : i32 to index
      %swap3A_2535 = tpu.vector_load %arg7[%swap3A_2534] {strides = array<i32>} : memref<16384xf32, #tpu.memory_space<vmem>>, vector<16xf32>,
      tpu.vector_store %arg7[%swap3A_2534], %gather3A_2521 {strides = array<i32>} : memref<16384xf32, #tpu.memory_space<vmem>>, vector<16xf32>,
      %mul3A_2536 = arith.constant 32 : i32
      %mul3A_2537 = arith.muli %add3A_2508, %mul3A_2536 : i32
      %add3A_2538 = arith.constant 16 : i32
      %add3A_2539 = arith.addi %mul3A_2537, %add3A_2538 : i32
      %swap3A_2540 = arith.index_cast %add3A_2539 : i32 to index
      %swap3A_2541 = tpu.vector_load %arg7[%swap3A_2540] {strides = array<i32>} : memref<16384xf32, #tpu.memory_space<vmem>>, vector<16xf32>,
      tpu.vector_store %arg7[%swap3A_2540], %gather3A_2531 {strides = array<i32>} : memref<16384xf32, #tpu.memory_space<vmem>>, vector<16xf32>,
      %mul3A_2542 = arith.constant 2 : i32
      %mul3A_2543 = arith.muli %scan3A_532, %mul3A_2542 : i32
      %mul3A_2544 = arith.constant 8 : i32
      %mul3A_2545 = arith.muli %mul3A_2543, %mul3A_2544 : i32
      %add3A_2546 = arith.constant 8 : i32
      %add3A_2547 = arith.addi %mul3A_2545, %add3A_2546 : i32
      %add3A_2548 = arith.constant 3 : i32
      %add3A_2549 = arith.addi %add3A_2547, %add3A_2548 : i32
      %and3A_2550 = arith.constant 127 : i32
      %and3A_2551 = arith.andi %squeeze3A_563, %and3A_2550 : i32
      %broadcast_in_dim3A_2552 = arith.constant 0 : i32
      %broadcast_in_dim3A_2553 = vector.broadcast %broadcast_in_dim3A_2552 : i32 to vector<16xi32>
      %add3A_2554 = vector.broadcast %and3A_2551 : i32 to vector<16xi32>
      %add3A_2555 = arith.addi %broadcast_in_dim3A_2553, %add3A_2554 : vector<16xi32>
      %gather3A_2556 = arith.constant 1 : i32
      %gather3A_2557 = arith.constant 3 : i32
      %gather3A_2558 = arith.constant 0 : i32
      %gather3A_2559 = arith.constant 0 : i32
      %gather3A_2560 = tpu.memref_slice %arg6[%gather3A_2556, %gather3A_2557, %gather3A_2558, %gather3A_2559] : memref<2x8x32x128xf32, #tpu.memory_space<vmem>> -> memref<1x1x32x128xf32, #tpu.memory_space<vmem>>
      %gather3A_2561 = tpu.memref_squeeze %gather3A_2560 : memref<1x1x32x128xf32, #tpu.memory_space<vmem>> -> memref<32x128xf32, #tpu.memory_space<vmem>>
      %gather3A_2562 = tpu.vector_load_idx %gather3A_2561[%iota3A, %add3A_2555] : memref<32x128xf32, #tpu.memory_space<vmem>>[vector<16xi32>, vector<16xi32>], vector<16xf32>,
      %add3A_2563 = arith.constant 16 : i32
      %add3A_2564 = vector.broadcast %add3A_2563 : i32 to vector<16xi32>
      %add3A_2565 = arith.addi %iota3A, %add3A_2564 : vector<16xi32>
      %gather3A_2566 = arith.constant 1 : i32
      %gather3A_2567 = arith.constant 3 : i32
      %gather3A_2568 = arith.constant 0 : i32
      %gather3A_2569 = arith.constant 0 : i32
      %gather3A_2570 = tpu.memref_slice %arg6[%gather3A_2566, %gather3A_2567, %gather3A_2568, %gather3A_2569] : memref<2x8x32x128xf32, #tpu.memory_space<vmem>> -> memref<1x1x32x128xf32, #tpu.memory_space<vmem>>
      %gather3A_2571 = tpu.memref_squeeze %gather3A_2570 : memref<1x1x32x128xf32, #tpu.memory_space<vmem>> -> memref<32x128xf32, #tpu.memory_space<vmem>>
      %gather3A_2572 = tpu.vector_load_idx %gather3A_2571[%add3A_2565, %add3A_2555] : memref<32x128xf32, #tpu.memory_space<vmem>>[vector<16xi32>, vector<16xi32>], vector<16xf32>,
      %mul3A_2573 = arith.constant 32 : i32
      %mul3A_2574 = arith.muli %add3A_2549, %mul3A_2573 : i32
      %swap3A_2575 = arith.index_cast %mul3A_2574 : i32 to index
      %swap3A_2576 = tpu.vector_load %arg7[%swap3A_2575] {strides = array<i32>} : memref<16384xf32, #tpu.memory_space<vmem>>, vector<16xf32>,
      tpu.vector_store %arg7[%swap3A_2575], %gather3A_2562 {strides = array<i32>} : memref<16384xf32, #tpu.memory_space<vmem>>, vector<16xf32>,
      %mul3A_2577 = arith.constant 32 : i32
      %mul3A_2578 = arith.muli %add3A_2549, %mul3A_2577 : i32
      %add3A_2579 = arith.constant 16 : i32
      %add3A_2580 = arith.addi %mul3A_2578, %add3A_2579 : i32
      %swap3A_2581 = arith.index_cast %add3A_2580 : i32 to index
      %swap3A_2582 = tpu.vector_load %arg7[%swap3A_2581] {strides = array<i32>} : memref<16384xf32, #tpu.memory_space<vmem>>, vector<16xf32>,
      tpu.vector_store %arg7[%swap3A_2581], %gather3A_2572 {strides = array<i32>} : memref<16384xf32, #tpu.memory_space<vmem>>, vector<16xf32>,
      %mul3A_2583 = arith.constant 2 : i32
      %mul3A_2584 = arith.muli %scan3A_532, %mul3A_2583 : i32
      %mul3A_2585 = arith.constant 8 : i32
      %mul3A_2586 = arith.muli %mul3A_2584, %mul3A_2585 : i32
      %add3A_2587 = arith.constant 8 : i32
      %add3A_2588 = arith.addi %mul3A_2586, %add3A_2587 : i32
      %add3A_2589 = arith.constant 4 : i32
      %add3A_2590 = arith.addi %add3A_2588, %add3A_2589 : i32
      %and3A_2591 = arith.constant 127 : i32
      %and3A_2592 = arith.andi %squeeze3A_565, %and3A_2591 : i32
      %broadcast_in_dim3A_2593 = arith.constant 0 : i32
      %broadcast_in_dim3A_2594 = vector.broadcast %broadcast_in_dim3A_2593 : i32 to vector<16xi32>
      %add3A_2595 = vector.broadcast %and3A_2592 : i32 to vector<16xi32>
      %add3A_2596 = arith.addi %broadcast_in_dim3A_2594, %add3A_2595 : vector<16xi32>
      %gather3A_2597 = arith.constant 1 : i32
      %gather3A_2598 = arith.constant 4 : i32
      %gather3A_2599 = arith.constant 0 : i32
      %gather3A_2600 = arith.constant 0 : i32
      %gather3A_2601 = tpu.memref_slice %arg6[%gather3A_2597, %gather3A_2598, %gather3A_2599, %gather3A_2600] : memref<2x8x32x128xf32, #tpu.memory_space<vmem>> -> memref<1x1x32x128xf32, #tpu.memory_space<vmem>>
      %gather3A_2602 = tpu.memref_squeeze %gather3A_2601 : memref<1x1x32x128xf32, #tpu.memory_space<vmem>> -> memref<32x128xf32, #tpu.memory_space<vmem>>
      %gather3A_2603 = tpu.vector_load_idx %gather3A_2602[%iota3A, %add3A_2596] : memref<32x128xf32, #tpu.memory_space<vmem>>[vector<16xi32>, vector<16xi32>], vector<16xf32>,
      %add3A_2604 = arith.constant 16 : i32
      %add3A_2605 = vector.broadcast %add3A_2604 : i32 to vector<16xi32>
      %add3A_2606 = arith.addi %iota3A, %add3A_2605 : vector<16xi32>
      %gather3A_2607 = arith.constant 1 : i32
      %gather3A_2608 = arith.constant 4 : i32
      %gather3A_2609 = arith.constant 0 : i32
      %gather3A_2610 = arith.constant 0 : i32
      %gather3A_2611 = tpu.memref_slice %arg6[%gather3A_2607, %gather3A_2608, %gather3A_2609, %gather3A_2610] : memref<2x8x32x128xf32, #tpu.memory_space<vmem>> -> memref<1x1x32x128xf32, #tpu.memory_space<vmem>>
      %gather3A_2612 = tpu.memref_squeeze %gather3A_2611 : memref<1x1x32x128xf32, #tpu.memory_space<vmem>> -> memref<32x128xf32, #tpu.memory_space<vmem>>
      %gather3A_2613 = tpu.vector_load_idx %gather3A_2612[%add3A_2606, %add3A_2596] : memref<32x128xf32, #tpu.memory_space<vmem>>[vector<16xi32>, vector<16xi32>], vector<16xf32>,
      %mul3A_2614 = arith.constant 32 : i32
      %mul3A_2615 = arith.muli %add3A_2590, %mul3A_2614 : i32
      %swap3A_2616 = arith.index_cast %mul3A_2615 : i32 to index
      %swap3A_2617 = tpu.vector_load %arg7[%swap3A_2616] {strides = array<i32>} : memref<16384xf32, #tpu.memory_space<vmem>>, vector<16xf32>,
      tpu.vector_store %arg7[%swap3A_2616], %gather3A_2603 {strides = array<i32>} : memref<16384xf32, #tpu.memory_space<vmem>>, vector<16xf32>,
      %mul3A_2618 = arith.constant 32 : i32
      %mul3A_2619 = arith.muli %add3A_2590, %mul3A_2618 : i32
      %add3A_2620 = arith.constant 16 : i32
      %add3A_2621 = arith.addi %mul3A_2619, %add3A_2620 : i32
      %swap3A_2622 = arith.index_cast %add3A_2621 : i32 to index
      %swap3A_2623 = tpu.vector_load %arg7[%swap3A_2622] {strides = array<i32>} : memref<16384xf32, #tpu.memory_space<vmem>>, vector<16xf32>,
      tpu.vector_store %arg7[%swap3A_2622], %gather3A_2613 {strides = array<i32>} : memref<16384xf32, #tpu.memory_space<vmem>>, vector<16xf32>,
      %mul3A_2624 = arith.constant 2 : i32
      %mul3A_2625 = arith.muli %scan3A_532, %mul3A_2624 : i32
      %mul3A_2626 = arith.constant 8 : i32
      %mul3A_2627 = arith.muli %mul3A_2625, %mul3A_2626 : i32
      %add3A_2628 = arith.constant 8 : i32
      %add3A_2629 = arith.addi %mul3A_2627, %add3A_2628 : i32
      %add3A_2630 = arith.constant 5 : i32
      %add3A_2631 = arith.addi %add3A_2629, %add3A_2630 : i32
      %and3A_2632 = arith.constant 127 : i32
      %and3A_2633 = arith.andi %squeeze3A_567, %and3A_2632 : i32
      %broadcast_in_dim3A_2634 = arith.constant 0 : i32
      %broadcast_in_dim3A_2635 = vector.broadcast %broadcast_in_dim3A_2634 : i32 to vector<16xi32>
      %add3A_2636 = vector.broadcast %and3A_2633 : i32 to vector<16xi32>
      %add3A_2637 = arith.addi %broadcast_in_dim3A_2635, %add3A_2636 : vector<16xi32>
      %gather3A_2638 = arith.constant 1 : i32
      %gather3A_2639 = arith.constant 5 : i32
      %gather3A_2640 = arith.constant 0 : i32
      %gather3A_2641 = arith.constant 0 : i32
      %gather3A_2642 = tpu.memref_slice %arg6[%gather3A_2638, %gather3A_2639, %gather3A_2640, %gather3A_2641] : memref<2x8x32x128xf32, #tpu.memory_space<vmem>> -> memref<1x1x32x128xf32, #tpu.memory_space<vmem>>
      %gather3A_2643 = tpu.memref_squeeze %gather3A_2642 : memref<1x1x32x128xf32, #tpu.memory_space<vmem>> -> memref<32x128xf32, #tpu.memory_space<vmem>>
      %gather3A_2644 = tpu.vector_load_idx %gather3A_2643[%iota3A, %add3A_2637] : memref<32x128xf32, #tpu.memory_space<vmem>>[vector<16xi32>, vector<16xi32>], vector<16xf32>,
      %add3A_2645 = arith.constant 16 : i32
      %add3A_2646 = vector.broadcast %add3A_2645 : i32 to vector<16xi32>
      %add3A_2647 = arith.addi %iota3A, %add3A_2646 : vector<16xi32>
      %gather3A_2648 = arith.constant 1 : i32
      %gather3A_2649 = arith.constant 5 : i32
      %gather3A_2650 = arith.constant 0 : i32
      %gather3A_2651 = arith.constant 0 : i32
      %gather3A_2652 = tpu.memref_slice %arg6[%gather3A_2648, %gather3A_2649, %gather3A_2650, %gather3A_2651] : memref<2x8x32x128xf32, #tpu.memory_space<vmem>> -> memref<1x1x32x128xf32, #tpu.memory_space<vmem>>
      %gather3A_2653 = tpu.memref_squeeze %gather3A_2652 : memref<1x1x32x128xf32, #tpu.memory_space<vmem>> -> memref<32x128xf32, #tpu.memory_space<vmem>>
      %gather3A_2654 = tpu.vector_load_idx %gather3A_2653[%add3A_2647, %add3A_2637] : memref<32x128xf32, #tpu.memory_space<vmem>>[vector<16xi32>, vector<16xi32>], vector<16xf32>,
      %mul3A_2655 = arith.constant 32 : i32
      %mul3A_2656 = arith.muli %add3A_2631, %mul3A_2655 : i32
      %swap3A_2657 = arith.index_cast %mul3A_2656 : i32 to index
      %swap3A_2658 = tpu.vector_load %arg7[%swap3A_2657] {strides = array<i32>} : memref<16384xf32, #tpu.memory_space<vmem>>, vector<16xf32>,
      tpu.vector_store %arg7[%swap3A_2657], %gather3A_2644 {strides = array<i32>} : memref<16384xf32, #tpu.memory_space<vmem>>, vector<16xf32>,
      %mul3A_2659 = arith.constant 32 : i32
      %mul3A_2660 = arith.muli %add3A_2631, %mul3A_2659 : i32
      %add3A_2661 = arith.constant 16 : i32
      %add3A_2662 = arith.addi %mul3A_2660, %add3A_2661 : i32
      %swap3A_2663 = arith.index_cast %add3A_2662 : i32 to index
      %swap3A_2664 = tpu.vector_load %arg7[%swap3A_2663] {strides = array<i32>} : memref<16384xf32, #tpu.memory_space<vmem>>, vector<16xf32>,
      tpu.vector_store %arg7[%swap3A_2663], %gather3A_2654 {strides = array<i32>} : memref<16384xf32, #tpu.memory_space<vmem>>, vector<16xf32>,
      %mul3A_2665 = arith.constant 2 : i32
      %mul3A_2666 = arith.muli %scan3A_532, %mul3A_2665 : i32
      %mul3A_2667 = arith.constant 8 : i32
      %mul3A_2668 = arith.muli %mul3A_2666, %mul3A_2667 : i32
      %add3A_2669 = arith.constant 8 : i32
      %add3A_2670 = arith.addi %mul3A_2668, %add3A_2669 : i32
      %add3A_2671 = arith.constant 6 : i32
      %add3A_2672 = arith.addi %add3A_2670, %add3A_2671 : i32
      %and3A_2673 = arith.constant 127 : i32
      %and3A_2674 = arith.andi %squeeze3A_569, %and3A_2673 : i32
      %broadcast_in_dim3A_2675 = arith.constant 0 : i32
      %broadcast_in_dim3A_2676 = vector.broadcast %broadcast_in_dim3A_2675 : i32 to vector<16xi32>
      %add3A_2677 = vector.broadcast %and3A_2674 : i32 to vector<16xi32>
      %add3A_2678 = arith.addi %broadcast_in_dim3A_2676, %add3A_2677 : vector<16xi32>
      %gather3A_2679 = arith.constant 1 : i32
      %gather3A_2680 = arith.constant 6 : i32
      %gather3A_2681 = arith.constant 0 : i32
      %gather3A_2682 = arith.constant 0 : i32
      %gather3A_2683 = tpu.memref_slice %arg6[%gather3A_2679, %gather3A_2680, %gather3A_2681, %gather3A_2682] : memref<2x8x32x128xf32, #tpu.memory_space<vmem>> -> memref<1x1x32x128xf32, #tpu.memory_space<vmem>>
      %gather3A_2684 = tpu.memref_squeeze %gather3A_2683 : memref<1x1x32x128xf32, #tpu.memory_space<vmem>> -> memref<32x128xf32, #tpu.memory_space<vmem>>
      %gather3A_2685 = tpu.vector_load_idx %gather3A_2684[%iota3A, %add3A_2678] : memref<32x128xf32, #tpu.memory_space<vmem>>[vector<16xi32>, vector<16xi32>], vector<16xf32>,
      %add3A_2686 = arith.constant 16 : i32
      %add3A_2687 = vector.broadcast %add3A_2686 : i32 to vector<16xi32>
      %add3A_2688 = arith.addi %iota3A, %add3A_2687 : vector<16xi32>
      %gather3A_2689 = arith.constant 1 : i32
      %gather3A_2690 = arith.constant 6 : i32
      %gather3A_2691 = arith.constant 0 : i32
      %gather3A_2692 = arith.constant 0 : i32
      %gather3A_2693 = tpu.memref_slice %arg6[%gather3A_2689, %gather3A_2690, %gather3A_2691, %gather3A_2692] : memref<2x8x32x128xf32, #tpu.memory_space<vmem>> -> memref<1x1x32x128xf32, #tpu.memory_space<vmem>>
      %gather3A_2694 = tpu.memref_squeeze %gather3A_2693 : memref<1x1x32x128xf32, #tpu.memory_space<vmem>> -> memref<32x128xf32, #tpu.memory_space<vmem>>
      %gather3A_2695 = tpu.vector_load_idx %gather3A_2694[%add3A_2688, %add3A_2678] : memref<32x128xf32, #tpu.memory_space<vmem>>[vector<16xi32>, vector<16xi32>], vector<16xf32>,
      %mul3A_2696 = arith.constant 32 : i32
      %mul3A_2697 = arith.muli %add3A_2672, %mul3A_2696 : i32
      %swap3A_2698 = arith.index_cast %mul3A_2697 : i32 to index
      %swap3A_2699 = tpu.vector_load %arg7[%swap3A_2698] {strides = array<i32>} : memref<16384xf32, #tpu.memory_space<vmem>>, vector<16xf32>,
      tpu.vector_store %arg7[%swap3A_2698], %gather3A_2685 {strides = array<i32>} : memref<16384xf32, #tpu.memory_space<vmem>>, vector<16xf32>,
      %mul3A_2700 = arith.constant 32 : i32
      %mul3A_2701 = arith.muli %add3A_2672, %mul3A_2700 : i32
      %add3A_2702 = arith.constant 16 : i32
      %add3A_2703 = arith.addi %mul3A_2701, %add3A_2702 : i32
      %swap3A_2704 = arith.index_cast %add3A_2703 : i32 to index
      %swap3A_2705 = tpu.vector_load %arg7[%swap3A_2704] {strides = array<i32>} : memref<16384xf32, #tpu.memory_space<vmem>>, vector<16xf32>,
      tpu.vector_store %arg7[%swap3A_2704], %gather3A_2695 {strides = array<i32>} : memref<16384xf32, #tpu.memory_space<vmem>>, vector<16xf32>,
      %mul3A_2706 = arith.constant 2 : i32
      %mul3A_2707 = arith.muli %scan3A_532, %mul3A_2706 : i32
      %mul3A_2708 = arith.constant 8 : i32
      %mul3A_2709 = arith.muli %mul3A_2707, %mul3A_2708 : i32
      %add3A_2710 = arith.constant 8 : i32
      %add3A_2711 = arith.addi %mul3A_2709, %add3A_2710 : i32
      %add3A_2712 = arith.constant 7 : i32
      %add3A_2713 = arith.addi %add3A_2711, %add3A_2712 : i32
      %and3A_2714 = arith.constant 127 : i32
      %and3A_2715 = arith.andi %squeeze3A_571, %and3A_2714 : i32
      %broadcast_in_dim3A_2716 = arith.constant 0 : i32
      %broadcast_in_dim3A_2717 = vector.broadcast %broadcast_in_dim3A_2716 : i32 to vector<16xi32>
      %add3A_2718 = vector.broadcast %and3A_2715 : i32 to vector<16xi32>
      %add3A_2719 = arith.addi %broadcast_in_dim3A_2717, %add3A_2718 : vector<16xi32>
      %gather3A_2720 = arith.constant 1 : i32
      %gather3A_2721 = arith.constant 7 : i32
      %gather3A_2722 = arith.constant 0 : i32
      %gather3A_2723 = arith.constant 0 : i32
      %gather3A_2724 = tpu.memref_slice %arg6[%gather3A_2720, %gather3A_2721, %gather3A_2722, %gather3A_2723] : memref<2x8x32x128xf32, #tpu.memory_space<vmem>> -> memref<1x1x32x128xf32, #tpu.memory_space<vmem>>
      %gather3A_2725 = tpu.memref_squeeze %gather3A_2724 : memref<1x1x32x128xf32, #tpu.memory_space<vmem>> -> memref<32x128xf32, #tpu.memory_space<vmem>>
      %gather3A_2726 = tpu.vector_load_idx %gather3A_2725[%iota3A, %add3A_2719] : memref<32x128xf32, #tpu.memory_space<vmem>>[vector<16xi32>, vector<16xi32>], vector<16xf32>,
      %add3A_2727 = arith.constant 16 : i32
      %add3A_2728 = vector.broadcast %add3A_2727 : i32 to vector<16xi32>
      %add3A_2729 = arith.addi %iota3A, %add3A_2728 : vector<16xi32>
      %gather3A_2730 = arith.constant 1 : i32
      %gather3A_2731 = arith.constant 7 : i32
      %gather3A_2732 = arith.constant 0 : i32
      %gather3A_2733 = arith.constant 0 : i32
      %gather3A_2734 = tpu.memref_slice %arg6[%gather3A_2730, %gather3A_2731, %gather3A_2732, %gather3A_2733] : memref<2x8x32x128xf32, #tpu.memory_space<vmem>> -> memref<1x1x32x128xf32, #tpu.memory_space<vmem>>
      %gather3A_2735 = tpu.memref_squeeze %gather3A_2734 : memref<1x1x32x128xf32, #tpu.memory_space<vmem>> -> memref<32x128xf32, #tpu.memory_space<vmem>>
      %gather3A_2736 = tpu.vector_load_idx %gather3A_2735[%add3A_2729, %add3A_2719] : memref<32x128xf32, #tpu.memory_space<vmem>>[vector<16xi32>, vector<16xi32>], vector<16xf32>,
      %mul3A_2737 = arith.constant 32 : i32
      %mul3A_2738 = arith.muli %add3A_2713, %mul3A_2737 : i32
      %swap3A_2739 = arith.index_cast %mul3A_2738 : i32 to index
      %swap3A_2740 = tpu.vector_load %arg7[%swap3A_2739] {strides = array<i32>} : memref<16384xf32, #tpu.memory_space<vmem>>, vector<16xf32>,
      tpu.vector_store %arg7[%swap3A_2739], %gather3A_2726 {strides = array<i32>} : memref<16384xf32, #tpu.memory_space<vmem>>, vector<16xf32>,
      %mul3A_2741 = arith.constant 32 : i32
      %mul3A_2742 = arith.muli %add3A_2713, %mul3A_2741 : i32
      %add3A_2743 = arith.constant 16 : i32
      %add3A_2744 = arith.addi %mul3A_2742, %add3A_2743 : i32
      %swap3A_2745 = arith.index_cast %add3A_2744 : i32 to index
      %swap3A_2746 = tpu.vector_load %arg7[%swap3A_2745] {strides = array<i32>} : memref<16384xf32, #tpu.memory_space<vmem>>, vector<16xf32>,
      tpu.vector_store %arg7[%swap3A_2745], %gather3A_2736 {strides = array<i32>} : memref<16384xf32, #tpu.memory_space<vmem>>, vector<16xf32>,
      %scan3A_2747 = arith.constant 0 : i32
      scf.yield %scan3A_2747 : i32
    }
    %scan3A_531 = arith.constant 32 : i32
    "tpu.region"() ({
      %run_scoped3A = tpu.sem_alloc : memref<!tpu.dma_semaphore, #tpu.memory_space<semaphore_mem>>
      %dma_start3A_532 = arith.constant 0 : i32
      %dma_start3A_533 = tpu.memref_slice %arg4[%add3A, %dma_start3A_532] : memref<32x16384xf32, #tpu.memory_space<hbm>> -> memref<1x16384xf32, #tpu.memory_space<hbm>>
      %dma_start3A_534 = tpu.memref_squeeze %dma_start3A_533 : memref<1x16384xf32, #tpu.memory_space<hbm>> -> memref<16384xf32, #tpu.memory_space<hbm>>
      %dma_start3A_535 = arith.constant 0 : i32
      %dma_start3A_536 = tpu.memref_slice %arg4[%add3A, %dma_start3A_535] : memref<32x16384xf32, #tpu.memory_space<hbm>> -> memref<1x16384xf32, #tpu.memory_space<hbm>>
      %dma_start3A_537 = tpu.memref_squeeze %dma_start3A_536 : memref<1x16384xf32, #tpu.memory_space<hbm>> -> memref<16384xf32, #tpu.memory_space<hbm>>
      tpu.enqueue_dma source(%arg7 : memref<16384xf32, #tpu.memory_space<vmem>>) target(%dma_start3A_537 : memref<16384xf32, #tpu.memory_space<hbm>>) target_semaphore(%run_scoped3A : memref<!tpu.dma_semaphore, #tpu.memory_space<semaphore_mem>>)
      %dma_wait3A = arith.constant 0 : i32
      %dma_wait3A_538 = tpu.memref_slice %arg4[%add3A, %dma_wait3A] : memref<32x16384xf32, #tpu.memory_space<hbm>> -> memref<1x16384xf32, #tpu.memory_space<hbm>>
      %dma_wait3A_539 = tpu.memref_squeeze %dma_wait3A_538 : memref<1x16384xf32, #tpu.memory_space<hbm>> -> memref<16384xf32, #tpu.memory_space<hbm>>
      %dma_wait3A_540 = arith.constant 0 : i32
      %dma_wait3A_541 = tpu.memref_slice %arg4[%add3A, %dma_wait3A_540] : memref<32x16384xf32, #tpu.memory_space<hbm>> -> memref<1x16384xf32, #tpu.memory_space<hbm>>
      %dma_wait3A_542 = tpu.memref_squeeze %dma_wait3A_541 : memref<1x16384xf32, #tpu.memory_space<hbm>> -> memref<16384xf32, #tpu.memory_space<hbm>>
      tpu.wait_dma2 semaphore(%run_scoped3A : memref<!tpu.dma_semaphore, #tpu.memory_space<semaphore_mem>>) src(%arg7 : memref<16384xf32, #tpu.memory_space<vmem>>) dst(%dma_wait3A_542 : memref<16384xf32, #tpu.memory_space<hbm>>)
      tpu.yield
    }) : () -> ()
    return
  }
}

</mosaic_0001>

<sc_bundles>
// kernel: kernel.3.cloned.1.call-start
scs
__scs_entry_jumppad:
0x0: {  	(pc) =	sbr.rel $0x88, $3  }
0x1: {  	(tag) =	ssettag $0x0;
	lr =	simm.s32 $0x1  }
0x2: {  	[smem:$0x3F9F] =	sst lr;
	_ =	strace $0xD0000000  }
0x3: {  	_ = 	snop  }
0x4: {  	_ = 	snop  }
0x5: {  	_ = 	snop  }
0x6: {  	_ = 	snop  }
0x7: {  	_ = 	snop  }
__scs_overlays_trampoline_lowered:
0x8: {  	[smem:$0x3FAE] =	sst s0  }
0x9: {  	[smem:$0x3FAF] =	sst s1  }
0xa: {  	[smem:$0x3FB0] =	sst s2  }
0xb: {  	[smem:$0x3FB1] =	sst s3  }
0xc: {  	[smem:$0x3FB2] =	sst s4  }
0xd: {  	[smem:$0x3FB3] =	sst s5  }
0xe: {  	[smem:$0x3FB4] =	sst s6  }
0xf: {  	[smem:$0x3FB5] =	sst s7  }
0x10: {  	[smem:$0x3FB6] =	sst s8  }
0x11: {  	[smem:$0x3FB7] =	sst s9;
	s0 =	simm.s32 @!p0 $0x0  }
0x12: {  	s1 =	sld [smem:$0x3F9D];
	s0 =	simm.s32 @p0 $0x1  }
0x13: {  	[smem:$0x3FB8] =	sst s0;
	s0 =	simm.s32 @!p1 $0x0  }
0x14: {  	s2 =	sld [smem:$0x3F9C];
	s0 =	simm.s32 @p1 $0x1  }
0x15: {  	[smem:$0x3FB9] =	sst s0;
	s0 =	simm.s32 @!p2 $0x0  }
0x16: {  	s3 =	sld [smem:$0x3FDB];
	s0 =	simm.s32 @p2 $0x1  }
0x17: {  	s4 =	simm.s32 $0x1BF5;
	[smem:$0x3FBB] =	sst s0  }
0x18: {  	s0 =	sld [smem:$0x3F9E];
	_ =	swait.ge [sflag:s4], $0x0  }
0x19: {  	s7 =	sld [smem:$0x3F9F]  }
0x1a: {  	s8 =	sadd.s32 $0xFFFFE003, lr  }
0x1b: {  	s9 =	sadd.s32 $0xFFFFFEF7, lr;
	s5 =	simm.s32 $0xFFFFFFFF;
	p2 =	slt.u32 s8, $0xFFFFF086  }
0x1c: {  	p1 =	slt.u32 s9, $0xF7A;
	s5 =	simm.s32 @!p2 $0x0  }
0x1d: {  	s5 =	simm.s32 @p1 $0x1;
	p0 =	seq.s32 s7, s2  }
0x1e: {  	s7 =	smul.u32 @!p0 $0xF7A, s2;
	p2 =	seq.s32 @!p0 s5, $0x0  }
0x1f: {  	s9 =	smul.u32 $0xF7A, s1;
	s8 =	simm.s32 @!p0 $0x1BF5;
	p2 =	por !p2, p0  }
0x20: {  	[sflag:s8] =	ssyncset.s32 @!p0 $0xFFFFF086;
	s6 =	sadd.s32 @!p0 s3, s7;
	s7 =	simm.s32 @!p0 $0x108  }
0x21: {  	s3 =	sadd.s32 s3, s9;
	s6 =	sadd.s32 @!p0 $0x88, s6;
	s7 =	simm.s32 @p2 $0x1082  }
0x22: {  	[simem:s7], [sflag:s8] =	dma.local @!p0 [hbm:s6], $0xF7A  }
0x23: {  	s9 =	sor.u32 $0xD0000000, s2;
	s6 =	simm.s32 $0x108;
	_ =	swait.ge @!p0 [sflag:s8], $0x0  }
0x24: {  	s3 =	sadd.s32 $0x88, s3;
	s6 =	simm.s32 @!p1 $0x1082;
	[sflag:s4] =	ssyncset.s32 $0xFFFFF086  }
0x25: {  	[simem:s6], [sflag:s4] =	dma.local [hbm:s3], $0xF7A  }
0x26: {  	[smem:$0x3F9F] =	sst s1;
	(tag) =	ssettag s2;
	_ =	strace s9  }
0x27: {  	s1 =	sld [smem:$0x3FAF]  }
0x28: {  	s2 =	sld [smem:$0x3FB0]  }
0x29: {  	s4 =	sld [smem:$0x3FB2]  }
0x2a: {  	p0 =	seq.s32 s5, $0x0;
	s5 =	sld [smem:$0x3FB3]  }
0x2b: {  	s6 =	sld [smem:$0x3FB4]  }
0x2c: {  	s7 =	sld [smem:$0x3FB5]  }
0x2d: {  	s3 =	simm.s32 $0x108;
	s8 =	sld [smem:$0x3FB6]  }
0x2e: {  	s3 =	simm.s32 @!p0 $0x1082;
	s9 =	sld [smem:$0x3FB7]  }
0x2f: {  	lr =	sadd.s32 s0, s3;
	s0 =	sld [smem:$0x3FAE]  }
0x30: {  	s3 =	sld [smem:$0x3FB1]  }
0x31: {  	[smem:$0x3FBA] =	sst s10  }
0x32: {  	s10 =	sld [smem:$0x3FB8];
	_ =	sdelay $0x3  }
0x33: {  	p0 =	seq.s32 s10, $0x1;
	s10 =	sld [smem:$0x3FBA];
	_ =	sdelay $0x3  }
0x34: {  	[smem:$0x3FBA] =	sst s10  }
0x35: {  	s10 =	sld [smem:$0x3FB9];
	_ =	sdelay $0x3  }
0x36: {  	p1 =	seq.s32 s10, $0x1;
	s10 =	sld [smem:$0x3FBA];
	_ =	sdelay $0x3  }
0x37: {  	[smem:$0x3FBA] =	sst s10  }
0x38: {  	s10 =	sld [smem:$0x3FBB]  }
0x39: {  	_ = 	snop;
	(pc) =	sbr.ind lr, $3  }
0x3a: {  	_ = 	snop  }
0x3b: {  	_ = 	snop  }
0x3c: {  	p2 =	seq.s32 s10, $0x1;
	s10 =	sld [smem:$0x3FBA]  }
0x3d: {  	_ =	shalt  }
0x3e: {  	_ =	shalt  }
0x3f: {  	_ =	shalt  }
0x40: {  	_ =	shalt  }
0x41: {  	_ =	shalt  }
0x42: {  	_ =	shalt  }
0x43: {  	_ =	shalt  }
0x44: {  	_ =	shalt  }
0x45: {  	_ =	shalt  }
0x46: {  	_ =	shalt  }
0x47: {  	_ =	shalt  }
0x48: {  	_ =	shalt  }
0x49: {  	_ =	shalt  }
0x4a: {  	_ =	shalt  }
0x4b: {  	_ =	shalt  }
0x4c: {  	_ =	shalt  }
0x4d: {  	_ =	shalt  }
0x4e: {  	_ =	shalt  }
0x4f: {  	_ =	shalt  }
0x50: {  	_ =	shalt  }
0x51: {  	_ =	shalt  }
0x52: {  	_ =	shalt  }
0x53: {  	_ =	shalt  }
0x54: {  	_ =	shalt  }
0x55: {  	_ =	shalt  }
0x56: {  	_ =	shalt  }
0x57: {  	_ =	shalt  }
0x58: {  	_ =	shalt  }
0x59: {  	_ =	shalt  }
0x5a: {  	_ =	shalt  }
0x5b: {  	_ =	shalt  }
0x5c: {  	_ =	shalt  }
0x5d: {  	_ =	shalt  }
0x5e: {  	_ =	shalt  }
0x5f: {  	_ =	shalt  }
0x60: {  	_ =	shalt  }
0x61: {  	_ =	shalt  }
0x62: {  	_ =	shalt  }
0x63: {  	_ =	shalt  }
0x64: {  	_ =	shalt  }
0x65: {  	_ =	shalt  }
0x66: {  	_ =	shalt  }
0x67: {  	_ =	shalt  }
0x68: {  	_ =	shalt  }
0x69: {  	_ =	shalt  }
0x6a: {  	_ =	shalt  }
0x6b: {  	_ =	shalt  }
0x6c: {  	_ =	shalt  }
0x6d: {  	_ =	shalt  }
0x6e: {  	_ =	shalt  }
0x6f: {  	_ =	shalt  }
0x70: {  	_ =	shalt  }
0x71: {  	_ =	shalt  }
0x72: {  	_ =	shalt  }
0x73: {  	_ =	shalt  }
0x74: {  	_ =	shalt  }
0x75: {  	_ =	shalt  }
0x76: {  	_ =	shalt  }
0x77: {  	_ =	shalt  }
0x78: {  	_ =	shalt  }
0x79: {  	_ =	shalt  }
0x7a: {  	_ =	shalt  }
0x7b: {  	_ =	shalt  }
0x7c: {  	_ =	shalt  }
0x7d: {  	_ =	shalt  }
0x7e: {  	_ =	shalt  }
0x7f: {  	_ =	shalt  }
0x80: {  	_ =	shalt  }
0x81: {  	_ =	shalt  }
0x82: {  	_ =	shalt  }
0x83: {  	_ =	shalt  }
0x84: {  	_ =	shalt  }
0x85: {  	_ =	shalt  }
0x86: {  	_ =	shalt  }
0x87: {  	_ =	shalt  }
.Lfunc_end0:
.L_simem_size_0:
called_computation_lowered:
.L_overlay_start_0:
0x88: {  	s2 =	sld [smem:$0x3FD9]  }
0x89: {  	s3 =	sld [smem:$0x3FFE];
	_ =	sdelay $0x1  }
0x8a: {  	s1 =	srdreg.scid  }
0x8b: {  	s0 =	sand.u32 $0x1, s1  }
0x8c: {  	s18 =	sshll.u32 s0, $0xA;
	s2 =	sadd.s32 s3, s2  }
0x8d: {  	s2 =	sadd.s32 s2, s18  }
0x8e: {  	[smem:$0x3FC6] =	sst s2  }
0x8f: {  	_ = 	snop  }
0x90: {  	s2 =	sld [smem:$0x3FC9]  }
0x91: {  	s19 =	sld [smem:$0x3FC8]  }
0x92: {  	s4 =	sld [smem:$0x3FD0];
	(tm) =	ssettm $0x1  }
0x93: {  	s5 =	sld [smem:$0x3FFB];
	_ =	sdelay $0x3  }
0x94: {  	_ =	strace s5  }
0x95: {  	s5 =	sld [smem:$0x3FFC];
	_ =	sdelay $0x3  }
0x96: {  	_ =	strace s5  }
0x97: {  	s5 =	sld [smem:$0x3FFD];
	_ =	sdelay $0x3  }
0x98: {  	_ =	strace s5  }
0x99: {  	_ =	strace $0x8FFFFFFF  }
0x9a: {  	s20 =	sld [smem:$0x3FDB];
	_ =	sdelay $0x1  }
0x9b: {  	s6 =	simm.s32 $_scs_section_size  }
0x9c: {  	s7 =	simm.s32 $_size__tile_overlayer_lowered;
	s8 =	simm.s32 $_tile_overlayer_lowered  }
0x9d: {  	s23 =	simm.s32 $0x1BFF;
	s22 =	sshll.u32 s8, $0x1;
	s5 =	sadd.s32 s6, s20  }
0x9e: {  	s9 =	simm.s32 $0x0;
	s21 =	sshll.u32 s7, $0x1;
	s7 =	sadd.s32 s22, s5  }
0x9f: {  	[timem:s9], [sflag:s23] =	dma.local [hbm:s7], s21  }
0xa0: {  	_ =	swait.ge [sflag:s23], s21  }
0xa1: {  	s6 =	ssub.s32 $0x0, s21;
	[sflag:s23] =	ssyncset.done $0x0  }
0xa2: {  	[sflag:s23] =	ssyncadd.s32 s6;
	_ =	sdelay $0x1  }
0xa3: {  	s24 =	simm.s32 $0x1B8B  }
0xa4: {  	_ =	swait.ge [sflag:s24], $0x1  }
0xa5: {  	[sflag:s24] =	ssyncset.done $0x0  }
0xa6: {  	s25 =	simm.s32 $0x1B8E;
	[sflag:s24] =	ssyncadd.s32 $0xFFFFFFFF  }
0xa7: {  	s26 =	simm.s32 $execute0_lowered;
	[smem:$0x3FD2] =	sst s25  }
0xa8: {  	s6 =	sshll.u32 s26, $0x1;
	_ =	strace $0x80000046;
	[dreg:$0x1] =	wrdreg $0xFFFFFFFF  }
0xa9: {  	s28 =	simm.s32 $_size_execute0_lowered;
	s5 =	sadd.s32 s5, s6;
	[dreg:$0x0] =	wrdreg $0x0  }
0xaa: {  	s6 =	sshll.u32 s28, $0x1;
	[dreg:$0x2] =	wrdreg s5  }
0xab: {  	[dreg:$0x3] =	wrdreg s6  }
0xac: {  	[dreg:$0x4] =	wrdreg $0xC0  }
0xad: {  	_ =	task [dreg:s9], $0x5FFFF  }
0xae: {  	[dreg:$0x1] =	wrdreg $0xFFFFFFFF  }
0xaf: {  	[dreg:$0x0] =	wrdreg $0x60  }
0xb0: {  	[dreg:$0x2] =	wrdreg s2  }
0xb1: {  	[dreg:$0x3] =	wrdreg s19  }
0xb2: {  	[dreg:$0x4] =	wrdreg s4  }
0xb3: {  	[dreg:$0x5] =	wrdreg $0x9  }
0xb4: {  	_ =	task.clear_ibuf [dreg:s9], $0x6FFFF;
	_ =	strace $0x90000046  }
0xb5: {  	s29 =	simm.s32 $0x9;
	_ =	strace $0x80000048  }
0xb6: {  	_ =	swait.ge [sflag:s29], $0x1  }
0xb7: {  	[sflag:s29] =	ssyncadd.s32 $0xFFFFFFFF  }
0xb8: {  	_ =	strace $0x90000048  }
0xb9: {  	_ =	sfence  }
0xba: {  	s30 =	sld [smem:$0x0];
	_ =	sdelay $0x2  }
0xbb: {  	s31 =	sshll.u32 s1, $0xD;
	s1 =	sshrl.u32 s1, $0x2  }
0xbc: {  	s3 =	sand.u32 $0x4000, s31;
	s1 =	sadd.s32 s1, s30  }
0xbd: {  	s0 =	sor.u32 s3, s0;
	s1 =	sshll.u32 s1, $0x11  }
0xbe: {  	s0 =	sor.u32 s1, s0  }
0xbf: {  	s0 =	sadd.s32 $0x8F2B, s0  }
0xc0: {  	[sflag:s0] =	ssyncadd.remote.s32 $0x1  }
0xc1: {  	_ =	sfence.sel $0xFFFF  }
0xc2: {  	[dreg:$0x0] =	wrdreg $0xFFFFFFFF;
	(pc) =	sbr.abs _section_cstart, $3  }
0xc3: {  	[dreg:$0x1] =	wrdreg $0xFFFFFFFF  }
0xc4: {  	_ =	task.clear_ibuf [dreg:s9], $0x2FFFF;
	_ =	strace $0x9FFFFFFF  }
0xc5: {  	(tm) =	ssettm $0x7FFFFFFF  }
tec
execute0_lowered:
.L_overlay_start_1:
0x0: {  	(tag) =	ssettag $0x1  }
0x1: {  	s0 =	rddreg [dreg:$0x0]  }
0x2: {  	s1 =	rddreg [dreg:$0x1]  }
0x3: {  	s2 =	rddreg [dreg:$0x2]  }
0x4: {  	s3 =	simm.s32 $0x0;
	s4 =	srdreg.scid;
	s7 =	stileid.u32  }
0x5: {  	s13 =	simm.s32 $0x1200;
	s18 =	simm.s32 $0x2200;
	s20 =	simm.s32 $0x4200  }
0x6: {  	s16 =	simm.s32 $0x5200;
	s12 =	simm.s32 $0x6200;
	s29 =	simm.s32 $0x7200  }
0x7: {  	s23 =	simm.s32 $0xA200;
	s30 =	simm.s32 $0xB200;
	s11 =	simm.s32 $0xD200  }
0x8: {  	s19 =	simm.s32 $0xE200;
	[smem:$0x7FF] =	sst s3;
	s4 =	sand.u32 $0x1, s4  }
0x9: {  	s5 =	sshll.u32 s7, $0x1;
	s24 =	sshll.u32 s7, $0xC;
	s7 =	simm.s32 $0x200  }
0xa: {  	_ =	strace $0x80000047;
	s6 =	ssub.s32 $0x2, s4;
	s4 =	sor.u32 s4, s5  }
0xb: {  	s5 =	sand.u32 $0xC000, s24;
	s24 =	simm.s32 $0x3200;
	s25 =	sshrl.u32 s6, $0x1  }
0xc: {  	s8 =	sshll.u32 s4, $0x4;
	s4 =	sshll.u32 s4, $0x6;
	s2 =	sadd.s32 s2, s5  }
.Ltmp0:
0xd: {  	s5 =	simm.s32 $0xC200;
	s8 =	sand.u32 $0x70, s8;
	(pc) =	sbr.rel .LBB2_1-.Ltmp0, $4  }
0xe: {  	v0 =	vlaneseq.u32;
	s26 =	ssub.s32 s6, s25;
	s0 =	sadd.s32 s0, s4;
	s4 =	simm.s32 $0x1  }
0xf: {  	v0 =	vmul.u32 $0x80, v0;
	s6 =	simm.s32 $0x2;
	[dreg:$0x4] =	wrdreg s0;
	s28 =	sadd.s32 s8, s2  }
0x10: {  	s31 =	smax.u32 s26, $0x1;
	s2 =	simm.s32 $0x3;
	[dreg:$0x5] =	wrdreg s28  }
0x11: {  	v1 =	vor.u32 $0x800, v0;
	s26 =	simm.s32 $0xF200;
	s8 =	simm.s32 $0x0;
	[dreg:$0x6] =	wrdreg s31  }
.LBB2_5:
0x12: {  	s0 =	rddreg [dreg:$0x5]  }
0x13: {  	s2 =	simm.s32 $0x80;
	s8 =	simm.s32 $0x400;
	s9 =	simm.s32 $0x10200  }
0x14: {  	[hbm4b:s0+s2] =	stream.strided.scatter [tilespmem:s9], [sflag:$0x3], $0x4000, s8, s2, $0x38;
	[tilespmem:$0x14200] =	vst v63  }
0x15: {  	s2 =	simm.s32 $0x3  }
0x16: {  	_ =	swait.ge [sflag:s2], $0x4000  }
0x17: {  	s28 =	rddreg [dreg:$0x7]  }
0x18: {  	s31 =	rddreg [dreg:$0x6];
	s8 =	sadd.s32 $0x1, s28  }
0x19: {  	p0 =	sne.s32 s8, s31  }
.Ltmp1:
0x1a: {  	_ = 	snop;
	(pc) =	sbr.rel @!p0 .LBB2_6-.Ltmp1, $3  }
0x1b: {  	_ =	sdelay $0x1  }
0x1c: {  	[sflag:s2] =	ssyncset.done $0x0  }
0x1d: {  	[sflag:s2] =	ssyncadd.s32 $0xFFFFC000  }
.LBB2_1:
0x1e: {  	[dreg:$0x7] =	wrdreg s8  }
0x1f: {  	s0 =	rddreg [dreg:$0x4]  }
0x20: {  	[tilespmem:s3], [sflag:$0x3] =	stream.linear.gather [hbm4b:s0+s3], $0x200, $0x38;
	[tilespmem:$0x14200] =	vst v63  }
0x21: {  	_ =	swait.ge [sflag:s2], $0x200  }
0x22: {  	[sflag:s2] =	ssyncset.done $0x0  }
0x23: {  	[sflag:s2] =	ssyncadd.s32 $0xFFFFFE00  }
0x24: {  	v2 =	vld [tilespmem:$0x0];
	_ =	sdelay $0x4  }
0x25: {  	(v2sf) =	vpush v2, $0x0;
	_ =	sdelay $0x7  }
0x26: {  	(v2sf) =	vpush v2, $0x1;
	_ =	sdelay $0x6  }
0x27: {  	s25 =	spop (v2sf)  }
0x28: {  	s0 =	sand.u32 $0xFFFFF80, s25  }
0x29: {  	(v2sf) =	vpush v2, $0x2;
	s0 =	sadd.s32 s1, s0  }
0x2a: {  	[tilespmem:s7], [sflag:$0x1] =	stream.linear.gather [hbm4b:s0+s3], $0x400, $0x38;
	[tilespmem:$0x14200] =	vst v63  }
0x2b: {  	s31 =	simm.s32 $0x600;
	s28 =	sadd.s32 $0xF4280, s0  }
0x2c: {  	[tilespmem:s31], [sflag:$0x1] =	stream.linear.gather [hbm4b:s28+s3], $0x400, $0x38;
	[tilespmem:$0x14200] =	vst v63  }
0x2d: {  	s8 =	simm.s32 $0xA00;
	s7 =	sadd.s32 $0x1E8500, s0  }
0x2e: {  	[tilespmem:s8], [sflag:$0x1] =	stream.linear.gather [hbm4b:s7+s3], $0x400, $0x38;
	[tilespmem:$0x14200] =	vst v63  }
0x2f: {  	s9 =	simm.s32 $0xE00;
	s10 =	spop (v2sf);
	s0 =	sadd.s32 $0x2DC780, s0  }
0x30: {  	[tilespmem:s9], [sflag:$0x1] =	stream.linear.gather [hbm4b:s0+s3], $0x400, $0x38;
	[tilespmem:$0x14200] =	vst v63  }
0x31: {  	s0 =	sand.u32 $0xFFFFF80, s10  }
0x32: {  	(v2sf) =	vpush v2, $0x3;
	s0 =	sadd.s32 s1, s0  }
0x33: {  	[tilespmem:s13], [sflag:$0x1] =	stream.linear.gather [hbm4b:s0+s3], $0x400, $0x38;
	[tilespmem:$0x14200] =	vst v63  }
0x34: {  	s15 =	simm.s32 $0x1600;
	s14 =	sadd.s32 $0xF4280, s0  }
0x35: {  	[tilespmem:s15], [sflag:$0x1] =	stream.linear.gather [hbm4b:s14+s3], $0x400, $0x38;
	[tilespmem:$0x14200] =	vst v63  }
0x36: {  	s21 =	simm.s32 $0x1A00;
	s17 =	sadd.s32 $0x1E8500, s0  }
0x37: {  	[tilespmem:s21], [sflag:$0x1] =	stream.linear.gather [hbm4b:s17+s3], $0x400, $0x38;
	[tilespmem:$0x14200] =	vst v63  }
0x38: {  	s22 =	simm.s32 $0x1E00;
	s0 =	sadd.s32 $0x2DC780, s0;
	s25 =	spop (v2sf)  }
0x39: {  	[tilespmem:s22], [sflag:$0x1] =	stream.linear.gather [hbm4b:s0+s3], $0x400, $0x38;
	[tilespmem:$0x14200] =	vst v63  }
0x3a: {  	s0 =	sand.u32 $0xFFFFF80, s25  }
0x3b: {  	(v2sf) =	vpush v2, $0x4;
	s0 =	sadd.s32 s1, s0  }
0x3c: {  	[tilespmem:s18], [sflag:$0x1] =	stream.linear.gather [hbm4b:s0+s3], $0x400, $0x38;
	[tilespmem:$0x14200] =	vst v63  }
0x3d: {  	s31 =	simm.s32 $0x2600;
	s28 =	sadd.s32 $0xF4280, s0  }
0x3e: {  	[tilespmem:s31], [sflag:$0x1] =	stream.linear.gather [hbm4b:s28+s3], $0x400, $0x38;
	[tilespmem:$0x14200] =	vst v63  }
0x3f: {  	s8 =	simm.s32 $0x2A00;
	s7 =	sadd.s32 $0x1E8500, s0  }
0x40: {  	[tilespmem:s8], [sflag:$0x1] =	stream.linear.gather [hbm4b:s7+s3], $0x400, $0x38;
	[tilespmem:$0x14200] =	vst v63  }
0x41: {  	s9 =	simm.s32 $0x2E00;
	s10 =	spop (v2sf);
	s0 =	sadd.s32 $0x2DC780, s0  }
0x42: {  	[tilespmem:s9], [sflag:$0x1] =	stream.linear.gather [hbm4b:s0+s3], $0x400, $0x38;
	[tilespmem:$0x14200] =	vst v63  }
0x43: {  	s0 =	sand.u32 $0xFFFFF80, s10  }
0x44: {  	(v2sf) =	vpush v2, $0x5;
	s0 =	sadd.s32 s1, s0  }
0x45: {  	[tilespmem:s24], [sflag:$0x1] =	stream.linear.gather [hbm4b:s0+s3], $0x400, $0x38;
	[tilespmem:$0x14200] =	vst v63  }
0x46: {  	s14 =	simm.s32 $0x3600;
	s13 =	sadd.s32 $0xF4280, s0  }
0x47: {  	[tilespmem:s14], [sflag:$0x1] =	stream.linear.gather [hbm4b:s13+s3], $0x400, $0x38;
	[tilespmem:$0x14200] =	vst v63  }
0x48: {  	s17 =	simm.s32 $0x3A00;
	s15 =	sadd.s32 $0x1E8500, s0  }
0x49: {  	[tilespmem:s17], [sflag:$0x1] =	stream.linear.gather [hbm4b:s15+s3], $0x400, $0x38;
	[tilespmem:$0x14200] =	vst v63  }
0x4a: {  	s18 =	simm.s32 $0x3E00;
	s0 =	sadd.s32 $0x2DC780, s0;
	s21 =	spop (v2sf)  }
0x4b: {  	(v2sf) =	vpush v2, $0x6;
	[tilespmem:s18], [sflag:$0x1] =	stream.linear.gather [hbm4b:s0+s3], $0x400, $0x38;
	[tilespmem:$0x14200] =	vst v63  }
0x4c: {  	s0 =	sand.u32 $0xFFFFF80, s21  }
0x4d: {  	s0 =	sadd.s32 s1, s0  }
0x4e: {  	[tilespmem:s20], [sflag:$0x1] =	stream.linear.gather [hbm4b:s0+s3], $0x400, $0x38;
	[tilespmem:$0x14200] =	vst v63  }
0x4f: {  	s24 =	simm.s32 $0x4600;
	s22 =	sadd.s32 $0xF4280, s0  }
0x50: {  	[tilespmem:s24], [sflag:$0x1] =	stream.linear.gather [hbm4b:s22+s3], $0x400, $0x38;
	[tilespmem:$0x14200] =	vst v63  }
0x51: {  	s28 =	simm.s32 $0x4A00;
	s25 =	sadd.s32 $0x1E8500, s0  }
0x52: {  	[tilespmem:s28], [sflag:$0x1] =	stream.linear.gather [hbm4b:s25+s3], $0x400, $0x38;
	[tilespmem:$0x14200] =	vst v63  }
0x53: {  	s31 =	simm.s32 $0x4E00;
	s2 =	spop (v2sf);
	s0 =	sadd.s32 $0x2DC780, s0  }
0x54: {  	[tilespmem:s31], [sflag:$0x1] =	stream.linear.gather [hbm4b:s0+s3], $0x400, $0x38;
	[tilespmem:$0x14200] =	vst v63  }
0x55: {  	(v2sf) =	vpush v2, $0x7;
	s0 =	sand.u32 $0xFFFFF80, s2  }
0x56: {  	s0 =	sadd.s32 s1, s0  }
0x57: {  	[tilespmem:s16], [sflag:$0x1] =	stream.linear.gather [hbm4b:s0+s3], $0x400, $0x38;
	[tilespmem:$0x14200] =	vst v63  }
0x58: {  	s8 =	simm.s32 $0x5600;
	s10 =	simm.s32 $0x5A00;
	s7 =	sadd.s32 $0xF4280, s0  }
0x59: {  	[tilespmem:s8], [sflag:$0x1] =	stream.linear.gather [hbm4b:s7+s3], $0x400, $0x38;
	[tilespmem:$0x14200] =	vst v63  }
0x5a: {  	s14 =	simm.s32 $0x5E00;
	s9 =	sadd.s32 $0x1E8500, s0;
	s13 =	spop (v2sf)  }
0x5b: {  	[tilespmem:s10], [sflag:$0x1] =	stream.linear.gather [hbm4b:s9+s3], $0x400, $0x38;
	[tilespmem:$0x14200] =	vst v63  }
0x5c: {  	s0 =	sadd.s32 $0x2DC780, s0;
	s15 =	sand.u32 $0xFFFFF80, s13  }
0x5d: {  	[tilespmem:s14], [sflag:$0x1] =	stream.linear.gather [hbm4b:s0+s3], $0x400, $0x38;
	[tilespmem:$0x14200] =	vst v63  }
0x5e: {  	s0 =	sadd.s32 s1, s15  }
0x5f: {  	[tilespmem:s12], [sflag:$0x1] =	stream.linear.gather [hbm4b:s0+s3], $0x400, $0x38;
	[tilespmem:$0x14200] =	vst v63  }
0x60: {  	s17 =	simm.s32 $0x6600;
	s16 =	sadd.s32 $0xF4280, s0  }
0x61: {  	[tilespmem:s17], [sflag:$0x1] =	stream.linear.gather [hbm4b:s16+s3], $0x400, $0x38;
	[tilespmem:$0x14200] =	vst v63  }
0x62: {  	s20 =	simm.s32 $0x6A00;
	s18 =	sadd.s32 $0x1E8500, s0  }
0x63: {  	[tilespmem:s20], [sflag:$0x1] =	stream.linear.gather [hbm4b:s18+s3], $0x400, $0x38;
	[tilespmem:$0x14200] =	vst v63  }
0x64: {  	s21 =	simm.s32 $0x6E00;
	s22 =	spop (v2sf);
	s0 =	sadd.s32 $0x2DC780, s0  }
0x65: {  	[tilespmem:s21], [sflag:$0x1] =	stream.linear.gather [hbm4b:s0+s3], $0x400, $0x38;
	[tilespmem:$0x14200] =	vst v63  }
0x66: {  	s0 =	sand.u32 $0xFFFFF80, s22  }
0x67: {  	s0 =	sadd.s32 s1, s0  }
0x68: {  	[tilespmem:s29], [sflag:$0x1] =	stream.linear.gather [hbm4b:s0+s3], $0x400, $0x38;
	[tilespmem:$0x14200] =	vst v63  }
0x69: {  	s25 =	simm.s32 $0x7600;
	s24 =	sadd.s32 $0xF4280, s0  }
0x6a: {  	[tilespmem:s25], [sflag:$0x1] =	stream.linear.gather [hbm4b:s24+s3], $0x400, $0x38;
	[tilespmem:$0x14200] =	vst v63  }
.Ltmp2:
0x6b: {  	_ = 	snop;
	(pc) =	sbr.rel .LBB2_2-.Ltmp2, $4  }
0x6c: {  	s31 =	simm.s32 $0x7E00;
	s28 =	sadd.s32 $0x1E8500, s0;
	s29 =	simm.s32 $0x7A00  }
0x6d: {  	[tilespmem:s29], [sflag:$0x1] =	stream.linear.gather [hbm4b:s28+s3], $0x400, $0x38;
	[tilespmem:$0x14200] =	vst v63  }
0x6e: {  	s9 =	simm.s32 $0x10300;
	s10 =	simm.s32 $0x0;
	s0 =	sadd.s32 $0x2DC780, s0  }
0x6f: {  	[tilespmem:s31], [sflag:$0x1] =	stream.linear.gather [hbm4b:s0+s3], $0x400, $0x38;
	[tilespmem:$0x14200] =	vst v63  }
.LBB2_4:
0x70: {  	_ =	swait.ge [sflag:s6], $0x400  }
0x71: {  	[sflag:s6] =	ssyncset.done $0x0  }
0x72: {  	[sflag:s6] =	ssyncadd.s32 $0xFFFFFC00  }
0x73: {  	_ =	swait.ge [sflag:s6], $0x400  }
0x74: {  	[sflag:s6] =	ssyncset.done $0x0  }
0x75: {  	[sflag:s6] =	ssyncadd.s32 $0xFFFFFC00  }
0x76: {  	_ =	swait.ge [sflag:s6], $0x400  }
0x77: {  	[sflag:s6] =	ssyncset.done $0x0  }
0x78: {  	[sflag:s6] =	ssyncadd.s32 $0xFFFFFC00  }
0x79: {  	_ =	swait.ge [sflag:s6], $0x400  }
0x7a: {  	[sflag:s6] =	ssyncset.done $0x0  }
0x7b: {  	[sflag:s6] =	ssyncadd.s32 $0xFFFFFC00  }
0x7c: {  	_ =	swait.ge [sflag:s6], $0x400  }
0x7d: {  	[sflag:s6] =	ssyncset.done $0x0  }
0x7e: {  	[sflag:s6] =	ssyncadd.s32 $0xFFFFFC00  }
0x7f: {  	_ =	swait.ge [sflag:s6], $0x400  }
0x80: {  	[sflag:s6] =	ssyncset.done $0x0  }
0x81: {  	[sflag:s6] =	ssyncadd.s32 $0xFFFFFC00  }
0x82: {  	_ =	swait.ge [sflag:s6], $0x400  }
0x83: {  	[sflag:s6] =	ssyncset.done $0x0  }
0x84: {  	[sflag:s6] =	ssyncadd.s32 $0xFFFFFC00  }
0x85: {  	_ =	swait.ge [sflag:s6], $0x400  }
0x86: {  	[sflag:s6] =	ssyncset.done $0x0  }
0x87: {  	[sflag:s6] =	ssyncadd.s32 $0xFFFFFC00  }
0x88: {  	_ =	swait.ge [sflag:s6], $0x400  }
0x89: {  	[sflag:s6] =	ssyncset.done $0x0  }
0x8a: {  	[sflag:s6] =	ssyncadd.s32 $0xFFFFFC00  }
0x8b: {  	_ =	swait.ge [sflag:s6], $0x400  }
0x8c: {  	[sflag:s6] =	ssyncset.done $0x0  }
0x8d: {  	[sflag:s6] =	ssyncadd.s32 $0xFFFFFC00  }
0x8e: {  	_ =	swait.ge [sflag:s6], $0x400  }
0x8f: {  	[sflag:s6] =	ssyncset.done $0x0  }
0x90: {  	[sflag:s6] =	ssyncadd.s32 $0xFFFFFC00  }
0x91: {  	_ =	swait.ge [sflag:s6], $0x400  }
0x92: {  	[sflag:s6] =	ssyncset.done $0x0  }
0x93: {  	[sflag:s6] =	ssyncadd.s32 $0xFFFFFC00  }
0x94: {  	_ =	swait.ge [sflag:s6], $0x400  }
0x95: {  	[sflag:s6] =	ssyncset.done $0x0  }
0x96: {  	[sflag:s6] =	ssyncadd.s32 $0xFFFFFC00  }
0x97: {  	_ =	swait.ge [sflag:s6], $0x400  }
0x98: {  	[sflag:s6] =	ssyncset.done $0x0  }
0x99: {  	[sflag:s6] =	ssyncadd.s32 $0xFFFFFC00  }
0x9a: {  	_ =	swait.ge [sflag:s6], $0x400  }
0x9b: {  	[sflag:s6] =	ssyncset.done $0x0  }
0x9c: {  	[sflag:s6] =	ssyncadd.s32 $0xFFFFFC00  }
0x9d: {  	_ =	swait.ge [sflag:s6], $0x400  }
0x9e: {  	[sflag:s6] =	ssyncset.done $0x0  }
0x9f: {  	[sflag:s6] =	ssyncadd.s32 $0xFFFFFC00  }
0xa0: {  	_ =	swait.ge [sflag:s6], $0x400  }
0xa1: {  	[sflag:s6] =	ssyncset.done $0x0  }
0xa2: {  	[sflag:s6] =	ssyncadd.s32 $0xFFFFFC00  }
0xa3: {  	_ =	swait.ge [sflag:s6], $0x400  }
0xa4: {  	[sflag:s6] =	ssyncset.done $0x0  }
0xa5: {  	[sflag:s6] =	ssyncadd.s32 $0xFFFFFC00  }
0xa6: {  	_ =	swait.ge [sflag:s6], $0x400  }
0xa7: {  	[sflag:s6] =	ssyncset.done $0x0  }
0xa8: {  	[sflag:s6] =	ssyncadd.s32 $0xFFFFFC00  }
0xa9: {  	_ =	swait.ge [sflag:s6], $0x400  }
0xaa: {  	[sflag:s6] =	ssyncset.done $0x0  }
0xab: {  	[sflag:s6] =	ssyncadd.s32 $0xFFFFFC00  }
0xac: {  	_ =	swait.ge [sflag:s6], $0x400  }
0xad: {  	[sflag:s6] =	ssyncset.done $0x0  }
0xae: {  	[sflag:s6] =	ssyncadd.s32 $0xFFFFFC00  }
0xaf: {  	_ =	swait.ge [sflag:s6], $0x400  }
0xb0: {  	[sflag:s6] =	ssyncset.done $0x0  }
0xb1: {  	[sflag:s6] =	ssyncadd.s32 $0xFFFFFC00  }
0xb2: {  	_ =	swait.ge [sflag:s6], $0x400  }
0xb3: {  	[sflag:s6] =	ssyncset.done $0x0  }
0xb4: {  	[sflag:s6] =	ssyncadd.s32 $0xFFFFFC00  }
0xb5: {  	_ =	swait.ge [sflag:s6], $0x400  }
0xb6: {  	[sflag:s6] =	ssyncset.done $0x0  }
0xb7: {  	[sflag:s6] =	ssyncadd.s32 $0xFFFFFC00  }
0xb8: {  	_ =	swait.ge [sflag:s6], $0x400  }
0xb9: {  	[sflag:s6] =	ssyncset.done $0x0  }
0xba: {  	[sflag:s6] =	ssyncadd.s32 $0xFFFFFC00  }
0xbb: {  	_ =	swait.ge [sflag:s6], $0x400  }
0xbc: {  	[sflag:s6] =	ssyncset.done $0x0  }
0xbd: {  	[sflag:s6] =	ssyncadd.s32 $0xFFFFFC00  }
0xbe: {  	_ =	swait.ge [sflag:s6], $0x400  }
0xbf: {  	[sflag:s6] =	ssyncset.done $0x0  }
0xc0: {  	[sflag:s6] =	ssyncadd.s32 $0xFFFFFC00  }
0xc1: {  	_ =	swait.ge [sflag:s6], $0x400  }
0xc2: {  	[sflag:s6] =	ssyncset.done $0x0  }
0xc3: {  	[sflag:s6] =	ssyncadd.s32 $0xFFFFFC00  }
0xc4: {  	_ =	swait.ge [sflag:s6], $0x400  }
0xc5: {  	[sflag:s6] =	ssyncset.done $0x0  }
0xc6: {  	[sflag:s6] =	ssyncadd.s32 $0xFFFFFC00  }
0xc7: {  	_ =	swait.ge [sflag:s6], $0x400  }
0xc8: {  	[sflag:s6] =	ssyncset.done $0x0  }
0xc9: {  	[sflag:s6] =	ssyncadd.s32 $0xFFFFFC00  }
0xca: {  	s0 =	sand.u32 $0x7F, s15;
	_ =	swait.ge [sflag:s6], $0x400  }
0xcb: {  	v2 =	vor.u32 s0, v0;
	[sflag:s6] =	ssyncset.done $0x0  }
0xcc: {  	v3 =	vor.u32 s0, v1;
	[sflag:s6] =	ssyncadd.s32 $0xFFFFFC00  }
0xcd: {  	_ =	swait.ge [sflag:s6], $0x400  }
0xce: {  	[sflag:s6] =	ssyncset.done $0x0  }
0xcf: {  	s8 =	simm.s32 $0x8200;
	[sflag:s6] =	ssyncadd.s32 $0xFFFFFC00  }
0xd0: {  	v2 =	vld.idx.msk [tilespmem:v2+s8+$0x0], $0xffff  }
0xd1: {  	s14 =	sand.u32 $0x7F, s14;
	v3 =	vld.idx.msk [tilespmem:v3+s8+$0x0], $0xffff  }
0xd2: {  	v4 =	vor.u32 s14, v0  }
0xd3: {  	v5 =	vor.u32 s14, v1;
	_ =	sdelay $0x1  }
0xd4: {  	[tilespmem:s9+$0x0] =	vst v2  }
0xd5: {  	s15 =	simm.s32 $0x9200;
	[tilespmem:s9+$0x10] =	vst v3  }
0xd6: {  	v2 =	vld.idx.msk [tilespmem:v4+s15+$0x0], $0xffff  }
0xd7: {  	s17 =	sand.u32 $0x7F, s17;
	v3 =	vld.idx.msk [tilespmem:v5+s15+$0x0], $0xffff  }
0xd8: {  	v52 =	vor.u32 s17, v0  }
0xd9: {  	v53 =	vor.u32 s17, v1;
	_ =	sdelay $0x1  }
0xda: {  	[tilespmem:s9+$0x20] =	vst v2  }
0xdb: {  	s23 =	simm.s32 $0xA200;
	[tilespmem:s9+$0x30] =	vst v3  }
0xdc: {  	v2 =	vld.idx.msk [tilespmem:v52+s23+$0x0], $0xffff  }
0xdd: {  	s21 =	sand.u32 $0x7F, s21;
	v3 =	vld.idx.msk [tilespmem:v53+s23+$0x0], $0xffff  }
0xde: {  	v54 =	vor.u32 s21, v0  }
0xdf: {  	v55 =	vor.u32 s21, v1;
	_ =	sdelay $0x1  }
0xe0: {  	[tilespmem:s9+$0x40] =	vst v2  }
0xe1: {  	[tilespmem:s9+$0x50] =	vst v3  }
0xe2: {  	v2 =	vld.idx.msk [tilespmem:v54+s30+$0x0], $0xffff  }
0xe3: {  	s22 =	sand.u32 $0x7F, s22;
	v3 =	vld.idx.msk [tilespmem:v55+s30+$0x0], $0xffff  }
0xe4: {  	v56 =	vor.u32 s22, v0  }
0xe5: {  	v57 =	vor.u32 s22, v1;
	_ =	sdelay $0x1  }
0xe6: {  	[tilespmem:s9+$0x60] =	vst v2  }
0xe7: {  	[tilespmem:s9+$0x70] =	vst v3  }
0xe8: {  	v2 =	vld.idx.msk [tilespmem:v56+s5+$0x0], $0xffff  }
0xe9: {  	s25 =	sand.u32 $0x7F, s25;
	v3 =	vld.idx.msk [tilespmem:v57+s5+$0x0], $0xffff  }
0xea: {  	v58 =	vor.u32 s25, v0  }
0xeb: {  	v59 =	vor.u32 s25, v1;
	_ =	sdelay $0x1  }
0xec: {  	[tilespmem:s9+$0x80] =	vst v2  }
0xed: {  	[tilespmem:s9+$0x90] =	vst v3  }
0xee: {  	v2 =	vld.idx.msk [tilespmem:v58+s11+$0x0], $0xffff  }
0xef: {  	s28 =	sand.u32 $0x7F, s28;
	v3 =	vld.idx.msk [tilespmem:v59+s11+$0x0], $0xffff  }
0xf0: {  	v60 =	vor.u32 s28, v0  }
0xf1: {  	v61 =	vor.u32 s28, v1;
	_ =	sdelay $0x1  }
0xf2: {  	[tilespmem:s9+$0xA0] =	vst v2  }
0xf3: {  	[tilespmem:s9+$0xB0] =	vst v3  }
0xf4: {  	v2 =	vld.idx.msk [tilespmem:v60+s19+$0x0], $0xffff  }
0xf5: {  	s31 =	sand.u32 $0x7F, s31;
	v3 =	vld.idx.msk [tilespmem:v61+s19+$0x0], $0xffff  }
0xf6: {  	v62 =	vor.u32 s31, v0  }
0xf7: {  	v63 =	vor.u32 s31, v1;
	_ =	sdelay $0x1  }
0xf8: {  	[tilespmem:s9+$0xC0] =	vst v2  }
0xf9: {  	[tilespmem:s9+$0xD0] =	vst v3  }
0xfa: {  	s10 =	sadd.s32 $0x40, s10;
	v2 =	vld.idx.msk [tilespmem:v62+s26+$0x0], $0xffff  }
0xfb: {  	p0 =	sne.s32 s10, $0x800;
	v3 =	vld.idx.msk [tilespmem:v63+s26+$0x0], $0xffff  }
.Ltmp3:
0xfc: {  	_ = 	snop;
	(pc) =	sbr.rel @!p0 .LBB2_5-.Ltmp3, $3  }
0xfd: {  	_ =	sdelay $0x1  }
0xfe: {  	[tilespmem:s9+$0xE0] =	vst v2  }
0xff: {  	[tilespmem:s9+$0xF0] =	vst v3;
	s9 =	sadd.s32 $0x200, s9  }
.LBB2_2:
0x100: {  	s0 =	sshra.s32 s10, $0x2  }
0x101: {  	v2 =	vld [tilespmem:s0+$0x0];
	_ =	sdelay $0x4  }
0x102: {  	(v2sf) =	vpush v2, $0x0  }
0x103: {  	(v2sf) =	vpush v2, $0x1  }
0x104: {  	(v2sf) =	vpush v2, $0x2  }
0x105: {  	(v2sf) =	vpush v2, $0x3  }
0x106: {  	(v2sf) =	vpush v2, $0x4  }
0x107: {  	(v2sf) =	vpush v2, $0x5  }
0x108: {  	(v2sf) =	vpush v2, $0x6  }
0x109: {  	(v2sf) =	vpush v2, $0x7  }
0x10a: {  	(v2sf) =	vpush v2, $0x8;
	_ =	sdelay $0x6  }
0x10b: {  	s7 =	spop (v2sf)  }
0x10c: {  	(v2sf) =	vpush v2, $0x9;
	s2 =	spop (v2sf)  }
0x10d: {  	s29 =	spop (v2sf)  }
0x10e: {  	s24 =	spop (v2sf)  }
0x10f: {  	s20 =	spop (v2sf)  }
0x110: {  	s16 =	spop (v2sf)  }
0x111: {  	s12 =	spop (v2sf)  }
0x112: {  	s8 =	spop (v2sf)  }
0x113: {  	(v2sf) =	vpush v2, $0xA;
	s15 =	spop (v2sf)  }
0x114: {  	s14 =	sand.u32 $0xFFFFF80, s15  }
0x115: {  	s13 =	simm.s32 $0x8200;
	s17 =	sadd.s32 s1, s14  }
0x116: {  	[tilespmem:s13], [sflag:$0x2] =	stream.linear.gather [hbm4b:s17+s3], $0x400, $0x38;
	[tilespmem:$0x14200] =	vst v63  }
0x117: {  	s25 =	simm.s32 $0x8600;
	s14 =	sadd.s32 $0xF4280, s17  }
0x118: {  	[tilespmem:s25], [sflag:$0x2] =	stream.linear.gather [hbm4b:s14+s3], $0x400, $0x38;
	[tilespmem:$0x14200] =	vst v63  }
0x119: {  	s22 =	simm.s32 $0x8A00;
	s21 =	sadd.s32 $0x1E8500, s17  }
0x11a: {  	[tilespmem:s22], [sflag:$0x2] =	stream.linear.gather [hbm4b:s21+s3], $0x400, $0x38;
	[tilespmem:$0x14200] =	vst v63  }
0x11b: {  	s17 =	sadd.s32 $0x2DC780, s17;
	s14 =	spop (v2sf);
	(v2sf) =	vpush v2, $0xB  }
0x11c: {  	s25 =	simm.s32 $0x8E00;
	s13 =	sand.u32 $0xFFFFF80, s14  }
0x11d: {  	[tilespmem:s25], [sflag:$0x2] =	stream.linear.gather [hbm4b:s17+s3], $0x400, $0x38;
	[tilespmem:$0x14200] =	vst v63  }
0x11e: {  	s18 =	simm.s32 $0x9200;
	s21 =	sadd.s32 s1, s13  }
0x11f: {  	[tilespmem:s18], [sflag:$0x2] =	stream.linear.gather [hbm4b:s21+s3], $0x400, $0x38;
	[tilespmem:$0x14200] =	vst v63  }
0x120: {  	s25 =	simm.s32 $0x9A00;
	s17 =	sadd.s32 $0xF4280, s21;
	s18 =	simm.s32 $0x9600  }
0x121: {  	[tilespmem:s18], [sflag:$0x2] =	stream.linear.gather [hbm4b:s17+s3], $0x400, $0x38;
	[tilespmem:$0x14200] =	vst v63  }
0x122: {  	s22 =	sadd.s32 $0x1E8500, s21;
	s21 =	sadd.s32 $0x2DC780, s21;
	s17 =	spop (v2sf)  }
0x123: {  	(v2sf) =	vpush v2, $0xC;
	[tilespmem:s25], [sflag:$0x2] =	stream.linear.gather [hbm4b:s22+s3], $0x400, $0x38;
	[tilespmem:$0x14200] =	vst v63  }
0x124: {  	s18 =	simm.s32 $0x9E00;
	s22 =	sand.u32 $0xFFFFF80, s17  }
0x125: {  	[tilespmem:s18], [sflag:$0x2] =	stream.linear.gather [hbm4b:s21+s3], $0x400, $0x38;
	[tilespmem:$0x14200] =	vst v63  }
0x126: {  	s22 =	sadd.s32 s1, s22  }
0x127: {  	[tilespmem:s23], [sflag:$0x2] =	stream.linear.gather [hbm4b:s22+s3], $0x400, $0x38;
	[tilespmem:$0x14200] =	vst v63  }
0x128: {  	s25 =	simm.s32 $0xA600;
	s21 =	sadd.s32 $0xF4280, s22;
	s18 =	sadd.s32 $0x1E8500, s22  }
0x129: {  	[tilespmem:s25], [sflag:$0x2] =	stream.linear.gather [hbm4b:s21+s3], $0x400, $0x38;
	[tilespmem:$0x14200] =	vst v63  }
0x12a: {  	s23 =	simm.s32 $0xAA00;
	s22 =	sadd.s32 $0x2DC780, s22;
	s21 =	spop (v2sf)  }
0x12b: {  	[tilespmem:s23], [sflag:$0x2] =	stream.linear.gather [hbm4b:s18+s3], $0x400, $0x38;
	[tilespmem:$0x14200] =	vst v63  }
0x12c: {  	s25 =	simm.s32 $0xAE00;
	s18 =	sand.u32 $0xFFFFF80, s21  }
0x12d: {  	(v2sf) =	vpush v2, $0xD;
	[tilespmem:s25], [sflag:$0x2] =	stream.linear.gather [hbm4b:s22+s3], $0x400, $0x38;
	[tilespmem:$0x14200] =	vst v63  }
0x12e: {  	s25 =	sadd.s32 s1, s18  }
0x12f: {  	[tilespmem:s30], [sflag:$0x2] =	stream.linear.gather [hbm4b:s25+s3], $0x400, $0x38;
	[tilespmem:$0x14200] =	vst v63  }
0x130: {  	s23 =	simm.s32 $0xB600;
	s18 =	simm.s32 $0xBA00;
	s22 =	sadd.s32 $0xF4280, s25  }
0x131: {  	[tilespmem:s23], [sflag:$0x2] =	stream.linear.gather [hbm4b:s22+s3], $0x400, $0x38;
	[tilespmem:$0x14200] =	vst v63  }
0x132: {  	s13 =	sadd.s32 $0x1E8500, s25;
	s25 =	sadd.s32 $0x2DC780, s25;
	s22 =	spop (v2sf)  }
0x133: {  	[tilespmem:s18], [sflag:$0x2] =	stream.linear.gather [hbm4b:s13+s3], $0x400, $0x38;
	[tilespmem:$0x14200] =	vst v63  }
0x134: {  	s23 =	simm.s32 $0xBE00;
	s18 =	sand.u32 $0xFFFFF80, s22  }
0x135: {  	[tilespmem:s23], [sflag:$0x2] =	stream.linear.gather [hbm4b:s25+s3], $0x400, $0x38;
	[tilespmem:$0x14200] =	vst v63  }
0x136: {  	(v2sf) =	vpush v2, $0xE;
	s28 =	sadd.s32 s1, s18  }
0x137: {  	[tilespmem:s5], [sflag:$0x2] =	stream.linear.gather [hbm4b:s28+s3], $0x400, $0x38;
	[tilespmem:$0x14200] =	vst v63  }
0x138: {  	s25 =	sadd.s32 $0xF4280, s28;
	s23 =	simm.s32 $0xC600  }
0x139: {  	[tilespmem:s23], [sflag:$0x2] =	stream.linear.gather [hbm4b:s25+s3], $0x400, $0x38;
	[tilespmem:$0x14200] =	vst v63  }
0x13a: {  	s18 =	simm.s32 $0xCA00;
	s13 =	sadd.s32 $0x1E8500, s28  }
0x13b: {  	[tilespmem:s18], [sflag:$0x2] =	stream.linear.gather [hbm4b:s13+s3], $0x400, $0x38;
	[tilespmem:$0x14200] =	vst v63  }
0x13c: {  	s28 =	sadd.s32 $0x2DC780, s28;
	s25 =	spop (v2sf);
	s23 =	simm.s32 $0xCE00  }
0x13d: {  	[tilespmem:s23], [sflag:$0x2] =	stream.linear.gather [hbm4b:s28+s3], $0x400, $0x38;
	[tilespmem:$0x14200] =	vst v63  }
0x13e: {  	s28 =	sand.u32 $0xFFFFF80, s25  }
0x13f: {  	(v2sf) =	vpush v2, $0xF;
	s31 =	sadd.s32 s1, s28  }
0x140: {  	[tilespmem:s11], [sflag:$0x2] =	stream.linear.gather [hbm4b:s31+s3], $0x400, $0x38;
	[tilespmem:$0x14200] =	vst v63  }
0x141: {  	s18 =	simm.s32 $0xD600;
	s28 =	sadd.s32 $0xF4280, s31  }
0x142: {  	[tilespmem:s18], [sflag:$0x2] =	stream.linear.gather [hbm4b:s28+s3], $0x400, $0x38;
	[tilespmem:$0x14200] =	vst v63  }
0x143: {  	s23 =	simm.s32 $0xDA00;
	s28 =	sadd.s32 $0x1E8500, s31  }
0x144: {  	[tilespmem:s23], [sflag:$0x2] =	stream.linear.gather [hbm4b:s28+s3], $0x400, $0x38;
	[tilespmem:$0x14200] =	vst v63  }
0x145: {  	s31 =	sadd.s32 $0x2DC780, s31;
	s18 =	simm.s32 $0xDE00;
	s28 =	spop (v2sf)  }
0x146: {  	[tilespmem:s18], [sflag:$0x2] =	stream.linear.gather [hbm4b:s31+s3], $0x400, $0x38;
	[tilespmem:$0x14200] =	vst v63  }
0x147: {  	s31 =	sand.u32 $0xFFFFF80, s28  }
0x148: {  	s13 =	sadd.s32 s1, s31  }
0x149: {  	[tilespmem:s19], [sflag:$0x2] =	stream.linear.gather [hbm4b:s13+s3], $0x400, $0x38;
	[tilespmem:$0x14200] =	vst v63  }
0x14a: {  	s23 =	simm.s32 $0xE600;
	s31 =	sadd.s32 $0xF4280, s13  }
0x14b: {  	[tilespmem:s23], [sflag:$0x2] =	stream.linear.gather [hbm4b:s31+s3], $0x400, $0x38;
	[tilespmem:$0x14200] =	vst v63  }
0x14c: {  	s31 =	sadd.s32 $0x1E8500, s13;
	s23 =	simm.s32 $0xEA00  }
0x14d: {  	[tilespmem:s23], [sflag:$0x2] =	stream.linear.gather [hbm4b:s31+s3], $0x400, $0x38;
	[tilespmem:$0x14200] =	vst v63  }
0x14e: {  	s13 =	sadd.s32 $0x2DC780, s13;
	s31 =	spop (v2sf)  }
0x14f: {  	s23 =	simm.s32 $0xEE00;
	s18 =	sand.u32 $0xFFFFF80, s31  }
0x150: {  	[tilespmem:s23], [sflag:$0x2] =	stream.linear.gather [hbm4b:s13+s3], $0x400, $0x38;
	[tilespmem:$0x14200] =	vst v63  }
0x151: {  	s13 =	sadd.s32 s1, s18  }
0x152: {  	[tilespmem:s26], [sflag:$0x2] =	stream.linear.gather [hbm4b:s13+s3], $0x400, $0x38;
	[tilespmem:$0x14200] =	vst v63  }
0x153: {  	s23 =	simm.s32 $0xF600;
	s18 =	sadd.s32 $0xF4280, s13  }
0x154: {  	[tilespmem:s23], [sflag:$0x2] =	stream.linear.gather [hbm4b:s18+s3], $0x400, $0x38;
	[tilespmem:$0x14200] =	vst v63  }
0x155: {  	s18 =	sadd.s32 $0x1E8500, s13;
	s23 =	simm.s32 $0xFA00  }
0x156: {  	[tilespmem:s23], [sflag:$0x2] =	stream.linear.gather [hbm4b:s18+s3], $0x400, $0x38;
	[tilespmem:$0x14200] =	vst v63  }
0x157: {  	s13 =	sadd.s32 $0x2DC780, s13;
	s23 =	simm.s32 $0xFE00  }
0x158: {  	[tilespmem:s23], [sflag:$0x2] =	stream.linear.gather [hbm4b:s13+s3], $0x400, $0x38;
	[tilespmem:$0x14200] =	vst v63  }
0x159: {  	_ =	swait.ge [sflag:s4], $0x400  }
0x15a: {  	[sflag:s4] =	ssyncset.done $0x0  }
0x15b: {  	[sflag:s4] =	ssyncadd.s32 $0xFFFFFC00  }
0x15c: {  	_ =	swait.ge [sflag:s4], $0x400  }
0x15d: {  	[sflag:s4] =	ssyncset.done $0x0  }
0x15e: {  	[sflag:s4] =	ssyncadd.s32 $0xFFFFFC00  }
0x15f: {  	_ =	swait.ge [sflag:s4], $0x400  }
0x160: {  	[sflag:s4] =	ssyncset.done $0x0  }
0x161: {  	[sflag:s4] =	ssyncadd.s32 $0xFFFFFC00  }
0x162: {  	_ =	swait.ge [sflag:s4], $0x400  }
0x163: {  	[sflag:s4] =	ssyncset.done $0x0  }
0x164: {  	[sflag:s4] =	ssyncadd.s32 $0xFFFFFC00  }
0x165: {  	_ =	swait.ge [sflag:s4], $0x400  }
0x166: {  	[sflag:s4] =	ssyncset.done $0x0  }
0x167: {  	[sflag:s4] =	ssyncadd.s32 $0xFFFFFC00  }
0x168: {  	_ =	swait.ge [sflag:s4], $0x400  }
0x169: {  	[sflag:s4] =	ssyncset.done $0x0  }
0x16a: {  	[sflag:s4] =	ssyncadd.s32 $0xFFFFFC00  }
0x16b: {  	_ =	swait.ge [sflag:s4], $0x400  }
0x16c: {  	[sflag:s4] =	ssyncset.done $0x0  }
0x16d: {  	[sflag:s4] =	ssyncadd.s32 $0xFFFFFC00  }
0x16e: {  	_ =	swait.ge [sflag:s4], $0x400  }
0x16f: {  	[sflag:s4] =	ssyncset.done $0x0  }
0x170: {  	[sflag:s4] =	ssyncadd.s32 $0xFFFFFC00  }
0x171: {  	_ =	swait.ge [sflag:s4], $0x400  }
0x172: {  	[sflag:s4] =	ssyncset.done $0x0  }
0x173: {  	[sflag:s4] =	ssyncadd.s32 $0xFFFFFC00  }
0x174: {  	_ =	swait.ge [sflag:s4], $0x400  }
0x175: {  	[sflag:s4] =	ssyncset.done $0x0  }
0x176: {  	[sflag:s4] =	ssyncadd.s32 $0xFFFFFC00  }
0x177: {  	_ =	swait.ge [sflag:s4], $0x400  }
0x178: {  	[sflag:s4] =	ssyncset.done $0x0  }
0x179: {  	[sflag:s4] =	ssyncadd.s32 $0xFFFFFC00  }
0x17a: {  	_ =	swait.ge [sflag:s4], $0x400  }
0x17b: {  	[sflag:s4] =	ssyncset.done $0x0  }
0x17c: {  	[sflag:s4] =	ssyncadd.s32 $0xFFFFFC00  }
0x17d: {  	_ =	swait.ge [sflag:s4], $0x400  }
0x17e: {  	[sflag:s4] =	ssyncset.done $0x0  }
0x17f: {  	[sflag:s4] =	ssyncadd.s32 $0xFFFFFC00  }
0x180: {  	_ =	swait.ge [sflag:s4], $0x400  }
0x181: {  	[sflag:s4] =	ssyncset.done $0x0  }
0x182: {  	[sflag:s4] =	ssyncadd.s32 $0xFFFFFC00  }
0x183: {  	_ =	swait.ge [sflag:s4], $0x400  }
0x184: {  	[sflag:s4] =	ssyncset.done $0x0  }
0x185: {  	[sflag:s4] =	ssyncadd.s32 $0xFFFFFC00  }
0x186: {  	_ =	swait.ge [sflag:s4], $0x400  }
0x187: {  	[sflag:s4] =	ssyncset.done $0x0  }
0x188: {  	[sflag:s4] =	ssyncadd.s32 $0xFFFFFC00  }
0x189: {  	_ =	swait.ge [sflag:s4], $0x400  }
0x18a: {  	[sflag:s4] =	ssyncset.done $0x0  }
0x18b: {  	[sflag:s4] =	ssyncadd.s32 $0xFFFFFC00  }
0x18c: {  	_ =	swait.ge [sflag:s4], $0x400  }
0x18d: {  	[sflag:s4] =	ssyncset.done $0x0  }
0x18e: {  	[sflag:s4] =	ssyncadd.s32 $0xFFFFFC00  }
0x18f: {  	_ =	swait.ge [sflag:s4], $0x400  }
0x190: {  	[sflag:s4] =	ssyncset.done $0x0  }
0x191: {  	[sflag:s4] =	ssyncadd.s32 $0xFFFFFC00  }
0x192: {  	_ =	swait.ge [sflag:s4], $0x400  }
0x193: {  	[sflag:s4] =	ssyncset.done $0x0  }
0x194: {  	[sflag:s4] =	ssyncadd.s32 $0xFFFFFC00  }
0x195: {  	_ =	swait.ge [sflag:s4], $0x400  }
0x196: {  	[sflag:s4] =	ssyncset.done $0x0  }
0x197: {  	[sflag:s4] =	ssyncadd.s32 $0xFFFFFC00  }
0x198: {  	_ =	swait.ge [sflag:s4], $0x400  }
0x199: {  	[sflag:s4] =	ssyncset.done $0x0  }
0x19a: {  	[sflag:s4] =	ssyncadd.s32 $0xFFFFFC00  }
0x19b: {  	_ =	swait.ge [sflag:s4], $0x400  }
0x19c: {  	[sflag:s4] =	ssyncset.done $0x0  }
0x19d: {  	[sflag:s4] =	ssyncadd.s32 $0xFFFFFC00  }
0x19e: {  	_ =	swait.ge [sflag:s4], $0x400  }
0x19f: {  	[sflag:s4] =	ssyncset.done $0x0  }
0x1a0: {  	[sflag:s4] =	ssyncadd.s32 $0xFFFFFC00  }
0x1a1: {  	_ =	swait.ge [sflag:s4], $0x400  }
0x1a2: {  	[sflag:s4] =	ssyncset.done $0x0  }
0x1a3: {  	[sflag:s4] =	ssyncadd.s32 $0xFFFFFC00  }
0x1a4: {  	_ =	swait.ge [sflag:s4], $0x400  }
0x1a5: {  	[sflag:s4] =	ssyncset.done $0x0  }
0x1a6: {  	[sflag:s4] =	ssyncadd.s32 $0xFFFFFC00  }
0x1a7: {  	_ =	swait.ge [sflag:s4], $0x400  }
0x1a8: {  	[sflag:s4] =	ssyncset.done $0x0  }
0x1a9: {  	[sflag:s4] =	ssyncadd.s32 $0xFFFFFC00  }
0x1aa: {  	_ =	swait.ge [sflag:s4], $0x400  }
0x1ab: {  	[sflag:s4] =	ssyncset.done $0x0  }
0x1ac: {  	[sflag:s4] =	ssyncadd.s32 $0xFFFFFC00  }
0x1ad: {  	_ =	swait.ge [sflag:s4], $0x400  }
0x1ae: {  	[sflag:s4] =	ssyncset.done $0x0  }
0x1af: {  	[sflag:s4] =	ssyncadd.s32 $0xFFFFFC00  }
0x1b0: {  	_ =	swait.ge [sflag:s4], $0x400  }
0x1b1: {  	[sflag:s4] =	ssyncset.done $0x0  }
0x1b2: {  	[sflag:s4] =	ssyncadd.s32 $0xFFFFFC00  }
0x1b3: {  	s7 =	sand.u32 $0x7F, s7;
	_ =	swait.ge [sflag:s4], $0x400  }
0x1b4: {  	v2 =	vor.u32 s7, v0;
	[sflag:s4] =	ssyncset.done $0x0  }
0x1b5: {  	v3 =	vor.u32 s7, v1;
	[sflag:s4] =	ssyncadd.s32 $0xFFFFFC00  }
0x1b6: {  	_ =	swait.ge [sflag:s4], $0x400  }
0x1b7: {  	[sflag:s4] =	ssyncset.done $0x0  }
0x1b8: {  	s18 =	simm.s32 $0x200;
	[sflag:s4] =	ssyncadd.s32 $0xFFFFFC00  }
0x1b9: {  	v2 =	vld.idx.msk [tilespmem:v2+s18+$0x0], $0xffff  }
0x1ba: {  	s2 =	sand.u32 $0x7F, s2;
	v3 =	vld.idx.msk [tilespmem:v3+s18+$0x0], $0xffff  }
0x1bb: {  	v4 =	vor.u32 s2, v0  }
0x1bc: {  	v5 =	vor.u32 s2, v1;
	_ =	sdelay $0x1  }
0x1bd: {  	[tilespmem:s9+$0xFFFFFF00] =	vst v2  }
0x1be: {  	s23 =	simm.s32 $0x1200;
	[tilespmem:s9+$0xFFFFFF10] =	vst v3  }
0x1bf: {  	v2 =	vld.idx.msk [tilespmem:v4+s23+$0x0], $0xffff  }
0x1c0: {  	s18 =	sand.u32 $0x7F, s29;
	v3 =	vld.idx.msk [tilespmem:v5+s23+$0x0], $0xffff  }
0x1c1: {  	v52 =	vor.u32 s18, v0  }
0x1c2: {  	v53 =	vor.u32 s18, v1;
	_ =	sdelay $0x1  }
0x1c3: {  	[tilespmem:s9+$0xFFFFFF20] =	vst v2  }
0x1c4: {  	s23 =	simm.s32 $0x2200;
	[tilespmem:s9+$0xFFFFFF30] =	vst v3  }
0x1c5: {  	v2 =	vld.idx.msk [tilespmem:v52+s23+$0x0], $0xffff  }
0x1c6: {  	s24 =	sand.u32 $0x7F, s24;
	v3 =	vld.idx.msk [tilespmem:v53+s23+$0x0], $0xffff  }
0x1c7: {  	v54 =	vor.u32 s24, v0  }
0x1c8: {  	v55 =	vor.u32 s24, v1;
	_ =	sdelay $0x1  }
0x1c9: {  	[tilespmem:s9+$0xFFFFFF40] =	vst v2  }
0x1ca: {  	s23 =	simm.s32 $0x3200;
	[tilespmem:s9+$0xFFFFFF50] =	vst v3  }
0x1cb: {  	v2 =	vld.idx.msk [tilespmem:v54+s23+$0x0], $0xffff  }
0x1cc: {  	s20 =	sand.u32 $0x7F, s20;
	v3 =	vld.idx.msk [tilespmem:v55+s23+$0x0], $0xffff  }
0x1cd: {  	v56 =	vor.u32 s20, v0  }
0x1ce: {  	v57 =	vor.u32 s20, v1;
	_ =	sdelay $0x1  }
0x1cf: {  	[tilespmem:s9+$0xFFFFFF60] =	vst v2  }
0x1d0: {  	s23 =	simm.s32 $0x4200;
	[tilespmem:s9+$0xFFFFFF70] =	vst v3  }
0x1d1: {  	v2 =	vld.idx.msk [tilespmem:v56+s23+$0x0], $0xffff  }
0x1d2: {  	s16 =	sand.u32 $0x7F, s16;
	v3 =	vld.idx.msk [tilespmem:v57+s23+$0x0], $0xffff  }
0x1d3: {  	v58 =	vor.u32 s16, v0  }
0x1d4: {  	v59 =	vor.u32 s16, v1;
	_ =	sdelay $0x1  }
0x1d5: {  	[tilespmem:s9+$0xFFFFFF80] =	vst v2  }
0x1d6: {  	s23 =	simm.s32 $0x5200;
	[tilespmem:s9+$0xFFFFFF90] =	vst v3  }
0x1d7: {  	v2 =	vld.idx.msk [tilespmem:v58+s23+$0x0], $0xffff  }
0x1d8: {  	s12 =	sand.u32 $0x7F, s12;
	v3 =	vld.idx.msk [tilespmem:v59+s23+$0x0], $0xffff  }
0x1d9: {  	v60 =	vor.u32 s12, v0  }
0x1da: {  	v61 =	vor.u32 s12, v1;
	_ =	sdelay $0x1  }
0x1db: {  	[tilespmem:s9+$0xFFFFFFA0] =	vst v2  }
0x1dc: {  	s23 =	simm.s32 $0x6200;
	[tilespmem:s9+$0xFFFFFFB0] =	vst v3  }
0x1dd: {  	v2 =	vld.idx.msk [tilespmem:v60+s23+$0x0], $0xffff  }
0x1de: {  	s8 =	sand.u32 $0x7F, s8;
	v3 =	vld.idx.msk [tilespmem:v61+s23+$0x0], $0xffff  }
0x1df: {  	v62 =	vor.u32 s8, v0  }
0x1e0: {  	v63 =	vor.u32 s8, v1;
	_ =	sdelay $0x1  }
0x1e1: {  	[tilespmem:s9+$0xFFFFFFC0] =	vst v2  }
0x1e2: {  	s23 =	simm.s32 $0x7200;
	[tilespmem:s9+$0xFFFFFFD0] =	vst v3  }
0x1e3: {  	v2 =	vld.idx.msk [tilespmem:v62+s23+$0x0], $0xffff  }
0x1e4: {  	p0 =	seq.s32 s10, $0x7C0;
	v3 =	vld.idx.msk [tilespmem:v63+s23+$0x0], $0xffff  }
.Ltmp4:
0x1e5: {  	_ = 	snop;
	(pc) =	sbr.rel @p0 .LBB2_4-.Ltmp4, $4  }
0x1e6: {  	_ = 	snop  }
0x1e7: {  	s24 =	simm.s32 $0x3200;
	s20 =	simm.s32 $0x4200  }
0x1e8: {  	s16 =	simm.s32 $0x5200;
	s12 =	simm.s32 $0x6200;
	s7 =	simm.s32 $0x200;
	[tilespmem:s9+$0xFFFFFFE0] =	vst v2  }
0x1e9: {  	s13 =	simm.s32 $0x1200;
	s29 =	simm.s32 $0x7200;
	s18 =	simm.s32 $0x2200;
	[tilespmem:s9+$0xFFFFFFF0] =	vst v3  }
0x1ea: {  	v2 =	vld [tilespmem:s0+$0x10];
	_ =	sdelay $0x4  }
0x1eb: {  	(v2sf) =	vpush v2, $0x0;
	_ =	sdelay $0x7  }
0x1ec: {  	(v2sf) =	vpush v2, $0x1;
	_ =	sdelay $0x6  }
0x1ed: {  	s2 =	spop (v2sf)  }
0x1ee: {  	s0 =	sand.u32 $0xFFFFF80, s2  }
0x1ef: {  	(v2sf) =	vpush v2, $0x2;
	s0 =	sadd.s32 s1, s0  }
0x1f0: {  	[tilespmem:s7], [sflag:$0x1] =	stream.linear.gather [hbm4b:s0+s3], $0x400, $0x38;
	[tilespmem:$0x14200] =	vst v63  }
0x1f1: {  	s8 =	simm.s32 $0x600;
	s2 =	sadd.s32 $0xF4280, s0  }
0x1f2: {  	[tilespmem:s8], [sflag:$0x1] =	stream.linear.gather [hbm4b:s2+s3], $0x400, $0x38;
	[tilespmem:$0x14200] =	vst v63  }
0x1f3: {  	s23 =	simm.s32 $0xA00;
	s8 =	sadd.s32 $0x1E8500, s0  }
0x1f4: {  	[tilespmem:s23], [sflag:$0x1] =	stream.linear.gather [hbm4b:s8+s3], $0x400, $0x38;
	[tilespmem:$0x14200] =	vst v63  }
0x1f5: {  	s0 =	sadd.s32 $0x2DC780, s0;
	s2 =	spop (v2sf);
	s23 =	simm.s32 $0xE00  }
0x1f6: {  	[tilespmem:s23], [sflag:$0x1] =	stream.linear.gather [hbm4b:s0+s3], $0x400, $0x38;
	[tilespmem:$0x14200] =	vst v63  }
0x1f7: {  	s0 =	sand.u32 $0xFFFFF80, s2  }
0x1f8: {  	(v2sf) =	vpush v2, $0x3;
	s0 =	sadd.s32 s1, s0  }
0x1f9: {  	[tilespmem:s13], [sflag:$0x1] =	stream.linear.gather [hbm4b:s0+s3], $0x400, $0x38;
	[tilespmem:$0x14200] =	vst v63  }
0x1fa: {  	s23 =	simm.s32 $0x1600;
	s8 =	sadd.s32 $0xF4280, s0  }
0x1fb: {  	[tilespmem:s23], [sflag:$0x1] =	stream.linear.gather [hbm4b:s8+s3], $0x400, $0x38;
	[tilespmem:$0x14200] =	vst v63  }
0x1fc: {  	s8 =	sadd.s32 $0x1E8500, s0;
	s23 =	simm.s32 $0x1A00  }
0x1fd: {  	[tilespmem:s23], [sflag:$0x1] =	stream.linear.gather [hbm4b:s8+s3], $0x400, $0x38;
	[tilespmem:$0x14200] =	vst v63  }
0x1fe: {  	s0 =	sadd.s32 $0x2DC780, s0;
	s23 =	simm.s32 $0x1E00;
	s2 =	spop (v2sf)  }
0x1ff: {  	[tilespmem:s23], [sflag:$0x1] =	stream.linear.gather [hbm4b:s0+s3], $0x400, $0x38;
	[tilespmem:$0x14200] =	vst v63  }
0x200: {  	s0 =	sand.u32 $0xFFFFF80, s2  }
0x201: {  	(v2sf) =	vpush v2, $0x4;
	s0 =	sadd.s32 s1, s0  }
0x202: {  	[tilespmem:s18], [sflag:$0x1] =	stream.linear.gather [hbm4b:s0+s3], $0x400, $0x38;
	[tilespmem:$0x14200] =	vst v63  }
0x203: {  	s23 =	simm.s32 $0x2600;
	s8 =	sadd.s32 $0xF4280, s0  }
0x204: {  	[tilespmem:s23], [sflag:$0x1] =	stream.linear.gather [hbm4b:s8+s3], $0x400, $0x38;
	[tilespmem:$0x14200] =	vst v63  }
0x205: {  	s8 =	sadd.s32 $0x1E8500, s0;
	s23 =	simm.s32 $0x2A00  }
0x206: {  	[tilespmem:s23], [sflag:$0x1] =	stream.linear.gather [hbm4b:s8+s3], $0x400, $0x38;
	[tilespmem:$0x14200] =	vst v63  }
0x207: {  	s2 =	spop (v2sf);
	s0 =	sadd.s32 $0x2DC780, s0;
	s23 =	simm.s32 $0x2E00  }
0x208: {  	[tilespmem:s23], [sflag:$0x1] =	stream.linear.gather [hbm4b:s0+s3], $0x400, $0x38;
	[tilespmem:$0x14200] =	vst v63  }
0x209: {  	s0 =	sand.u32 $0xFFFFF80, s2  }
0x20a: {  	(v2sf) =	vpush v2, $0x5;
	s0 =	sadd.s32 s1, s0  }
0x20b: {  	[tilespmem:s24], [sflag:$0x1] =	stream.linear.gather [hbm4b:s0+s3], $0x400, $0x38;
	[tilespmem:$0x14200] =	vst v63  }
0x20c: {  	s23 =	simm.s32 $0x3600;
	s8 =	sadd.s32 $0xF4280, s0  }
0x20d: {  	[tilespmem:s23], [sflag:$0x1] =	stream.linear.gather [hbm4b:s8+s3], $0x400, $0x38;
	[tilespmem:$0x14200] =	vst v63  }
0x20e: {  	s8 =	sadd.s32 $0x1E8500, s0;
	s23 =	simm.s32 $0x3A00  }
0x20f: {  	[tilespmem:s23], [sflag:$0x1] =	stream.linear.gather [hbm4b:s8+s3], $0x400, $0x38;
	[tilespmem:$0x14200] =	vst v63  }
0x210: {  	s0 =	sadd.s32 $0x2DC780, s0;
	s2 =	spop (v2sf);
	s23 =	simm.s32 $0x3E00  }
0x211: {  	[tilespmem:s23], [sflag:$0x1] =	stream.linear.gather [hbm4b:s0+s3], $0x400, $0x38;
	[tilespmem:$0x14200] =	vst v63  }
0x212: {  	(v2sf) =	vpush v2, $0x6;
	s0 =	sand.u32 $0xFFFFF80, s2  }
0x213: {  	s0 =	sadd.s32 s1, s0  }
0x214: {  	[tilespmem:s20], [sflag:$0x1] =	stream.linear.gather [hbm4b:s0+s3], $0x400, $0x38;
	[tilespmem:$0x14200] =	vst v63  }
0x215: {  	s23 =	simm.s32 $0x4600;
	s8 =	sadd.s32 $0xF4280, s0  }
0x216: {  	[tilespmem:s23], [sflag:$0x1] =	stream.linear.gather [hbm4b:s8+s3], $0x400, $0x38;
	[tilespmem:$0x14200] =	vst v63  }
0x217: {  	s8 =	sadd.s32 $0x1E8500, s0;
	s23 =	simm.s32 $0x4A00  }
0x218: {  	[tilespmem:s23], [sflag:$0x1] =	stream.linear.gather [hbm4b:s8+s3], $0x400, $0x38;
	[tilespmem:$0x14200] =	vst v63  }
0x219: {  	s2 =	spop (v2sf);
	s0 =	sadd.s32 $0x2DC780, s0;
	s23 =	simm.s32 $0x4E00  }
0x21a: {  	[tilespmem:s23], [sflag:$0x1] =	stream.linear.gather [hbm4b:s0+s3], $0x400, $0x38;
	[tilespmem:$0x14200] =	vst v63  }
0x21b: {  	s0 =	sand.u32 $0xFFFFF80, s2  }
0x21c: {  	(v2sf) =	vpush v2, $0x7;
	s0 =	sadd.s32 s1, s0  }
0x21d: {  	[tilespmem:s16], [sflag:$0x1] =	stream.linear.gather [hbm4b:s0+s3], $0x400, $0x38;
	[tilespmem:$0x14200] =	vst v63  }
0x21e: {  	s23 =	simm.s32 $0x5600;
	s8 =	sadd.s32 $0xF4280, s0  }
0x21f: {  	[tilespmem:s23], [sflag:$0x1] =	stream.linear.gather [hbm4b:s8+s3], $0x400, $0x38;
	[tilespmem:$0x14200] =	vst v63  }
0x220: {  	s8 =	sadd.s32 $0x1E8500, s0  }
0x221: {  	s23 =	simm.s32 $0x5A00;
	s2 =	spop (v2sf);
	s0 =	sadd.s32 $0x2DC780, s0  }
0x222: {  	[tilespmem:s23], [sflag:$0x1] =	stream.linear.gather [hbm4b:s8+s3], $0x400, $0x38;
	[tilespmem:$0x14200] =	vst v63  }
0x223: {  	s2 =	sand.u32 $0xFFFFF80, s2;
	s23 =	simm.s32 $0x5E00  }
0x224: {  	[tilespmem:s23], [sflag:$0x1] =	stream.linear.gather [hbm4b:s0+s3], $0x400, $0x38;
	[tilespmem:$0x14200] =	vst v63  }
0x225: {  	s0 =	sadd.s32 s1, s2  }
0x226: {  	[tilespmem:s12], [sflag:$0x1] =	stream.linear.gather [hbm4b:s0+s3], $0x400, $0x38;
	[tilespmem:$0x14200] =	vst v63  }
0x227: {  	s23 =	simm.s32 $0x6600;
	s8 =	sadd.s32 $0xF4280, s0  }
0x228: {  	[tilespmem:s23], [sflag:$0x1] =	stream.linear.gather [hbm4b:s8+s3], $0x400, $0x38;
	[tilespmem:$0x14200] =	vst v63  }
0x229: {  	s8 =	sadd.s32 $0x1E8500, s0;
	s23 =	simm.s32 $0x6A00  }
0x22a: {  	[tilespmem:s23], [sflag:$0x1] =	stream.linear.gather [hbm4b:s8+s3], $0x400, $0x38;
	[tilespmem:$0x14200] =	vst v63  }
0x22b: {  	s2 =	spop (v2sf);
	s0 =	sadd.s32 $0x2DC780, s0;
	s23 =	simm.s32 $0x6E00  }
0x22c: {  	[tilespmem:s23], [sflag:$0x1] =	stream.linear.gather [hbm4b:s0+s3], $0x400, $0x38;
	[tilespmem:$0x14200] =	vst v63  }
0x22d: {  	s0 =	sand.u32 $0xFFFFF80, s2  }
0x22e: {  	s0 =	sadd.s32 s1, s0  }
0x22f: {  	[tilespmem:s29], [sflag:$0x1] =	stream.linear.gather [hbm4b:s0+s3], $0x400, $0x38;
	[tilespmem:$0x14200] =	vst v63  }
0x230: {  	s23 =	simm.s32 $0x7600;
	s8 =	sadd.s32 $0xF4280, s0  }
0x231: {  	[tilespmem:s23], [sflag:$0x1] =	stream.linear.gather [hbm4b:s8+s3], $0x400, $0x38;
	[tilespmem:$0x14200] =	vst v63  }
.Ltmp5:
0x232: {  	_ = 	snop;
	(pc) =	sbr.rel .LBB2_4-.Ltmp5, $4  }
0x233: {  	s8 =	sadd.s32 $0x1E8500, s0;
	s23 =	simm.s32 $0x7A00  }
0x234: {  	[tilespmem:s23], [sflag:$0x1] =	stream.linear.gather [hbm4b:s8+s3], $0x400, $0x38;
	[tilespmem:$0x14200] =	vst v63  }
0x235: {  	s0 =	sadd.s32 $0x2DC780, s0;
	s23 =	simm.s32 $0x7E00  }
0x236: {  	[tilespmem:s23], [sflag:$0x1] =	stream.linear.gather [hbm4b:s0+s3], $0x400, $0x38;
	[tilespmem:$0x14200] =	vst v63  }
.LBB2_6:
0x237: {  	_ =	sfence.sel $0x180000  }
0x238: {  	[bflag:$0x0] =	sbarrier.arrive $0xFFFF  }
0x239: {  	_ =	strace $0x90000047  }
0x23a: {  	s0 =	stileid.u32;
	[bflag:$0x2] =	sbarrier.arrive $0xFFFF  }
0x23b: {  	p0 =	sne.s32 s0, $0x0;
	s0 =	rddreg [dreg:$0x3]  }
0x23c: {  	s0 =	sadd.s32 @!p0 $0x100000, s0  }
0x23d: {  	[sflag:s0] =	ssyncadd.tile.s32 @!p0 $0x1;
	_ =	shalt  }
.Lfunc_end2:
_tile_overlayer_lowered:
.L_overlay_start_2:
0x23e: {  	(tag) =	ssettag $0x2  }
0x23f: {  	s0 =	rddreg [dreg:$0x0];
	s2 =	stileid.u32  }
0x240: {  	s1 =	rddreg [dreg:$0x1];
	p0 =	sne.s32 s2, $0x0  }
0x241: {  	s3 =	rddreg [dreg:$0x2];
	[bflag:$0x3] =	sbarrier.arrive $0xFFFF;
	s2 =	simm.s32 @!p0 $0x1C03  }
0x242: {  	[timem:s3], [sflag:s2] =	dma.local @!p0 [hbm:s0], s1  }
0x243: {  	s0 =	simm.s32 @!p0 $0x3  }
0x244: {  	_ =	swait.ge @!p0 [sflag:s0], s1  }
0x245: {  	s1 =	ssub.s32 @!p0 $0x0, s1;
	[sflag:s0] =	ssyncset.done @!p0 $0x0  }
0x246: {  	[sflag:s0] =	ssyncadd.s32 @!p0 s1  }
0x247: {  	[bflag:$0x3] =	sbarrier.arrive $0xFFFF  }
0x248: {  	_ =	shalt  }

</sc_bundles>
